<compile_context>
chip_gen: v7x
topology: tpu7x:2x2x1
jax: 0.10.2.dev20260603
libtpu: 0.0.44.dev20260713+nightly
codegen_flags: <defaults>
</compile_context>

<pallas_src>
import functools

import jax
import jax.numpy as jnp
from jax import lax
from jax.experimental import pallas as pl
from jax.experimental.pallas import tpu as pltpu
from jax.experimental.pallas import tpu_sc as plsc

NUM_P = 100000
DIM = 16
BAT_N = 4096

TP = 4000



BC = BAT_N


def _tc_body(hp_ref, hc_ref, xt_ref, val_ref, ind_ref, u_ref):
    j = pl.program_id(0)
    a = hp_ref[...]
    xt = xt_ref[...]
    u = lax.dot_general(a, xt, (((1,), (0,)), ((), ())),
                        preferred_element_type=jnp.float32)
    u_ref[...] = u + hc_ref[...]

    bv = u_ref[0:8, :]
    bi = jnp.zeros((8, BC), jnp.float32)
    for q in range(1, TP // 8):
        us = u_ref[q * 8:(q + 1) * 8, :]
        take = us > bv
        bv = jnp.maximum(us, bv)
        bi = jnp.where(take, jnp.float32(q), bi)

    s_iota = lax.broadcasted_iota(jnp.int32, (8, BC), 0)
    rloc = bi.astype(jnp.int32) * 8 + s_iota
    m = jnp.max(bv, axis=0)
    big = jnp.int32(2 ** 30)
    li = jnp.min(jnp.where(bv == m[None, :], rloc, big), axis=0)
    gi = li + j * TP

    @pl.when(j == 0)
    def _():
        val_ref[...] = m
        ind_ref[...] = gi

    @pl.when(j > 0)
    def _():
        pv = val_ref[...]
        take = m > pv
        val_ref[...] = jnp.maximum(m, pv)
        ind_ref[...] = jnp.where(take, gi, ind_ref[...])


def _tc_argmax(h_P, h, volP):
    nsteps = NUM_P // TP
    h2 = h.reshape(NUM_P, 1)
    xt = volP.T
    val, ind = pl.pallas_call(
        _tc_body,
        grid=(nsteps,),
        in_specs=[
            pl.BlockSpec((TP, DIM), lambda j: (j, 0)),
            pl.BlockSpec((TP, 1), lambda j: (j, 0)),
            pl.BlockSpec((DIM, BC), lambda j: (0, 0)),
        ],
        out_specs=[
            pl.BlockSpec((BC,), lambda j: (0,)),
            pl.BlockSpec((BC,), lambda j: (0,)),
        ],
        out_shape=[
            jax.ShapeDtypeStruct((BAT_N,), jnp.float32),
            jax.ShapeDtypeStruct((BAT_N,), jnp.int32),
        ],
        scratch_shapes=[pltpu.VMEM((TP, BC), jnp.float32)],
        compiler_params=pltpu.CompilerParams(
            dimension_semantics=("arbitrary",),
        ),
    )(h_P, h2, xt)
    return val, ind



PAD_BINS = 102400
ZED = PAD_BINS // 16


def _sc_body(ind_hbm, g_hbm, idxs, upds, zed, acc):
    cid = lax.axis_index("c")
    sid = lax.axis_index("s")

    zeros16 = jnp.zeros((16,), jnp.float32)
    ones16 = jnp.full((16,), 1.0 / BAT_N, jnp.float32)

    def zloop(j, _):
        zed[pl.ds(j * 16, 16)] = zeros16
        return 0

    lax.fori_loop(0, ZED // 16, zloop, 0)

    def uloop(j, _):
        upds[pl.ds(j * 16, 16)] = ones16
        return 0

    lax.fori_loop(0, 256 // 16, uloop, 0)

    @pl.when(cid == 0)
    def _():
        pltpu.sync_copy(zed, acc.at[pl.ds(sid * ZED, ZED)])

    plsc.subcore_barrier()

    @pl.when(cid == 0)
    def _():
        pltpu.sync_copy(ind_hbm.at[pl.ds(sid * 2, 2)], idxs)
        pltpu.sync_copy(upds.at[pl.ds(0, 128)], acc.at[idxs.at[0]], add=True)
        pltpu.sync_copy(upds.at[pl.ds(128, 128)], acc.at[idxs.at[1]], add=True)

    plsc.subcore_barrier()

    @pl.when((cid == 0) & (sid == 0))
    def _():
        pltpu.sync_copy(acc, g_hbm)


@functools.partial(
    pl.kernel,
    out_type=jax.ShapeDtypeStruct((PAD_BINS,), jnp.float32),
    mesh=plsc.VectorSubcoreMesh(core_axis_name="c", subcore_axis_name="s"),
    scratch_types=[
        pltpu.VMEM((2, 128), jnp.int32),
        pltpu.VMEM((256,), jnp.float32),
        pltpu.VMEM((ZED,), jnp.float32),
        pltpu.VMEM_SHARED((PAD_BINS,), jnp.float32),
    ],
)
def _sc_hist(ind_hbm, g_hbm, idxs, upds, zed, acc):
    _sc_body(ind_hbm, g_hbm, idxs, upds, zed, acc)


def kernel(h_P, h, volP):
    val, ind = _tc_argmax(h_P, h, volP)
    gpad = _sc_hist(ind.reshape(32, 128))
    return val, gpad[:NUM_P]

# --- scband reference (transcript-rebuilt; emitter-appended) ---
"""Pipeline reference for scband-otblock-87479893885023 (READ-ONLY COPY).

The authoritative reference and input builder live on the scoring server;
editing this copy changes nothing except your own understanding.
"""

import jax, jax.numpy as jnp
import numpy as np

NUM_P = 100000
DIM = 16
BAT_SIZE_P = 10000
BAT_SIZE_N = 4096


def setup_inputs(seed: int = 0) -> dict:
    key = jax.random.key(seed)
    k1, k2, k3 = jax.random.split(key, 3)
    # target point locations in [0,1]^dim (h_P in pyOMT_raw)
    h_P = jax.random.uniform(k1, (NUM_P, DIM), dtype=jnp.float32)
    # height variable h (the optimization variable of the variational energy)
    h = 0.01 * jax.random.normal(k2, (NUM_P,), dtype=jnp.float32)
    # Monte-Carlo samples, centered as in pre_cal: draw in [0,1]^dim then subtract 0.5
    volP = jax.random.uniform(k3, (BAT_SIZE_N, DIM), dtype=jnp.float32) - 0.5
    return {"h_P": h_P, "h": h, "volP": volP}


def reference(h_P, h, volP):
    """Faithful JAX translation of pyOMT_raw.cal_measure (the forward pass of OTBlock).

    Computes U = P @ X^T + h chunk-by-chunk over the target points, takes the
    per-sample max (nearest power cell / max inner product retrieval), merges the
    running best value/index across chunks exactly as the torch code does with
    torch.max(torch.stack(...)), then computes the pushed-forward measure via
    bincount / bat_size_n.
    """
    num_P = h_P.shape[0]
    bat_size_n = volP.shape[0]
    num_bat = num_P // BAT_SIZE_P

    tot_ind_val = jnp.full((bat_size_n,), -1e30, dtype=jnp.float32)
    tot_ind = jnp.full((bat_size_n,), -1, dtype=jnp.int32)

    for i in range(num_bat):
        temp_P = jax.lax.dynamic_slice_in_dim(h_P, i * BAT_SIZE_P, BAT_SIZE_P, axis=0)
        temp_h = jax.lax.dynamic_slice_in_dim(h, i * BAT_SIZE_P, BAT_SIZE_P, axis=0)
        # U = P X + H   -> shape (bat_size_P, bat_size_n)
        U = temp_P @ volP.T + temp_h[:, None]
        # compute max over the P axis
        ind_val = jnp.max(U, axis=0)
        ind = jnp.argmax(U, axis=0).astype(jnp.int32) + i * BAT_SIZE_P
        # store best value (torch tie-breaking keeps the earlier/running best)
        take = ind_val > tot_ind_val
        tot_ind_val = jnp.where(take, ind_val, tot_ind_val)
        tot_ind = jnp.where(take, ind, tot_ind)

    # calculate histogram: pushed-forward measure
    g = jnp.bincount(tot_ind, length=num_P).astype(jnp.float32) / bat_size_n
    return tot_ind_val, g

if __name__ == "__main__":
    import jax
    _d = setup_inputs()
    print(jax.jit(kernel)(*tuple(_d.values())))

</pallas_src>

<mosaic_0001>
#map = affine_map<(d0, d1) -> (0, 0)>
#map1 = affine_map<(d0, d1) -> (0)>
module attributes {stable_mosaic.version = 14 : i64} {
  func.func @_sc_hist(%arg0: i32, %arg1: i32, %arg2: memref<32x128xi32, #tpu.memory_space<hbm>>, %arg3: memref<102400xf32, #tpu.memory_space<hbm>>, %arg4: memref<2x128xi32, #tpu.memory_space<vmem>>, %arg5: memref<256xf32, #tpu.memory_space<vmem>>, %arg6: memref<6400xf32, #tpu.memory_space<vmem>>, %arg7: memref<102400xf32, #tpu.memory_space<vmem_shared>>) attributes {dimension_semantics = [#tpu.dimension_semantics<core_parallel>, #tpu.dimension_semantics<subcore_parallel>], iteration_bounds = array<i64: 2, 16>, scalar_prefetch = 0 : i64, scratch_operands = 4 : i64, tpu.core_type = #tpu.core_type<sc_vector_subcore>, window_params = [{transform_indices = #map}, {transform_indices = #map1}]} {
    %broadcast_in_dim3A = arith.constant 0.000000e+00 : f32
    %broadcast_in_dim3A_0 = vector.broadcast %broadcast_in_dim3A : f32 to vector<16xf32>
    %broadcast_in_dim3A_1 = arith.constant 2.44140625E-4 : f32
    %broadcast_in_dim3A_2 = vector.broadcast %broadcast_in_dim3A_1 : f32 to vector<16xf32>
    %scan3A = arith.constant 0 : i32
    %scan3A_3 = arith.constant 0 : i32
    %scan3A_4 = arith.constant 400 : i32
    %scan3A_5 = arith.addi %scan3A_3, %scan3A_4 : i32
    %scan3A_6 = arith.constant 1 : i32
    %scan3A_7 = scf.for %scan3A_31 = %scan3A_3 to %scan3A_5 step %scan3A_6 iter_args(%scan3A_32 = %scan3A) -> (i32)  : i32 {
      %mul3A = arith.constant 16 : i32
      %mul3A_33 = arith.muli %scan3A_31, %mul3A : i32
      %swap3A = arith.index_cast %mul3A_33 : i32 to index
      %swap3A_34 = tpu.vector_load %arg6[%swap3A] {strides = array<i32>} : memref<6400xf32, #tpu.memory_space<vmem>>, vector<16xf32>,
      %swap3A_35 = vector.shape_cast %swap3A_34 : vector<16xf32> to vector<16xf32>
      %swap3A_36 = vector.shape_cast %broadcast_in_dim3A_0 : vector<16xf32> to vector<16xf32>
      tpu.vector_store %arg6[%swap3A], %swap3A_36 {strides = array<i32>} : memref<6400xf32, #tpu.memory_space<vmem>>, vector<16xf32>,
      %scan3A_37 = arith.constant 0 : i32
      scf.yield %scan3A_37 : i32
    }
    %scan3A_8 = arith.constant 400 : i32
    %scan3A_9 = arith.constant 0 : i32
    %scan3A_10 = arith.constant 0 : i32
    %scan3A_11 = arith.constant 16 : i32
    %scan3A_12 = arith.addi %scan3A_10, %scan3A_11 : i32
    %scan3A_13 = arith.constant 1 : i32
    %scan3A_14 = scf.for %scan3A_31 = %scan3A_10 to %scan3A_12 step %scan3A_13 iter_args(%scan3A_32 = %scan3A_9) -> (i32)  : i32 {
      %mul3A = arith.constant 16 : i32
      %mul3A_33 = arith.muli %scan3A_31, %mul3A : i32
      %swap3A = arith.index_cast %mul3A_33 : i32 to index
      %swap3A_34 = tpu.vector_load %arg5[%swap3A] {strides = array<i32>} : memref<256xf32, #tpu.memory_space<vmem>>, vector<16xf32>,
      %swap3A_35 = vector.shape_cast %swap3A_34 : vector<16xf32> to vector<16xf32>
      %swap3A_36 = vector.shape_cast %broadcast_in_dim3A_2 : vector<16xf32> to vector<16xf32>
      tpu.vector_store %arg5[%swap3A], %swap3A_36 {strides = array<i32>} : memref<256xf32, #tpu.memory_space<vmem>>, vector<16xf32>,
      %scan3A_37 = arith.constant 0 : i32
      scf.yield %scan3A_37 : i32
    }
    %scan3A_15 = arith.constant 16 : i32
    %eq3A = arith.constant 0 : i32
    %eq3A_16 = arith.cmpi eq, %arg0, %eq3A : i32
    %convert_element_type3A = arith.extui %eq3A_16 : i1 to i32
    %cond3A = arith.constant 0 : i32
    %cond3A_17 = arith.cmpi ne, %convert_element_type3A, %cond3A : i32
    scf.if %cond3A_17 {
      %mul3A = arith.constant 6400 : i32
      %mul3A_31 = arith.muli %arg1, %mul3A : i32
      "tpu.region"() ({
        %run_scoped3A = tpu.sem_alloc : memref<!tpu.dma_semaphore, #tpu.memory_space<semaphore_mem>>
        %dma_start3A = tpu.memref_slice %arg7[%mul3A_31] : memref<102400xf32, #tpu.memory_space<vmem_shared>> -> memref<6400xf32, #tpu.memory_space<vmem_shared>>
        %dma_start3A_32 = tpu.memref_slice %arg7[%mul3A_31] : memref<102400xf32, #tpu.memory_space<vmem_shared>> -> memref<6400xf32, #tpu.memory_space<vmem_shared>>
        tpu.enqueue_dma source(%arg6 : memref<6400xf32, #tpu.memory_space<vmem>>) target(%dma_start3A_32 : memref<6400xf32, #tpu.memory_space<vmem_shared>>) target_semaphore(%run_scoped3A : memref<!tpu.dma_semaphore, #tpu.memory_space<semaphore_mem>>)
        %dma_wait3A = tpu.memref_slice %arg7[%mul3A_31] : memref<102400xf32, #tpu.memory_space<vmem_shared>> -> memref<6400xf32, #tpu.memory_space<vmem_shared>>
        %dma_wait3A_33 = tpu.memref_slice %arg7[%mul3A_31] : memref<102400xf32, #tpu.memory_space<vmem_shared>> -> memref<6400xf32, #tpu.memory_space<vmem_shared>>
        tpu.wait_dma2 semaphore(%run_scoped3A : memref<!tpu.dma_semaphore, #tpu.memory_space<semaphore_mem>>) src(%arg6 : memref<6400xf32, #tpu.memory_space<vmem>>) dst(%dma_wait3A_33 : memref<6400xf32, #tpu.memory_space<vmem_shared>>)
        tpu.yield
      }) : () -> ()
    } else {
    }
    %barrier3A = arith.constant 0 : index
    tpu.barrier barrier_id(%barrier3A)
    %eq3A_18 = arith.constant 0 : i32
    %eq3A_19 = arith.cmpi eq, %arg0, %eq3A_18 : i32
    %convert_element_type3A_20 = arith.extui %eq3A_19 : i1 to i32
    %cond3A_21 = arith.constant 0 : i32
    %cond3A_22 = arith.cmpi ne, %convert_element_type3A_20, %cond3A_21 : i32
    scf.if %cond3A_22 {
      %mul3A = arith.constant 2 : i32
      %mul3A_31 = arith.muli %arg1, %mul3A : i32
      "tpu.region"() ({
        %run_scoped3A_33 = tpu.sem_alloc : memref<!tpu.dma_semaphore, #tpu.memory_space<semaphore_mem>>
        %dma_start3A = arith.constant 0 : i32
        %dma_start3A_34 = tpu.memref_slice %arg2[%mul3A_31, %dma_start3A] : memref<32x128xi32, #tpu.memory_space<hbm>> -> memref<2x128xi32, #tpu.memory_space<hbm>>
        %dma_start3A_35 = arith.constant 0 : i32
        %dma_start3A_36 = tpu.memref_slice %arg2[%mul3A_31, %dma_start3A_35] : memref<32x128xi32, #tpu.memory_space<hbm>> -> memref<2x128xi32, #tpu.memory_space<hbm>>
        tpu.enqueue_dma source(%dma_start3A_36 : memref<2x128xi32, #tpu.memory_space<hbm>>) target(%arg4 : memref<2x128xi32, #tpu.memory_space<vmem>>) target_semaphore(%run_scoped3A_33 : memref<!tpu.dma_semaphore, #tpu.memory_space<semaphore_mem>>)
        %dma_wait3A = arith.constant 0 : i32
        %dma_wait3A_37 = tpu.memref_slice %arg2[%mul3A_31, %dma_wait3A] : memref<32x128xi32, #tpu.memory_space<hbm>> -> memref<2x128xi32, #tpu.memory_space<hbm>>
        %dma_wait3A_38 = arith.constant 0 : i32
        %dma_wait3A_39 = tpu.memref_slice %arg2[%mul3A_31, %dma_wait3A_38] : memref<32x128xi32, #tpu.memory_space<hbm>> -> memref<2x128xi32, #tpu.memory_space<hbm>>
        tpu.wait_dma2 semaphore(%run_scoped3A_33 : memref<!tpu.dma_semaphore, #tpu.memory_space<semaphore_mem>>) src(%dma_wait3A_39 : memref<2x128xi32, #tpu.memory_space<hbm>>) dst(%arg4 : memref<2x128xi32, #tpu.memory_space<vmem>>)
        tpu.yield
      }) : () -> ()
      %run_scoped3A = arith.constant 0 : i32
      "tpu.region"() ({
        %run_scoped3A_33 = tpu.sem_alloc : memref<!tpu.dma_semaphore, #tpu.memory_space<semaphore_mem>>
        %dma_start3A = arith.constant 0 : i32
        %dma_start3A_34 = tpu.memref_slice %arg5[%dma_start3A] : memref<256xf32, #tpu.memory_space<vmem>> -> memref<128xf32, #tpu.memory_space<vmem>>
        %dma_start3A_35 = arith.constant 0 : i32
        %dma_start3A_36 = tpu.memref_slice %arg4[%run_scoped3A, %dma_start3A_35] : memref<2x128xi32, #tpu.memory_space<vmem>> -> memref<1x128xi32, #tpu.memory_space<vmem>>
        %dma_start3A_37 = tpu.memref_squeeze %dma_start3A_36 : memref<1x128xi32, #tpu.memory_space<vmem>> -> memref<128xi32, #tpu.memory_space<vmem>>
        %dma_start3A_38 = arith.constant 0 : i32
        %dma_start3A_39 = tpu.memref_slice %arg7[%dma_start3A_38] : memref<102400xf32, #tpu.memory_space<vmem_shared>> -> memref<102400xf32, #tpu.memory_space<vmem_shared>>
        tpu.enqueue_indirect_dma source(%dma_start3A_34 : memref<128xf32, #tpu.memory_space<vmem>>) target(%dma_start3A_39 : memref<102400xf32, #tpu.memory_space<vmem_shared>>) offsets(%dma_start3A_37 : memref<128xi32, #tpu.memory_space<vmem>>) semaphore(%run_scoped3A_33 : memref<!tpu.dma_semaphore, #tpu.memory_space<semaphore_mem>>) {add = true}
        %dma_wait3A = arith.constant 0 : i32
        %dma_wait3A_40 = tpu.memref_slice %arg5[%dma_wait3A] : memref<256xf32, #tpu.memory_space<vmem>> -> memref<128xf32, #tpu.memory_space<vmem>>
        %dma_wait3A_41 = arith.constant 0 : i32
        %dma_wait3A_42 = tpu.memref_slice %arg4[%run_scoped3A, %dma_wait3A_41] : memref<2x128xi32, #tpu.memory_space<vmem>> -> memref<1x128xi32, #tpu.memory_space<vmem>>
        %dma_wait3A_43 = tpu.memref_squeeze %dma_wait3A_42 : memref<1x128xi32, #tpu.memory_space<vmem>> -> memref<128xi32, #tpu.memory_space<vmem>>
        %dma_wait3A_44 = arith.constant 0 : i32
        %dma_wait3A_45 = tpu.memref_slice %arg7[%dma_wait3A_44] : memref<102400xf32, #tpu.memory_space<vmem_shared>> -> memref<102400xf32, #tpu.memory_space<vmem_shared>>
        tpu.wait_indirect_dma semaphore(%run_scoped3A_33 : memref<!tpu.dma_semaphore, #tpu.memory_space<semaphore_mem>>) src(%dma_wait3A_40 : memref<128xf32, #tpu.memory_space<vmem>>) dst(%dma_wait3A_45 : memref<102400xf32, #tpu.memory_space<vmem_shared>>)
        tpu.yield
      }) : () -> ()
      %run_scoped3A_32 = arith.constant 1 : i32
      "tpu.region"() ({
        %run_scoped3A_33 = tpu.sem_alloc : memref<!tpu.dma_semaphore, #tpu.memory_space<semaphore_mem>>
        %dma_start3A = arith.constant 128 : i32
        %dma_start3A_34 = tpu.memref_slice %arg5[%dma_start3A] : memref<256xf32, #tpu.memory_space<vmem>> -> memref<128xf32, #tpu.memory_space<vmem>>
        %dma_start3A_35 = arith.constant 0 : i32
        %dma_start3A_36 = tpu.memref_slice %arg4[%run_scoped3A_32, %dma_start3A_35] : memref<2x128xi32, #tpu.memory_space<vmem>> -> memref<1x128xi32, #tpu.memory_space<vmem>>
        %dma_start3A_37 = tpu.memref_squeeze %dma_start3A_36 : memref<1x128xi32, #tpu.memory_space<vmem>> -> memref<128xi32, #tpu.memory_space<vmem>>
        %dma_start3A_38 = arith.constant 0 : i32
        %dma_start3A_39 = tpu.memref_slice %arg7[%dma_start3A_38] : memref<102400xf32, #tpu.memory_space<vmem_shared>> -> memref<102400xf32, #tpu.memory_space<vmem_shared>>
        tpu.enqueue_indirect_dma source(%dma_start3A_34 : memref<128xf32, #tpu.memory_space<vmem>>) target(%dma_start3A_39 : memref<102400xf32, #tpu.memory_space<vmem_shared>>) offsets(%dma_start3A_37 : memref<128xi32, #tpu.memory_space<vmem>>) semaphore(%run_scoped3A_33 : memref<!tpu.dma_semaphore, #tpu.memory_space<semaphore_mem>>) {add = true}
        %dma_wait3A = arith.constant 128 : i32
        %dma_wait3A_40 = tpu.memref_slice %arg5[%dma_wait3A] : memref<256xf32, #tpu.memory_space<vmem>> -> memref<128xf32, #tpu.memory_space<vmem>>
        %dma_wait3A_41 = arith.constant 0 : i32
        %dma_wait3A_42 = tpu.memref_slice %arg4[%run_scoped3A_32, %dma_wait3A_41] : memref<2x128xi32, #tpu.memory_space<vmem>> -> memref<1x128xi32, #tpu.memory_space<vmem>>
        %dma_wait3A_43 = tpu.memref_squeeze %dma_wait3A_42 : memref<1x128xi32, #tpu.memory_space<vmem>> -> memref<128xi32, #tpu.memory_space<vmem>>
        %dma_wait3A_44 = arith.constant 0 : i32
        %dma_wait3A_45 = tpu.memref_slice %arg7[%dma_wait3A_44] : memref<102400xf32, #tpu.memory_space<vmem_shared>> -> memref<102400xf32, #tpu.memory_space<vmem_shared>>
        tpu.wait_indirect_dma semaphore(%run_scoped3A_33 : memref<!tpu.dma_semaphore, #tpu.memory_space<semaphore_mem>>) src(%dma_wait3A_40 : memref<128xf32, #tpu.memory_space<vmem>>) dst(%dma_wait3A_45 : memref<102400xf32, #tpu.memory_space<vmem_shared>>)
        tpu.yield
      }) : () -> ()
    } else {
    }
    %barrier3A_23 = arith.constant 0 : index
    tpu.barrier barrier_id(%barrier3A_23)
    %eq3A_24 = arith.constant 0 : i32
    %eq3A_25 = arith.cmpi eq, %arg0, %eq3A_24 : i32
    %eq3A_26 = arith.constant 0 : i32
    %eq3A_27 = arith.cmpi eq, %arg1, %eq3A_26 : i32
    %and3A = arith.andi %eq3A_25, %eq3A_27 : i1
    %convert_element_type3A_28 = arith.extui %and3A : i1 to i32
    %cond3A_29 = arith.constant 0 : i32
    %cond3A_30 = arith.cmpi ne, %convert_element_type3A_28, %cond3A_29 : i32
    scf.if %cond3A_30 {
      "tpu.region"() ({
        %run_scoped3A = tpu.sem_alloc : memref<!tpu.dma_semaphore, #tpu.memory_space<semaphore_mem>>
        tpu.enqueue_dma source(%arg7 : memref<102400xf32, #tpu.memory_space<vmem_shared>>) target(%arg3 : memref<102400xf32, #tpu.memory_space<hbm>>) target_semaphore(%run_scoped3A : memref<!tpu.dma_semaphore, #tpu.memory_space<semaphore_mem>>)
        tpu.wait_dma2 semaphore(%run_scoped3A : memref<!tpu.dma_semaphore, #tpu.memory_space<semaphore_mem>>) src(%arg7 : memref<102400xf32, #tpu.memory_space<vmem_shared>>) dst(%arg3 : memref<102400xf32, #tpu.memory_space<hbm>>)
        tpu.yield
      }) : () -> ()
    } else {
    }
    return
  }
}

module attributes {stable_mosaic.version = 14 : i64} {
  func.func @_tc_body(%arg0: i32, %arg1: memref<4000x16xf32, #tpu.memory_space<vmem>>, %arg2: memref<4000x1xf32, #tpu.memory_space<vmem>>, %arg3: memref<16x4096xf32, #tpu.memory_space<vmem>>, %arg4: memref<4096xf32, #tpu.memory_space<vmem>>, %arg5: memref<4096xi32, #tpu.memory_space<vmem>>, %arg6: memref<4000x4096xf32, #tpu.memory_space<vmem>>) attributes {dimension_semantics = [#tpu.dimension_semantics<arbitrary>], iteration_bounds = array<i64: 25>, scalar_prefetch = 0 : i64, scratch_operands = 1 : i64, tpu.core_type = #tpu.core_type<tc>, window_params = [{transform_indices = @transform_0, window_bounds = array<i64: 4000, 16>}, {transform_indices = @transform_1, window_bounds = array<i64: 4000, 1>}, {pipeline_mode = #tpu.pipeline_mode<synchronous>, transform_indices = @transform_2, window_bounds = array<i64: 16, 4096>}, {pipeline_mode = #tpu.pipeline_mode<synchronous>, transform_indices = @transform_3, window_bounds = array<i64: 4096>}, {pipeline_mode = #tpu.pipeline_mode<synchronous>, transform_indices = @transform_4, window_bounds = array<i64: 4096>}]} {
    %get3A = arith.constant 0 : index
    %get3A_0 = arith.constant 0 : index
    %get3A_1 = vector.load %arg1[%get3A, %get3A_0] : memref<4000x16xf32, #tpu.memory_space<vmem>>, vector<4000x16xf32>
    %get3A_2 = arith.constant 0 : index
    %get3A_3 = arith.constant 0 : index
    %get3A_4 = vector.load %arg3[%get3A_2, %get3A_3] : memref<16x4096xf32, #tpu.memory_space<vmem>>, vector<16x4096xf32>
    %dot_general3A = arith.constant dense<0.000000e+00> : vector<4000x4096xf32>
    %dot_general3A_5 = tpu.matmul %get3A_1, %get3A_4, %dot_general3A {dimension_numbers = #tpu.dot_dimension_numbers<[1], [0], [0], [1], [0, 0, 1, 1], [], []>, transpose_lhs_hint = false} : vector<4000x16xf32>, vector<16x4096xf32>, vector<4000x4096xf32> -> vector<4000x4096xf32>
    %get3A_6 = arith.constant 0 : index
    %get3A_7 = arith.constant 0 : index
    %get3A_8 = vector.load %arg2[%get3A_6, %get3A_7] : memref<4000x1xf32, #tpu.memory_space<vmem>>, vector<4000x1xf32>
    %add3A = vector.broadcast %get3A_8 : vector<4000x1xf32> to vector<4000x4096xf32>
    %add3A_9 = arith.addf %dot_general3A_5, %add3A : vector<4000x4096xf32>
    %swap3A = arith.constant 0 : index
    %swap3A_10 = arith.constant 0 : index
    %swap3A_11 = vector.load %arg6[%swap3A, %swap3A_10] : memref<4000x4096xf32, #tpu.memory_space<vmem>>, vector<4000x4096xf32>
    tpu.vector_store %arg6[%swap3A, %swap3A_10], %add3A_9 {strides = array<i32>} : memref<4000x4096xf32, #tpu.memory_space<vmem>>, vector<4000x4096xf32>,
    %get3A_12 = arith.constant 0 : index
    %get3A_13 = arith.constant 0 : index
    %get3A_14 = vector.load %arg6[%get3A_12, %get3A_13] : memref<4000x4096xf32, #tpu.memory_space<vmem>>, vector<8x4096xf32>
    %broadcast_in_dim3A = arith.constant 0.000000e+00 : f32
    %broadcast_in_dim3A_15 = vector.broadcast %broadcast_in_dim3A : f32 to vector<8x4096xf32>
    %get3A_16 = arith.constant 8 : index
    %get3A_17 = arith.constant 0 : index
    %get3A_18 = vector.load %arg6[%get3A_16, %get3A_17] : memref<4000x4096xf32, #tpu.memory_space<vmem>>, vector<8x4096xf32>
    %gt3A = arith.cmpf ogt, %get3A_18, %get3A_14 : vector<8x4096xf32>
    %max3A = arith.maximumf %get3A_18, %get3A_14 : vector<8x4096xf32>
    %jit3A = arith.constant 1.000000e+00 : f32
    %broadcast_in_dim3A_19 = vector.broadcast %jit3A : f32 to vector<8x4096xf32>
    %select_n3A = arith.select %gt3A, %broadcast_in_dim3A_19, %broadcast_in_dim3A_15 : vector<8x4096xi1>, vector<8x4096xf32>
    %get3A_20 = arith.constant 16 : index
    %get3A_21 = arith.constant 0 : index
    %get3A_22 = vector.load %arg6[%get3A_20, %get3A_21] : memref<4000x4096xf32, #tpu.memory_space<vmem>>, vector<8x4096xf32>
    %gt3A_23 = arith.cmpf ogt, %get3A_22, %max3A : vector<8x4096xf32>
    %max3A_24 = arith.maximumf %get3A_22, %max3A : vector<8x4096xf32>
    %jit3A_25 = arith.constant 2.000000e+00 : f32
    %broadcast_in_dim3A_26 = vector.broadcast %jit3A_25 : f32 to vector<8x4096xf32>
    %select_n3A_27 = arith.select %gt3A_23, %broadcast_in_dim3A_26, %select_n3A : vector<8x4096xi1>, vector<8x4096xf32>
    %get3A_28 = arith.constant 24 : index
    %get3A_29 = arith.constant 0 : index
    %get3A_30 = vector.load %arg6[%get3A_28, %get3A_29] : memref<4000x4096xf32, #tpu.memory_space<vmem>>, vector<8x4096xf32>
    %gt3A_31 = arith.cmpf ogt, %get3A_30, %max3A_24 : vector<8x4096xf32>
    %max3A_32 = arith.maximumf %get3A_30, %max3A_24 : vector<8x4096xf32>
    %jit3A_33 = arith.constant 3.000000e+00 : f32
    %broadcast_in_dim3A_34 = vector.broadcast %jit3A_33 : f32 to vector<8x4096xf32>
    %select_n3A_35 = arith.select %gt3A_31, %broadcast_in_dim3A_34, %select_n3A_27 : vector<8x4096xi1>, vector<8x4096xf32>
    %get3A_36 = arith.constant 32 : index
    %get3A_37 = arith.constant 0 : index
    %get3A_38 = vector.load %arg6[%get3A_36, %get3A_37] : memref<4000x4096xf32, #tpu.memory_space<vmem>>, vector<8x4096xf32>
    %gt3A_39 = arith.cmpf ogt, %get3A_38, %max3A_32 : vector<8x4096xf32>
    %max3A_40 = arith.maximumf %get3A_38, %max3A_32 : vector<8x4096xf32>
    %jit3A_41 = arith.constant 4.000000e+00 : f32
    %broadcast_in_dim3A_42 = vector.broadcast %jit3A_41 : f32 to vector<8x4096xf32>
    %select_n3A_43 = arith.select %gt3A_39, %broadcast_in_dim3A_42, %select_n3A_35 : vector<8x4096xi1>, vector<8x4096xf32>
    %get3A_44 = arith.constant 40 : index
    %get3A_45 = arith.constant 0 : index
    %get3A_46 = vector.load %arg6[%get3A_44, %get3A_45] : memref<4000x4096xf32, #tpu.memory_space<vmem>>, vector<8x4096xf32>
    %gt3A_47 = arith.cmpf ogt, %get3A_46, %max3A_40 : vector<8x4096xf32>
    %max3A_48 = arith.maximumf %get3A_46, %max3A_40 : vector<8x4096xf32>
    %jit3A_49 = arith.constant 5.000000e+00 : f32
    %broadcast_in_dim3A_50 = vector.broadcast %jit3A_49 : f32 to vector<8x4096xf32>
    %select_n3A_51 = arith.select %gt3A_47, %broadcast_in_dim3A_50, %select_n3A_43 : vector<8x4096xi1>, vector<8x4096xf32>
    %get3A_52 = arith.constant 48 : index
    %get3A_53 = arith.constant 0 : index
    %get3A_54 = vector.load %arg6[%get3A_52, %get3A_53] : memref<4000x4096xf32, #tpu.memory_space<vmem>>, vector<8x4096xf32>
    %gt3A_55 = arith.cmpf ogt, %get3A_54, %max3A_48 : vector<8x4096xf32>
    %max3A_56 = arith.maximumf %get3A_54, %max3A_48 : vector<8x4096xf32>
    %jit3A_57 = arith.constant 6.000000e+00 : f32
    %broadcast_in_dim3A_58 = vector.broadcast %jit3A_57 : f32 to vector<8x4096xf32>
    %select_n3A_59 = arith.select %gt3A_55, %broadcast_in_dim3A_58, %select_n3A_51 : vector<8x4096xi1>, vector<8x4096xf32>
    %get3A_60 = arith.constant 56 : index
    %get3A_61 = arith.constant 0 : index
    %get3A_62 = vector.load %arg6[%get3A_60, %get3A_61] : memref<4000x4096xf32, #tpu.memory_space<vmem>>, vector<8x4096xf32>
    %gt3A_63 = arith.cmpf ogt, %get3A_62, %max3A_56 : vector<8x4096xf32>
    %max3A_64 = arith.maximumf %get3A_62, %max3A_56 : vector<8x4096xf32>
    %jit3A_65 = arith.constant 7.000000e+00 : f32
    %broadcast_in_dim3A_66 = vector.broadcast %jit3A_65 : f32 to vector<8x4096xf32>
    %select_n3A_67 = arith.select %gt3A_63, %broadcast_in_dim3A_66, %select_n3A_59 : vector<8x4096xi1>, vector<8x4096xf32>
    %get3A_68 = arith.constant 64 : index
    %get3A_69 = arith.constant 0 : index
    %get3A_70 = vector.load %arg6[%get3A_68, %get3A_69] : memref<4000x4096xf32, #tpu.memory_space<vmem>>, vector<8x4096xf32>
    %gt3A_71 = arith.cmpf ogt, %get3A_70, %max3A_64 : vector<8x4096xf32>
    %max3A_72 = arith.maximumf %get3A_70, %max3A_64 : vector<8x4096xf32>
    %jit3A_73 = arith.constant 8.000000e+00 : f32
    %broadcast_in_dim3A_74 = vector.broadcast %jit3A_73 : f32 to vector<8x4096xf32>
    %select_n3A_75 = arith.select %gt3A_71, %broadcast_in_dim3A_74, %select_n3A_67 : vector<8x4096xi1>, vector<8x4096xf32>
    %get3A_76 = arith.constant 72 : index
    %get3A_77 = arith.constant 0 : index
    %get3A_78 = vector.load %arg6[%get3A_76, %get3A_77] : memref<4000x4096xf32, #tpu.memory_space<vmem>>, vector<8x4096xf32>
    %gt3A_79 = arith.cmpf ogt, %get3A_78, %max3A_72 : vector<8x4096xf32>
    %max3A_80 = arith.maximumf %get3A_78, %max3A_72 : vector<8x4096xf32>
    %jit3A_81 = arith.constant 9.000000e+00 : f32
    %broadcast_in_dim3A_82 = vector.broadcast %jit3A_81 : f32 to vector<8x4096xf32>
    %select_n3A_83 = arith.select %gt3A_79, %broadcast_in_dim3A_82, %select_n3A_75 : vector<8x4096xi1>, vector<8x4096xf32>
    %get3A_84 = arith.constant 80 : index
    %get3A_85 = arith.constant 0 : index
    %get3A_86 = vector.load %arg6[%get3A_84, %get3A_85] : memref<4000x4096xf32, #tpu.memory_space<vmem>>, vector<8x4096xf32>
    %gt3A_87 = arith.cmpf ogt, %get3A_86, %max3A_80 : vector<8x4096xf32>
    %max3A_88 = arith.maximumf %get3A_86, %max3A_80 : vector<8x4096xf32>
    %jit3A_89 = arith.constant 1.000000e+01 : f32
    %broadcast_in_dim3A_90 = vector.broadcast %jit3A_89 : f32 to vector<8x4096xf32>
    %select_n3A_91 = arith.select %gt3A_87, %broadcast_in_dim3A_90, %select_n3A_83 : vector<8x4096xi1>, vector<8x4096xf32>
    %get3A_92 = arith.constant 88 : index
    %get3A_93 = arith.constant 0 : index
    %get3A_94 = vector.load %arg6[%get3A_92, %get3A_93] : memref<4000x4096xf32, #tpu.memory_space<vmem>>, vector<8x4096xf32>
    %gt3A_95 = arith.cmpf ogt, %get3A_94, %max3A_88 : vector<8x4096xf32>
    %max3A_96 = arith.maximumf %get3A_94, %max3A_88 : vector<8x4096xf32>
    %jit3A_97 = arith.constant 1.100000e+01 : f32
    %broadcast_in_dim3A_98 = vector.broadcast %jit3A_97 : f32 to vector<8x4096xf32>
    %select_n3A_99 = arith.select %gt3A_95, %broadcast_in_dim3A_98, %select_n3A_91 : vector<8x4096xi1>, vector<8x4096xf32>
    %get3A_100 = arith.constant 96 : index
    %get3A_101 = arith.constant 0 : index
    %get3A_102 = vector.load %arg6[%get3A_100, %get3A_101] : memref<4000x4096xf32, #tpu.memory_space<vmem>>, vector<8x4096xf32>
    %gt3A_103 = arith.cmpf ogt, %get3A_102, %max3A_96 : vector<8x4096xf32>
    %max3A_104 = arith.maximumf %get3A_102, %max3A_96 : vector<8x4096xf32>
    %jit3A_105 = arith.constant 1.200000e+01 : f32
    %broadcast_in_dim3A_106 = vector.broadcast %jit3A_105 : f32 to vector<8x4096xf32>
    %select_n3A_107 = arith.select %gt3A_103, %broadcast_in_dim3A_106, %select_n3A_99 : vector<8x4096xi1>, vector<8x4096xf32>
    %get3A_108 = arith.constant 104 : index
    %get3A_109 = arith.constant 0 : index
    %get3A_110 = vector.load %arg6[%get3A_108, %get3A_109] : memref<4000x4096xf32, #tpu.memory_space<vmem>>, vector<8x4096xf32>
    %gt3A_111 = arith.cmpf ogt, %get3A_110, %max3A_104 : vector<8x4096xf32>
    %max3A_112 = arith.maximumf %get3A_110, %max3A_104 : vector<8x4096xf32>
    %jit3A_113 = arith.constant 1.300000e+01 : f32
    %broadcast_in_dim3A_114 = vector.broadcast %jit3A_113 : f32 to vector<8x4096xf32>
    %select_n3A_115 = arith.select %gt3A_111, %broadcast_in_dim3A_114, %select_n3A_107 : vector<8x4096xi1>, vector<8x4096xf32>
    %get3A_116 = arith.constant 112 : index
    %get3A_117 = arith.constant 0 : index
    %get3A_118 = vector.load %arg6[%get3A_116, %get3A_117] : memref<4000x4096xf32, #tpu.memory_space<vmem>>, vector<8x4096xf32>
    %gt3A_119 = arith.cmpf ogt, %get3A_118, %max3A_112 : vector<8x4096xf32>
    %max3A_120 = arith.maximumf %get3A_118, %max3A_112 : vector<8x4096xf32>
    %jit3A_121 = arith.constant 1.400000e+01 : f32
    %broadcast_in_dim3A_122 = vector.broadcast %jit3A_121 : f32 to vector<8x4096xf32>
    %select_n3A_123 = arith.select %gt3A_119, %broadcast_in_dim3A_122, %select_n3A_115 : vector<8x4096xi1>, vector<8x4096xf32>
    %get3A_124 = arith.constant 120 : index
    %get3A_125 = arith.constant 0 : index
    %get3A_126 = vector.load %arg6[%get3A_124, %get3A_125] : memref<4000x4096xf32, #tpu.memory_space<vmem>>, vector<8x4096xf32>
    %gt3A_127 = arith.cmpf ogt, %get3A_126, %max3A_120 : vector<8x4096xf32>
    %max3A_128 = arith.maximumf %get3A_126, %max3A_120 : vector<8x4096xf32>
    %jit3A_129 = arith.constant 1.500000e+01 : f32
    %broadcast_in_dim3A_130 = vector.broadcast %jit3A_129 : f32 to vector<8x4096xf32>
    %select_n3A_131 = arith.select %gt3A_127, %broadcast_in_dim3A_130, %select_n3A_123 : vector<8x4096xi1>, vector<8x4096xf32>
    %get3A_132 = arith.constant 128 : index
    %get3A_133 = arith.constant 0 : index
    %get3A_134 = vector.load %arg6[%get3A_132, %get3A_133] : memref<4000x4096xf32, #tpu.memory_space<vmem>>, vector<8x4096xf32>
    %gt3A_135 = arith.cmpf ogt, %get3A_134, %max3A_128 : vector<8x4096xf32>
    %max3A_136 = arith.maximumf %get3A_134, %max3A_128 : vector<8x4096xf32>
    %jit3A_137 = arith.constant 1.600000e+01 : f32
    %broadcast_in_dim3A_138 = vector.broadcast %jit3A_137 : f32 to vector<8x4096xf32>
    %select_n3A_139 = arith.select %gt3A_135, %broadcast_in_dim3A_138, %select_n3A_131 : vector<8x4096xi1>, vector<8x4096xf32>
    %get3A_140 = arith.constant 136 : index
    %get3A_141 = arith.constant 0 : index
    %get3A_142 = vector.load %arg6[%get3A_140, %get3A_141] : memref<4000x4096xf32, #tpu.memory_space<vmem>>, vector<8x4096xf32>
    %gt3A_143 = arith.cmpf ogt, %get3A_142, %max3A_136 : vector<8x4096xf32>
    %max3A_144 = arith.maximumf %get3A_142, %max3A_136 : vector<8x4096xf32>
    %jit3A_145 = arith.constant 1.700000e+01 : f32
    %broadcast_in_dim3A_146 = vector.broadcast %jit3A_145 : f32 to vector<8x4096xf32>
    %select_n3A_147 = arith.select %gt3A_143, %broadcast_in_dim3A_146, %select_n3A_139 : vector<8x4096xi1>, vector<8x4096xf32>
    %get3A_148 = arith.constant 144 : index
    %get3A_149 = arith.constant 0 : index
    %get3A_150 = vector.load %arg6[%get3A_148, %get3A_149] : memref<4000x4096xf32, #tpu.memory_space<vmem>>, vector<8x4096xf32>
    %gt3A_151 = arith.cmpf ogt, %get3A_150, %max3A_144 : vector<8x4096xf32>
    %max3A_152 = arith.maximumf %get3A_150, %max3A_144 : vector<8x4096xf32>
    %jit3A_153 = arith.constant 1.800000e+01 : f32
    %broadcast_in_dim3A_154 = vector.broadcast %jit3A_153 : f32 to vector<8x4096xf32>
    %select_n3A_155 = arith.select %gt3A_151, %broadcast_in_dim3A_154, %select_n3A_147 : vector<8x4096xi1>, vector<8x4096xf32>
    %get3A_156 = arith.constant 152 : index
    %get3A_157 = arith.constant 0 : index
    %get3A_158 = vector.load %arg6[%get3A_156, %get3A_157] : memref<4000x4096xf32, #tpu.memory_space<vmem>>, vector<8x4096xf32>
    %gt3A_159 = arith.cmpf ogt, %get3A_158, %max3A_152 : vector<8x4096xf32>
    %max3A_160 = arith.maximumf %get3A_158, %max3A_152 : vector<8x4096xf32>
    %jit3A_161 = arith.constant 1.900000e+01 : f32
    %broadcast_in_dim3A_162 = vector.broadcast %jit3A_161 : f32 to vector<8x4096xf32>
    %select_n3A_163 = arith.select %gt3A_159, %broadcast_in_dim3A_162, %select_n3A_155 : vector<8x4096xi1>, vector<8x4096xf32>
    %get3A_164 = arith.constant 160 : index
    %get3A_165 = arith.constant 0 : index
    %get3A_166 = vector.load %arg6[%get3A_164, %get3A_165] : memref<4000x4096xf32, #tpu.memory_space<vmem>>, vector<8x4096xf32>
    %gt3A_167 = arith.cmpf ogt, %get3A_166, %max3A_160 : vector<8x4096xf32>
    %max3A_168 = arith.maximumf %get3A_166, %max3A_160 : vector<8x4096xf32>
    %jit3A_169 = arith.constant 2.000000e+01 : f32
    %broadcast_in_dim3A_170 = vector.broadcast %jit3A_169 : f32 to vector<8x4096xf32>
    %select_n3A_171 = arith.select %gt3A_167, %broadcast_in_dim3A_170, %select_n3A_163 : vector<8x4096xi1>, vector<8x4096xf32>
    %get3A_172 = arith.constant 168 : index
    %get3A_173 = arith.constant 0 : index
    %get3A_174 = vector.load %arg6[%get3A_172, %get3A_173] : memref<4000x4096xf32, #tpu.memory_space<vmem>>, vector<8x4096xf32>
    %gt3A_175 = arith.cmpf ogt, %get3A_174, %max3A_168 : vector<8x4096xf32>
    %max3A_176 = arith.maximumf %get3A_174, %max3A_168 : vector<8x4096xf32>
    %jit3A_177 = arith.constant 2.100000e+01 : f32
    %broadcast_in_dim3A_178 = vector.broadcast %jit3A_177 : f32 to vector<8x4096xf32>
    %select_n3A_179 = arith.select %gt3A_175, %broadcast_in_dim3A_178, %select_n3A_171 : vector<8x4096xi1>, vector<8x4096xf32>
    %get3A_180 = arith.constant 176 : index
    %get3A_181 = arith.constant 0 : index
    %get3A_182 = vector.load %arg6[%get3A_180, %get3A_181] : memref<4000x4096xf32, #tpu.memory_space<vmem>>, vector<8x4096xf32>
    %gt3A_183 = arith.cmpf ogt, %get3A_182, %max3A_176 : vector<8x4096xf32>
    %max3A_184 = arith.maximumf %get3A_182, %max3A_176 : vector<8x4096xf32>
    %jit3A_185 = arith.constant 2.200000e+01 : f32
    %broadcast_in_dim3A_186 = vector.broadcast %jit3A_185 : f32 to vector<8x4096xf32>
    %select_n3A_187 = arith.select %gt3A_183, %broadcast_in_dim3A_186, %select_n3A_179 : vector<8x4096xi1>, vector<8x4096xf32>
    %get3A_188 = arith.constant 184 : index
    %get3A_189 = arith.constant 0 : index
    %get3A_190 = vector.load %arg6[%get3A_188, %get3A_189] : memref<4000x4096xf32, #tpu.memory_space<vmem>>, vector<8x4096xf32>
    %gt3A_191 = arith.cmpf ogt, %get3A_190, %max3A_184 : vector<8x4096xf32>
    %max3A_192 = arith.maximumf %get3A_190, %max3A_184 : vector<8x4096xf32>
    %jit3A_193 = arith.constant 2.300000e+01 : f32
    %broadcast_in_dim3A_194 = vector.broadcast %jit3A_193 : f32 to vector<8x4096xf32>
    %select_n3A_195 = arith.select %gt3A_191, %broadcast_in_dim3A_194, %select_n3A_187 : vector<8x4096xi1>, vector<8x4096xf32>
    %get3A_196 = arith.constant 192 : index
    %get3A_197 = arith.constant 0 : index
    %get3A_198 = vector.load %arg6[%get3A_196, %get3A_197] : memref<4000x4096xf32, #tpu.memory_space<vmem>>, vector<8x4096xf32>
    %gt3A_199 = arith.cmpf ogt, %get3A_198, %max3A_192 : vector<8x4096xf32>
    %max3A_200 = arith.maximumf %get3A_198, %max3A_192 : vector<8x4096xf32>
    %jit3A_201 = arith.constant 2.400000e+01 : f32
    %broadcast_in_dim3A_202 = vector.broadcast %jit3A_201 : f32 to vector<8x4096xf32>
    %select_n3A_203 = arith.select %gt3A_199, %broadcast_in_dim3A_202, %select_n3A_195 : vector<8x4096xi1>, vector<8x4096xf32>
    %get3A_204 = arith.constant 200 : index
    %get3A_205 = arith.constant 0 : index
    %get3A_206 = vector.load %arg6[%get3A_204, %get3A_205] : memref<4000x4096xf32, #tpu.memory_space<vmem>>, vector<8x4096xf32>
    %gt3A_207 = arith.cmpf ogt, %get3A_206, %max3A_200 : vector<8x4096xf32>
    %max3A_208 = arith.maximumf %get3A_206, %max3A_200 : vector<8x4096xf32>
    %jit3A_209 = arith.constant 2.500000e+01 : f32
    %broadcast_in_dim3A_210 = vector.broadcast %jit3A_209 : f32 to vector<8x4096xf32>
    %select_n3A_211 = arith.select %gt3A_207, %broadcast_in_dim3A_210, %select_n3A_203 : vector<8x4096xi1>, vector<8x4096xf32>
    %get3A_212 = arith.constant 208 : index
    %get3A_213 = arith.constant 0 : index
    %get3A_214 = vector.load %arg6[%get3A_212, %get3A_213] : memref<4000x4096xf32, #tpu.memory_space<vmem>>, vector<8x4096xf32>
    %gt3A_215 = arith.cmpf ogt, %get3A_214, %max3A_208 : vector<8x4096xf32>
    %max3A_216 = arith.maximumf %get3A_214, %max3A_208 : vector<8x4096xf32>
    %jit3A_217 = arith.constant 2.600000e+01 : f32
    %broadcast_in_dim3A_218 = vector.broadcast %jit3A_217 : f32 to vector<8x4096xf32>
    %select_n3A_219 = arith.select %gt3A_215, %broadcast_in_dim3A_218, %select_n3A_211 : vector<8x4096xi1>, vector<8x4096xf32>
    %get3A_220 = arith.constant 216 : index
    %get3A_221 = arith.constant 0 : index
    %get3A_222 = vector.load %arg6[%get3A_220, %get3A_221] : memref<4000x4096xf32, #tpu.memory_space<vmem>>, vector<8x4096xf32>
    %gt3A_223 = arith.cmpf ogt, %get3A_222, %max3A_216 : vector<8x4096xf32>
    %max3A_224 = arith.maximumf %get3A_222, %max3A_216 : vector<8x4096xf32>
    %jit3A_225 = arith.constant 2.700000e+01 : f32
    %broadcast_in_dim3A_226 = vector.broadcast %jit3A_225 : f32 to vector<8x4096xf32>
    %select_n3A_227 = arith.select %gt3A_223, %broadcast_in_dim3A_226, %select_n3A_219 : vector<8x4096xi1>, vector<8x4096xf32>
    %get3A_228 = arith.constant 224 : index
    %get3A_229 = arith.constant 0 : index
    %get3A_230 = vector.load %arg6[%get3A_228, %get3A_229] : memref<4000x4096xf32, #tpu.memory_space<vmem>>, vector<8x4096xf32>
    %gt3A_231 = arith.cmpf ogt, %get3A_230, %max3A_224 : vector<8x4096xf32>
    %max3A_232 = arith.maximumf %get3A_230, %max3A_224 : vector<8x4096xf32>
    %jit3A_233 = arith.constant 2.800000e+01 : f32
    %broadcast_in_dim3A_234 = vector.broadcast %jit3A_233 : f32 to vector<8x4096xf32>
    %select_n3A_235 = arith.select %gt3A_231, %broadcast_in_dim3A_234, %select_n3A_227 : vector<8x4096xi1>, vector<8x4096xf32>
    %get3A_236 = arith.constant 232 : index
    %get3A_237 = arith.constant 0 : index
    %get3A_238 = vector.load %arg6[%get3A_236, %get3A_237] : memref<4000x4096xf32, #tpu.memory_space<vmem>>, vector<8x4096xf32>
    %gt3A_239 = arith.cmpf ogt, %get3A_238, %max3A_232 : vector<8x4096xf32>
    %max3A_240 = arith.maximumf %get3A_238, %max3A_232 : vector<8x4096xf32>
    %jit3A_241 = arith.constant 2.900000e+01 : f32
    %broadcast_in_dim3A_242 = vector.broadcast %jit3A_241 : f32 to vector<8x4096xf32>
    %select_n3A_243 = arith.select %gt3A_239, %broadcast_in_dim3A_242, %select_n3A_235 : vector<8x4096xi1>, vector<8x4096xf32>
    %get3A_244 = arith.constant 240 : index
    %get3A_245 = arith.constant 0 : index
    %get3A_246 = vector.load %arg6[%get3A_244, %get3A_245] : memref<4000x4096xf32, #tpu.memory_space<vmem>>, vector<8x4096xf32>
    %gt3A_247 = arith.cmpf ogt, %get3A_246, %max3A_240 : vector<8x4096xf32>
    %max3A_248 = arith.maximumf %get3A_246, %max3A_240 : vector<8x4096xf32>
    %jit3A_249 = arith.constant 3.000000e+01 : f32
    %broadcast_in_dim3A_250 = vector.broadcast %jit3A_249 : f32 to vector<8x4096xf32>
    %select_n3A_251 = arith.select %gt3A_247, %broadcast_in_dim3A_250, %select_n3A_243 : vector<8x4096xi1>, vector<8x4096xf32>
    %get3A_252 = arith.constant 248 : index
    %get3A_253 = arith.constant 0 : index
    %get3A_254 = vector.load %arg6[%get3A_252, %get3A_253] : memref<4000x4096xf32, #tpu.memory_space<vmem>>, vector<8x4096xf32>
    %gt3A_255 = arith.cmpf ogt, %get3A_254, %max3A_248 : vector<8x4096xf32>
    %max3A_256 = arith.maximumf %get3A_254, %max3A_248 : vector<8x4096xf32>
    %jit3A_257 = arith.constant 3.100000e+01 : f32
    %broadcast_in_dim3A_258 = vector.broadcast %jit3A_257 : f32 to vector<8x4096xf32>
    %select_n3A_259 = arith.select %gt3A_255, %broadcast_in_dim3A_258, %select_n3A_251 : vector<8x4096xi1>, vector<8x4096xf32>
    %get3A_260 = arith.constant 256 : index
    %get3A_261 = arith.constant 0 : index
    %get3A_262 = vector.load %arg6[%get3A_260, %get3A_261] : memref<4000x4096xf32, #tpu.memory_space<vmem>>, vector<8x4096xf32>
    %gt3A_263 = arith.cmpf ogt, %get3A_262, %max3A_256 : vector<8x4096xf32>
    %max3A_264 = arith.maximumf %get3A_262, %max3A_256 : vector<8x4096xf32>
    %jit3A_265 = arith.constant 3.200000e+01 : f32
    %broadcast_in_dim3A_266 = vector.broadcast %jit3A_265 : f32 to vector<8x4096xf32>
    %select_n3A_267 = arith.select %gt3A_263, %broadcast_in_dim3A_266, %select_n3A_259 : vector<8x4096xi1>, vector<8x4096xf32>
    %get3A_268 = arith.constant 264 : index
    %get3A_269 = arith.constant 0 : index
    %get3A_270 = vector.load %arg6[%get3A_268, %get3A_269] : memref<4000x4096xf32, #tpu.memory_space<vmem>>, vector<8x4096xf32>
    %gt3A_271 = arith.cmpf ogt, %get3A_270, %max3A_264 : vector<8x4096xf32>
    %max3A_272 = arith.maximumf %get3A_270, %max3A_264 : vector<8x4096xf32>
    %jit3A_273 = arith.constant 3.300000e+01 : f32
    %broadcast_in_dim3A_274 = vector.broadcast %jit3A_273 : f32 to vector<8x4096xf32>
    %select_n3A_275 = arith.select %gt3A_271, %broadcast_in_dim3A_274, %select_n3A_267 : vector<8x4096xi1>, vector<8x4096xf32>
    %get3A_276 = arith.constant 272 : index
    %get3A_277 = arith.constant 0 : index
    %get3A_278 = vector.load %arg6[%get3A_276, %get3A_277] : memref<4000x4096xf32, #tpu.memory_space<vmem>>, vector<8x4096xf32>
    %gt3A_279 = arith.cmpf ogt, %get3A_278, %max3A_272 : vector<8x4096xf32>
    %max3A_280 = arith.maximumf %get3A_278, %max3A_272 : vector<8x4096xf32>
    %jit3A_281 = arith.constant 3.400000e+01 : f32
    %broadcast_in_dim3A_282 = vector.broadcast %jit3A_281 : f32 to vector<8x4096xf32>
    %select_n3A_283 = arith.select %gt3A_279, %broadcast_in_dim3A_282, %select_n3A_275 : vector<8x4096xi1>, vector<8x4096xf32>
    %get3A_284 = arith.constant 280 : index
    %get3A_285 = arith.constant 0 : index
    %get3A_286 = vector.load %arg6[%get3A_284, %get3A_285] : memref<4000x4096xf32, #tpu.memory_space<vmem>>, vector<8x4096xf32>
    %gt3A_287 = arith.cmpf ogt, %get3A_286, %max3A_280 : vector<8x4096xf32>
    %max3A_288 = arith.maximumf %get3A_286, %max3A_280 : vector<8x4096xf32>
    %jit3A_289 = arith.constant 3.500000e+01 : f32
    %broadcast_in_dim3A_290 = vector.broadcast %jit3A_289 : f32 to vector<8x4096xf32>
    %select_n3A_291 = arith.select %gt3A_287, %broadcast_in_dim3A_290, %select_n3A_283 : vector<8x4096xi1>, vector<8x4096xf32>
    %get3A_292 = arith.constant 288 : index
    %get3A_293 = arith.constant 0 : index
    %get3A_294 = vector.load %arg6[%get3A_292, %get3A_293] : memref<4000x4096xf32, #tpu.memory_space<vmem>>, vector<8x4096xf32>
    %gt3A_295 = arith.cmpf ogt, %get3A_294, %max3A_288 : vector<8x4096xf32>
    %max3A_296 = arith.maximumf %get3A_294, %max3A_288 : vector<8x4096xf32>
    %jit3A_297 = arith.constant 3.600000e+01 : f32
    %broadcast_in_dim3A_298 = vector.broadcast %jit3A_297 : f32 to vector<8x4096xf32>
    %select_n3A_299 = arith.select %gt3A_295, %broadcast_in_dim3A_298, %select_n3A_291 : vector<8x4096xi1>, vector<8x4096xf32>
    %get3A_300 = arith.constant 296 : index
    %get3A_301 = arith.constant 0 : index
    %get3A_302 = vector.load %arg6[%get3A_300, %get3A_301] : memref<4000x4096xf32, #tpu.memory_space<vmem>>, vector<8x4096xf32>
    %gt3A_303 = arith.cmpf ogt, %get3A_302, %max3A_296 : vector<8x4096xf32>
    %max3A_304 = arith.maximumf %get3A_302, %max3A_296 : vector<8x4096xf32>
    %jit3A_305 = arith.constant 3.700000e+01 : f32
    %broadcast_in_dim3A_306 = vector.broadcast %jit3A_305 : f32 to vector<8x4096xf32>
    %select_n3A_307 = arith.select %gt3A_303, %broadcast_in_dim3A_306, %select_n3A_299 : vector<8x4096xi1>, vector<8x4096xf32>
    %get3A_308 = arith.constant 304 : index
    %get3A_309 = arith.constant 0 : index
    %get3A_310 = vector.load %arg6[%get3A_308, %get3A_309] : memref<4000x4096xf32, #tpu.memory_space<vmem>>, vector<8x4096xf32>
    %gt3A_311 = arith.cmpf ogt, %get3A_310, %max3A_304 : vector<8x4096xf32>
    %max3A_312 = arith.maximumf %get3A_310, %max3A_304 : vector<8x4096xf32>
    %jit3A_313 = arith.constant 3.800000e+01 : f32
    %broadcast_in_dim3A_314 = vector.broadcast %jit3A_313 : f32 to vector<8x4096xf32>
    %select_n3A_315 = arith.select %gt3A_311, %broadcast_in_dim3A_314, %select_n3A_307 : vector<8x4096xi1>, vector<8x4096xf32>
    %get3A_316 = arith.constant 312 : index
    %get3A_317 = arith.constant 0 : index
    %get3A_318 = vector.load %arg6[%get3A_316, %get3A_317] : memref<4000x4096xf32, #tpu.memory_space<vmem>>, vector<8x4096xf32>
    %gt3A_319 = arith.cmpf ogt, %get3A_318, %max3A_312 : vector<8x4096xf32>
    %max3A_320 = arith.maximumf %get3A_318, %max3A_312 : vector<8x4096xf32>
    %jit3A_321 = arith.constant 3.900000e+01 : f32
    %broadcast_in_dim3A_322 = vector.broadcast %jit3A_321 : f32 to vector<8x4096xf32>
    %select_n3A_323 = arith.select %gt3A_319, %broadcast_in_dim3A_322, %select_n3A_315 : vector<8x4096xi1>, vector<8x4096xf32>
    %get3A_324 = arith.constant 320 : index
    %get3A_325 = arith.constant 0 : index
    %get3A_326 = vector.load %arg6[%get3A_324, %get3A_325] : memref<4000x4096xf32, #tpu.memory_space<vmem>>, vector<8x4096xf32>
    %gt3A_327 = arith.cmpf ogt, %get3A_326, %max3A_320 : vector<8x4096xf32>
    %max3A_328 = arith.maximumf %get3A_326, %max3A_320 : vector<8x4096xf32>
    %jit3A_329 = arith.constant 4.000000e+01 : f32
    %broadcast_in_dim3A_330 = vector.broadcast %jit3A_329 : f32 to vector<8x4096xf32>
    %select_n3A_331 = arith.select %gt3A_327, %broadcast_in_dim3A_330, %select_n3A_323 : vector<8x4096xi1>, vector<8x4096xf32>
    %get3A_332 = arith.constant 328 : index
    %get3A_333 = arith.constant 0 : index
    %get3A_334 = vector.load %arg6[%get3A_332, %get3A_333] : memref<4000x4096xf32, #tpu.memory_space<vmem>>, vector<8x4096xf32>
    %gt3A_335 = arith.cmpf ogt, %get3A_334, %max3A_328 : vector<8x4096xf32>
    %max3A_336 = arith.maximumf %get3A_334, %max3A_328 : vector<8x4096xf32>
    %jit3A_337 = arith.constant 4.100000e+01 : f32
    %broadcast_in_dim3A_338 = vector.broadcast %jit3A_337 : f32 to vector<8x4096xf32>
    %select_n3A_339 = arith.select %gt3A_335, %broadcast_in_dim3A_338, %select_n3A_331 : vector<8x4096xi1>, vector<8x4096xf32>
    %get3A_340 = arith.constant 336 : index
    %get3A_341 = arith.constant 0 : index
    %get3A_342 = vector.load %arg6[%get3A_340, %get3A_341] : memref<4000x4096xf32, #tpu.memory_space<vmem>>, vector<8x4096xf32>
    %gt3A_343 = arith.cmpf ogt, %get3A_342, %max3A_336 : vector<8x4096xf32>
    %max3A_344 = arith.maximumf %get3A_342, %max3A_336 : vector<8x4096xf32>
    %jit3A_345 = arith.constant 4.200000e+01 : f32
    %broadcast_in_dim3A_346 = vector.broadcast %jit3A_345 : f32 to vector<8x4096xf32>
    %select_n3A_347 = arith.select %gt3A_343, %broadcast_in_dim3A_346, %select_n3A_339 : vector<8x4096xi1>, vector<8x4096xf32>
    %get3A_348 = arith.constant 344 : index
    %get3A_349 = arith.constant 0 : index
    %get3A_350 = vector.load %arg6[%get3A_348, %get3A_349] : memref<4000x4096xf32, #tpu.memory_space<vmem>>, vector<8x4096xf32>
    %gt3A_351 = arith.cmpf ogt, %get3A_350, %max3A_344 : vector<8x4096xf32>
    %max3A_352 = arith.maximumf %get3A_350, %max3A_344 : vector<8x4096xf32>
    %jit3A_353 = arith.constant 4.300000e+01 : f32
    %broadcast_in_dim3A_354 = vector.broadcast %jit3A_353 : f32 to vector<8x4096xf32>
    %select_n3A_355 = arith.select %gt3A_351, %broadcast_in_dim3A_354, %select_n3A_347 : vector<8x4096xi1>, vector<8x4096xf32>
    %get3A_356 = arith.constant 352 : index
    %get3A_357 = arith.constant 0 : index
    %get3A_358 = vector.load %arg6[%get3A_356, %get3A_357] : memref<4000x4096xf32, #tpu.memory_space<vmem>>, vector<8x4096xf32>
    %gt3A_359 = arith.cmpf ogt, %get3A_358, %max3A_352 : vector<8x4096xf32>
    %max3A_360 = arith.maximumf %get3A_358, %max3A_352 : vector<8x4096xf32>
    %jit3A_361 = arith.constant 4.400000e+01 : f32
    %broadcast_in_dim3A_362 = vector.broadcast %jit3A_361 : f32 to vector<8x4096xf32>
    %select_n3A_363 = arith.select %gt3A_359, %broadcast_in_dim3A_362, %select_n3A_355 : vector<8x4096xi1>, vector<8x4096xf32>
    %get3A_364 = arith.constant 360 : index
    %get3A_365 = arith.constant 0 : index
    %get3A_366 = vector.load %arg6[%get3A_364, %get3A_365] : memref<4000x4096xf32, #tpu.memory_space<vmem>>, vector<8x4096xf32>
    %gt3A_367 = arith.cmpf ogt, %get3A_366, %max3A_360 : vector<8x4096xf32>
    %max3A_368 = arith.maximumf %get3A_366, %max3A_360 : vector<8x4096xf32>
    %jit3A_369 = arith.constant 4.500000e+01 : f32
    %broadcast_in_dim3A_370 = vector.broadcast %jit3A_369 : f32 to vector<8x4096xf32>
    %select_n3A_371 = arith.select %gt3A_367, %broadcast_in_dim3A_370, %select_n3A_363 : vector<8x4096xi1>, vector<8x4096xf32>
    %get3A_372 = arith.constant 368 : index
    %get3A_373 = arith.constant 0 : index
    %get3A_374 = vector.load %arg6[%get3A_372, %get3A_373] : memref<4000x4096xf32, #tpu.memory_space<vmem>>, vector<8x4096xf32>
    %gt3A_375 = arith.cmpf ogt, %get3A_374, %max3A_368 : vector<8x4096xf32>
    %max3A_376 = arith.maximumf %get3A_374, %max3A_368 : vector<8x4096xf32>
    %jit3A_377 = arith.constant 4.600000e+01 : f32
    %broadcast_in_dim3A_378 = vector.broadcast %jit3A_377 : f32 to vector<8x4096xf32>
    %select_n3A_379 = arith.select %gt3A_375, %broadcast_in_dim3A_378, %select_n3A_371 : vector<8x4096xi1>, vector<8x4096xf32>
    %get3A_380 = arith.constant 376 : index
    %get3A_381 = arith.constant 0 : index
    %get3A_382 = vector.load %arg6[%get3A_380, %get3A_381] : memref<4000x4096xf32, #tpu.memory_space<vmem>>, vector<8x4096xf32>
    %gt3A_383 = arith.cmpf ogt, %get3A_382, %max3A_376 : vector<8x4096xf32>
    %max3A_384 = arith.maximumf %get3A_382, %max3A_376 : vector<8x4096xf32>
    %jit3A_385 = arith.constant 4.700000e+01 : f32
    %broadcast_in_dim3A_386 = vector.broadcast %jit3A_385 : f32 to vector<8x4096xf32>
    %select_n3A_387 = arith.select %gt3A_383, %broadcast_in_dim3A_386, %select_n3A_379 : vector<8x4096xi1>, vector<8x4096xf32>
    %get3A_388 = arith.constant 384 : index
    %get3A_389 = arith.constant 0 : index
    %get3A_390 = vector.load %arg6[%get3A_388, %get3A_389] : memref<4000x4096xf32, #tpu.memory_space<vmem>>, vector<8x4096xf32>
    %gt3A_391 = arith.cmpf ogt, %get3A_390, %max3A_384 : vector<8x4096xf32>
    %max3A_392 = arith.maximumf %get3A_390, %max3A_384 : vector<8x4096xf32>
    %jit3A_393 = arith.constant 4.800000e+01 : f32
    %broadcast_in_dim3A_394 = vector.broadcast %jit3A_393 : f32 to vector<8x4096xf32>
    %select_n3A_395 = arith.select %gt3A_391, %broadcast_in_dim3A_394, %select_n3A_387 : vector<8x4096xi1>, vector<8x4096xf32>
    %get3A_396 = arith.constant 392 : index
    %get3A_397 = arith.constant 0 : index
    %get3A_398 = vector.load %arg6[%get3A_396, %get3A_397] : memref<4000x4096xf32, #tpu.memory_space<vmem>>, vector<8x4096xf32>
    %gt3A_399 = arith.cmpf ogt, %get3A_398, %max3A_392 : vector<8x4096xf32>
    %max3A_400 = arith.maximumf %get3A_398, %max3A_392 : vector<8x4096xf32>
    %jit3A_401 = arith.constant 4.900000e+01 : f32
    %broadcast_in_dim3A_402 = vector.broadcast %jit3A_401 : f32 to vector<8x4096xf32>
    %select_n3A_403 = arith.select %gt3A_399, %broadcast_in_dim3A_402, %select_n3A_395 : vector<8x4096xi1>, vector<8x4096xf32>
    %get3A_404 = arith.constant 400 : index
    %get3A_405 = arith.constant 0 : index
    %get3A_406 = vector.load %arg6[%get3A_404, %get3A_405] : memref<4000x4096xf32, #tpu.memory_space<vmem>>, vector<8x4096xf32>
    %gt3A_407 = arith.cmpf ogt, %get3A_406, %max3A_400 : vector<8x4096xf32>
    %max3A_408 = arith.maximumf %get3A_406, %max3A_400 : vector<8x4096xf32>
    %jit3A_409 = arith.constant 5.000000e+01 : f32
    %broadcast_in_dim3A_410 = vector.broadcast %jit3A_409 : f32 to vector<8x4096xf32>
    %select_n3A_411 = arith.select %gt3A_407, %broadcast_in_dim3A_410, %select_n3A_403 : vector<8x4096xi1>, vector<8x4096xf32>
    %get3A_412 = arith.constant 408 : index
    %get3A_413 = arith.constant 0 : index
    %get3A_414 = vector.load %arg6[%get3A_412, %get3A_413] : memref<4000x4096xf32, #tpu.memory_space<vmem>>, vector<8x4096xf32>
    %gt3A_415 = arith.cmpf ogt, %get3A_414, %max3A_408 : vector<8x4096xf32>
    %max3A_416 = arith.maximumf %get3A_414, %max3A_408 : vector<8x4096xf32>
    %jit3A_417 = arith.constant 5.100000e+01 : f32
    %broadcast_in_dim3A_418 = vector.broadcast %jit3A_417 : f32 to vector<8x4096xf32>
    %select_n3A_419 = arith.select %gt3A_415, %broadcast_in_dim3A_418, %select_n3A_411 : vector<8x4096xi1>, vector<8x4096xf32>
    %get3A_420 = arith.constant 416 : index
    %get3A_421 = arith.constant 0 : index
    %get3A_422 = vector.load %arg6[%get3A_420, %get3A_421] : memref<4000x4096xf32, #tpu.memory_space<vmem>>, vector<8x4096xf32>
    %gt3A_423 = arith.cmpf ogt, %get3A_422, %max3A_416 : vector<8x4096xf32>
    %max3A_424 = arith.maximumf %get3A_422, %max3A_416 : vector<8x4096xf32>
    %jit3A_425 = arith.constant 5.200000e+01 : f32
    %broadcast_in_dim3A_426 = vector.broadcast %jit3A_425 : f32 to vector<8x4096xf32>
    %select_n3A_427 = arith.select %gt3A_423, %broadcast_in_dim3A_426, %select_n3A_419 : vector<8x4096xi1>, vector<8x4096xf32>
    %get3A_428 = arith.constant 424 : index
    %get3A_429 = arith.constant 0 : index
    %get3A_430 = vector.load %arg6[%get3A_428, %get3A_429] : memref<4000x4096xf32, #tpu.memory_space<vmem>>, vector<8x4096xf32>
    %gt3A_431 = arith.cmpf ogt, %get3A_430, %max3A_424 : vector<8x4096xf32>
    %max3A_432 = arith.maximumf %get3A_430, %max3A_424 : vector<8x4096xf32>
    %jit3A_433 = arith.constant 5.300000e+01 : f32
    %broadcast_in_dim3A_434 = vector.broadcast %jit3A_433 : f32 to vector<8x4096xf32>
    %select_n3A_435 = arith.select %gt3A_431, %broadcast_in_dim3A_434, %select_n3A_427 : vector<8x4096xi1>, vector<8x4096xf32>
    %get3A_436 = arith.constant 432 : index
    %get3A_437 = arith.constant 0 : index
    %get3A_438 = vector.load %arg6[%get3A_436, %get3A_437] : memref<4000x4096xf32, #tpu.memory_space<vmem>>, vector<8x4096xf32>
    %gt3A_439 = arith.cmpf ogt, %get3A_438, %max3A_432 : vector<8x4096xf32>
    %max3A_440 = arith.maximumf %get3A_438, %max3A_432 : vector<8x4096xf32>
    %jit3A_441 = arith.constant 5.400000e+01 : f32
    %broadcast_in_dim3A_442 = vector.broadcast %jit3A_441 : f32 to vector<8x4096xf32>
    %select_n3A_443 = arith.select %gt3A_439, %broadcast_in_dim3A_442, %select_n3A_435 : vector<8x4096xi1>, vector<8x4096xf32>
    %get3A_444 = arith.constant 440 : index
    %get3A_445 = arith.constant 0 : index
    %get3A_446 = vector.load %arg6[%get3A_444, %get3A_445] : memref<4000x4096xf32, #tpu.memory_space<vmem>>, vector<8x4096xf32>
    %gt3A_447 = arith.cmpf ogt, %get3A_446, %max3A_440 : vector<8x4096xf32>
    %max3A_448 = arith.maximumf %get3A_446, %max3A_440 : vector<8x4096xf32>
    %jit3A_449 = arith.constant 5.500000e+01 : f32
    %broadcast_in_dim3A_450 = vector.broadcast %jit3A_449 : f32 to vector<8x4096xf32>
    %select_n3A_451 = arith.select %gt3A_447, %broadcast_in_dim3A_450, %select_n3A_443 : vector<8x4096xi1>, vector<8x4096xf32>
    %get3A_452 = arith.constant 448 : index
    %get3A_453 = arith.constant 0 : index
    %get3A_454 = vector.load %arg6[%get3A_452, %get3A_453] : memref<4000x4096xf32, #tpu.memory_space<vmem>>, vector<8x4096xf32>
    %gt3A_455 = arith.cmpf ogt, %get3A_454, %max3A_448 : vector<8x4096xf32>
    %max3A_456 = arith.maximumf %get3A_454, %max3A_448 : vector<8x4096xf32>
    %jit3A_457 = arith.constant 5.600000e+01 : f32
    %broadcast_in_dim3A_458 = vector.broadcast %jit3A_457 : f32 to vector<8x4096xf32>
    %select_n3A_459 = arith.select %gt3A_455, %broadcast_in_dim3A_458, %select_n3A_451 : vector<8x4096xi1>, vector<8x4096xf32>
    %get3A_460 = arith.constant 456 : index
    %get3A_461 = arith.constant 0 : index
    %get3A_462 = vector.load %arg6[%get3A_460, %get3A_461] : memref<4000x4096xf32, #tpu.memory_space<vmem>>, vector<8x4096xf32>
    %gt3A_463 = arith.cmpf ogt, %get3A_462, %max3A_456 : vector<8x4096xf32>
    %max3A_464 = arith.maximumf %get3A_462, %max3A_456 : vector<8x4096xf32>
    %jit3A_465 = arith.constant 5.700000e+01 : f32
    %broadcast_in_dim3A_466 = vector.broadcast %jit3A_465 : f32 to vector<8x4096xf32>
    %select_n3A_467 = arith.select %gt3A_463, %broadcast_in_dim3A_466, %select_n3A_459 : vector<8x4096xi1>, vector<8x4096xf32>
    %get3A_468 = arith.constant 464 : index
    %get3A_469 = arith.constant 0 : index
    %get3A_470 = vector.load %arg6[%get3A_468, %get3A_469] : memref<4000x4096xf32, #tpu.memory_space<vmem>>, vector<8x4096xf32>
    %gt3A_471 = arith.cmpf ogt, %get3A_470, %max3A_464 : vector<8x4096xf32>
    %max3A_472 = arith.maximumf %get3A_470, %max3A_464 : vector<8x4096xf32>
    %jit3A_473 = arith.constant 5.800000e+01 : f32
    %broadcast_in_dim3A_474 = vector.broadcast %jit3A_473 : f32 to vector<8x4096xf32>
    %select_n3A_475 = arith.select %gt3A_471, %broadcast_in_dim3A_474, %select_n3A_467 : vector<8x4096xi1>, vector<8x4096xf32>
    %get3A_476 = arith.constant 472 : index
    %get3A_477 = arith.constant 0 : index
    %get3A_478 = vector.load %arg6[%get3A_476, %get3A_477] : memref<4000x4096xf32, #tpu.memory_space<vmem>>, vector<8x4096xf32>
    %gt3A_479 = arith.cmpf ogt, %get3A_478, %max3A_472 : vector<8x4096xf32>
    %max3A_480 = arith.maximumf %get3A_478, %max3A_472 : vector<8x4096xf32>
    %jit3A_481 = arith.constant 5.900000e+01 : f32
    %broadcast_in_dim3A_482 = vector.broadcast %jit3A_481 : f32 to vector<8x4096xf32>
    %select_n3A_483 = arith.select %gt3A_479, %broadcast_in_dim3A_482, %select_n3A_475 : vector<8x4096xi1>, vector<8x4096xf32>
    %get3A_484 = arith.constant 480 : index
    %get3A_485 = arith.constant 0 : index
    %get3A_486 = vector.load %arg6[%get3A_484, %get3A_485] : memref<4000x4096xf32, #tpu.memory_space<vmem>>, vector<8x4096xf32>
    %gt3A_487 = arith.cmpf ogt, %get3A_486, %max3A_480 : vector<8x4096xf32>
    %max3A_488 = arith.maximumf %get3A_486, %max3A_480 : vector<8x4096xf32>
    %jit3A_489 = arith.constant 6.000000e+01 : f32
    %broadcast_in_dim3A_490 = vector.broadcast %jit3A_489 : f32 to vector<8x4096xf32>
    %select_n3A_491 = arith.select %gt3A_487, %broadcast_in_dim3A_490, %select_n3A_483 : vector<8x4096xi1>, vector<8x4096xf32>
    %get3A_492 = arith.constant 488 : index
    %get3A_493 = arith.constant 0 : index
    %get3A_494 = vector.load %arg6[%get3A_492, %get3A_493] : memref<4000x4096xf32, #tpu.memory_space<vmem>>, vector<8x4096xf32>
    %gt3A_495 = arith.cmpf ogt, %get3A_494, %max3A_488 : vector<8x4096xf32>
    %max3A_496 = arith.maximumf %get3A_494, %max3A_488 : vector<8x4096xf32>
    %jit3A_497 = arith.constant 6.100000e+01 : f32
    %broadcast_in_dim3A_498 = vector.broadcast %jit3A_497 : f32 to vector<8x4096xf32>
    %select_n3A_499 = arith.select %gt3A_495, %broadcast_in_dim3A_498, %select_n3A_491 : vector<8x4096xi1>, vector<8x4096xf32>
    %get3A_500 = arith.constant 496 : index
    %get3A_501 = arith.constant 0 : index
    %get3A_502 = vector.load %arg6[%get3A_500, %get3A_501] : memref<4000x4096xf32, #tpu.memory_space<vmem>>, vector<8x4096xf32>
    %gt3A_503 = arith.cmpf ogt, %get3A_502, %max3A_496 : vector<8x4096xf32>
    %max3A_504 = arith.maximumf %get3A_502, %max3A_496 : vector<8x4096xf32>
    %jit3A_505 = arith.constant 6.200000e+01 : f32
    %broadcast_in_dim3A_506 = vector.broadcast %jit3A_505 : f32 to vector<8x4096xf32>
    %select_n3A_507 = arith.select %gt3A_503, %broadcast_in_dim3A_506, %select_n3A_499 : vector<8x4096xi1>, vector<8x4096xf32>
    %get3A_508 = arith.constant 504 : index
    %get3A_509 = arith.constant 0 : index
    %get3A_510 = vector.load %arg6[%get3A_508, %get3A_509] : memref<4000x4096xf32, #tpu.memory_space<vmem>>, vector<8x4096xf32>
    %gt3A_511 = arith.cmpf ogt, %get3A_510, %max3A_504 : vector<8x4096xf32>
    %max3A_512 = arith.maximumf %get3A_510, %max3A_504 : vector<8x4096xf32>
    %jit3A_513 = arith.constant 6.300000e+01 : f32
    %broadcast_in_dim3A_514 = vector.broadcast %jit3A_513 : f32 to vector<8x4096xf32>
    %select_n3A_515 = arith.select %gt3A_511, %broadcast_in_dim3A_514, %select_n3A_507 : vector<8x4096xi1>, vector<8x4096xf32>
    %get3A_516 = arith.constant 512 : index
    %get3A_517 = arith.constant 0 : index
    %get3A_518 = vector.load %arg6[%get3A_516, %get3A_517] : memref<4000x4096xf32, #tpu.memory_space<vmem>>, vector<8x4096xf32>
    %gt3A_519 = arith.cmpf ogt, %get3A_518, %max3A_512 : vector<8x4096xf32>
    %max3A_520 = arith.maximumf %get3A_518, %max3A_512 : vector<8x4096xf32>
    %jit3A_521 = arith.constant 6.400000e+01 : f32
    %broadcast_in_dim3A_522 = vector.broadcast %jit3A_521 : f32 to vector<8x4096xf32>
    %select_n3A_523 = arith.select %gt3A_519, %broadcast_in_dim3A_522, %select_n3A_515 : vector<8x4096xi1>, vector<8x4096xf32>
    %get3A_524 = arith.constant 520 : index
    %get3A_525 = arith.constant 0 : index
    %get3A_526 = vector.load %arg6[%get3A_524, %get3A_525] : memref<4000x4096xf32, #tpu.memory_space<vmem>>, vector<8x4096xf32>
    %gt3A_527 = arith.cmpf ogt, %get3A_526, %max3A_520 : vector<8x4096xf32>
    %max3A_528 = arith.maximumf %get3A_526, %max3A_520 : vector<8x4096xf32>
    %jit3A_529 = arith.constant 6.500000e+01 : f32
    %broadcast_in_dim3A_530 = vector.broadcast %jit3A_529 : f32 to vector<8x4096xf32>
    %select_n3A_531 = arith.select %gt3A_527, %broadcast_in_dim3A_530, %select_n3A_523 : vector<8x4096xi1>, vector<8x4096xf32>
    %get3A_532 = arith.constant 528 : index
    %get3A_533 = arith.constant 0 : index
    %get3A_534 = vector.load %arg6[%get3A_532, %get3A_533] : memref<4000x4096xf32, #tpu.memory_space<vmem>>, vector<8x4096xf32>
    %gt3A_535 = arith.cmpf ogt, %get3A_534, %max3A_528 : vector<8x4096xf32>
    %max3A_536 = arith.maximumf %get3A_534, %max3A_528 : vector<8x4096xf32>
    %jit3A_537 = arith.constant 6.600000e+01 : f32
    %broadcast_in_dim3A_538 = vector.broadcast %jit3A_537 : f32 to vector<8x4096xf32>
    %select_n3A_539 = arith.select %gt3A_535, %broadcast_in_dim3A_538, %select_n3A_531 : vector<8x4096xi1>, vector<8x4096xf32>
    %get3A_540 = arith.constant 536 : index
    %get3A_541 = arith.constant 0 : index
    %get3A_542 = vector.load %arg6[%get3A_540, %get3A_541] : memref<4000x4096xf32, #tpu.memory_space<vmem>>, vector<8x4096xf32>
    %gt3A_543 = arith.cmpf ogt, %get3A_542, %max3A_536 : vector<8x4096xf32>
    %max3A_544 = arith.maximumf %get3A_542, %max3A_536 : vector<8x4096xf32>
    %jit3A_545 = arith.constant 6.700000e+01 : f32
    %broadcast_in_dim3A_546 = vector.broadcast %jit3A_545 : f32 to vector<8x4096xf32>
    %select_n3A_547 = arith.select %gt3A_543, %broadcast_in_dim3A_546, %select_n3A_539 : vector<8x4096xi1>, vector<8x4096xf32>
    %get3A_548 = arith.constant 544 : index
    %get3A_549 = arith.constant 0 : index
    %get3A_550 = vector.load %arg6[%get3A_548, %get3A_549] : memref<4000x4096xf32, #tpu.memory_space<vmem>>, vector<8x4096xf32>
    %gt3A_551 = arith.cmpf ogt, %get3A_550, %max3A_544 : vector<8x4096xf32>
    %max3A_552 = arith.maximumf %get3A_550, %max3A_544 : vector<8x4096xf32>
    %jit3A_553 = arith.constant 6.800000e+01 : f32
    %broadcast_in_dim3A_554 = vector.broadcast %jit3A_553 : f32 to vector<8x4096xf32>
    %select_n3A_555 = arith.select %gt3A_551, %broadcast_in_dim3A_554, %select_n3A_547 : vector<8x4096xi1>, vector<8x4096xf32>
    %get3A_556 = arith.constant 552 : index
    %get3A_557 = arith.constant 0 : index
    %get3A_558 = vector.load %arg6[%get3A_556, %get3A_557] : memref<4000x4096xf32, #tpu.memory_space<vmem>>, vector<8x4096xf32>
    %gt3A_559 = arith.cmpf ogt, %get3A_558, %max3A_552 : vector<8x4096xf32>
    %max3A_560 = arith.maximumf %get3A_558, %max3A_552 : vector<8x4096xf32>
    %jit3A_561 = arith.constant 6.900000e+01 : f32
    %broadcast_in_dim3A_562 = vector.broadcast %jit3A_561 : f32 to vector<8x4096xf32>
    %select_n3A_563 = arith.select %gt3A_559, %broadcast_in_dim3A_562, %select_n3A_555 : vector<8x4096xi1>, vector<8x4096xf32>
    %get3A_564 = arith.constant 560 : index
    %get3A_565 = arith.constant 0 : index
    %get3A_566 = vector.load %arg6[%get3A_564, %get3A_565] : memref<4000x4096xf32, #tpu.memory_space<vmem>>, vector<8x4096xf32>
    %gt3A_567 = arith.cmpf ogt, %get3A_566, %max3A_560 : vector<8x4096xf32>
    %max3A_568 = arith.maximumf %get3A_566, %max3A_560 : vector<8x4096xf32>
    %jit3A_569 = arith.constant 7.000000e+01 : f32
    %broadcast_in_dim3A_570 = vector.broadcast %jit3A_569 : f32 to vector<8x4096xf32>
    %select_n3A_571 = arith.select %gt3A_567, %broadcast_in_dim3A_570, %select_n3A_563 : vector<8x4096xi1>, vector<8x4096xf32>
    %get3A_572 = arith.constant 568 : index
    %get3A_573 = arith.constant 0 : index
    %get3A_574 = vector.load %arg6[%get3A_572, %get3A_573] : memref<4000x4096xf32, #tpu.memory_space<vmem>>, vector<8x4096xf32>
    %gt3A_575 = arith.cmpf ogt, %get3A_574, %max3A_568 : vector<8x4096xf32>
    %max3A_576 = arith.maximumf %get3A_574, %max3A_568 : vector<8x4096xf32>
    %jit3A_577 = arith.constant 7.100000e+01 : f32
    %broadcast_in_dim3A_578 = vector.broadcast %jit3A_577 : f32 to vector<8x4096xf32>
    %select_n3A_579 = arith.select %gt3A_575, %broadcast_in_dim3A_578, %select_n3A_571 : vector<8x4096xi1>, vector<8x4096xf32>
    %get3A_580 = arith.constant 576 : index
    %get3A_581 = arith.constant 0 : index
    %get3A_582 = vector.load %arg6[%get3A_580, %get3A_581] : memref<4000x4096xf32, #tpu.memory_space<vmem>>, vector<8x4096xf32>
    %gt3A_583 = arith.cmpf ogt, %get3A_582, %max3A_576 : vector<8x4096xf32>
    %max3A_584 = arith.maximumf %get3A_582, %max3A_576 : vector<8x4096xf32>
    %jit3A_585 = arith.constant 7.200000e+01 : f32
    %broadcast_in_dim3A_586 = vector.broadcast %jit3A_585 : f32 to vector<8x4096xf32>
    %select_n3A_587 = arith.select %gt3A_583, %broadcast_in_dim3A_586, %select_n3A_579 : vector<8x4096xi1>, vector<8x4096xf32>
    %get3A_588 = arith.constant 584 : index
    %get3A_589 = arith.constant 0 : index
    %get3A_590 = vector.load %arg6[%get3A_588, %get3A_589] : memref<4000x4096xf32, #tpu.memory_space<vmem>>, vector<8x4096xf32>
    %gt3A_591 = arith.cmpf ogt, %get3A_590, %max3A_584 : vector<8x4096xf32>
    %max3A_592 = arith.maximumf %get3A_590, %max3A_584 : vector<8x4096xf32>
    %jit3A_593 = arith.constant 7.300000e+01 : f32
    %broadcast_in_dim3A_594 = vector.broadcast %jit3A_593 : f32 to vector<8x4096xf32>
    %select_n3A_595 = arith.select %gt3A_591, %broadcast_in_dim3A_594, %select_n3A_587 : vector<8x4096xi1>, vector<8x4096xf32>
    %get3A_596 = arith.constant 592 : index
    %get3A_597 = arith.constant 0 : index
    %get3A_598 = vector.load %arg6[%get3A_596, %get3A_597] : memref<4000x4096xf32, #tpu.memory_space<vmem>>, vector<8x4096xf32>
    %gt3A_599 = arith.cmpf ogt, %get3A_598, %max3A_592 : vector<8x4096xf32>
    %max3A_600 = arith.maximumf %get3A_598, %max3A_592 : vector<8x4096xf32>
    %jit3A_601 = arith.constant 7.400000e+01 : f32
    %broadcast_in_dim3A_602 = vector.broadcast %jit3A_601 : f32 to vector<8x4096xf32>
    %select_n3A_603 = arith.select %gt3A_599, %broadcast_in_dim3A_602, %select_n3A_595 : vector<8x4096xi1>, vector<8x4096xf32>
    %get3A_604 = arith.constant 600 : index
    %get3A_605 = arith.constant 0 : index
    %get3A_606 = vector.load %arg6[%get3A_604, %get3A_605] : memref<4000x4096xf32, #tpu.memory_space<vmem>>, vector<8x4096xf32>
    %gt3A_607 = arith.cmpf ogt, %get3A_606, %max3A_600 : vector<8x4096xf32>
    %max3A_608 = arith.maximumf %get3A_606, %max3A_600 : vector<8x4096xf32>
    %jit3A_609 = arith.constant 7.500000e+01 : f32
    %broadcast_in_dim3A_610 = vector.broadcast %jit3A_609 : f32 to vector<8x4096xf32>
    %select_n3A_611 = arith.select %gt3A_607, %broadcast_in_dim3A_610, %select_n3A_603 : vector<8x4096xi1>, vector<8x4096xf32>
    %get3A_612 = arith.constant 608 : index
    %get3A_613 = arith.constant 0 : index
    %get3A_614 = vector.load %arg6[%get3A_612, %get3A_613] : memref<4000x4096xf32, #tpu.memory_space<vmem>>, vector<8x4096xf32>
    %gt3A_615 = arith.cmpf ogt, %get3A_614, %max3A_608 : vector<8x4096xf32>
    %max3A_616 = arith.maximumf %get3A_614, %max3A_608 : vector<8x4096xf32>
    %jit3A_617 = arith.constant 7.600000e+01 : f32
    %broadcast_in_dim3A_618 = vector.broadcast %jit3A_617 : f32 to vector<8x4096xf32>
    %select_n3A_619 = arith.select %gt3A_615, %broadcast_in_dim3A_618, %select_n3A_611 : vector<8x4096xi1>, vector<8x4096xf32>
    %get3A_620 = arith.constant 616 : index
    %get3A_621 = arith.constant 0 : index
    %get3A_622 = vector.load %arg6[%get3A_620, %get3A_621] : memref<4000x4096xf32, #tpu.memory_space<vmem>>, vector<8x4096xf32>
    %gt3A_623 = arith.cmpf ogt, %get3A_622, %max3A_616 : vector<8x4096xf32>
    %max3A_624 = arith.maximumf %get3A_622, %max3A_616 : vector<8x4096xf32>
    %jit3A_625 = arith.constant 7.700000e+01 : f32
    %broadcast_in_dim3A_626 = vector.broadcast %jit3A_625 : f32 to vector<8x4096xf32>
    %select_n3A_627 = arith.select %gt3A_623, %broadcast_in_dim3A_626, %select_n3A_619 : vector<8x4096xi1>, vector<8x4096xf32>
    %get3A_628 = arith.constant 624 : index
    %get3A_629 = arith.constant 0 : index
    %get3A_630 = vector.load %arg6[%get3A_628, %get3A_629] : memref<4000x4096xf32, #tpu.memory_space<vmem>>, vector<8x4096xf32>
    %gt3A_631 = arith.cmpf ogt, %get3A_630, %max3A_624 : vector<8x4096xf32>
    %max3A_632 = arith.maximumf %get3A_630, %max3A_624 : vector<8x4096xf32>
    %jit3A_633 = arith.constant 7.800000e+01 : f32
    %broadcast_in_dim3A_634 = vector.broadcast %jit3A_633 : f32 to vector<8x4096xf32>
    %select_n3A_635 = arith.select %gt3A_631, %broadcast_in_dim3A_634, %select_n3A_627 : vector<8x4096xi1>, vector<8x4096xf32>
    %get3A_636 = arith.constant 632 : index
    %get3A_637 = arith.constant 0 : index
    %get3A_638 = vector.load %arg6[%get3A_636, %get3A_637] : memref<4000x4096xf32, #tpu.memory_space<vmem>>, vector<8x4096xf32>
    %gt3A_639 = arith.cmpf ogt, %get3A_638, %max3A_632 : vector<8x4096xf32>
    %max3A_640 = arith.maximumf %get3A_638, %max3A_632 : vector<8x4096xf32>
    %jit3A_641 = arith.constant 7.900000e+01 : f32
    %broadcast_in_dim3A_642 = vector.broadcast %jit3A_641 : f32 to vector<8x4096xf32>
    %select_n3A_643 = arith.select %gt3A_639, %broadcast_in_dim3A_642, %select_n3A_635 : vector<8x4096xi1>, vector<8x4096xf32>
    %get3A_644 = arith.constant 640 : index
    %get3A_645 = arith.constant 0 : index
    %get3A_646 = vector.load %arg6[%get3A_644, %get3A_645] : memref<4000x4096xf32, #tpu.memory_space<vmem>>, vector<8x4096xf32>
    %gt3A_647 = arith.cmpf ogt, %get3A_646, %max3A_640 : vector<8x4096xf32>
    %max3A_648 = arith.maximumf %get3A_646, %max3A_640 : vector<8x4096xf32>
    %jit3A_649 = arith.constant 8.000000e+01 : f32
    %broadcast_in_dim3A_650 = vector.broadcast %jit3A_649 : f32 to vector<8x4096xf32>
    %select_n3A_651 = arith.select %gt3A_647, %broadcast_in_dim3A_650, %select_n3A_643 : vector<8x4096xi1>, vector<8x4096xf32>
    %get3A_652 = arith.constant 648 : index
    %get3A_653 = arith.constant 0 : index
    %get3A_654 = vector.load %arg6[%get3A_652, %get3A_653] : memref<4000x4096xf32, #tpu.memory_space<vmem>>, vector<8x4096xf32>
    %gt3A_655 = arith.cmpf ogt, %get3A_654, %max3A_648 : vector<8x4096xf32>
    %max3A_656 = arith.maximumf %get3A_654, %max3A_648 : vector<8x4096xf32>
    %jit3A_657 = arith.constant 8.100000e+01 : f32
    %broadcast_in_dim3A_658 = vector.broadcast %jit3A_657 : f32 to vector<8x4096xf32>
    %select_n3A_659 = arith.select %gt3A_655, %broadcast_in_dim3A_658, %select_n3A_651 : vector<8x4096xi1>, vector<8x4096xf32>
    %get3A_660 = arith.constant 656 : index
    %get3A_661 = arith.constant 0 : index
    %get3A_662 = vector.load %arg6[%get3A_660, %get3A_661] : memref<4000x4096xf32, #tpu.memory_space<vmem>>, vector<8x4096xf32>
    %gt3A_663 = arith.cmpf ogt, %get3A_662, %max3A_656 : vector<8x4096xf32>
    %max3A_664 = arith.maximumf %get3A_662, %max3A_656 : vector<8x4096xf32>
    %jit3A_665 = arith.constant 8.200000e+01 : f32
    %broadcast_in_dim3A_666 = vector.broadcast %jit3A_665 : f32 to vector<8x4096xf32>
    %select_n3A_667 = arith.select %gt3A_663, %broadcast_in_dim3A_666, %select_n3A_659 : vector<8x4096xi1>, vector<8x4096xf32>
    %get3A_668 = arith.constant 664 : index
    %get3A_669 = arith.constant 0 : index
    %get3A_670 = vector.load %arg6[%get3A_668, %get3A_669] : memref<4000x4096xf32, #tpu.memory_space<vmem>>, vector<8x4096xf32>
    %gt3A_671 = arith.cmpf ogt, %get3A_670, %max3A_664 : vector<8x4096xf32>
    %max3A_672 = arith.maximumf %get3A_670, %max3A_664 : vector<8x4096xf32>
    %jit3A_673 = arith.constant 8.300000e+01 : f32
    %broadcast_in_dim3A_674 = vector.broadcast %jit3A_673 : f32 to vector<8x4096xf32>
    %select_n3A_675 = arith.select %gt3A_671, %broadcast_in_dim3A_674, %select_n3A_667 : vector<8x4096xi1>, vector<8x4096xf32>
    %get3A_676 = arith.constant 672 : index
    %get3A_677 = arith.constant 0 : index
    %get3A_678 = vector.load %arg6[%get3A_676, %get3A_677] : memref<4000x4096xf32, #tpu.memory_space<vmem>>, vector<8x4096xf32>
    %gt3A_679 = arith.cmpf ogt, %get3A_678, %max3A_672 : vector<8x4096xf32>
    %max3A_680 = arith.maximumf %get3A_678, %max3A_672 : vector<8x4096xf32>
    %jit3A_681 = arith.constant 8.400000e+01 : f32
    %broadcast_in_dim3A_682 = vector.broadcast %jit3A_681 : f32 to vector<8x4096xf32>
    %select_n3A_683 = arith.select %gt3A_679, %broadcast_in_dim3A_682, %select_n3A_675 : vector<8x4096xi1>, vector<8x4096xf32>
    %get3A_684 = arith.constant 680 : index
    %get3A_685 = arith.constant 0 : index
    %get3A_686 = vector.load %arg6[%get3A_684, %get3A_685] : memref<4000x4096xf32, #tpu.memory_space<vmem>>, vector<8x4096xf32>
    %gt3A_687 = arith.cmpf ogt, %get3A_686, %max3A_680 : vector<8x4096xf32>
    %max3A_688 = arith.maximumf %get3A_686, %max3A_680 : vector<8x4096xf32>
    %jit3A_689 = arith.constant 8.500000e+01 : f32
    %broadcast_in_dim3A_690 = vector.broadcast %jit3A_689 : f32 to vector<8x4096xf32>
    %select_n3A_691 = arith.select %gt3A_687, %broadcast_in_dim3A_690, %select_n3A_683 : vector<8x4096xi1>, vector<8x4096xf32>
    %get3A_692 = arith.constant 688 : index
    %get3A_693 = arith.constant 0 : index
    %get3A_694 = vector.load %arg6[%get3A_692, %get3A_693] : memref<4000x4096xf32, #tpu.memory_space<vmem>>, vector<8x4096xf32>
    %gt3A_695 = arith.cmpf ogt, %get3A_694, %max3A_688 : vector<8x4096xf32>
    %max3A_696 = arith.maximumf %get3A_694, %max3A_688 : vector<8x4096xf32>
    %jit3A_697 = arith.constant 8.600000e+01 : f32
    %broadcast_in_dim3A_698 = vector.broadcast %jit3A_697 : f32 to vector<8x4096xf32>
    %select_n3A_699 = arith.select %gt3A_695, %broadcast_in_dim3A_698, %select_n3A_691 : vector<8x4096xi1>, vector<8x4096xf32>
    %get3A_700 = arith.constant 696 : index
    %get3A_701 = arith.constant 0 : index
    %get3A_702 = vector.load %arg6[%get3A_700, %get3A_701] : memref<4000x4096xf32, #tpu.memory_space<vmem>>, vector<8x4096xf32>
    %gt3A_703 = arith.cmpf ogt, %get3A_702, %max3A_696 : vector<8x4096xf32>
    %max3A_704 = arith.maximumf %get3A_702, %max3A_696 : vector<8x4096xf32>
    %jit3A_705 = arith.constant 8.700000e+01 : f32
    %broadcast_in_dim3A_706 = vector.broadcast %jit3A_705 : f32 to vector<8x4096xf32>
    %select_n3A_707 = arith.select %gt3A_703, %broadcast_in_dim3A_706, %select_n3A_699 : vector<8x4096xi1>, vector<8x4096xf32>
    %get3A_708 = arith.constant 704 : index
    %get3A_709 = arith.constant 0 : index
    %get3A_710 = vector.load %arg6[%get3A_708, %get3A_709] : memref<4000x4096xf32, #tpu.memory_space<vmem>>, vector<8x4096xf32>
    %gt3A_711 = arith.cmpf ogt, %get3A_710, %max3A_704 : vector<8x4096xf32>
    %max3A_712 = arith.maximumf %get3A_710, %max3A_704 : vector<8x4096xf32>
    %jit3A_713 = arith.constant 8.800000e+01 : f32
    %broadcast_in_dim3A_714 = vector.broadcast %jit3A_713 : f32 to vector<8x4096xf32>
    %select_n3A_715 = arith.select %gt3A_711, %broadcast_in_dim3A_714, %select_n3A_707 : vector<8x4096xi1>, vector<8x4096xf32>
    %get3A_716 = arith.constant 712 : index
    %get3A_717 = arith.constant 0 : index
    %get3A_718 = vector.load %arg6[%get3A_716, %get3A_717] : memref<4000x4096xf32, #tpu.memory_space<vmem>>, vector<8x4096xf32>
    %gt3A_719 = arith.cmpf ogt, %get3A_718, %max3A_712 : vector<8x4096xf32>
    %max3A_720 = arith.maximumf %get3A_718, %max3A_712 : vector<8x4096xf32>
    %jit3A_721 = arith.constant 8.900000e+01 : f32
    %broadcast_in_dim3A_722 = vector.broadcast %jit3A_721 : f32 to vector<8x4096xf32>
    %select_n3A_723 = arith.select %gt3A_719, %broadcast_in_dim3A_722, %select_n3A_715 : vector<8x4096xi1>, vector<8x4096xf32>
    %get3A_724 = arith.constant 720 : index
    %get3A_725 = arith.constant 0 : index
    %get3A_726 = vector.load %arg6[%get3A_724, %get3A_725] : memref<4000x4096xf32, #tpu.memory_space<vmem>>, vector<8x4096xf32>
    %gt3A_727 = arith.cmpf ogt, %get3A_726, %max3A_720 : vector<8x4096xf32>
    %max3A_728 = arith.maximumf %get3A_726, %max3A_720 : vector<8x4096xf32>
    %jit3A_729 = arith.constant 9.000000e+01 : f32
    %broadcast_in_dim3A_730 = vector.broadcast %jit3A_729 : f32 to vector<8x4096xf32>
    %select_n3A_731 = arith.select %gt3A_727, %broadcast_in_dim3A_730, %select_n3A_723 : vector<8x4096xi1>, vector<8x4096xf32>
    %get3A_732 = arith.constant 728 : index
    %get3A_733 = arith.constant 0 : index
    %get3A_734 = vector.load %arg6[%get3A_732, %get3A_733] : memref<4000x4096xf32, #tpu.memory_space<vmem>>, vector<8x4096xf32>
    %gt3A_735 = arith.cmpf ogt, %get3A_734, %max3A_728 : vector<8x4096xf32>
    %max3A_736 = arith.maximumf %get3A_734, %max3A_728 : vector<8x4096xf32>
    %jit3A_737 = arith.constant 9.100000e+01 : f32
    %broadcast_in_dim3A_738 = vector.broadcast %jit3A_737 : f32 to vector<8x4096xf32>
    %select_n3A_739 = arith.select %gt3A_735, %broadcast_in_dim3A_738, %select_n3A_731 : vector<8x4096xi1>, vector<8x4096xf32>
    %get3A_740 = arith.constant 736 : index
    %get3A_741 = arith.constant 0 : index
    %get3A_742 = vector.load %arg6[%get3A_740, %get3A_741] : memref<4000x4096xf32, #tpu.memory_space<vmem>>, vector<8x4096xf32>
    %gt3A_743 = arith.cmpf ogt, %get3A_742, %max3A_736 : vector<8x4096xf32>
    %max3A_744 = arith.maximumf %get3A_742, %max3A_736 : vector<8x4096xf32>
    %jit3A_745 = arith.constant 9.200000e+01 : f32
    %broadcast_in_dim3A_746 = vector.broadcast %jit3A_745 : f32 to vector<8x4096xf32>
    %select_n3A_747 = arith.select %gt3A_743, %broadcast_in_dim3A_746, %select_n3A_739 : vector<8x4096xi1>, vector<8x4096xf32>
    %get3A_748 = arith.constant 744 : index
    %get3A_749 = arith.constant 0 : index
    %get3A_750 = vector.load %arg6[%get3A_748, %get3A_749] : memref<4000x4096xf32, #tpu.memory_space<vmem>>, vector<8x4096xf32>
    %gt3A_751 = arith.cmpf ogt, %get3A_750, %max3A_744 : vector<8x4096xf32>
    %max3A_752 = arith.maximumf %get3A_750, %max3A_744 : vector<8x4096xf32>
    %jit3A_753 = arith.constant 9.300000e+01 : f32
    %broadcast_in_dim3A_754 = vector.broadcast %jit3A_753 : f32 to vector<8x4096xf32>
    %select_n3A_755 = arith.select %gt3A_751, %broadcast_in_dim3A_754, %select_n3A_747 : vector<8x4096xi1>, vector<8x4096xf32>
    %get3A_756 = arith.constant 752 : index
    %get3A_757 = arith.constant 0 : index
    %get3A_758 = vector.load %arg6[%get3A_756, %get3A_757] : memref<4000x4096xf32, #tpu.memory_space<vmem>>, vector<8x4096xf32>
    %gt3A_759 = arith.cmpf ogt, %get3A_758, %max3A_752 : vector<8x4096xf32>
    %max3A_760 = arith.maximumf %get3A_758, %max3A_752 : vector<8x4096xf32>
    %jit3A_761 = arith.constant 9.400000e+01 : f32
    %broadcast_in_dim3A_762 = vector.broadcast %jit3A_761 : f32 to vector<8x4096xf32>
    %select_n3A_763 = arith.select %gt3A_759, %broadcast_in_dim3A_762, %select_n3A_755 : vector<8x4096xi1>, vector<8x4096xf32>
    %get3A_764 = arith.constant 760 : index
    %get3A_765 = arith.constant 0 : index
    %get3A_766 = vector.load %arg6[%get3A_764, %get3A_765] : memref<4000x4096xf32, #tpu.memory_space<vmem>>, vector<8x4096xf32>
    %gt3A_767 = arith.cmpf ogt, %get3A_766, %max3A_760 : vector<8x4096xf32>
    %max3A_768 = arith.maximumf %get3A_766, %max3A_760 : vector<8x4096xf32>
    %jit3A_769 = arith.constant 9.500000e+01 : f32
    %broadcast_in_dim3A_770 = vector.broadcast %jit3A_769 : f32 to vector<8x4096xf32>
    %select_n3A_771 = arith.select %gt3A_767, %broadcast_in_dim3A_770, %select_n3A_763 : vector<8x4096xi1>, vector<8x4096xf32>
    %get3A_772 = arith.constant 768 : index
    %get3A_773 = arith.constant 0 : index
    %get3A_774 = vector.load %arg6[%get3A_772, %get3A_773] : memref<4000x4096xf32, #tpu.memory_space<vmem>>, vector<8x4096xf32>
    %gt3A_775 = arith.cmpf ogt, %get3A_774, %max3A_768 : vector<8x4096xf32>
    %max3A_776 = arith.maximumf %get3A_774, %max3A_768 : vector<8x4096xf32>
    %jit3A_777 = arith.constant 9.600000e+01 : f32
    %broadcast_in_dim3A_778 = vector.broadcast %jit3A_777 : f32 to vector<8x4096xf32>
    %select_n3A_779 = arith.select %gt3A_775, %broadcast_in_dim3A_778, %select_n3A_771 : vector<8x4096xi1>, vector<8x4096xf32>
    %get3A_780 = arith.constant 776 : index
    %get3A_781 = arith.constant 0 : index
    %get3A_782 = vector.load %arg6[%get3A_780, %get3A_781] : memref<4000x4096xf32, #tpu.memory_space<vmem>>, vector<8x4096xf32>
    %gt3A_783 = arith.cmpf ogt, %get3A_782, %max3A_776 : vector<8x4096xf32>
    %max3A_784 = arith.maximumf %get3A_782, %max3A_776 : vector<8x4096xf32>
    %jit3A_785 = arith.constant 9.700000e+01 : f32
    %broadcast_in_dim3A_786 = vector.broadcast %jit3A_785 : f32 to vector<8x4096xf32>
    %select_n3A_787 = arith.select %gt3A_783, %broadcast_in_dim3A_786, %select_n3A_779 : vector<8x4096xi1>, vector<8x4096xf32>
    %get3A_788 = arith.constant 784 : index
    %get3A_789 = arith.constant 0 : index
    %get3A_790 = vector.load %arg6[%get3A_788, %get3A_789] : memref<4000x4096xf32, #tpu.memory_space<vmem>>, vector<8x4096xf32>
    %gt3A_791 = arith.cmpf ogt, %get3A_790, %max3A_784 : vector<8x4096xf32>
    %max3A_792 = arith.maximumf %get3A_790, %max3A_784 : vector<8x4096xf32>
    %jit3A_793 = arith.constant 9.800000e+01 : f32
    %broadcast_in_dim3A_794 = vector.broadcast %jit3A_793 : f32 to vector<8x4096xf32>
    %select_n3A_795 = arith.select %gt3A_791, %broadcast_in_dim3A_794, %select_n3A_787 : vector<8x4096xi1>, vector<8x4096xf32>
    %get3A_796 = arith.constant 792 : index
    %get3A_797 = arith.constant 0 : index
    %get3A_798 = vector.load %arg6[%get3A_796, %get3A_797] : memref<4000x4096xf32, #tpu.memory_space<vmem>>, vector<8x4096xf32>
    %gt3A_799 = arith.cmpf ogt, %get3A_798, %max3A_792 : vector<8x4096xf32>
    %max3A_800 = arith.maximumf %get3A_798, %max3A_792 : vector<8x4096xf32>
    %jit3A_801 = arith.constant 9.900000e+01 : f32
    %broadcast_in_dim3A_802 = vector.broadcast %jit3A_801 : f32 to vector<8x4096xf32>
    %select_n3A_803 = arith.select %gt3A_799, %broadcast_in_dim3A_802, %select_n3A_795 : vector<8x4096xi1>, vector<8x4096xf32>
    %get3A_804 = arith.constant 800 : index
    %get3A_805 = arith.constant 0 : index
    %get3A_806 = vector.load %arg6[%get3A_804, %get3A_805] : memref<4000x4096xf32, #tpu.memory_space<vmem>>, vector<8x4096xf32>
    %gt3A_807 = arith.cmpf ogt, %get3A_806, %max3A_800 : vector<8x4096xf32>
    %max3A_808 = arith.maximumf %get3A_806, %max3A_800 : vector<8x4096xf32>
    %jit3A_809 = arith.constant 1.000000e+02 : f32
    %broadcast_in_dim3A_810 = vector.broadcast %jit3A_809 : f32 to vector<8x4096xf32>
    %select_n3A_811 = arith.select %gt3A_807, %broadcast_in_dim3A_810, %select_n3A_803 : vector<8x4096xi1>, vector<8x4096xf32>
    %get3A_812 = arith.constant 808 : index
    %get3A_813 = arith.constant 0 : index
    %get3A_814 = vector.load %arg6[%get3A_812, %get3A_813] : memref<4000x4096xf32, #tpu.memory_space<vmem>>, vector<8x4096xf32>
    %gt3A_815 = arith.cmpf ogt, %get3A_814, %max3A_808 : vector<8x4096xf32>
    %max3A_816 = arith.maximumf %get3A_814, %max3A_808 : vector<8x4096xf32>
    %jit3A_817 = arith.constant 1.010000e+02 : f32
    %broadcast_in_dim3A_818 = vector.broadcast %jit3A_817 : f32 to vector<8x4096xf32>
    %select_n3A_819 = arith.select %gt3A_815, %broadcast_in_dim3A_818, %select_n3A_811 : vector<8x4096xi1>, vector<8x4096xf32>
    %get3A_820 = arith.constant 816 : index
    %get3A_821 = arith.constant 0 : index
    %get3A_822 = vector.load %arg6[%get3A_820, %get3A_821] : memref<4000x4096xf32, #tpu.memory_space<vmem>>, vector<8x4096xf32>
    %gt3A_823 = arith.cmpf ogt, %get3A_822, %max3A_816 : vector<8x4096xf32>
    %max3A_824 = arith.maximumf %get3A_822, %max3A_816 : vector<8x4096xf32>
    %jit3A_825 = arith.constant 1.020000e+02 : f32
    %broadcast_in_dim3A_826 = vector.broadcast %jit3A_825 : f32 to vector<8x4096xf32>
    %select_n3A_827 = arith.select %gt3A_823, %broadcast_in_dim3A_826, %select_n3A_819 : vector<8x4096xi1>, vector<8x4096xf32>
    %get3A_828 = arith.constant 824 : index
    %get3A_829 = arith.constant 0 : index
    %get3A_830 = vector.load %arg6[%get3A_828, %get3A_829] : memref<4000x4096xf32, #tpu.memory_space<vmem>>, vector<8x4096xf32>
    %gt3A_831 = arith.cmpf ogt, %get3A_830, %max3A_824 : vector<8x4096xf32>
    %max3A_832 = arith.maximumf %get3A_830, %max3A_824 : vector<8x4096xf32>
    %jit3A_833 = arith.constant 1.030000e+02 : f32
    %broadcast_in_dim3A_834 = vector.broadcast %jit3A_833 : f32 to vector<8x4096xf32>
    %select_n3A_835 = arith.select %gt3A_831, %broadcast_in_dim3A_834, %select_n3A_827 : vector<8x4096xi1>, vector<8x4096xf32>
    %get3A_836 = arith.constant 832 : index
    %get3A_837 = arith.constant 0 : index
    %get3A_838 = vector.load %arg6[%get3A_836, %get3A_837] : memref<4000x4096xf32, #tpu.memory_space<vmem>>, vector<8x4096xf32>
    %gt3A_839 = arith.cmpf ogt, %get3A_838, %max3A_832 : vector<8x4096xf32>
    %max3A_840 = arith.maximumf %get3A_838, %max3A_832 : vector<8x4096xf32>
    %jit3A_841 = arith.constant 1.040000e+02 : f32
    %broadcast_in_dim3A_842 = vector.broadcast %jit3A_841 : f32 to vector<8x4096xf32>
    %select_n3A_843 = arith.select %gt3A_839, %broadcast_in_dim3A_842, %select_n3A_835 : vector<8x4096xi1>, vector<8x4096xf32>
    %get3A_844 = arith.constant 840 : index
    %get3A_845 = arith.constant 0 : index
    %get3A_846 = vector.load %arg6[%get3A_844, %get3A_845] : memref<4000x4096xf32, #tpu.memory_space<vmem>>, vector<8x4096xf32>
    %gt3A_847 = arith.cmpf ogt, %get3A_846, %max3A_840 : vector<8x4096xf32>
    %max3A_848 = arith.maximumf %get3A_846, %max3A_840 : vector<8x4096xf32>
    %jit3A_849 = arith.constant 1.050000e+02 : f32
    %broadcast_in_dim3A_850 = vector.broadcast %jit3A_849 : f32 to vector<8x4096xf32>
    %select_n3A_851 = arith.select %gt3A_847, %broadcast_in_dim3A_850, %select_n3A_843 : vector<8x4096xi1>, vector<8x4096xf32>
    %get3A_852 = arith.constant 848 : index
    %get3A_853 = arith.constant 0 : index
    %get3A_854 = vector.load %arg6[%get3A_852, %get3A_853] : memref<4000x4096xf32, #tpu.memory_space<vmem>>, vector<8x4096xf32>
    %gt3A_855 = arith.cmpf ogt, %get3A_854, %max3A_848 : vector<8x4096xf32>
    %max3A_856 = arith.maximumf %get3A_854, %max3A_848 : vector<8x4096xf32>
    %jit3A_857 = arith.constant 1.060000e+02 : f32
    %broadcast_in_dim3A_858 = vector.broadcast %jit3A_857 : f32 to vector<8x4096xf32>
    %select_n3A_859 = arith.select %gt3A_855, %broadcast_in_dim3A_858, %select_n3A_851 : vector<8x4096xi1>, vector<8x4096xf32>
    %get3A_860 = arith.constant 856 : index
    %get3A_861 = arith.constant 0 : index
    %get3A_862 = vector.load %arg6[%get3A_860, %get3A_861] : memref<4000x4096xf32, #tpu.memory_space<vmem>>, vector<8x4096xf32>
    %gt3A_863 = arith.cmpf ogt, %get3A_862, %max3A_856 : vector<8x4096xf32>
    %max3A_864 = arith.maximumf %get3A_862, %max3A_856 : vector<8x4096xf32>
    %jit3A_865 = arith.constant 1.070000e+02 : f32
    %broadcast_in_dim3A_866 = vector.broadcast %jit3A_865 : f32 to vector<8x4096xf32>
    %select_n3A_867 = arith.select %gt3A_863, %broadcast_in_dim3A_866, %select_n3A_859 : vector<8x4096xi1>, vector<8x4096xf32>
    %get3A_868 = arith.constant 864 : index
    %get3A_869 = arith.constant 0 : index
    %get3A_870 = vector.load %arg6[%get3A_868, %get3A_869] : memref<4000x4096xf32, #tpu.memory_space<vmem>>, vector<8x4096xf32>
    %gt3A_871 = arith.cmpf ogt, %get3A_870, %max3A_864 : vector<8x4096xf32>
    %max3A_872 = arith.maximumf %get3A_870, %max3A_864 : vector<8x4096xf32>
    %jit3A_873 = arith.constant 1.080000e+02 : f32
    %broadcast_in_dim3A_874 = vector.broadcast %jit3A_873 : f32 to vector<8x4096xf32>
    %select_n3A_875 = arith.select %gt3A_871, %broadcast_in_dim3A_874, %select_n3A_867 : vector<8x4096xi1>, vector<8x4096xf32>
    %get3A_876 = arith.constant 872 : index
    %get3A_877 = arith.constant 0 : index
    %get3A_878 = vector.load %arg6[%get3A_876, %get3A_877] : memref<4000x4096xf32, #tpu.memory_space<vmem>>, vector<8x4096xf32>
    %gt3A_879 = arith.cmpf ogt, %get3A_878, %max3A_872 : vector<8x4096xf32>
    %max3A_880 = arith.maximumf %get3A_878, %max3A_872 : vector<8x4096xf32>
    %jit3A_881 = arith.constant 1.090000e+02 : f32
    %broadcast_in_dim3A_882 = vector.broadcast %jit3A_881 : f32 to vector<8x4096xf32>
    %select_n3A_883 = arith.select %gt3A_879, %broadcast_in_dim3A_882, %select_n3A_875 : vector<8x4096xi1>, vector<8x4096xf32>
    %get3A_884 = arith.constant 880 : index
    %get3A_885 = arith.constant 0 : index
    %get3A_886 = vector.load %arg6[%get3A_884, %get3A_885] : memref<4000x4096xf32, #tpu.memory_space<vmem>>, vector<8x4096xf32>
    %gt3A_887 = arith.cmpf ogt, %get3A_886, %max3A_880 : vector<8x4096xf32>
    %max3A_888 = arith.maximumf %get3A_886, %max3A_880 : vector<8x4096xf32>
    %jit3A_889 = arith.constant 1.100000e+02 : f32
    %broadcast_in_dim3A_890 = vector.broadcast %jit3A_889 : f32 to vector<8x4096xf32>
    %select_n3A_891 = arith.select %gt3A_887, %broadcast_in_dim3A_890, %select_n3A_883 : vector<8x4096xi1>, vector<8x4096xf32>
    %get3A_892 = arith.constant 888 : index
    %get3A_893 = arith.constant 0 : index
    %get3A_894 = vector.load %arg6[%get3A_892, %get3A_893] : memref<4000x4096xf32, #tpu.memory_space<vmem>>, vector<8x4096xf32>
    %gt3A_895 = arith.cmpf ogt, %get3A_894, %max3A_888 : vector<8x4096xf32>
    %max3A_896 = arith.maximumf %get3A_894, %max3A_888 : vector<8x4096xf32>
    %jit3A_897 = arith.constant 1.110000e+02 : f32
    %broadcast_in_dim3A_898 = vector.broadcast %jit3A_897 : f32 to vector<8x4096xf32>
    %select_n3A_899 = arith.select %gt3A_895, %broadcast_in_dim3A_898, %select_n3A_891 : vector<8x4096xi1>, vector<8x4096xf32>
    %get3A_900 = arith.constant 896 : index
    %get3A_901 = arith.constant 0 : index
    %get3A_902 = vector.load %arg6[%get3A_900, %get3A_901] : memref<4000x4096xf32, #tpu.memory_space<vmem>>, vector<8x4096xf32>
    %gt3A_903 = arith.cmpf ogt, %get3A_902, %max3A_896 : vector<8x4096xf32>
    %max3A_904 = arith.maximumf %get3A_902, %max3A_896 : vector<8x4096xf32>
    %jit3A_905 = arith.constant 1.120000e+02 : f32
    %broadcast_in_dim3A_906 = vector.broadcast %jit3A_905 : f32 to vector<8x4096xf32>
    %select_n3A_907 = arith.select %gt3A_903, %broadcast_in_dim3A_906, %select_n3A_899 : vector<8x4096xi1>, vector<8x4096xf32>
    %get3A_908 = arith.constant 904 : index
    %get3A_909 = arith.constant 0 : index
    %get3A_910 = vector.load %arg6[%get3A_908, %get3A_909] : memref<4000x4096xf32, #tpu.memory_space<vmem>>, vector<8x4096xf32>
    %gt3A_911 = arith.cmpf ogt, %get3A_910, %max3A_904 : vector<8x4096xf32>
    %max3A_912 = arith.maximumf %get3A_910, %max3A_904 : vector<8x4096xf32>
    %jit3A_913 = arith.constant 1.130000e+02 : f32
    %broadcast_in_dim3A_914 = vector.broadcast %jit3A_913 : f32 to vector<8x4096xf32>
    %select_n3A_915 = arith.select %gt3A_911, %broadcast_in_dim3A_914, %select_n3A_907 : vector<8x4096xi1>, vector<8x4096xf32>
    %get3A_916 = arith.constant 912 : index
    %get3A_917 = arith.constant 0 : index
    %get3A_918 = vector.load %arg6[%get3A_916, %get3A_917] : memref<4000x4096xf32, #tpu.memory_space<vmem>>, vector<8x4096xf32>
    %gt3A_919 = arith.cmpf ogt, %get3A_918, %max3A_912 : vector<8x4096xf32>
    %max3A_920 = arith.maximumf %get3A_918, %max3A_912 : vector<8x4096xf32>
    %jit3A_921 = arith.constant 1.140000e+02 : f32
    %broadcast_in_dim3A_922 = vector.broadcast %jit3A_921 : f32 to vector<8x4096xf32>
    %select_n3A_923 = arith.select %gt3A_919, %broadcast_in_dim3A_922, %select_n3A_915 : vector<8x4096xi1>, vector<8x4096xf32>
    %get3A_924 = arith.constant 920 : index
    %get3A_925 = arith.constant 0 : index
    %get3A_926 = vector.load %arg6[%get3A_924, %get3A_925] : memref<4000x4096xf32, #tpu.memory_space<vmem>>, vector<8x4096xf32>
    %gt3A_927 = arith.cmpf ogt, %get3A_926, %max3A_920 : vector<8x4096xf32>
    %max3A_928 = arith.maximumf %get3A_926, %max3A_920 : vector<8x4096xf32>
    %jit3A_929 = arith.constant 1.150000e+02 : f32
    %broadcast_in_dim3A_930 = vector.broadcast %jit3A_929 : f32 to vector<8x4096xf32>
    %select_n3A_931 = arith.select %gt3A_927, %broadcast_in_dim3A_930, %select_n3A_923 : vector<8x4096xi1>, vector<8x4096xf32>
    %get3A_932 = arith.constant 928 : index
    %get3A_933 = arith.constant 0 : index
    %get3A_934 = vector.load %arg6[%get3A_932, %get3A_933] : memref<4000x4096xf32, #tpu.memory_space<vmem>>, vector<8x4096xf32>
    %gt3A_935 = arith.cmpf ogt, %get3A_934, %max3A_928 : vector<8x4096xf32>
    %max3A_936 = arith.maximumf %get3A_934, %max3A_928 : vector<8x4096xf32>
    %jit3A_937 = arith.constant 1.160000e+02 : f32
    %broadcast_in_dim3A_938 = vector.broadcast %jit3A_937 : f32 to vector<8x4096xf32>
    %select_n3A_939 = arith.select %gt3A_935, %broadcast_in_dim3A_938, %select_n3A_931 : vector<8x4096xi1>, vector<8x4096xf32>
    %get3A_940 = arith.constant 936 : index
    %get3A_941 = arith.constant 0 : index
    %get3A_942 = vector.load %arg6[%get3A_940, %get3A_941] : memref<4000x4096xf32, #tpu.memory_space<vmem>>, vector<8x4096xf32>
    %gt3A_943 = arith.cmpf ogt, %get3A_942, %max3A_936 : vector<8x4096xf32>
    %max3A_944 = arith.maximumf %get3A_942, %max3A_936 : vector<8x4096xf32>
    %jit3A_945 = arith.constant 1.170000e+02 : f32
    %broadcast_in_dim3A_946 = vector.broadcast %jit3A_945 : f32 to vector<8x4096xf32>
    %select_n3A_947 = arith.select %gt3A_943, %broadcast_in_dim3A_946, %select_n3A_939 : vector<8x4096xi1>, vector<8x4096xf32>
    %get3A_948 = arith.constant 944 : index
    %get3A_949 = arith.constant 0 : index
    %get3A_950 = vector.load %arg6[%get3A_948, %get3A_949] : memref<4000x4096xf32, #tpu.memory_space<vmem>>, vector<8x4096xf32>
    %gt3A_951 = arith.cmpf ogt, %get3A_950, %max3A_944 : vector<8x4096xf32>
    %max3A_952 = arith.maximumf %get3A_950, %max3A_944 : vector<8x4096xf32>
    %jit3A_953 = arith.constant 1.180000e+02 : f32
    %broadcast_in_dim3A_954 = vector.broadcast %jit3A_953 : f32 to vector<8x4096xf32>
    %select_n3A_955 = arith.select %gt3A_951, %broadcast_in_dim3A_954, %select_n3A_947 : vector<8x4096xi1>, vector<8x4096xf32>
    %get3A_956 = arith.constant 952 : index
    %get3A_957 = arith.constant 0 : index
    %get3A_958 = vector.load %arg6[%get3A_956, %get3A_957] : memref<4000x4096xf32, #tpu.memory_space<vmem>>, vector<8x4096xf32>
    %gt3A_959 = arith.cmpf ogt, %get3A_958, %max3A_952 : vector<8x4096xf32>
    %max3A_960 = arith.maximumf %get3A_958, %max3A_952 : vector<8x4096xf32>
    %jit3A_961 = arith.constant 1.190000e+02 : f32
    %broadcast_in_dim3A_962 = vector.broadcast %jit3A_961 : f32 to vector<8x4096xf32>
    %select_n3A_963 = arith.select %gt3A_959, %broadcast_in_dim3A_962, %select_n3A_955 : vector<8x4096xi1>, vector<8x4096xf32>
    %get3A_964 = arith.constant 960 : index
    %get3A_965 = arith.constant 0 : index
    %get3A_966 = vector.load %arg6[%get3A_964, %get3A_965] : memref<4000x4096xf32, #tpu.memory_space<vmem>>, vector<8x4096xf32>
    %gt3A_967 = arith.cmpf ogt, %get3A_966, %max3A_960 : vector<8x4096xf32>
    %max3A_968 = arith.maximumf %get3A_966, %max3A_960 : vector<8x4096xf32>
    %jit3A_969 = arith.constant 1.200000e+02 : f32
    %broadcast_in_dim3A_970 = vector.broadcast %jit3A_969 : f32 to vector<8x4096xf32>
    %select_n3A_971 = arith.select %gt3A_967, %broadcast_in_dim3A_970, %select_n3A_963 : vector<8x4096xi1>, vector<8x4096xf32>
    %get3A_972 = arith.constant 968 : index
    %get3A_973 = arith.constant 0 : index
    %get3A_974 = vector.load %arg6[%get3A_972, %get3A_973] : memref<4000x4096xf32, #tpu.memory_space<vmem>>, vector<8x4096xf32>
    %gt3A_975 = arith.cmpf ogt, %get3A_974, %max3A_968 : vector<8x4096xf32>
    %max3A_976 = arith.maximumf %get3A_974, %max3A_968 : vector<8x4096xf32>
    %jit3A_977 = arith.constant 1.210000e+02 : f32
    %broadcast_in_dim3A_978 = vector.broadcast %jit3A_977 : f32 to vector<8x4096xf32>
    %select_n3A_979 = arith.select %gt3A_975, %broadcast_in_dim3A_978, %select_n3A_971 : vector<8x4096xi1>, vector<8x4096xf32>
    %get3A_980 = arith.constant 976 : index
    %get3A_981 = arith.constant 0 : index
    %get3A_982 = vector.load %arg6[%get3A_980, %get3A_981] : memref<4000x4096xf32, #tpu.memory_space<vmem>>, vector<8x4096xf32>
    %gt3A_983 = arith.cmpf ogt, %get3A_982, %max3A_976 : vector<8x4096xf32>
    %max3A_984 = arith.maximumf %get3A_982, %max3A_976 : vector<8x4096xf32>
    %jit3A_985 = arith.constant 1.220000e+02 : f32
    %broadcast_in_dim3A_986 = vector.broadcast %jit3A_985 : f32 to vector<8x4096xf32>
    %select_n3A_987 = arith.select %gt3A_983, %broadcast_in_dim3A_986, %select_n3A_979 : vector<8x4096xi1>, vector<8x4096xf32>
    %get3A_988 = arith.constant 984 : index
    %get3A_989 = arith.constant 0 : index
    %get3A_990 = vector.load %arg6[%get3A_988, %get3A_989] : memref<4000x4096xf32, #tpu.memory_space<vmem>>, vector<8x4096xf32>
    %gt3A_991 = arith.cmpf ogt, %get3A_990, %max3A_984 : vector<8x4096xf32>
    %max3A_992 = arith.maximumf %get3A_990, %max3A_984 : vector<8x4096xf32>
    %jit3A_993 = arith.constant 1.230000e+02 : f32
    %broadcast_in_dim3A_994 = vector.broadcast %jit3A_993 : f32 to vector<8x4096xf32>
    %select_n3A_995 = arith.select %gt3A_991, %broadcast_in_dim3A_994, %select_n3A_987 : vector<8x4096xi1>, vector<8x4096xf32>
    %get3A_996 = arith.constant 992 : index
    %get3A_997 = arith.constant 0 : index
    %get3A_998 = vector.load %arg6[%get3A_996, %get3A_997] : memref<4000x4096xf32, #tpu.memory_space<vmem>>, vector<8x4096xf32>
    %gt3A_999 = arith.cmpf ogt, %get3A_998, %max3A_992 : vector<8x4096xf32>
    %max3A_1000 = arith.maximumf %get3A_998, %max3A_992 : vector<8x4096xf32>
    %jit3A_1001 = arith.constant 1.240000e+02 : f32
    %broadcast_in_dim3A_1002 = vector.broadcast %jit3A_1001 : f32 to vector<8x4096xf32>
    %select_n3A_1003 = arith.select %gt3A_999, %broadcast_in_dim3A_1002, %select_n3A_995 : vector<8x4096xi1>, vector<8x4096xf32>
    %get3A_1004 = arith.constant 1000 : index
    %get3A_1005 = arith.constant 0 : index
    %get3A_1006 = vector.load %arg6[%get3A_1004, %get3A_1005] : memref<4000x4096xf32, #tpu.memory_space<vmem>>, vector<8x4096xf32>
    %gt3A_1007 = arith.cmpf ogt, %get3A_1006, %max3A_1000 : vector<8x4096xf32>
    %max3A_1008 = arith.maximumf %get3A_1006, %max3A_1000 : vector<8x4096xf32>
    %jit3A_1009 = arith.constant 1.250000e+02 : f32
    %broadcast_in_dim3A_1010 = vector.broadcast %jit3A_1009 : f32 to vector<8x4096xf32>
    %select_n3A_1011 = arith.select %gt3A_1007, %broadcast_in_dim3A_1010, %select_n3A_1003 : vector<8x4096xi1>, vector<8x4096xf32>
    %get3A_1012 = arith.constant 1008 : index
    %get3A_1013 = arith.constant 0 : index
    %get3A_1014 = vector.load %arg6[%get3A_1012, %get3A_1013] : memref<4000x4096xf32, #tpu.memory_space<vmem>>, vector<8x4096xf32>
    %gt3A_1015 = arith.cmpf ogt, %get3A_1014, %max3A_1008 : vector<8x4096xf32>
    %max3A_1016 = arith.maximumf %get3A_1014, %max3A_1008 : vector<8x4096xf32>
    %jit3A_1017 = arith.constant 1.260000e+02 : f32
    %broadcast_in_dim3A_1018 = vector.broadcast %jit3A_1017 : f32 to vector<8x4096xf32>
    %select_n3A_1019 = arith.select %gt3A_1015, %broadcast_in_dim3A_1018, %select_n3A_1011 : vector<8x4096xi1>, vector<8x4096xf32>
    %get3A_1020 = arith.constant 1016 : index
    %get3A_1021 = arith.constant 0 : index
    %get3A_1022 = vector.load %arg6[%get3A_1020, %get3A_1021] : memref<4000x4096xf32, #tpu.memory_space<vmem>>, vector<8x4096xf32>
    %gt3A_1023 = arith.cmpf ogt, %get3A_1022, %max3A_1016 : vector<8x4096xf32>
    %max3A_1024 = arith.maximumf %get3A_1022, %max3A_1016 : vector<8x4096xf32>
    %jit3A_1025 = arith.constant 1.270000e+02 : f32
    %broadcast_in_dim3A_1026 = vector.broadcast %jit3A_1025 : f32 to vector<8x4096xf32>
    %select_n3A_1027 = arith.select %gt3A_1023, %broadcast_in_dim3A_1026, %select_n3A_1019 : vector<8x4096xi1>, vector<8x4096xf32>
    %get3A_1028 = arith.constant 1024 : index
    %get3A_1029 = arith.constant 0 : index
    %get3A_1030 = vector.load %arg6[%get3A_1028, %get3A_1029] : memref<4000x4096xf32, #tpu.memory_space<vmem>>, vector<8x4096xf32>
    %gt3A_1031 = arith.cmpf ogt, %get3A_1030, %max3A_1024 : vector<8x4096xf32>
    %max3A_1032 = arith.maximumf %get3A_1030, %max3A_1024 : vector<8x4096xf32>
    %jit3A_1033 = arith.constant 1.280000e+02 : f32
    %broadcast_in_dim3A_1034 = vector.broadcast %jit3A_1033 : f32 to vector<8x4096xf32>
    %select_n3A_1035 = arith.select %gt3A_1031, %broadcast_in_dim3A_1034, %select_n3A_1027 : vector<8x4096xi1>, vector<8x4096xf32>
    %get3A_1036 = arith.constant 1032 : index
    %get3A_1037 = arith.constant 0 : index
    %get3A_1038 = vector.load %arg6[%get3A_1036, %get3A_1037] : memref<4000x4096xf32, #tpu.memory_space<vmem>>, vector<8x4096xf32>
    %gt3A_1039 = arith.cmpf ogt, %get3A_1038, %max3A_1032 : vector<8x4096xf32>
    %max3A_1040 = arith.maximumf %get3A_1038, %max3A_1032 : vector<8x4096xf32>
    %jit3A_1041 = arith.constant 1.290000e+02 : f32
    %broadcast_in_dim3A_1042 = vector.broadcast %jit3A_1041 : f32 to vector<8x4096xf32>
    %select_n3A_1043 = arith.select %gt3A_1039, %broadcast_in_dim3A_1042, %select_n3A_1035 : vector<8x4096xi1>, vector<8x4096xf32>
    %get3A_1044 = arith.constant 1040 : index
    %get3A_1045 = arith.constant 0 : index
    %get3A_1046 = vector.load %arg6[%get3A_1044, %get3A_1045] : memref<4000x4096xf32, #tpu.memory_space<vmem>>, vector<8x4096xf32>
    %gt3A_1047 = arith.cmpf ogt, %get3A_1046, %max3A_1040 : vector<8x4096xf32>
    %max3A_1048 = arith.maximumf %get3A_1046, %max3A_1040 : vector<8x4096xf32>
    %jit3A_1049 = arith.constant 1.300000e+02 : f32
    %broadcast_in_dim3A_1050 = vector.broadcast %jit3A_1049 : f32 to vector<8x4096xf32>
    %select_n3A_1051 = arith.select %gt3A_1047, %broadcast_in_dim3A_1050, %select_n3A_1043 : vector<8x4096xi1>, vector<8x4096xf32>
    %get3A_1052 = arith.constant 1048 : index
    %get3A_1053 = arith.constant 0 : index
    %get3A_1054 = vector.load %arg6[%get3A_1052, %get3A_1053] : memref<4000x4096xf32, #tpu.memory_space<vmem>>, vector<8x4096xf32>
    %gt3A_1055 = arith.cmpf ogt, %get3A_1054, %max3A_1048 : vector<8x4096xf32>
    %max3A_1056 = arith.maximumf %get3A_1054, %max3A_1048 : vector<8x4096xf32>
    %jit3A_1057 = arith.constant 1.310000e+02 : f32
    %broadcast_in_dim3A_1058 = vector.broadcast %jit3A_1057 : f32 to vector<8x4096xf32>
    %select_n3A_1059 = arith.select %gt3A_1055, %broadcast_in_dim3A_1058, %select_n3A_1051 : vector<8x4096xi1>, vector<8x4096xf32>
    %get3A_1060 = arith.constant 1056 : index
    %get3A_1061 = arith.constant 0 : index
    %get3A_1062 = vector.load %arg6[%get3A_1060, %get3A_1061] : memref<4000x4096xf32, #tpu.memory_space<vmem>>, vector<8x4096xf32>
    %gt3A_1063 = arith.cmpf ogt, %get3A_1062, %max3A_1056 : vector<8x4096xf32>
    %max3A_1064 = arith.maximumf %get3A_1062, %max3A_1056 : vector<8x4096xf32>
    %jit3A_1065 = arith.constant 1.320000e+02 : f32
    %broadcast_in_dim3A_1066 = vector.broadcast %jit3A_1065 : f32 to vector<8x4096xf32>
    %select_n3A_1067 = arith.select %gt3A_1063, %broadcast_in_dim3A_1066, %select_n3A_1059 : vector<8x4096xi1>, vector<8x4096xf32>
    %get3A_1068 = arith.constant 1064 : index
    %get3A_1069 = arith.constant 0 : index
    %get3A_1070 = vector.load %arg6[%get3A_1068, %get3A_1069] : memref<4000x4096xf32, #tpu.memory_space<vmem>>, vector<8x4096xf32>
    %gt3A_1071 = arith.cmpf ogt, %get3A_1070, %max3A_1064 : vector<8x4096xf32>
    %max3A_1072 = arith.maximumf %get3A_1070, %max3A_1064 : vector<8x4096xf32>
    %jit3A_1073 = arith.constant 1.330000e+02 : f32
    %broadcast_in_dim3A_1074 = vector.broadcast %jit3A_1073 : f32 to vector<8x4096xf32>
    %select_n3A_1075 = arith.select %gt3A_1071, %broadcast_in_dim3A_1074, %select_n3A_1067 : vector<8x4096xi1>, vector<8x4096xf32>
    %get3A_1076 = arith.constant 1072 : index
    %get3A_1077 = arith.constant 0 : index
    %get3A_1078 = vector.load %arg6[%get3A_1076, %get3A_1077] : memref<4000x4096xf32, #tpu.memory_space<vmem>>, vector<8x4096xf32>
    %gt3A_1079 = arith.cmpf ogt, %get3A_1078, %max3A_1072 : vector<8x4096xf32>
    %max3A_1080 = arith.maximumf %get3A_1078, %max3A_1072 : vector<8x4096xf32>
    %jit3A_1081 = arith.constant 1.340000e+02 : f32
    %broadcast_in_dim3A_1082 = vector.broadcast %jit3A_1081 : f32 to vector<8x4096xf32>
    %select_n3A_1083 = arith.select %gt3A_1079, %broadcast_in_dim3A_1082, %select_n3A_1075 : vector<8x4096xi1>, vector<8x4096xf32>
    %get3A_1084 = arith.constant 1080 : index
    %get3A_1085 = arith.constant 0 : index
    %get3A_1086 = vector.load %arg6[%get3A_1084, %get3A_1085] : memref<4000x4096xf32, #tpu.memory_space<vmem>>, vector<8x4096xf32>
    %gt3A_1087 = arith.cmpf ogt, %get3A_1086, %max3A_1080 : vector<8x4096xf32>
    %max3A_1088 = arith.maximumf %get3A_1086, %max3A_1080 : vector<8x4096xf32>
    %jit3A_1089 = arith.constant 1.350000e+02 : f32
    %broadcast_in_dim3A_1090 = vector.broadcast %jit3A_1089 : f32 to vector<8x4096xf32>
    %select_n3A_1091 = arith.select %gt3A_1087, %broadcast_in_dim3A_1090, %select_n3A_1083 : vector<8x4096xi1>, vector<8x4096xf32>
    %get3A_1092 = arith.constant 1088 : index
    %get3A_1093 = arith.constant 0 : index
    %get3A_1094 = vector.load %arg6[%get3A_1092, %get3A_1093] : memref<4000x4096xf32, #tpu.memory_space<vmem>>, vector<8x4096xf32>
    %gt3A_1095 = arith.cmpf ogt, %get3A_1094, %max3A_1088 : vector<8x4096xf32>
    %max3A_1096 = arith.maximumf %get3A_1094, %max3A_1088 : vector<8x4096xf32>
    %jit3A_1097 = arith.constant 1.360000e+02 : f32
    %broadcast_in_dim3A_1098 = vector.broadcast %jit3A_1097 : f32 to vector<8x4096xf32>
    %select_n3A_1099 = arith.select %gt3A_1095, %broadcast_in_dim3A_1098, %select_n3A_1091 : vector<8x4096xi1>, vector<8x4096xf32>
    %get3A_1100 = arith.constant 1096 : index
    %get3A_1101 = arith.constant 0 : index
    %get3A_1102 = vector.load %arg6[%get3A_1100, %get3A_1101] : memref<4000x4096xf32, #tpu.memory_space<vmem>>, vector<8x4096xf32>
    %gt3A_1103 = arith.cmpf ogt, %get3A_1102, %max3A_1096 : vector<8x4096xf32>
    %max3A_1104 = arith.maximumf %get3A_1102, %max3A_1096 : vector<8x4096xf32>
    %jit3A_1105 = arith.constant 1.370000e+02 : f32
    %broadcast_in_dim3A_1106 = vector.broadcast %jit3A_1105 : f32 to vector<8x4096xf32>
    %select_n3A_1107 = arith.select %gt3A_1103, %broadcast_in_dim3A_1106, %select_n3A_1099 : vector<8x4096xi1>, vector<8x4096xf32>
    %get3A_1108 = arith.constant 1104 : index
    %get3A_1109 = arith.constant 0 : index
    %get3A_1110 = vector.load %arg6[%get3A_1108, %get3A_1109] : memref<4000x4096xf32, #tpu.memory_space<vmem>>, vector<8x4096xf32>
    %gt3A_1111 = arith.cmpf ogt, %get3A_1110, %max3A_1104 : vector<8x4096xf32>
    %max3A_1112 = arith.maximumf %get3A_1110, %max3A_1104 : vector<8x4096xf32>
    %jit3A_1113 = arith.constant 1.380000e+02 : f32
    %broadcast_in_dim3A_1114 = vector.broadcast %jit3A_1113 : f32 to vector<8x4096xf32>
    %select_n3A_1115 = arith.select %gt3A_1111, %broadcast_in_dim3A_1114, %select_n3A_1107 : vector<8x4096xi1>, vector<8x4096xf32>
    %get3A_1116 = arith.constant 1112 : index
    %get3A_1117 = arith.constant 0 : index
    %get3A_1118 = vector.load %arg6[%get3A_1116, %get3A_1117] : memref<4000x4096xf32, #tpu.memory_space<vmem>>, vector<8x4096xf32>
    %gt3A_1119 = arith.cmpf ogt, %get3A_1118, %max3A_1112 : vector<8x4096xf32>
    %max3A_1120 = arith.maximumf %get3A_1118, %max3A_1112 : vector<8x4096xf32>
    %jit3A_1121 = arith.constant 1.390000e+02 : f32
    %broadcast_in_dim3A_1122 = vector.broadcast %jit3A_1121 : f32 to vector<8x4096xf32>
    %select_n3A_1123 = arith.select %gt3A_1119, %broadcast_in_dim3A_1122, %select_n3A_1115 : vector<8x4096xi1>, vector<8x4096xf32>
    %get3A_1124 = arith.constant 1120 : index
    %get3A_1125 = arith.constant 0 : index
    %get3A_1126 = vector.load %arg6[%get3A_1124, %get3A_1125] : memref<4000x4096xf32, #tpu.memory_space<vmem>>, vector<8x4096xf32>
    %gt3A_1127 = arith.cmpf ogt, %get3A_1126, %max3A_1120 : vector<8x4096xf32>
    %max3A_1128 = arith.maximumf %get3A_1126, %max3A_1120 : vector<8x4096xf32>
    %jit3A_1129 = arith.constant 1.400000e+02 : f32
    %broadcast_in_dim3A_1130 = vector.broadcast %jit3A_1129 : f32 to vector<8x4096xf32>
    %select_n3A_1131 = arith.select %gt3A_1127, %broadcast_in_dim3A_1130, %select_n3A_1123 : vector<8x4096xi1>, vector<8x4096xf32>
    %get3A_1132 = arith.constant 1128 : index
    %get3A_1133 = arith.constant 0 : index
    %get3A_1134 = vector.load %arg6[%get3A_1132, %get3A_1133] : memref<4000x4096xf32, #tpu.memory_space<vmem>>, vector<8x4096xf32>
    %gt3A_1135 = arith.cmpf ogt, %get3A_1134, %max3A_1128 : vector<8x4096xf32>
    %max3A_1136 = arith.maximumf %get3A_1134, %max3A_1128 : vector<8x4096xf32>
    %jit3A_1137 = arith.constant 1.410000e+02 : f32
    %broadcast_in_dim3A_1138 = vector.broadcast %jit3A_1137 : f32 to vector<8x4096xf32>
    %select_n3A_1139 = arith.select %gt3A_1135, %broadcast_in_dim3A_1138, %select_n3A_1131 : vector<8x4096xi1>, vector<8x4096xf32>
    %get3A_1140 = arith.constant 1136 : index
    %get3A_1141 = arith.constant 0 : index
    %get3A_1142 = vector.load %arg6[%get3A_1140, %get3A_1141] : memref<4000x4096xf32, #tpu.memory_space<vmem>>, vector<8x4096xf32>
    %gt3A_1143 = arith.cmpf ogt, %get3A_1142, %max3A_1136 : vector<8x4096xf32>
    %max3A_1144 = arith.maximumf %get3A_1142, %max3A_1136 : vector<8x4096xf32>
    %jit3A_1145 = arith.constant 1.420000e+02 : f32
    %broadcast_in_dim3A_1146 = vector.broadcast %jit3A_1145 : f32 to vector<8x4096xf32>
    %select_n3A_1147 = arith.select %gt3A_1143, %broadcast_in_dim3A_1146, %select_n3A_1139 : vector<8x4096xi1>, vector<8x4096xf32>
    %get3A_1148 = arith.constant 1144 : index
    %get3A_1149 = arith.constant 0 : index
    %get3A_1150 = vector.load %arg6[%get3A_1148, %get3A_1149] : memref<4000x4096xf32, #tpu.memory_space<vmem>>, vector<8x4096xf32>
    %gt3A_1151 = arith.cmpf ogt, %get3A_1150, %max3A_1144 : vector<8x4096xf32>
    %max3A_1152 = arith.maximumf %get3A_1150, %max3A_1144 : vector<8x4096xf32>
    %jit3A_1153 = arith.constant 1.430000e+02 : f32
    %broadcast_in_dim3A_1154 = vector.broadcast %jit3A_1153 : f32 to vector<8x4096xf32>
    %select_n3A_1155 = arith.select %gt3A_1151, %broadcast_in_dim3A_1154, %select_n3A_1147 : vector<8x4096xi1>, vector<8x4096xf32>
    %get3A_1156 = arith.constant 1152 : index
    %get3A_1157 = arith.constant 0 : index
    %get3A_1158 = vector.load %arg6[%get3A_1156, %get3A_1157] : memref<4000x4096xf32, #tpu.memory_space<vmem>>, vector<8x4096xf32>
    %gt3A_1159 = arith.cmpf ogt, %get3A_1158, %max3A_1152 : vector<8x4096xf32>
    %max3A_1160 = arith.maximumf %get3A_1158, %max3A_1152 : vector<8x4096xf32>
    %jit3A_1161 = arith.constant 1.440000e+02 : f32
    %broadcast_in_dim3A_1162 = vector.broadcast %jit3A_1161 : f32 to vector<8x4096xf32>
    %select_n3A_1163 = arith.select %gt3A_1159, %broadcast_in_dim3A_1162, %select_n3A_1155 : vector<8x4096xi1>, vector<8x4096xf32>
    %get3A_1164 = arith.constant 1160 : index
    %get3A_1165 = arith.constant 0 : index
    %get3A_1166 = vector.load %arg6[%get3A_1164, %get3A_1165] : memref<4000x4096xf32, #tpu.memory_space<vmem>>, vector<8x4096xf32>
    %gt3A_1167 = arith.cmpf ogt, %get3A_1166, %max3A_1160 : vector<8x4096xf32>
    %max3A_1168 = arith.maximumf %get3A_1166, %max3A_1160 : vector<8x4096xf32>
    %jit3A_1169 = arith.constant 1.450000e+02 : f32
    %broadcast_in_dim3A_1170 = vector.broadcast %jit3A_1169 : f32 to vector<8x4096xf32>
    %select_n3A_1171 = arith.select %gt3A_1167, %broadcast_in_dim3A_1170, %select_n3A_1163 : vector<8x4096xi1>, vector<8x4096xf32>
    %get3A_1172 = arith.constant 1168 : index
    %get3A_1173 = arith.constant 0 : index
    %get3A_1174 = vector.load %arg6[%get3A_1172, %get3A_1173] : memref<4000x4096xf32, #tpu.memory_space<vmem>>, vector<8x4096xf32>
    %gt3A_1175 = arith.cmpf ogt, %get3A_1174, %max3A_1168 : vector<8x4096xf32>
    %max3A_1176 = arith.maximumf %get3A_1174, %max3A_1168 : vector<8x4096xf32>
    %jit3A_1177 = arith.constant 1.460000e+02 : f32
    %broadcast_in_dim3A_1178 = vector.broadcast %jit3A_1177 : f32 to vector<8x4096xf32>
    %select_n3A_1179 = arith.select %gt3A_1175, %broadcast_in_dim3A_1178, %select_n3A_1171 : vector<8x4096xi1>, vector<8x4096xf32>
    %get3A_1180 = arith.constant 1176 : index
    %get3A_1181 = arith.constant 0 : index
    %get3A_1182 = vector.load %arg6[%get3A_1180, %get3A_1181] : memref<4000x4096xf32, #tpu.memory_space<vmem>>, vector<8x4096xf32>
    %gt3A_1183 = arith.cmpf ogt, %get3A_1182, %max3A_1176 : vector<8x4096xf32>
    %max3A_1184 = arith.maximumf %get3A_1182, %max3A_1176 : vector<8x4096xf32>
    %jit3A_1185 = arith.constant 1.470000e+02 : f32
    %broadcast_in_dim3A_1186 = vector.broadcast %jit3A_1185 : f32 to vector<8x4096xf32>
    %select_n3A_1187 = arith.select %gt3A_1183, %broadcast_in_dim3A_1186, %select_n3A_1179 : vector<8x4096xi1>, vector<8x4096xf32>
    %get3A_1188 = arith.constant 1184 : index
    %get3A_1189 = arith.constant 0 : index
    %get3A_1190 = vector.load %arg6[%get3A_1188, %get3A_1189] : memref<4000x4096xf32, #tpu.memory_space<vmem>>, vector<8x4096xf32>
    %gt3A_1191 = arith.cmpf ogt, %get3A_1190, %max3A_1184 : vector<8x4096xf32>
    %max3A_1192 = arith.maximumf %get3A_1190, %max3A_1184 : vector<8x4096xf32>
    %jit3A_1193 = arith.constant 1.480000e+02 : f32
    %broadcast_in_dim3A_1194 = vector.broadcast %jit3A_1193 : f32 to vector<8x4096xf32>
    %select_n3A_1195 = arith.select %gt3A_1191, %broadcast_in_dim3A_1194, %select_n3A_1187 : vector<8x4096xi1>, vector<8x4096xf32>
    %get3A_1196 = arith.constant 1192 : index
    %get3A_1197 = arith.constant 0 : index
    %get3A_1198 = vector.load %arg6[%get3A_1196, %get3A_1197] : memref<4000x4096xf32, #tpu.memory_space<vmem>>, vector<8x4096xf32>
    %gt3A_1199 = arith.cmpf ogt, %get3A_1198, %max3A_1192 : vector<8x4096xf32>
    %max3A_1200 = arith.maximumf %get3A_1198, %max3A_1192 : vector<8x4096xf32>
    %jit3A_1201 = arith.constant 1.490000e+02 : f32
    %broadcast_in_dim3A_1202 = vector.broadcast %jit3A_1201 : f32 to vector<8x4096xf32>
    %select_n3A_1203 = arith.select %gt3A_1199, %broadcast_in_dim3A_1202, %select_n3A_1195 : vector<8x4096xi1>, vector<8x4096xf32>
    %get3A_1204 = arith.constant 1200 : index
    %get3A_1205 = arith.constant 0 : index
    %get3A_1206 = vector.load %arg6[%get3A_1204, %get3A_1205] : memref<4000x4096xf32, #tpu.memory_space<vmem>>, vector<8x4096xf32>
    %gt3A_1207 = arith.cmpf ogt, %get3A_1206, %max3A_1200 : vector<8x4096xf32>
    %max3A_1208 = arith.maximumf %get3A_1206, %max3A_1200 : vector<8x4096xf32>
    %jit3A_1209 = arith.constant 1.500000e+02 : f32
    %broadcast_in_dim3A_1210 = vector.broadcast %jit3A_1209 : f32 to vector<8x4096xf32>
    %select_n3A_1211 = arith.select %gt3A_1207, %broadcast_in_dim3A_1210, %select_n3A_1203 : vector<8x4096xi1>, vector<8x4096xf32>
    %get3A_1212 = arith.constant 1208 : index
    %get3A_1213 = arith.constant 0 : index
    %get3A_1214 = vector.load %arg6[%get3A_1212, %get3A_1213] : memref<4000x4096xf32, #tpu.memory_space<vmem>>, vector<8x4096xf32>
    %gt3A_1215 = arith.cmpf ogt, %get3A_1214, %max3A_1208 : vector<8x4096xf32>
    %max3A_1216 = arith.maximumf %get3A_1214, %max3A_1208 : vector<8x4096xf32>
    %jit3A_1217 = arith.constant 1.510000e+02 : f32
    %broadcast_in_dim3A_1218 = vector.broadcast %jit3A_1217 : f32 to vector<8x4096xf32>
    %select_n3A_1219 = arith.select %gt3A_1215, %broadcast_in_dim3A_1218, %select_n3A_1211 : vector<8x4096xi1>, vector<8x4096xf32>
    %get3A_1220 = arith.constant 1216 : index
    %get3A_1221 = arith.constant 0 : index
    %get3A_1222 = vector.load %arg6[%get3A_1220, %get3A_1221] : memref<4000x4096xf32, #tpu.memory_space<vmem>>, vector<8x4096xf32>
    %gt3A_1223 = arith.cmpf ogt, %get3A_1222, %max3A_1216 : vector<8x4096xf32>
    %max3A_1224 = arith.maximumf %get3A_1222, %max3A_1216 : vector<8x4096xf32>
    %jit3A_1225 = arith.constant 1.520000e+02 : f32
    %broadcast_in_dim3A_1226 = vector.broadcast %jit3A_1225 : f32 to vector<8x4096xf32>
    %select_n3A_1227 = arith.select %gt3A_1223, %broadcast_in_dim3A_1226, %select_n3A_1219 : vector<8x4096xi1>, vector<8x4096xf32>
    %get3A_1228 = arith.constant 1224 : index
    %get3A_1229 = arith.constant 0 : index
    %get3A_1230 = vector.load %arg6[%get3A_1228, %get3A_1229] : memref<4000x4096xf32, #tpu.memory_space<vmem>>, vector<8x4096xf32>
    %gt3A_1231 = arith.cmpf ogt, %get3A_1230, %max3A_1224 : vector<8x4096xf32>
    %max3A_1232 = arith.maximumf %get3A_1230, %max3A_1224 : vector<8x4096xf32>
    %jit3A_1233 = arith.constant 1.530000e+02 : f32
    %broadcast_in_dim3A_1234 = vector.broadcast %jit3A_1233 : f32 to vector<8x4096xf32>
    %select_n3A_1235 = arith.select %gt3A_1231, %broadcast_in_dim3A_1234, %select_n3A_1227 : vector<8x4096xi1>, vector<8x4096xf32>
    %get3A_1236 = arith.constant 1232 : index
    %get3A_1237 = arith.constant 0 : index
    %get3A_1238 = vector.load %arg6[%get3A_1236, %get3A_1237] : memref<4000x4096xf32, #tpu.memory_space<vmem>>, vector<8x4096xf32>
    %gt3A_1239 = arith.cmpf ogt, %get3A_1238, %max3A_1232 : vector<8x4096xf32>
    %max3A_1240 = arith.maximumf %get3A_1238, %max3A_1232 : vector<8x4096xf32>
    %jit3A_1241 = arith.constant 1.540000e+02 : f32
    %broadcast_in_dim3A_1242 = vector.broadcast %jit3A_1241 : f32 to vector<8x4096xf32>
    %select_n3A_1243 = arith.select %gt3A_1239, %broadcast_in_dim3A_1242, %select_n3A_1235 : vector<8x4096xi1>, vector<8x4096xf32>
    %get3A_1244 = arith.constant 1240 : index
    %get3A_1245 = arith.constant 0 : index
    %get3A_1246 = vector.load %arg6[%get3A_1244, %get3A_1245] : memref<4000x4096xf32, #tpu.memory_space<vmem>>, vector<8x4096xf32>
    %gt3A_1247 = arith.cmpf ogt, %get3A_1246, %max3A_1240 : vector<8x4096xf32>
    %max3A_1248 = arith.maximumf %get3A_1246, %max3A_1240 : vector<8x4096xf32>
    %jit3A_1249 = arith.constant 1.550000e+02 : f32
    %broadcast_in_dim3A_1250 = vector.broadcast %jit3A_1249 : f32 to vector<8x4096xf32>
    %select_n3A_1251 = arith.select %gt3A_1247, %broadcast_in_dim3A_1250, %select_n3A_1243 : vector<8x4096xi1>, vector<8x4096xf32>
    %get3A_1252 = arith.constant 1248 : index
    %get3A_1253 = arith.constant 0 : index
    %get3A_1254 = vector.load %arg6[%get3A_1252, %get3A_1253] : memref<4000x4096xf32, #tpu.memory_space<vmem>>, vector<8x4096xf32>
    %gt3A_1255 = arith.cmpf ogt, %get3A_1254, %max3A_1248 : vector<8x4096xf32>
    %max3A_1256 = arith.maximumf %get3A_1254, %max3A_1248 : vector<8x4096xf32>
    %jit3A_1257 = arith.constant 1.560000e+02 : f32
    %broadcast_in_dim3A_1258 = vector.broadcast %jit3A_1257 : f32 to vector<8x4096xf32>
    %select_n3A_1259 = arith.select %gt3A_1255, %broadcast_in_dim3A_1258, %select_n3A_1251 : vector<8x4096xi1>, vector<8x4096xf32>
    %get3A_1260 = arith.constant 1256 : index
    %get3A_1261 = arith.constant 0 : index
    %get3A_1262 = vector.load %arg6[%get3A_1260, %get3A_1261] : memref<4000x4096xf32, #tpu.memory_space<vmem>>, vector<8x4096xf32>
    %gt3A_1263 = arith.cmpf ogt, %get3A_1262, %max3A_1256 : vector<8x4096xf32>
    %max3A_1264 = arith.maximumf %get3A_1262, %max3A_1256 : vector<8x4096xf32>
    %jit3A_1265 = arith.constant 1.570000e+02 : f32
    %broadcast_in_dim3A_1266 = vector.broadcast %jit3A_1265 : f32 to vector<8x4096xf32>
    %select_n3A_1267 = arith.select %gt3A_1263, %broadcast_in_dim3A_1266, %select_n3A_1259 : vector<8x4096xi1>, vector<8x4096xf32>
    %get3A_1268 = arith.constant 1264 : index
    %get3A_1269 = arith.constant 0 : index
    %get3A_1270 = vector.load %arg6[%get3A_1268, %get3A_1269] : memref<4000x4096xf32, #tpu.memory_space<vmem>>, vector<8x4096xf32>
    %gt3A_1271 = arith.cmpf ogt, %get3A_1270, %max3A_1264 : vector<8x4096xf32>
    %max3A_1272 = arith.maximumf %get3A_1270, %max3A_1264 : vector<8x4096xf32>
    %jit3A_1273 = arith.constant 1.580000e+02 : f32
    %broadcast_in_dim3A_1274 = vector.broadcast %jit3A_1273 : f32 to vector<8x4096xf32>
    %select_n3A_1275 = arith.select %gt3A_1271, %broadcast_in_dim3A_1274, %select_n3A_1267 : vector<8x4096xi1>, vector<8x4096xf32>
    %get3A_1276 = arith.constant 1272 : index
    %get3A_1277 = arith.constant 0 : index
    %get3A_1278 = vector.load %arg6[%get3A_1276, %get3A_1277] : memref<4000x4096xf32, #tpu.memory_space<vmem>>, vector<8x4096xf32>
    %gt3A_1279 = arith.cmpf ogt, %get3A_1278, %max3A_1272 : vector<8x4096xf32>
    %max3A_1280 = arith.maximumf %get3A_1278, %max3A_1272 : vector<8x4096xf32>
    %jit3A_1281 = arith.constant 1.590000e+02 : f32
    %broadcast_in_dim3A_1282 = vector.broadcast %jit3A_1281 : f32 to vector<8x4096xf32>
    %select_n3A_1283 = arith.select %gt3A_1279, %broadcast_in_dim3A_1282, %select_n3A_1275 : vector<8x4096xi1>, vector<8x4096xf32>
    %get3A_1284 = arith.constant 1280 : index
    %get3A_1285 = arith.constant 0 : index
    %get3A_1286 = vector.load %arg6[%get3A_1284, %get3A_1285] : memref<4000x4096xf32, #tpu.memory_space<vmem>>, vector<8x4096xf32>
    %gt3A_1287 = arith.cmpf ogt, %get3A_1286, %max3A_1280 : vector<8x4096xf32>
    %max3A_1288 = arith.maximumf %get3A_1286, %max3A_1280 : vector<8x4096xf32>
    %jit3A_1289 = arith.constant 1.600000e+02 : f32
    %broadcast_in_dim3A_1290 = vector.broadcast %jit3A_1289 : f32 to vector<8x4096xf32>
    %select_n3A_1291 = arith.select %gt3A_1287, %broadcast_in_dim3A_1290, %select_n3A_1283 : vector<8x4096xi1>, vector<8x4096xf32>
    %get3A_1292 = arith.constant 1288 : index
    %get3A_1293 = arith.constant 0 : index
    %get3A_1294 = vector.load %arg6[%get3A_1292, %get3A_1293] : memref<4000x4096xf32, #tpu.memory_space<vmem>>, vector<8x4096xf32>
    %gt3A_1295 = arith.cmpf ogt, %get3A_1294, %max3A_1288 : vector<8x4096xf32>
    %max3A_1296 = arith.maximumf %get3A_1294, %max3A_1288 : vector<8x4096xf32>
    %jit3A_1297 = arith.constant 1.610000e+02 : f32
    %broadcast_in_dim3A_1298 = vector.broadcast %jit3A_1297 : f32 to vector<8x4096xf32>
    %select_n3A_1299 = arith.select %gt3A_1295, %broadcast_in_dim3A_1298, %select_n3A_1291 : vector<8x4096xi1>, vector<8x4096xf32>
    %get3A_1300 = arith.constant 1296 : index
    %get3A_1301 = arith.constant 0 : index
    %get3A_1302 = vector.load %arg6[%get3A_1300, %get3A_1301] : memref<4000x4096xf32, #tpu.memory_space<vmem>>, vector<8x4096xf32>
    %gt3A_1303 = arith.cmpf ogt, %get3A_1302, %max3A_1296 : vector<8x4096xf32>
    %max3A_1304 = arith.maximumf %get3A_1302, %max3A_1296 : vector<8x4096xf32>
    %jit3A_1305 = arith.constant 1.620000e+02 : f32
    %broadcast_in_dim3A_1306 = vector.broadcast %jit3A_1305 : f32 to vector<8x4096xf32>
    %select_n3A_1307 = arith.select %gt3A_1303, %broadcast_in_dim3A_1306, %select_n3A_1299 : vector<8x4096xi1>, vector<8x4096xf32>
    %get3A_1308 = arith.constant 1304 : index
    %get3A_1309 = arith.constant 0 : index
    %get3A_1310 = vector.load %arg6[%get3A_1308, %get3A_1309] : memref<4000x4096xf32, #tpu.memory_space<vmem>>, vector<8x4096xf32>
    %gt3A_1311 = arith.cmpf ogt, %get3A_1310, %max3A_1304 : vector<8x4096xf32>
    %max3A_1312 = arith.maximumf %get3A_1310, %max3A_1304 : vector<8x4096xf32>
    %jit3A_1313 = arith.constant 1.630000e+02 : f32
    %broadcast_in_dim3A_1314 = vector.broadcast %jit3A_1313 : f32 to vector<8x4096xf32>
    %select_n3A_1315 = arith.select %gt3A_1311, %broadcast_in_dim3A_1314, %select_n3A_1307 : vector<8x4096xi1>, vector<8x4096xf32>
    %get3A_1316 = arith.constant 1312 : index
    %get3A_1317 = arith.constant 0 : index
    %get3A_1318 = vector.load %arg6[%get3A_1316, %get3A_1317] : memref<4000x4096xf32, #tpu.memory_space<vmem>>, vector<8x4096xf32>
    %gt3A_1319 = arith.cmpf ogt, %get3A_1318, %max3A_1312 : vector<8x4096xf32>
    %max3A_1320 = arith.maximumf %get3A_1318, %max3A_1312 : vector<8x4096xf32>
    %jit3A_1321 = arith.constant 1.640000e+02 : f32
    %broadcast_in_dim3A_1322 = vector.broadcast %jit3A_1321 : f32 to vector<8x4096xf32>
    %select_n3A_1323 = arith.select %gt3A_1319, %broadcast_in_dim3A_1322, %select_n3A_1315 : vector<8x4096xi1>, vector<8x4096xf32>
    %get3A_1324 = arith.constant 1320 : index
    %get3A_1325 = arith.constant 0 : index
    %get3A_1326 = vector.load %arg6[%get3A_1324, %get3A_1325] : memref<4000x4096xf32, #tpu.memory_space<vmem>>, vector<8x4096xf32>
    %gt3A_1327 = arith.cmpf ogt, %get3A_1326, %max3A_1320 : vector<8x4096xf32>
    %max3A_1328 = arith.maximumf %get3A_1326, %max3A_1320 : vector<8x4096xf32>
    %jit3A_1329 = arith.constant 1.650000e+02 : f32
    %broadcast_in_dim3A_1330 = vector.broadcast %jit3A_1329 : f32 to vector<8x4096xf32>
    %select_n3A_1331 = arith.select %gt3A_1327, %broadcast_in_dim3A_1330, %select_n3A_1323 : vector<8x4096xi1>, vector<8x4096xf32>
    %get3A_1332 = arith.constant 1328 : index
    %get3A_1333 = arith.constant 0 : index
    %get3A_1334 = vector.load %arg6[%get3A_1332, %get3A_1333] : memref<4000x4096xf32, #tpu.memory_space<vmem>>, vector<8x4096xf32>
    %gt3A_1335 = arith.cmpf ogt, %get3A_1334, %max3A_1328 : vector<8x4096xf32>
    %max3A_1336 = arith.maximumf %get3A_1334, %max3A_1328 : vector<8x4096xf32>
    %jit3A_1337 = arith.constant 1.660000e+02 : f32
    %broadcast_in_dim3A_1338 = vector.broadcast %jit3A_1337 : f32 to vector<8x4096xf32>
    %select_n3A_1339 = arith.select %gt3A_1335, %broadcast_in_dim3A_1338, %select_n3A_1331 : vector<8x4096xi1>, vector<8x4096xf32>
    %get3A_1340 = arith.constant 1336 : index
    %get3A_1341 = arith.constant 0 : index
    %get3A_1342 = vector.load %arg6[%get3A_1340, %get3A_1341] : memref<4000x4096xf32, #tpu.memory_space<vmem>>, vector<8x4096xf32>
    %gt3A_1343 = arith.cmpf ogt, %get3A_1342, %max3A_1336 : vector<8x4096xf32>
    %max3A_1344 = arith.maximumf %get3A_1342, %max3A_1336 : vector<8x4096xf32>
    %jit3A_1345 = arith.constant 1.670000e+02 : f32
    %broadcast_in_dim3A_1346 = vector.broadcast %jit3A_1345 : f32 to vector<8x4096xf32>
    %select_n3A_1347 = arith.select %gt3A_1343, %broadcast_in_dim3A_1346, %select_n3A_1339 : vector<8x4096xi1>, vector<8x4096xf32>
    %get3A_1348 = arith.constant 1344 : index
    %get3A_1349 = arith.constant 0 : index
    %get3A_1350 = vector.load %arg6[%get3A_1348, %get3A_1349] : memref<4000x4096xf32, #tpu.memory_space<vmem>>, vector<8x4096xf32>
    %gt3A_1351 = arith.cmpf ogt, %get3A_1350, %max3A_1344 : vector<8x4096xf32>
    %max3A_1352 = arith.maximumf %get3A_1350, %max3A_1344 : vector<8x4096xf32>
    %jit3A_1353 = arith.constant 1.680000e+02 : f32
    %broadcast_in_dim3A_1354 = vector.broadcast %jit3A_1353 : f32 to vector<8x4096xf32>
    %select_n3A_1355 = arith.select %gt3A_1351, %broadcast_in_dim3A_1354, %select_n3A_1347 : vector<8x4096xi1>, vector<8x4096xf32>
    %get3A_1356 = arith.constant 1352 : index
    %get3A_1357 = arith.constant 0 : index
    %get3A_1358 = vector.load %arg6[%get3A_1356, %get3A_1357] : memref<4000x4096xf32, #tpu.memory_space<vmem>>, vector<8x4096xf32>
    %gt3A_1359 = arith.cmpf ogt, %get3A_1358, %max3A_1352 : vector<8x4096xf32>
    %max3A_1360 = arith.maximumf %get3A_1358, %max3A_1352 : vector<8x4096xf32>
    %jit3A_1361 = arith.constant 1.690000e+02 : f32
    %broadcast_in_dim3A_1362 = vector.broadcast %jit3A_1361 : f32 to vector<8x4096xf32>
    %select_n3A_1363 = arith.select %gt3A_1359, %broadcast_in_dim3A_1362, %select_n3A_1355 : vector<8x4096xi1>, vector<8x4096xf32>
    %get3A_1364 = arith.constant 1360 : index
    %get3A_1365 = arith.constant 0 : index
    %get3A_1366 = vector.load %arg6[%get3A_1364, %get3A_1365] : memref<4000x4096xf32, #tpu.memory_space<vmem>>, vector<8x4096xf32>
    %gt3A_1367 = arith.cmpf ogt, %get3A_1366, %max3A_1360 : vector<8x4096xf32>
    %max3A_1368 = arith.maximumf %get3A_1366, %max3A_1360 : vector<8x4096xf32>
    %jit3A_1369 = arith.constant 1.700000e+02 : f32
    %broadcast_in_dim3A_1370 = vector.broadcast %jit3A_1369 : f32 to vector<8x4096xf32>
    %select_n3A_1371 = arith.select %gt3A_1367, %broadcast_in_dim3A_1370, %select_n3A_1363 : vector<8x4096xi1>, vector<8x4096xf32>
    %get3A_1372 = arith.constant 1368 : index
    %get3A_1373 = arith.constant 0 : index
    %get3A_1374 = vector.load %arg6[%get3A_1372, %get3A_1373] : memref<4000x4096xf32, #tpu.memory_space<vmem>>, vector<8x4096xf32>
    %gt3A_1375 = arith.cmpf ogt, %get3A_1374, %max3A_1368 : vector<8x4096xf32>
    %max3A_1376 = arith.maximumf %get3A_1374, %max3A_1368 : vector<8x4096xf32>
    %jit3A_1377 = arith.constant 1.710000e+02 : f32
    %broadcast_in_dim3A_1378 = vector.broadcast %jit3A_1377 : f32 to vector<8x4096xf32>
    %select_n3A_1379 = arith.select %gt3A_1375, %broadcast_in_dim3A_1378, %select_n3A_1371 : vector<8x4096xi1>, vector<8x4096xf32>
    %get3A_1380 = arith.constant 1376 : index
    %get3A_1381 = arith.constant 0 : index
    %get3A_1382 = vector.load %arg6[%get3A_1380, %get3A_1381] : memref<4000x4096xf32, #tpu.memory_space<vmem>>, vector<8x4096xf32>
    %gt3A_1383 = arith.cmpf ogt, %get3A_1382, %max3A_1376 : vector<8x4096xf32>
    %max3A_1384 = arith.maximumf %get3A_1382, %max3A_1376 : vector<8x4096xf32>
    %jit3A_1385 = arith.constant 1.720000e+02 : f32
    %broadcast_in_dim3A_1386 = vector.broadcast %jit3A_1385 : f32 to vector<8x4096xf32>
    %select_n3A_1387 = arith.select %gt3A_1383, %broadcast_in_dim3A_1386, %select_n3A_1379 : vector<8x4096xi1>, vector<8x4096xf32>
    %get3A_1388 = arith.constant 1384 : index
    %get3A_1389 = arith.constant 0 : index
    %get3A_1390 = vector.load %arg6[%get3A_1388, %get3A_1389] : memref<4000x4096xf32, #tpu.memory_space<vmem>>, vector<8x4096xf32>
    %gt3A_1391 = arith.cmpf ogt, %get3A_1390, %max3A_1384 : vector<8x4096xf32>
    %max3A_1392 = arith.maximumf %get3A_1390, %max3A_1384 : vector<8x4096xf32>
    %jit3A_1393 = arith.constant 1.730000e+02 : f32
    %broadcast_in_dim3A_1394 = vector.broadcast %jit3A_1393 : f32 to vector<8x4096xf32>
    %select_n3A_1395 = arith.select %gt3A_1391, %broadcast_in_dim3A_1394, %select_n3A_1387 : vector<8x4096xi1>, vector<8x4096xf32>
    %get3A_1396 = arith.constant 1392 : index
    %get3A_1397 = arith.constant 0 : index
    %get3A_1398 = vector.load %arg6[%get3A_1396, %get3A_1397] : memref<4000x4096xf32, #tpu.memory_space<vmem>>, vector<8x4096xf32>
    %gt3A_1399 = arith.cmpf ogt, %get3A_1398, %max3A_1392 : vector<8x4096xf32>
    %max3A_1400 = arith.maximumf %get3A_1398, %max3A_1392 : vector<8x4096xf32>
    %jit3A_1401 = arith.constant 1.740000e+02 : f32
    %broadcast_in_dim3A_1402 = vector.broadcast %jit3A_1401 : f32 to vector<8x4096xf32>
    %select_n3A_1403 = arith.select %gt3A_1399, %broadcast_in_dim3A_1402, %select_n3A_1395 : vector<8x4096xi1>, vector<8x4096xf32>
    %get3A_1404 = arith.constant 1400 : index
    %get3A_1405 = arith.constant 0 : index
    %get3A_1406 = vector.load %arg6[%get3A_1404, %get3A_1405] : memref<4000x4096xf32, #tpu.memory_space<vmem>>, vector<8x4096xf32>
    %gt3A_1407 = arith.cmpf ogt, %get3A_1406, %max3A_1400 : vector<8x4096xf32>
    %max3A_1408 = arith.maximumf %get3A_1406, %max3A_1400 : vector<8x4096xf32>
    %jit3A_1409 = arith.constant 1.750000e+02 : f32
    %broadcast_in_dim3A_1410 = vector.broadcast %jit3A_1409 : f32 to vector<8x4096xf32>
    %select_n3A_1411 = arith.select %gt3A_1407, %broadcast_in_dim3A_1410, %select_n3A_1403 : vector<8x4096xi1>, vector<8x4096xf32>
    %get3A_1412 = arith.constant 1408 : index
    %get3A_1413 = arith.constant 0 : index
    %get3A_1414 = vector.load %arg6[%get3A_1412, %get3A_1413] : memref<4000x4096xf32, #tpu.memory_space<vmem>>, vector<8x4096xf32>
    %gt3A_1415 = arith.cmpf ogt, %get3A_1414, %max3A_1408 : vector<8x4096xf32>
    %max3A_1416 = arith.maximumf %get3A_1414, %max3A_1408 : vector<8x4096xf32>
    %jit3A_1417 = arith.constant 1.760000e+02 : f32
    %broadcast_in_dim3A_1418 = vector.broadcast %jit3A_1417 : f32 to vector<8x4096xf32>
    %select_n3A_1419 = arith.select %gt3A_1415, %broadcast_in_dim3A_1418, %select_n3A_1411 : vector<8x4096xi1>, vector<8x4096xf32>
    %get3A_1420 = arith.constant 1416 : index
    %get3A_1421 = arith.constant 0 : index
    %get3A_1422 = vector.load %arg6[%get3A_1420, %get3A_1421] : memref<4000x4096xf32, #tpu.memory_space<vmem>>, vector<8x4096xf32>
    %gt3A_1423 = arith.cmpf ogt, %get3A_1422, %max3A_1416 : vector<8x4096xf32>
    %max3A_1424 = arith.maximumf %get3A_1422, %max3A_1416 : vector<8x4096xf32>
    %jit3A_1425 = arith.constant 1.770000e+02 : f32
    %broadcast_in_dim3A_1426 = vector.broadcast %jit3A_1425 : f32 to vector<8x4096xf32>
    %select_n3A_1427 = arith.select %gt3A_1423, %broadcast_in_dim3A_1426, %select_n3A_1419 : vector<8x4096xi1>, vector<8x4096xf32>
    %get3A_1428 = arith.constant 1424 : index
    %get3A_1429 = arith.constant 0 : index
    %get3A_1430 = vector.load %arg6[%get3A_1428, %get3A_1429] : memref<4000x4096xf32, #tpu.memory_space<vmem>>, vector<8x4096xf32>
    %gt3A_1431 = arith.cmpf ogt, %get3A_1430, %max3A_1424 : vector<8x4096xf32>
    %max3A_1432 = arith.maximumf %get3A_1430, %max3A_1424 : vector<8x4096xf32>
    %jit3A_1433 = arith.constant 1.780000e+02 : f32
    %broadcast_in_dim3A_1434 = vector.broadcast %jit3A_1433 : f32 to vector<8x4096xf32>
    %select_n3A_1435 = arith.select %gt3A_1431, %broadcast_in_dim3A_1434, %select_n3A_1427 : vector<8x4096xi1>, vector<8x4096xf32>
    %get3A_1436 = arith.constant 1432 : index
    %get3A_1437 = arith.constant 0 : index
    %get3A_1438 = vector.load %arg6[%get3A_1436, %get3A_1437] : memref<4000x4096xf32, #tpu.memory_space<vmem>>, vector<8x4096xf32>
    %gt3A_1439 = arith.cmpf ogt, %get3A_1438, %max3A_1432 : vector<8x4096xf32>
    %max3A_1440 = arith.maximumf %get3A_1438, %max3A_1432 : vector<8x4096xf32>
    %jit3A_1441 = arith.constant 1.790000e+02 : f32
    %broadcast_in_dim3A_1442 = vector.broadcast %jit3A_1441 : f32 to vector<8x4096xf32>
    %select_n3A_1443 = arith.select %gt3A_1439, %broadcast_in_dim3A_1442, %select_n3A_1435 : vector<8x4096xi1>, vector<8x4096xf32>
    %get3A_1444 = arith.constant 1440 : index
    %get3A_1445 = arith.constant 0 : index
    %get3A_1446 = vector.load %arg6[%get3A_1444, %get3A_1445] : memref<4000x4096xf32, #tpu.memory_space<vmem>>, vector<8x4096xf32>
    %gt3A_1447 = arith.cmpf ogt, %get3A_1446, %max3A_1440 : vector<8x4096xf32>
    %max3A_1448 = arith.maximumf %get3A_1446, %max3A_1440 : vector<8x4096xf32>
    %jit3A_1449 = arith.constant 1.800000e+02 : f32
    %broadcast_in_dim3A_1450 = vector.broadcast %jit3A_1449 : f32 to vector<8x4096xf32>
    %select_n3A_1451 = arith.select %gt3A_1447, %broadcast_in_dim3A_1450, %select_n3A_1443 : vector<8x4096xi1>, vector<8x4096xf32>
    %get3A_1452 = arith.constant 1448 : index
    %get3A_1453 = arith.constant 0 : index
    %get3A_1454 = vector.load %arg6[%get3A_1452, %get3A_1453] : memref<4000x4096xf32, #tpu.memory_space<vmem>>, vector<8x4096xf32>
    %gt3A_1455 = arith.cmpf ogt, %get3A_1454, %max3A_1448 : vector<8x4096xf32>
    %max3A_1456 = arith.maximumf %get3A_1454, %max3A_1448 : vector<8x4096xf32>
    %jit3A_1457 = arith.constant 1.810000e+02 : f32
    %broadcast_in_dim3A_1458 = vector.broadcast %jit3A_1457 : f32 to vector<8x4096xf32>
    %select_n3A_1459 = arith.select %gt3A_1455, %broadcast_in_dim3A_1458, %select_n3A_1451 : vector<8x4096xi1>, vector<8x4096xf32>
    %get3A_1460 = arith.constant 1456 : index
    %get3A_1461 = arith.constant 0 : index
    %get3A_1462 = vector.load %arg6[%get3A_1460, %get3A_1461] : memref<4000x4096xf32, #tpu.memory_space<vmem>>, vector<8x4096xf32>
    %gt3A_1463 = arith.cmpf ogt, %get3A_1462, %max3A_1456 : vector<8x4096xf32>
    %max3A_1464 = arith.maximumf %get3A_1462, %max3A_1456 : vector<8x4096xf32>
    %jit3A_1465 = arith.constant 1.820000e+02 : f32
    %broadcast_in_dim3A_1466 = vector.broadcast %jit3A_1465 : f32 to vector<8x4096xf32>
    %select_n3A_1467 = arith.select %gt3A_1463, %broadcast_in_dim3A_1466, %select_n3A_1459 : vector<8x4096xi1>, vector<8x4096xf32>
    %get3A_1468 = arith.constant 1464 : index
    %get3A_1469 = arith.constant 0 : index
    %get3A_1470 = vector.load %arg6[%get3A_1468, %get3A_1469] : memref<4000x4096xf32, #tpu.memory_space<vmem>>, vector<8x4096xf32>
    %gt3A_1471 = arith.cmpf ogt, %get3A_1470, %max3A_1464 : vector<8x4096xf32>
    %max3A_1472 = arith.maximumf %get3A_1470, %max3A_1464 : vector<8x4096xf32>
    %jit3A_1473 = arith.constant 1.830000e+02 : f32
    %broadcast_in_dim3A_1474 = vector.broadcast %jit3A_1473 : f32 to vector<8x4096xf32>
    %select_n3A_1475 = arith.select %gt3A_1471, %broadcast_in_dim3A_1474, %select_n3A_1467 : vector<8x4096xi1>, vector<8x4096xf32>
    %get3A_1476 = arith.constant 1472 : index
    %get3A_1477 = arith.constant 0 : index
    %get3A_1478 = vector.load %arg6[%get3A_1476, %get3A_1477] : memref<4000x4096xf32, #tpu.memory_space<vmem>>, vector<8x4096xf32>
    %gt3A_1479 = arith.cmpf ogt, %get3A_1478, %max3A_1472 : vector<8x4096xf32>
    %max3A_1480 = arith.maximumf %get3A_1478, %max3A_1472 : vector<8x4096xf32>
    %jit3A_1481 = arith.constant 1.840000e+02 : f32
    %broadcast_in_dim3A_1482 = vector.broadcast %jit3A_1481 : f32 to vector<8x4096xf32>
    %select_n3A_1483 = arith.select %gt3A_1479, %broadcast_in_dim3A_1482, %select_n3A_1475 : vector<8x4096xi1>, vector<8x4096xf32>
    %get3A_1484 = arith.constant 1480 : index
    %get3A_1485 = arith.constant 0 : index
    %get3A_1486 = vector.load %arg6[%get3A_1484, %get3A_1485] : memref<4000x4096xf32, #tpu.memory_space<vmem>>, vector<8x4096xf32>
    %gt3A_1487 = arith.cmpf ogt, %get3A_1486, %max3A_1480 : vector<8x4096xf32>
    %max3A_1488 = arith.maximumf %get3A_1486, %max3A_1480 : vector<8x4096xf32>
    %jit3A_1489 = arith.constant 1.850000e+02 : f32
    %broadcast_in_dim3A_1490 = vector.broadcast %jit3A_1489 : f32 to vector<8x4096xf32>
    %select_n3A_1491 = arith.select %gt3A_1487, %broadcast_in_dim3A_1490, %select_n3A_1483 : vector<8x4096xi1>, vector<8x4096xf32>
    %get3A_1492 = arith.constant 1488 : index
    %get3A_1493 = arith.constant 0 : index
    %get3A_1494 = vector.load %arg6[%get3A_1492, %get3A_1493] : memref<4000x4096xf32, #tpu.memory_space<vmem>>, vector<8x4096xf32>
    %gt3A_1495 = arith.cmpf ogt, %get3A_1494, %max3A_1488 : vector<8x4096xf32>
    %max3A_1496 = arith.maximumf %get3A_1494, %max3A_1488 : vector<8x4096xf32>
    %jit3A_1497 = arith.constant 1.860000e+02 : f32
    %broadcast_in_dim3A_1498 = vector.broadcast %jit3A_1497 : f32 to vector<8x4096xf32>
    %select_n3A_1499 = arith.select %gt3A_1495, %broadcast_in_dim3A_1498, %select_n3A_1491 : vector<8x4096xi1>, vector<8x4096xf32>
    %get3A_1500 = arith.constant 1496 : index
    %get3A_1501 = arith.constant 0 : index
    %get3A_1502 = vector.load %arg6[%get3A_1500, %get3A_1501] : memref<4000x4096xf32, #tpu.memory_space<vmem>>, vector<8x4096xf32>
    %gt3A_1503 = arith.cmpf ogt, %get3A_1502, %max3A_1496 : vector<8x4096xf32>
    %max3A_1504 = arith.maximumf %get3A_1502, %max3A_1496 : vector<8x4096xf32>
    %jit3A_1505 = arith.constant 1.870000e+02 : f32
    %broadcast_in_dim3A_1506 = vector.broadcast %jit3A_1505 : f32 to vector<8x4096xf32>
    %select_n3A_1507 = arith.select %gt3A_1503, %broadcast_in_dim3A_1506, %select_n3A_1499 : vector<8x4096xi1>, vector<8x4096xf32>
    %get3A_1508 = arith.constant 1504 : index
    %get3A_1509 = arith.constant 0 : index
    %get3A_1510 = vector.load %arg6[%get3A_1508, %get3A_1509] : memref<4000x4096xf32, #tpu.memory_space<vmem>>, vector<8x4096xf32>
    %gt3A_1511 = arith.cmpf ogt, %get3A_1510, %max3A_1504 : vector<8x4096xf32>
    %max3A_1512 = arith.maximumf %get3A_1510, %max3A_1504 : vector<8x4096xf32>
    %jit3A_1513 = arith.constant 1.880000e+02 : f32
    %broadcast_in_dim3A_1514 = vector.broadcast %jit3A_1513 : f32 to vector<8x4096xf32>
    %select_n3A_1515 = arith.select %gt3A_1511, %broadcast_in_dim3A_1514, %select_n3A_1507 : vector<8x4096xi1>, vector<8x4096xf32>
    %get3A_1516 = arith.constant 1512 : index
    %get3A_1517 = arith.constant 0 : index
    %get3A_1518 = vector.load %arg6[%get3A_1516, %get3A_1517] : memref<4000x4096xf32, #tpu.memory_space<vmem>>, vector<8x4096xf32>
    %gt3A_1519 = arith.cmpf ogt, %get3A_1518, %max3A_1512 : vector<8x4096xf32>
    %max3A_1520 = arith.maximumf %get3A_1518, %max3A_1512 : vector<8x4096xf32>
    %jit3A_1521 = arith.constant 1.890000e+02 : f32
    %broadcast_in_dim3A_1522 = vector.broadcast %jit3A_1521 : f32 to vector<8x4096xf32>
    %select_n3A_1523 = arith.select %gt3A_1519, %broadcast_in_dim3A_1522, %select_n3A_1515 : vector<8x4096xi1>, vector<8x4096xf32>
    %get3A_1524 = arith.constant 1520 : index
    %get3A_1525 = arith.constant 0 : index
    %get3A_1526 = vector.load %arg6[%get3A_1524, %get3A_1525] : memref<4000x4096xf32, #tpu.memory_space<vmem>>, vector<8x4096xf32>
    %gt3A_1527 = arith.cmpf ogt, %get3A_1526, %max3A_1520 : vector<8x4096xf32>
    %max3A_1528 = arith.maximumf %get3A_1526, %max3A_1520 : vector<8x4096xf32>
    %jit3A_1529 = arith.constant 1.900000e+02 : f32
    %broadcast_in_dim3A_1530 = vector.broadcast %jit3A_1529 : f32 to vector<8x4096xf32>
    %select_n3A_1531 = arith.select %gt3A_1527, %broadcast_in_dim3A_1530, %select_n3A_1523 : vector<8x4096xi1>, vector<8x4096xf32>
    %get3A_1532 = arith.constant 1528 : index
    %get3A_1533 = arith.constant 0 : index
    %get3A_1534 = vector.load %arg6[%get3A_1532, %get3A_1533] : memref<4000x4096xf32, #tpu.memory_space<vmem>>, vector<8x4096xf32>
    %gt3A_1535 = arith.cmpf ogt, %get3A_1534, %max3A_1528 : vector<8x4096xf32>
    %max3A_1536 = arith.maximumf %get3A_1534, %max3A_1528 : vector<8x4096xf32>
    %jit3A_1537 = arith.constant 1.910000e+02 : f32
    %broadcast_in_dim3A_1538 = vector.broadcast %jit3A_1537 : f32 to vector<8x4096xf32>
    %select_n3A_1539 = arith.select %gt3A_1535, %broadcast_in_dim3A_1538, %select_n3A_1531 : vector<8x4096xi1>, vector<8x4096xf32>
    %get3A_1540 = arith.constant 1536 : index
    %get3A_1541 = arith.constant 0 : index
    %get3A_1542 = vector.load %arg6[%get3A_1540, %get3A_1541] : memref<4000x4096xf32, #tpu.memory_space<vmem>>, vector<8x4096xf32>
    %gt3A_1543 = arith.cmpf ogt, %get3A_1542, %max3A_1536 : vector<8x4096xf32>
    %max3A_1544 = arith.maximumf %get3A_1542, %max3A_1536 : vector<8x4096xf32>
    %jit3A_1545 = arith.constant 1.920000e+02 : f32
    %broadcast_in_dim3A_1546 = vector.broadcast %jit3A_1545 : f32 to vector<8x4096xf32>
    %select_n3A_1547 = arith.select %gt3A_1543, %broadcast_in_dim3A_1546, %select_n3A_1539 : vector<8x4096xi1>, vector<8x4096xf32>
    %get3A_1548 = arith.constant 1544 : index
    %get3A_1549 = arith.constant 0 : index
    %get3A_1550 = vector.load %arg6[%get3A_1548, %get3A_1549] : memref<4000x4096xf32, #tpu.memory_space<vmem>>, vector<8x4096xf32>
    %gt3A_1551 = arith.cmpf ogt, %get3A_1550, %max3A_1544 : vector<8x4096xf32>
    %max3A_1552 = arith.maximumf %get3A_1550, %max3A_1544 : vector<8x4096xf32>
    %jit3A_1553 = arith.constant 1.930000e+02 : f32
    %broadcast_in_dim3A_1554 = vector.broadcast %jit3A_1553 : f32 to vector<8x4096xf32>
    %select_n3A_1555 = arith.select %gt3A_1551, %broadcast_in_dim3A_1554, %select_n3A_1547 : vector<8x4096xi1>, vector<8x4096xf32>
    %get3A_1556 = arith.constant 1552 : index
    %get3A_1557 = arith.constant 0 : index
    %get3A_1558 = vector.load %arg6[%get3A_1556, %get3A_1557] : memref<4000x4096xf32, #tpu.memory_space<vmem>>, vector<8x4096xf32>
    %gt3A_1559 = arith.cmpf ogt, %get3A_1558, %max3A_1552 : vector<8x4096xf32>
    %max3A_1560 = arith.maximumf %get3A_1558, %max3A_1552 : vector<8x4096xf32>
    %jit3A_1561 = arith.constant 1.940000e+02 : f32
    %broadcast_in_dim3A_1562 = vector.broadcast %jit3A_1561 : f32 to vector<8x4096xf32>
    %select_n3A_1563 = arith.select %gt3A_1559, %broadcast_in_dim3A_1562, %select_n3A_1555 : vector<8x4096xi1>, vector<8x4096xf32>
    %get3A_1564 = arith.constant 1560 : index
    %get3A_1565 = arith.constant 0 : index
    %get3A_1566 = vector.load %arg6[%get3A_1564, %get3A_1565] : memref<4000x4096xf32, #tpu.memory_space<vmem>>, vector<8x4096xf32>
    %gt3A_1567 = arith.cmpf ogt, %get3A_1566, %max3A_1560 : vector<8x4096xf32>
    %max3A_1568 = arith.maximumf %get3A_1566, %max3A_1560 : vector<8x4096xf32>
    %jit3A_1569 = arith.constant 1.950000e+02 : f32
    %broadcast_in_dim3A_1570 = vector.broadcast %jit3A_1569 : f32 to vector<8x4096xf32>
    %select_n3A_1571 = arith.select %gt3A_1567, %broadcast_in_dim3A_1570, %select_n3A_1563 : vector<8x4096xi1>, vector<8x4096xf32>
    %get3A_1572 = arith.constant 1568 : index
    %get3A_1573 = arith.constant 0 : index
    %get3A_1574 = vector.load %arg6[%get3A_1572, %get3A_1573] : memref<4000x4096xf32, #tpu.memory_space<vmem>>, vector<8x4096xf32>
    %gt3A_1575 = arith.cmpf ogt, %get3A_1574, %max3A_1568 : vector<8x4096xf32>
    %max3A_1576 = arith.maximumf %get3A_1574, %max3A_1568 : vector<8x4096xf32>
    %jit3A_1577 = arith.constant 1.960000e+02 : f32
    %broadcast_in_dim3A_1578 = vector.broadcast %jit3A_1577 : f32 to vector<8x4096xf32>
    %select_n3A_1579 = arith.select %gt3A_1575, %broadcast_in_dim3A_1578, %select_n3A_1571 : vector<8x4096xi1>, vector<8x4096xf32>
    %get3A_1580 = arith.constant 1576 : index
    %get3A_1581 = arith.constant 0 : index
    %get3A_1582 = vector.load %arg6[%get3A_1580, %get3A_1581] : memref<4000x4096xf32, #tpu.memory_space<vmem>>, vector<8x4096xf32>
    %gt3A_1583 = arith.cmpf ogt, %get3A_1582, %max3A_1576 : vector<8x4096xf32>
    %max3A_1584 = arith.maximumf %get3A_1582, %max3A_1576 : vector<8x4096xf32>
    %jit3A_1585 = arith.constant 1.970000e+02 : f32
    %broadcast_in_dim3A_1586 = vector.broadcast %jit3A_1585 : f32 to vector<8x4096xf32>
    %select_n3A_1587 = arith.select %gt3A_1583, %broadcast_in_dim3A_1586, %select_n3A_1579 : vector<8x4096xi1>, vector<8x4096xf32>
    %get3A_1588 = arith.constant 1584 : index
    %get3A_1589 = arith.constant 0 : index
    %get3A_1590 = vector.load %arg6[%get3A_1588, %get3A_1589] : memref<4000x4096xf32, #tpu.memory_space<vmem>>, vector<8x4096xf32>
    %gt3A_1591 = arith.cmpf ogt, %get3A_1590, %max3A_1584 : vector<8x4096xf32>
    %max3A_1592 = arith.maximumf %get3A_1590, %max3A_1584 : vector<8x4096xf32>
    %jit3A_1593 = arith.constant 1.980000e+02 : f32
    %broadcast_in_dim3A_1594 = vector.broadcast %jit3A_1593 : f32 to vector<8x4096xf32>
    %select_n3A_1595 = arith.select %gt3A_1591, %broadcast_in_dim3A_1594, %select_n3A_1587 : vector<8x4096xi1>, vector<8x4096xf32>
    %get3A_1596 = arith.constant 1592 : index
    %get3A_1597 = arith.constant 0 : index
    %get3A_1598 = vector.load %arg6[%get3A_1596, %get3A_1597] : memref<4000x4096xf32, #tpu.memory_space<vmem>>, vector<8x4096xf32>
    %gt3A_1599 = arith.cmpf ogt, %get3A_1598, %max3A_1592 : vector<8x4096xf32>
    %max3A_1600 = arith.maximumf %get3A_1598, %max3A_1592 : vector<8x4096xf32>
    %jit3A_1601 = arith.constant 1.990000e+02 : f32
    %broadcast_in_dim3A_1602 = vector.broadcast %jit3A_1601 : f32 to vector<8x4096xf32>
    %select_n3A_1603 = arith.select %gt3A_1599, %broadcast_in_dim3A_1602, %select_n3A_1595 : vector<8x4096xi1>, vector<8x4096xf32>
    %get3A_1604 = arith.constant 1600 : index
    %get3A_1605 = arith.constant 0 : index
    %get3A_1606 = vector.load %arg6[%get3A_1604, %get3A_1605] : memref<4000x4096xf32, #tpu.memory_space<vmem>>, vector<8x4096xf32>
    %gt3A_1607 = arith.cmpf ogt, %get3A_1606, %max3A_1600 : vector<8x4096xf32>
    %max3A_1608 = arith.maximumf %get3A_1606, %max3A_1600 : vector<8x4096xf32>
    %jit3A_1609 = arith.constant 2.000000e+02 : f32
    %broadcast_in_dim3A_1610 = vector.broadcast %jit3A_1609 : f32 to vector<8x4096xf32>
    %select_n3A_1611 = arith.select %gt3A_1607, %broadcast_in_dim3A_1610, %select_n3A_1603 : vector<8x4096xi1>, vector<8x4096xf32>
    %get3A_1612 = arith.constant 1608 : index
    %get3A_1613 = arith.constant 0 : index
    %get3A_1614 = vector.load %arg6[%get3A_1612, %get3A_1613] : memref<4000x4096xf32, #tpu.memory_space<vmem>>, vector<8x4096xf32>
    %gt3A_1615 = arith.cmpf ogt, %get3A_1614, %max3A_1608 : vector<8x4096xf32>
    %max3A_1616 = arith.maximumf %get3A_1614, %max3A_1608 : vector<8x4096xf32>
    %jit3A_1617 = arith.constant 2.010000e+02 : f32
    %broadcast_in_dim3A_1618 = vector.broadcast %jit3A_1617 : f32 to vector<8x4096xf32>
    %select_n3A_1619 = arith.select %gt3A_1615, %broadcast_in_dim3A_1618, %select_n3A_1611 : vector<8x4096xi1>, vector<8x4096xf32>
    %get3A_1620 = arith.constant 1616 : index
    %get3A_1621 = arith.constant 0 : index
    %get3A_1622 = vector.load %arg6[%get3A_1620, %get3A_1621] : memref<4000x4096xf32, #tpu.memory_space<vmem>>, vector<8x4096xf32>
    %gt3A_1623 = arith.cmpf ogt, %get3A_1622, %max3A_1616 : vector<8x4096xf32>
    %max3A_1624 = arith.maximumf %get3A_1622, %max3A_1616 : vector<8x4096xf32>
    %jit3A_1625 = arith.constant 2.020000e+02 : f32
    %broadcast_in_dim3A_1626 = vector.broadcast %jit3A_1625 : f32 to vector<8x4096xf32>
    %select_n3A_1627 = arith.select %gt3A_1623, %broadcast_in_dim3A_1626, %select_n3A_1619 : vector<8x4096xi1>, vector<8x4096xf32>
    %get3A_1628 = arith.constant 1624 : index
    %get3A_1629 = arith.constant 0 : index
    %get3A_1630 = vector.load %arg6[%get3A_1628, %get3A_1629] : memref<4000x4096xf32, #tpu.memory_space<vmem>>, vector<8x4096xf32>
    %gt3A_1631 = arith.cmpf ogt, %get3A_1630, %max3A_1624 : vector<8x4096xf32>
    %max3A_1632 = arith.maximumf %get3A_1630, %max3A_1624 : vector<8x4096xf32>
    %jit3A_1633 = arith.constant 2.030000e+02 : f32
    %broadcast_in_dim3A_1634 = vector.broadcast %jit3A_1633 : f32 to vector<8x4096xf32>
    %select_n3A_1635 = arith.select %gt3A_1631, %broadcast_in_dim3A_1634, %select_n3A_1627 : vector<8x4096xi1>, vector<8x4096xf32>
    %get3A_1636 = arith.constant 1632 : index
    %get3A_1637 = arith.constant 0 : index
    %get3A_1638 = vector.load %arg6[%get3A_1636, %get3A_1637] : memref<4000x4096xf32, #tpu.memory_space<vmem>>, vector<8x4096xf32>
    %gt3A_1639 = arith.cmpf ogt, %get3A_1638, %max3A_1632 : vector<8x4096xf32>
    %max3A_1640 = arith.maximumf %get3A_1638, %max3A_1632 : vector<8x4096xf32>
    %jit3A_1641 = arith.constant 2.040000e+02 : f32
    %broadcast_in_dim3A_1642 = vector.broadcast %jit3A_1641 : f32 to vector<8x4096xf32>
    %select_n3A_1643 = arith.select %gt3A_1639, %broadcast_in_dim3A_1642, %select_n3A_1635 : vector<8x4096xi1>, vector<8x4096xf32>
    %get3A_1644 = arith.constant 1640 : index
    %get3A_1645 = arith.constant 0 : index
    %get3A_1646 = vector.load %arg6[%get3A_1644, %get3A_1645] : memref<4000x4096xf32, #tpu.memory_space<vmem>>, vector<8x4096xf32>
    %gt3A_1647 = arith.cmpf ogt, %get3A_1646, %max3A_1640 : vector<8x4096xf32>
    %max3A_1648 = arith.maximumf %get3A_1646, %max3A_1640 : vector<8x4096xf32>
    %jit3A_1649 = arith.constant 2.050000e+02 : f32
    %broadcast_in_dim3A_1650 = vector.broadcast %jit3A_1649 : f32 to vector<8x4096xf32>
    %select_n3A_1651 = arith.select %gt3A_1647, %broadcast_in_dim3A_1650, %select_n3A_1643 : vector<8x4096xi1>, vector<8x4096xf32>
    %get3A_1652 = arith.constant 1648 : index
    %get3A_1653 = arith.constant 0 : index
    %get3A_1654 = vector.load %arg6[%get3A_1652, %get3A_1653] : memref<4000x4096xf32, #tpu.memory_space<vmem>>, vector<8x4096xf32>
    %gt3A_1655 = arith.cmpf ogt, %get3A_1654, %max3A_1648 : vector<8x4096xf32>
    %max3A_1656 = arith.maximumf %get3A_1654, %max3A_1648 : vector<8x4096xf32>
    %jit3A_1657 = arith.constant 2.060000e+02 : f32
    %broadcast_in_dim3A_1658 = vector.broadcast %jit3A_1657 : f32 to vector<8x4096xf32>
    %select_n3A_1659 = arith.select %gt3A_1655, %broadcast_in_dim3A_1658, %select_n3A_1651 : vector<8x4096xi1>, vector<8x4096xf32>
    %get3A_1660 = arith.constant 1656 : index
    %get3A_1661 = arith.constant 0 : index
    %get3A_1662 = vector.load %arg6[%get3A_1660, %get3A_1661] : memref<4000x4096xf32, #tpu.memory_space<vmem>>, vector<8x4096xf32>
    %gt3A_1663 = arith.cmpf ogt, %get3A_1662, %max3A_1656 : vector<8x4096xf32>
    %max3A_1664 = arith.maximumf %get3A_1662, %max3A_1656 : vector<8x4096xf32>
    %jit3A_1665 = arith.constant 2.070000e+02 : f32
    %broadcast_in_dim3A_1666 = vector.broadcast %jit3A_1665 : f32 to vector<8x4096xf32>
    %select_n3A_1667 = arith.select %gt3A_1663, %broadcast_in_dim3A_1666, %select_n3A_1659 : vector<8x4096xi1>, vector<8x4096xf32>
    %get3A_1668 = arith.constant 1664 : index
    %get3A_1669 = arith.constant 0 : index
    %get3A_1670 = vector.load %arg6[%get3A_1668, %get3A_1669] : memref<4000x4096xf32, #tpu.memory_space<vmem>>, vector<8x4096xf32>
    %gt3A_1671 = arith.cmpf ogt, %get3A_1670, %max3A_1664 : vector<8x4096xf32>
    %max3A_1672 = arith.maximumf %get3A_1670, %max3A_1664 : vector<8x4096xf32>
    %jit3A_1673 = arith.constant 2.080000e+02 : f32
    %broadcast_in_dim3A_1674 = vector.broadcast %jit3A_1673 : f32 to vector<8x4096xf32>
    %select_n3A_1675 = arith.select %gt3A_1671, %broadcast_in_dim3A_1674, %select_n3A_1667 : vector<8x4096xi1>, vector<8x4096xf32>
    %get3A_1676 = arith.constant 1672 : index
    %get3A_1677 = arith.constant 0 : index
    %get3A_1678 = vector.load %arg6[%get3A_1676, %get3A_1677] : memref<4000x4096xf32, #tpu.memory_space<vmem>>, vector<8x4096xf32>
    %gt3A_1679 = arith.cmpf ogt, %get3A_1678, %max3A_1672 : vector<8x4096xf32>
    %max3A_1680 = arith.maximumf %get3A_1678, %max3A_1672 : vector<8x4096xf32>
    %jit3A_1681 = arith.constant 2.090000e+02 : f32
    %broadcast_in_dim3A_1682 = vector.broadcast %jit3A_1681 : f32 to vector<8x4096xf32>
    %select_n3A_1683 = arith.select %gt3A_1679, %broadcast_in_dim3A_1682, %select_n3A_1675 : vector<8x4096xi1>, vector<8x4096xf32>
    %get3A_1684 = arith.constant 1680 : index
    %get3A_1685 = arith.constant 0 : index
    %get3A_1686 = vector.load %arg6[%get3A_1684, %get3A_1685] : memref<4000x4096xf32, #tpu.memory_space<vmem>>, vector<8x4096xf32>
    %gt3A_1687 = arith.cmpf ogt, %get3A_1686, %max3A_1680 : vector<8x4096xf32>
    %max3A_1688 = arith.maximumf %get3A_1686, %max3A_1680 : vector<8x4096xf32>
    %jit3A_1689 = arith.constant 2.100000e+02 : f32
    %broadcast_in_dim3A_1690 = vector.broadcast %jit3A_1689 : f32 to vector<8x4096xf32>
    %select_n3A_1691 = arith.select %gt3A_1687, %broadcast_in_dim3A_1690, %select_n3A_1683 : vector<8x4096xi1>, vector<8x4096xf32>
    %get3A_1692 = arith.constant 1688 : index
    %get3A_1693 = arith.constant 0 : index
    %get3A_1694 = vector.load %arg6[%get3A_1692, %get3A_1693] : memref<4000x4096xf32, #tpu.memory_space<vmem>>, vector<8x4096xf32>
    %gt3A_1695 = arith.cmpf ogt, %get3A_1694, %max3A_1688 : vector<8x4096xf32>
    %max3A_1696 = arith.maximumf %get3A_1694, %max3A_1688 : vector<8x4096xf32>
    %jit3A_1697 = arith.constant 2.110000e+02 : f32
    %broadcast_in_dim3A_1698 = vector.broadcast %jit3A_1697 : f32 to vector<8x4096xf32>
    %select_n3A_1699 = arith.select %gt3A_1695, %broadcast_in_dim3A_1698, %select_n3A_1691 : vector<8x4096xi1>, vector<8x4096xf32>
    %get3A_1700 = arith.constant 1696 : index
    %get3A_1701 = arith.constant 0 : index
    %get3A_1702 = vector.load %arg6[%get3A_1700, %get3A_1701] : memref<4000x4096xf32, #tpu.memory_space<vmem>>, vector<8x4096xf32>
    %gt3A_1703 = arith.cmpf ogt, %get3A_1702, %max3A_1696 : vector<8x4096xf32>
    %max3A_1704 = arith.maximumf %get3A_1702, %max3A_1696 : vector<8x4096xf32>
    %jit3A_1705 = arith.constant 2.120000e+02 : f32
    %broadcast_in_dim3A_1706 = vector.broadcast %jit3A_1705 : f32 to vector<8x4096xf32>
    %select_n3A_1707 = arith.select %gt3A_1703, %broadcast_in_dim3A_1706, %select_n3A_1699 : vector<8x4096xi1>, vector<8x4096xf32>
    %get3A_1708 = arith.constant 1704 : index
    %get3A_1709 = arith.constant 0 : index
    %get3A_1710 = vector.load %arg6[%get3A_1708, %get3A_1709] : memref<4000x4096xf32, #tpu.memory_space<vmem>>, vector<8x4096xf32>
    %gt3A_1711 = arith.cmpf ogt, %get3A_1710, %max3A_1704 : vector<8x4096xf32>
    %max3A_1712 = arith.maximumf %get3A_1710, %max3A_1704 : vector<8x4096xf32>
    %jit3A_1713 = arith.constant 2.130000e+02 : f32
    %broadcast_in_dim3A_1714 = vector.broadcast %jit3A_1713 : f32 to vector<8x4096xf32>
    %select_n3A_1715 = arith.select %gt3A_1711, %broadcast_in_dim3A_1714, %select_n3A_1707 : vector<8x4096xi1>, vector<8x4096xf32>
    %get3A_1716 = arith.constant 1712 : index
    %get3A_1717 = arith.constant 0 : index
    %get3A_1718 = vector.load %arg6[%get3A_1716, %get3A_1717] : memref<4000x4096xf32, #tpu.memory_space<vmem>>, vector<8x4096xf32>
    %gt3A_1719 = arith.cmpf ogt, %get3A_1718, %max3A_1712 : vector<8x4096xf32>
    %max3A_1720 = arith.maximumf %get3A_1718, %max3A_1712 : vector<8x4096xf32>
    %jit3A_1721 = arith.constant 2.140000e+02 : f32
    %broadcast_in_dim3A_1722 = vector.broadcast %jit3A_1721 : f32 to vector<8x4096xf32>
    %select_n3A_1723 = arith.select %gt3A_1719, %broadcast_in_dim3A_1722, %select_n3A_1715 : vector<8x4096xi1>, vector<8x4096xf32>
    %get3A_1724 = arith.constant 1720 : index
    %get3A_1725 = arith.constant 0 : index
    %get3A_1726 = vector.load %arg6[%get3A_1724, %get3A_1725] : memref<4000x4096xf32, #tpu.memory_space<vmem>>, vector<8x4096xf32>
    %gt3A_1727 = arith.cmpf ogt, %get3A_1726, %max3A_1720 : vector<8x4096xf32>
    %max3A_1728 = arith.maximumf %get3A_1726, %max3A_1720 : vector<8x4096xf32>
    %jit3A_1729 = arith.constant 2.150000e+02 : f32
    %broadcast_in_dim3A_1730 = vector.broadcast %jit3A_1729 : f32 to vector<8x4096xf32>
    %select_n3A_1731 = arith.select %gt3A_1727, %broadcast_in_dim3A_1730, %select_n3A_1723 : vector<8x4096xi1>, vector<8x4096xf32>
    %get3A_1732 = arith.constant 1728 : index
    %get3A_1733 = arith.constant 0 : index
    %get3A_1734 = vector.load %arg6[%get3A_1732, %get3A_1733] : memref<4000x4096xf32, #tpu.memory_space<vmem>>, vector<8x4096xf32>
    %gt3A_1735 = arith.cmpf ogt, %get3A_1734, %max3A_1728 : vector<8x4096xf32>
    %max3A_1736 = arith.maximumf %get3A_1734, %max3A_1728 : vector<8x4096xf32>
    %jit3A_1737 = arith.constant 2.160000e+02 : f32
    %broadcast_in_dim3A_1738 = vector.broadcast %jit3A_1737 : f32 to vector<8x4096xf32>
    %select_n3A_1739 = arith.select %gt3A_1735, %broadcast_in_dim3A_1738, %select_n3A_1731 : vector<8x4096xi1>, vector<8x4096xf32>
    %get3A_1740 = arith.constant 1736 : index
    %get3A_1741 = arith.constant 0 : index
    %get3A_1742 = vector.load %arg6[%get3A_1740, %get3A_1741] : memref<4000x4096xf32, #tpu.memory_space<vmem>>, vector<8x4096xf32>
    %gt3A_1743 = arith.cmpf ogt, %get3A_1742, %max3A_1736 : vector<8x4096xf32>
    %max3A_1744 = arith.maximumf %get3A_1742, %max3A_1736 : vector<8x4096xf32>
    %jit3A_1745 = arith.constant 2.170000e+02 : f32
    %broadcast_in_dim3A_1746 = vector.broadcast %jit3A_1745 : f32 to vector<8x4096xf32>
    %select_n3A_1747 = arith.select %gt3A_1743, %broadcast_in_dim3A_1746, %select_n3A_1739 : vector<8x4096xi1>, vector<8x4096xf32>
    %get3A_1748 = arith.constant 1744 : index
    %get3A_1749 = arith.constant 0 : index
    %get3A_1750 = vector.load %arg6[%get3A_1748, %get3A_1749] : memref<4000x4096xf32, #tpu.memory_space<vmem>>, vector<8x4096xf32>
    %gt3A_1751 = arith.cmpf ogt, %get3A_1750, %max3A_1744 : vector<8x4096xf32>
    %max3A_1752 = arith.maximumf %get3A_1750, %max3A_1744 : vector<8x4096xf32>
    %jit3A_1753 = arith.constant 2.180000e+02 : f32
    %broadcast_in_dim3A_1754 = vector.broadcast %jit3A_1753 : f32 to vector<8x4096xf32>
    %select_n3A_1755 = arith.select %gt3A_1751, %broadcast_in_dim3A_1754, %select_n3A_1747 : vector<8x4096xi1>, vector<8x4096xf32>
    %get3A_1756 = arith.constant 1752 : index
    %get3A_1757 = arith.constant 0 : index
    %get3A_1758 = vector.load %arg6[%get3A_1756, %get3A_1757] : memref<4000x4096xf32, #tpu.memory_space<vmem>>, vector<8x4096xf32>
    %gt3A_1759 = arith.cmpf ogt, %get3A_1758, %max3A_1752 : vector<8x4096xf32>
    %max3A_1760 = arith.maximumf %get3A_1758, %max3A_1752 : vector<8x4096xf32>
    %jit3A_1761 = arith.constant 2.190000e+02 : f32
    %broadcast_in_dim3A_1762 = vector.broadcast %jit3A_1761 : f32 to vector<8x4096xf32>
    %select_n3A_1763 = arith.select %gt3A_1759, %broadcast_in_dim3A_1762, %select_n3A_1755 : vector<8x4096xi1>, vector<8x4096xf32>
    %get3A_1764 = arith.constant 1760 : index
    %get3A_1765 = arith.constant 0 : index
    %get3A_1766 = vector.load %arg6[%get3A_1764, %get3A_1765] : memref<4000x4096xf32, #tpu.memory_space<vmem>>, vector<8x4096xf32>
    %gt3A_1767 = arith.cmpf ogt, %get3A_1766, %max3A_1760 : vector<8x4096xf32>
    %max3A_1768 = arith.maximumf %get3A_1766, %max3A_1760 : vector<8x4096xf32>
    %jit3A_1769 = arith.constant 2.200000e+02 : f32
    %broadcast_in_dim3A_1770 = vector.broadcast %jit3A_1769 : f32 to vector<8x4096xf32>
    %select_n3A_1771 = arith.select %gt3A_1767, %broadcast_in_dim3A_1770, %select_n3A_1763 : vector<8x4096xi1>, vector<8x4096xf32>
    %get3A_1772 = arith.constant 1768 : index
    %get3A_1773 = arith.constant 0 : index
    %get3A_1774 = vector.load %arg6[%get3A_1772, %get3A_1773] : memref<4000x4096xf32, #tpu.memory_space<vmem>>, vector<8x4096xf32>
    %gt3A_1775 = arith.cmpf ogt, %get3A_1774, %max3A_1768 : vector<8x4096xf32>
    %max3A_1776 = arith.maximumf %get3A_1774, %max3A_1768 : vector<8x4096xf32>
    %jit3A_1777 = arith.constant 2.210000e+02 : f32
    %broadcast_in_dim3A_1778 = vector.broadcast %jit3A_1777 : f32 to vector<8x4096xf32>
    %select_n3A_1779 = arith.select %gt3A_1775, %broadcast_in_dim3A_1778, %select_n3A_1771 : vector<8x4096xi1>, vector<8x4096xf32>
    %get3A_1780 = arith.constant 1776 : index
    %get3A_1781 = arith.constant 0 : index
    %get3A_1782 = vector.load %arg6[%get3A_1780, %get3A_1781] : memref<4000x4096xf32, #tpu.memory_space<vmem>>, vector<8x4096xf32>
    %gt3A_1783 = arith.cmpf ogt, %get3A_1782, %max3A_1776 : vector<8x4096xf32>
    %max3A_1784 = arith.maximumf %get3A_1782, %max3A_1776 : vector<8x4096xf32>
    %jit3A_1785 = arith.constant 2.220000e+02 : f32
    %broadcast_in_dim3A_1786 = vector.broadcast %jit3A_1785 : f32 to vector<8x4096xf32>
    %select_n3A_1787 = arith.select %gt3A_1783, %broadcast_in_dim3A_1786, %select_n3A_1779 : vector<8x4096xi1>, vector<8x4096xf32>
    %get3A_1788 = arith.constant 1784 : index
    %get3A_1789 = arith.constant 0 : index
    %get3A_1790 = vector.load %arg6[%get3A_1788, %get3A_1789] : memref<4000x4096xf32, #tpu.memory_space<vmem>>, vector<8x4096xf32>
    %gt3A_1791 = arith.cmpf ogt, %get3A_1790, %max3A_1784 : vector<8x4096xf32>
    %max3A_1792 = arith.maximumf %get3A_1790, %max3A_1784 : vector<8x4096xf32>
    %jit3A_1793 = arith.constant 2.230000e+02 : f32
    %broadcast_in_dim3A_1794 = vector.broadcast %jit3A_1793 : f32 to vector<8x4096xf32>
    %select_n3A_1795 = arith.select %gt3A_1791, %broadcast_in_dim3A_1794, %select_n3A_1787 : vector<8x4096xi1>, vector<8x4096xf32>
    %get3A_1796 = arith.constant 1792 : index
    %get3A_1797 = arith.constant 0 : index
    %get3A_1798 = vector.load %arg6[%get3A_1796, %get3A_1797] : memref<4000x4096xf32, #tpu.memory_space<vmem>>, vector<8x4096xf32>
    %gt3A_1799 = arith.cmpf ogt, %get3A_1798, %max3A_1792 : vector<8x4096xf32>
    %max3A_1800 = arith.maximumf %get3A_1798, %max3A_1792 : vector<8x4096xf32>
    %jit3A_1801 = arith.constant 2.240000e+02 : f32
    %broadcast_in_dim3A_1802 = vector.broadcast %jit3A_1801 : f32 to vector<8x4096xf32>
    %select_n3A_1803 = arith.select %gt3A_1799, %broadcast_in_dim3A_1802, %select_n3A_1795 : vector<8x4096xi1>, vector<8x4096xf32>
    %get3A_1804 = arith.constant 1800 : index
    %get3A_1805 = arith.constant 0 : index
    %get3A_1806 = vector.load %arg6[%get3A_1804, %get3A_1805] : memref<4000x4096xf32, #tpu.memory_space<vmem>>, vector<8x4096xf32>
    %gt3A_1807 = arith.cmpf ogt, %get3A_1806, %max3A_1800 : vector<8x4096xf32>
    %max3A_1808 = arith.maximumf %get3A_1806, %max3A_1800 : vector<8x4096xf32>
    %jit3A_1809 = arith.constant 2.250000e+02 : f32
    %broadcast_in_dim3A_1810 = vector.broadcast %jit3A_1809 : f32 to vector<8x4096xf32>
    %select_n3A_1811 = arith.select %gt3A_1807, %broadcast_in_dim3A_1810, %select_n3A_1803 : vector<8x4096xi1>, vector<8x4096xf32>
    %get3A_1812 = arith.constant 1808 : index
    %get3A_1813 = arith.constant 0 : index
    %get3A_1814 = vector.load %arg6[%get3A_1812, %get3A_1813] : memref<4000x4096xf32, #tpu.memory_space<vmem>>, vector<8x4096xf32>
    %gt3A_1815 = arith.cmpf ogt, %get3A_1814, %max3A_1808 : vector<8x4096xf32>
    %max3A_1816 = arith.maximumf %get3A_1814, %max3A_1808 : vector<8x4096xf32>
    %jit3A_1817 = arith.constant 2.260000e+02 : f32
    %broadcast_in_dim3A_1818 = vector.broadcast %jit3A_1817 : f32 to vector<8x4096xf32>
    %select_n3A_1819 = arith.select %gt3A_1815, %broadcast_in_dim3A_1818, %select_n3A_1811 : vector<8x4096xi1>, vector<8x4096xf32>
    %get3A_1820 = arith.constant 1816 : index
    %get3A_1821 = arith.constant 0 : index
    %get3A_1822 = vector.load %arg6[%get3A_1820, %get3A_1821] : memref<4000x4096xf32, #tpu.memory_space<vmem>>, vector<8x4096xf32>
    %gt3A_1823 = arith.cmpf ogt, %get3A_1822, %max3A_1816 : vector<8x4096xf32>
    %max3A_1824 = arith.maximumf %get3A_1822, %max3A_1816 : vector<8x4096xf32>
    %jit3A_1825 = arith.constant 2.270000e+02 : f32
    %broadcast_in_dim3A_1826 = vector.broadcast %jit3A_1825 : f32 to vector<8x4096xf32>
    %select_n3A_1827 = arith.select %gt3A_1823, %broadcast_in_dim3A_1826, %select_n3A_1819 : vector<8x4096xi1>, vector<8x4096xf32>
    %get3A_1828 = arith.constant 1824 : index
    %get3A_1829 = arith.constant 0 : index
    %get3A_1830 = vector.load %arg6[%get3A_1828, %get3A_1829] : memref<4000x4096xf32, #tpu.memory_space<vmem>>, vector<8x4096xf32>
    %gt3A_1831 = arith.cmpf ogt, %get3A_1830, %max3A_1824 : vector<8x4096xf32>
    %max3A_1832 = arith.maximumf %get3A_1830, %max3A_1824 : vector<8x4096xf32>
    %jit3A_1833 = arith.constant 2.280000e+02 : f32
    %broadcast_in_dim3A_1834 = vector.broadcast %jit3A_1833 : f32 to vector<8x4096xf32>
    %select_n3A_1835 = arith.select %gt3A_1831, %broadcast_in_dim3A_1834, %select_n3A_1827 : vector<8x4096xi1>, vector<8x4096xf32>
    %get3A_1836 = arith.constant 1832 : index
    %get3A_1837 = arith.constant 0 : index
    %get3A_1838 = vector.load %arg6[%get3A_1836, %get3A_1837] : memref<4000x4096xf32, #tpu.memory_space<vmem>>, vector<8x4096xf32>
    %gt3A_1839 = arith.cmpf ogt, %get3A_1838, %max3A_1832 : vector<8x4096xf32>
    %max3A_1840 = arith.maximumf %get3A_1838, %max3A_1832 : vector<8x4096xf32>
    %jit3A_1841 = arith.constant 2.290000e+02 : f32
    %broadcast_in_dim3A_1842 = vector.broadcast %jit3A_1841 : f32 to vector<8x4096xf32>
    %select_n3A_1843 = arith.select %gt3A_1839, %broadcast_in_dim3A_1842, %select_n3A_1835 : vector<8x4096xi1>, vector<8x4096xf32>
    %get3A_1844 = arith.constant 1840 : index
    %get3A_1845 = arith.constant 0 : index
    %get3A_1846 = vector.load %arg6[%get3A_1844, %get3A_1845] : memref<4000x4096xf32, #tpu.memory_space<vmem>>, vector<8x4096xf32>
    %gt3A_1847 = arith.cmpf ogt, %get3A_1846, %max3A_1840 : vector<8x4096xf32>
    %max3A_1848 = arith.maximumf %get3A_1846, %max3A_1840 : vector<8x4096xf32>
    %jit3A_1849 = arith.constant 2.300000e+02 : f32
    %broadcast_in_dim3A_1850 = vector.broadcast %jit3A_1849 : f32 to vector<8x4096xf32>
    %select_n3A_1851 = arith.select %gt3A_1847, %broadcast_in_dim3A_1850, %select_n3A_1843 : vector<8x4096xi1>, vector<8x4096xf32>
    %get3A_1852 = arith.constant 1848 : index
    %get3A_1853 = arith.constant 0 : index
    %get3A_1854 = vector.load %arg6[%get3A_1852, %get3A_1853] : memref<4000x4096xf32, #tpu.memory_space<vmem>>, vector<8x4096xf32>
    %gt3A_1855 = arith.cmpf ogt, %get3A_1854, %max3A_1848 : vector<8x4096xf32>
    %max3A_1856 = arith.maximumf %get3A_1854, %max3A_1848 : vector<8x4096xf32>
    %jit3A_1857 = arith.constant 2.310000e+02 : f32
    %broadcast_in_dim3A_1858 = vector.broadcast %jit3A_1857 : f32 to vector<8x4096xf32>
    %select_n3A_1859 = arith.select %gt3A_1855, %broadcast_in_dim3A_1858, %select_n3A_1851 : vector<8x4096xi1>, vector<8x4096xf32>
    %get3A_1860 = arith.constant 1856 : index
    %get3A_1861 = arith.constant 0 : index
    %get3A_1862 = vector.load %arg6[%get3A_1860, %get3A_1861] : memref<4000x4096xf32, #tpu.memory_space<vmem>>, vector<8x4096xf32>
    %gt3A_1863 = arith.cmpf ogt, %get3A_1862, %max3A_1856 : vector<8x4096xf32>
    %max3A_1864 = arith.maximumf %get3A_1862, %max3A_1856 : vector<8x4096xf32>
    %jit3A_1865 = arith.constant 2.320000e+02 : f32
    %broadcast_in_dim3A_1866 = vector.broadcast %jit3A_1865 : f32 to vector<8x4096xf32>
    %select_n3A_1867 = arith.select %gt3A_1863, %broadcast_in_dim3A_1866, %select_n3A_1859 : vector<8x4096xi1>, vector<8x4096xf32>
    %get3A_1868 = arith.constant 1864 : index
    %get3A_1869 = arith.constant 0 : index
    %get3A_1870 = vector.load %arg6[%get3A_1868, %get3A_1869] : memref<4000x4096xf32, #tpu.memory_space<vmem>>, vector<8x4096xf32>
    %gt3A_1871 = arith.cmpf ogt, %get3A_1870, %max3A_1864 : vector<8x4096xf32>
    %max3A_1872 = arith.maximumf %get3A_1870, %max3A_1864 : vector<8x4096xf32>
    %jit3A_1873 = arith.constant 2.330000e+02 : f32
    %broadcast_in_dim3A_1874 = vector.broadcast %jit3A_1873 : f32 to vector<8x4096xf32>
    %select_n3A_1875 = arith.select %gt3A_1871, %broadcast_in_dim3A_1874, %select_n3A_1867 : vector<8x4096xi1>, vector<8x4096xf32>
    %get3A_1876 = arith.constant 1872 : index
    %get3A_1877 = arith.constant 0 : index
    %get3A_1878 = vector.load %arg6[%get3A_1876, %get3A_1877] : memref<4000x4096xf32, #tpu.memory_space<vmem>>, vector<8x4096xf32>
    %gt3A_1879 = arith.cmpf ogt, %get3A_1878, %max3A_1872 : vector<8x4096xf32>
    %max3A_1880 = arith.maximumf %get3A_1878, %max3A_1872 : vector<8x4096xf32>
    %jit3A_1881 = arith.constant 2.340000e+02 : f32
    %broadcast_in_dim3A_1882 = vector.broadcast %jit3A_1881 : f32 to vector<8x4096xf32>
    %select_n3A_1883 = arith.select %gt3A_1879, %broadcast_in_dim3A_1882, %select_n3A_1875 : vector<8x4096xi1>, vector<8x4096xf32>
    %get3A_1884 = arith.constant 1880 : index
    %get3A_1885 = arith.constant 0 : index
    %get3A_1886 = vector.load %arg6[%get3A_1884, %get3A_1885] : memref<4000x4096xf32, #tpu.memory_space<vmem>>, vector<8x4096xf32>
    %gt3A_1887 = arith.cmpf ogt, %get3A_1886, %max3A_1880 : vector<8x4096xf32>
    %max3A_1888 = arith.maximumf %get3A_1886, %max3A_1880 : vector<8x4096xf32>
    %jit3A_1889 = arith.constant 2.350000e+02 : f32
    %broadcast_in_dim3A_1890 = vector.broadcast %jit3A_1889 : f32 to vector<8x4096xf32>
    %select_n3A_1891 = arith.select %gt3A_1887, %broadcast_in_dim3A_1890, %select_n3A_1883 : vector<8x4096xi1>, vector<8x4096xf32>
    %get3A_1892 = arith.constant 1888 : index
    %get3A_1893 = arith.constant 0 : index
    %get3A_1894 = vector.load %arg6[%get3A_1892, %get3A_1893] : memref<4000x4096xf32, #tpu.memory_space<vmem>>, vector<8x4096xf32>
    %gt3A_1895 = arith.cmpf ogt, %get3A_1894, %max3A_1888 : vector<8x4096xf32>
    %max3A_1896 = arith.maximumf %get3A_1894, %max3A_1888 : vector<8x4096xf32>
    %jit3A_1897 = arith.constant 2.360000e+02 : f32
    %broadcast_in_dim3A_1898 = vector.broadcast %jit3A_1897 : f32 to vector<8x4096xf32>
    %select_n3A_1899 = arith.select %gt3A_1895, %broadcast_in_dim3A_1898, %select_n3A_1891 : vector<8x4096xi1>, vector<8x4096xf32>
    %get3A_1900 = arith.constant 1896 : index
    %get3A_1901 = arith.constant 0 : index
    %get3A_1902 = vector.load %arg6[%get3A_1900, %get3A_1901] : memref<4000x4096xf32, #tpu.memory_space<vmem>>, vector<8x4096xf32>
    %gt3A_1903 = arith.cmpf ogt, %get3A_1902, %max3A_1896 : vector<8x4096xf32>
    %max3A_1904 = arith.maximumf %get3A_1902, %max3A_1896 : vector<8x4096xf32>
    %jit3A_1905 = arith.constant 2.370000e+02 : f32
    %broadcast_in_dim3A_1906 = vector.broadcast %jit3A_1905 : f32 to vector<8x4096xf32>
    %select_n3A_1907 = arith.select %gt3A_1903, %broadcast_in_dim3A_1906, %select_n3A_1899 : vector<8x4096xi1>, vector<8x4096xf32>
    %get3A_1908 = arith.constant 1904 : index
    %get3A_1909 = arith.constant 0 : index
    %get3A_1910 = vector.load %arg6[%get3A_1908, %get3A_1909] : memref<4000x4096xf32, #tpu.memory_space<vmem>>, vector<8x4096xf32>
    %gt3A_1911 = arith.cmpf ogt, %get3A_1910, %max3A_1904 : vector<8x4096xf32>
    %max3A_1912 = arith.maximumf %get3A_1910, %max3A_1904 : vector<8x4096xf32>
    %jit3A_1913 = arith.constant 2.380000e+02 : f32
    %broadcast_in_dim3A_1914 = vector.broadcast %jit3A_1913 : f32 to vector<8x4096xf32>
    %select_n3A_1915 = arith.select %gt3A_1911, %broadcast_in_dim3A_1914, %select_n3A_1907 : vector<8x4096xi1>, vector<8x4096xf32>
    %get3A_1916 = arith.constant 1912 : index
    %get3A_1917 = arith.constant 0 : index
    %get3A_1918 = vector.load %arg6[%get3A_1916, %get3A_1917] : memref<4000x4096xf32, #tpu.memory_space<vmem>>, vector<8x4096xf32>
    %gt3A_1919 = arith.cmpf ogt, %get3A_1918, %max3A_1912 : vector<8x4096xf32>
    %max3A_1920 = arith.maximumf %get3A_1918, %max3A_1912 : vector<8x4096xf32>
    %jit3A_1921 = arith.constant 2.390000e+02 : f32
    %broadcast_in_dim3A_1922 = vector.broadcast %jit3A_1921 : f32 to vector<8x4096xf32>
    %select_n3A_1923 = arith.select %gt3A_1919, %broadcast_in_dim3A_1922, %select_n3A_1915 : vector<8x4096xi1>, vector<8x4096xf32>
    %get3A_1924 = arith.constant 1920 : index
    %get3A_1925 = arith.constant 0 : index
    %get3A_1926 = vector.load %arg6[%get3A_1924, %get3A_1925] : memref<4000x4096xf32, #tpu.memory_space<vmem>>, vector<8x4096xf32>
    %gt3A_1927 = arith.cmpf ogt, %get3A_1926, %max3A_1920 : vector<8x4096xf32>
    %max3A_1928 = arith.maximumf %get3A_1926, %max3A_1920 : vector<8x4096xf32>
    %jit3A_1929 = arith.constant 2.400000e+02 : f32
    %broadcast_in_dim3A_1930 = vector.broadcast %jit3A_1929 : f32 to vector<8x4096xf32>
    %select_n3A_1931 = arith.select %gt3A_1927, %broadcast_in_dim3A_1930, %select_n3A_1923 : vector<8x4096xi1>, vector<8x4096xf32>
    %get3A_1932 = arith.constant 1928 : index
    %get3A_1933 = arith.constant 0 : index
    %get3A_1934 = vector.load %arg6[%get3A_1932, %get3A_1933] : memref<4000x4096xf32, #tpu.memory_space<vmem>>, vector<8x4096xf32>
    %gt3A_1935 = arith.cmpf ogt, %get3A_1934, %max3A_1928 : vector<8x4096xf32>
    %max3A_1936 = arith.maximumf %get3A_1934, %max3A_1928 : vector<8x4096xf32>
    %jit3A_1937 = arith.constant 2.410000e+02 : f32
    %broadcast_in_dim3A_1938 = vector.broadcast %jit3A_1937 : f32 to vector<8x4096xf32>
    %select_n3A_1939 = arith.select %gt3A_1935, %broadcast_in_dim3A_1938, %select_n3A_1931 : vector<8x4096xi1>, vector<8x4096xf32>
    %get3A_1940 = arith.constant 1936 : index
    %get3A_1941 = arith.constant 0 : index
    %get3A_1942 = vector.load %arg6[%get3A_1940, %get3A_1941] : memref<4000x4096xf32, #tpu.memory_space<vmem>>, vector<8x4096xf32>
    %gt3A_1943 = arith.cmpf ogt, %get3A_1942, %max3A_1936 : vector<8x4096xf32>
    %max3A_1944 = arith.maximumf %get3A_1942, %max3A_1936 : vector<8x4096xf32>
    %jit3A_1945 = arith.constant 2.420000e+02 : f32
    %broadcast_in_dim3A_1946 = vector.broadcast %jit3A_1945 : f32 to vector<8x4096xf32>
    %select_n3A_1947 = arith.select %gt3A_1943, %broadcast_in_dim3A_1946, %select_n3A_1939 : vector<8x4096xi1>, vector<8x4096xf32>
    %get3A_1948 = arith.constant 1944 : index
    %get3A_1949 = arith.constant 0 : index
    %get3A_1950 = vector.load %arg6[%get3A_1948, %get3A_1949] : memref<4000x4096xf32, #tpu.memory_space<vmem>>, vector<8x4096xf32>
    %gt3A_1951 = arith.cmpf ogt, %get3A_1950, %max3A_1944 : vector<8x4096xf32>
    %max3A_1952 = arith.maximumf %get3A_1950, %max3A_1944 : vector<8x4096xf32>
    %jit3A_1953 = arith.constant 2.430000e+02 : f32
    %broadcast_in_dim3A_1954 = vector.broadcast %jit3A_1953 : f32 to vector<8x4096xf32>
    %select_n3A_1955 = arith.select %gt3A_1951, %broadcast_in_dim3A_1954, %select_n3A_1947 : vector<8x4096xi1>, vector<8x4096xf32>
    %get3A_1956 = arith.constant 1952 : index
    %get3A_1957 = arith.constant 0 : index
    %get3A_1958 = vector.load %arg6[%get3A_1956, %get3A_1957] : memref<4000x4096xf32, #tpu.memory_space<vmem>>, vector<8x4096xf32>
    %gt3A_1959 = arith.cmpf ogt, %get3A_1958, %max3A_1952 : vector<8x4096xf32>
    %max3A_1960 = arith.maximumf %get3A_1958, %max3A_1952 : vector<8x4096xf32>
    %jit3A_1961 = arith.constant 2.440000e+02 : f32
    %broadcast_in_dim3A_1962 = vector.broadcast %jit3A_1961 : f32 to vector<8x4096xf32>
    %select_n3A_1963 = arith.select %gt3A_1959, %broadcast_in_dim3A_1962, %select_n3A_1955 : vector<8x4096xi1>, vector<8x4096xf32>
    %get3A_1964 = arith.constant 1960 : index
    %get3A_1965 = arith.constant 0 : index
    %get3A_1966 = vector.load %arg6[%get3A_1964, %get3A_1965] : memref<4000x4096xf32, #tpu.memory_space<vmem>>, vector<8x4096xf32>
    %gt3A_1967 = arith.cmpf ogt, %get3A_1966, %max3A_1960 : vector<8x4096xf32>
    %max3A_1968 = arith.maximumf %get3A_1966, %max3A_1960 : vector<8x4096xf32>
    %jit3A_1969 = arith.constant 2.450000e+02 : f32
    %broadcast_in_dim3A_1970 = vector.broadcast %jit3A_1969 : f32 to vector<8x4096xf32>
    %select_n3A_1971 = arith.select %gt3A_1967, %broadcast_in_dim3A_1970, %select_n3A_1963 : vector<8x4096xi1>, vector<8x4096xf32>
    %get3A_1972 = arith.constant 1968 : index
    %get3A_1973 = arith.constant 0 : index
    %get3A_1974 = vector.load %arg6[%get3A_1972, %get3A_1973] : memref<4000x4096xf32, #tpu.memory_space<vmem>>, vector<8x4096xf32>
    %gt3A_1975 = arith.cmpf ogt, %get3A_1974, %max3A_1968 : vector<8x4096xf32>
    %max3A_1976 = arith.maximumf %get3A_1974, %max3A_1968 : vector<8x4096xf32>
    %jit3A_1977 = arith.constant 2.460000e+02 : f32
    %broadcast_in_dim3A_1978 = vector.broadcast %jit3A_1977 : f32 to vector<8x4096xf32>
    %select_n3A_1979 = arith.select %gt3A_1975, %broadcast_in_dim3A_1978, %select_n3A_1971 : vector<8x4096xi1>, vector<8x4096xf32>
    %get3A_1980 = arith.constant 1976 : index
    %get3A_1981 = arith.constant 0 : index
    %get3A_1982 = vector.load %arg6[%get3A_1980, %get3A_1981] : memref<4000x4096xf32, #tpu.memory_space<vmem>>, vector<8x4096xf32>
    %gt3A_1983 = arith.cmpf ogt, %get3A_1982, %max3A_1976 : vector<8x4096xf32>
    %max3A_1984 = arith.maximumf %get3A_1982, %max3A_1976 : vector<8x4096xf32>
    %jit3A_1985 = arith.constant 2.470000e+02 : f32
    %broadcast_in_dim3A_1986 = vector.broadcast %jit3A_1985 : f32 to vector<8x4096xf32>
    %select_n3A_1987 = arith.select %gt3A_1983, %broadcast_in_dim3A_1986, %select_n3A_1979 : vector<8x4096xi1>, vector<8x4096xf32>
    %get3A_1988 = arith.constant 1984 : index
    %get3A_1989 = arith.constant 0 : index
    %get3A_1990 = vector.load %arg6[%get3A_1988, %get3A_1989] : memref<4000x4096xf32, #tpu.memory_space<vmem>>, vector<8x4096xf32>
    %gt3A_1991 = arith.cmpf ogt, %get3A_1990, %max3A_1984 : vector<8x4096xf32>
    %max3A_1992 = arith.maximumf %get3A_1990, %max3A_1984 : vector<8x4096xf32>
    %jit3A_1993 = arith.constant 2.480000e+02 : f32
    %broadcast_in_dim3A_1994 = vector.broadcast %jit3A_1993 : f32 to vector<8x4096xf32>
    %select_n3A_1995 = arith.select %gt3A_1991, %broadcast_in_dim3A_1994, %select_n3A_1987 : vector<8x4096xi1>, vector<8x4096xf32>
    %get3A_1996 = arith.constant 1992 : index
    %get3A_1997 = arith.constant 0 : index
    %get3A_1998 = vector.load %arg6[%get3A_1996, %get3A_1997] : memref<4000x4096xf32, #tpu.memory_space<vmem>>, vector<8x4096xf32>
    %gt3A_1999 = arith.cmpf ogt, %get3A_1998, %max3A_1992 : vector<8x4096xf32>
    %max3A_2000 = arith.maximumf %get3A_1998, %max3A_1992 : vector<8x4096xf32>
    %jit3A_2001 = arith.constant 2.490000e+02 : f32
    %broadcast_in_dim3A_2002 = vector.broadcast %jit3A_2001 : f32 to vector<8x4096xf32>
    %select_n3A_2003 = arith.select %gt3A_1999, %broadcast_in_dim3A_2002, %select_n3A_1995 : vector<8x4096xi1>, vector<8x4096xf32>
    %get3A_2004 = arith.constant 2000 : index
    %get3A_2005 = arith.constant 0 : index
    %get3A_2006 = vector.load %arg6[%get3A_2004, %get3A_2005] : memref<4000x4096xf32, #tpu.memory_space<vmem>>, vector<8x4096xf32>
    %gt3A_2007 = arith.cmpf ogt, %get3A_2006, %max3A_2000 : vector<8x4096xf32>
    %max3A_2008 = arith.maximumf %get3A_2006, %max3A_2000 : vector<8x4096xf32>
    %jit3A_2009 = arith.constant 2.500000e+02 : f32
    %broadcast_in_dim3A_2010 = vector.broadcast %jit3A_2009 : f32 to vector<8x4096xf32>
    %select_n3A_2011 = arith.select %gt3A_2007, %broadcast_in_dim3A_2010, %select_n3A_2003 : vector<8x4096xi1>, vector<8x4096xf32>
    %get3A_2012 = arith.constant 2008 : index
    %get3A_2013 = arith.constant 0 : index
    %get3A_2014 = vector.load %arg6[%get3A_2012, %get3A_2013] : memref<4000x4096xf32, #tpu.memory_space<vmem>>, vector<8x4096xf32>
    %gt3A_2015 = arith.cmpf ogt, %get3A_2014, %max3A_2008 : vector<8x4096xf32>
    %max3A_2016 = arith.maximumf %get3A_2014, %max3A_2008 : vector<8x4096xf32>
    %jit3A_2017 = arith.constant 2.510000e+02 : f32
    %broadcast_in_dim3A_2018 = vector.broadcast %jit3A_2017 : f32 to vector<8x4096xf32>
    %select_n3A_2019 = arith.select %gt3A_2015, %broadcast_in_dim3A_2018, %select_n3A_2011 : vector<8x4096xi1>, vector<8x4096xf32>
    %get3A_2020 = arith.constant 2016 : index
    %get3A_2021 = arith.constant 0 : index
    %get3A_2022 = vector.load %arg6[%get3A_2020, %get3A_2021] : memref<4000x4096xf32, #tpu.memory_space<vmem>>, vector<8x4096xf32>
    %gt3A_2023 = arith.cmpf ogt, %get3A_2022, %max3A_2016 : vector<8x4096xf32>
    %max3A_2024 = arith.maximumf %get3A_2022, %max3A_2016 : vector<8x4096xf32>
    %jit3A_2025 = arith.constant 2.520000e+02 : f32
    %broadcast_in_dim3A_2026 = vector.broadcast %jit3A_2025 : f32 to vector<8x4096xf32>
    %select_n3A_2027 = arith.select %gt3A_2023, %broadcast_in_dim3A_2026, %select_n3A_2019 : vector<8x4096xi1>, vector<8x4096xf32>
    %get3A_2028 = arith.constant 2024 : index
    %get3A_2029 = arith.constant 0 : index
    %get3A_2030 = vector.load %arg6[%get3A_2028, %get3A_2029] : memref<4000x4096xf32, #tpu.memory_space<vmem>>, vector<8x4096xf32>
    %gt3A_2031 = arith.cmpf ogt, %get3A_2030, %max3A_2024 : vector<8x4096xf32>
    %max3A_2032 = arith.maximumf %get3A_2030, %max3A_2024 : vector<8x4096xf32>
    %jit3A_2033 = arith.constant 2.530000e+02 : f32
    %broadcast_in_dim3A_2034 = vector.broadcast %jit3A_2033 : f32 to vector<8x4096xf32>
    %select_n3A_2035 = arith.select %gt3A_2031, %broadcast_in_dim3A_2034, %select_n3A_2027 : vector<8x4096xi1>, vector<8x4096xf32>
    %get3A_2036 = arith.constant 2032 : index
    %get3A_2037 = arith.constant 0 : index
    %get3A_2038 = vector.load %arg6[%get3A_2036, %get3A_2037] : memref<4000x4096xf32, #tpu.memory_space<vmem>>, vector<8x4096xf32>
    %gt3A_2039 = arith.cmpf ogt, %get3A_2038, %max3A_2032 : vector<8x4096xf32>
    %max3A_2040 = arith.maximumf %get3A_2038, %max3A_2032 : vector<8x4096xf32>
    %jit3A_2041 = arith.constant 2.540000e+02 : f32
    %broadcast_in_dim3A_2042 = vector.broadcast %jit3A_2041 : f32 to vector<8x4096xf32>
    %select_n3A_2043 = arith.select %gt3A_2039, %broadcast_in_dim3A_2042, %select_n3A_2035 : vector<8x4096xi1>, vector<8x4096xf32>
    %get3A_2044 = arith.constant 2040 : index
    %get3A_2045 = arith.constant 0 : index
    %get3A_2046 = vector.load %arg6[%get3A_2044, %get3A_2045] : memref<4000x4096xf32, #tpu.memory_space<vmem>>, vector<8x4096xf32>
    %gt3A_2047 = arith.cmpf ogt, %get3A_2046, %max3A_2040 : vector<8x4096xf32>
    %max3A_2048 = arith.maximumf %get3A_2046, %max3A_2040 : vector<8x4096xf32>
    %jit3A_2049 = arith.constant 2.550000e+02 : f32
    %broadcast_in_dim3A_2050 = vector.broadcast %jit3A_2049 : f32 to vector<8x4096xf32>
    %select_n3A_2051 = arith.select %gt3A_2047, %broadcast_in_dim3A_2050, %select_n3A_2043 : vector<8x4096xi1>, vector<8x4096xf32>
    %get3A_2052 = arith.constant 2048 : index
    %get3A_2053 = arith.constant 0 : index
    %get3A_2054 = vector.load %arg6[%get3A_2052, %get3A_2053] : memref<4000x4096xf32, #tpu.memory_space<vmem>>, vector<8x4096xf32>
    %gt3A_2055 = arith.cmpf ogt, %get3A_2054, %max3A_2048 : vector<8x4096xf32>
    %max3A_2056 = arith.maximumf %get3A_2054, %max3A_2048 : vector<8x4096xf32>
    %jit3A_2057 = arith.constant 2.560000e+02 : f32
    %broadcast_in_dim3A_2058 = vector.broadcast %jit3A_2057 : f32 to vector<8x4096xf32>
    %select_n3A_2059 = arith.select %gt3A_2055, %broadcast_in_dim3A_2058, %select_n3A_2051 : vector<8x4096xi1>, vector<8x4096xf32>
    %get3A_2060 = arith.constant 2056 : index
    %get3A_2061 = arith.constant 0 : index
    %get3A_2062 = vector.load %arg6[%get3A_2060, %get3A_2061] : memref<4000x4096xf32, #tpu.memory_space<vmem>>, vector<8x4096xf32>
    %gt3A_2063 = arith.cmpf ogt, %get3A_2062, %max3A_2056 : vector<8x4096xf32>
    %max3A_2064 = arith.maximumf %get3A_2062, %max3A_2056 : vector<8x4096xf32>
    %jit3A_2065 = arith.constant 2.570000e+02 : f32
    %broadcast_in_dim3A_2066 = vector.broadcast %jit3A_2065 : f32 to vector<8x4096xf32>
    %select_n3A_2067 = arith.select %gt3A_2063, %broadcast_in_dim3A_2066, %select_n3A_2059 : vector<8x4096xi1>, vector<8x4096xf32>
    %get3A_2068 = arith.constant 2064 : index
    %get3A_2069 = arith.constant 0 : index
    %get3A_2070 = vector.load %arg6[%get3A_2068, %get3A_2069] : memref<4000x4096xf32, #tpu.memory_space<vmem>>, vector<8x4096xf32>
    %gt3A_2071 = arith.cmpf ogt, %get3A_2070, %max3A_2064 : vector<8x4096xf32>
    %max3A_2072 = arith.maximumf %get3A_2070, %max3A_2064 : vector<8x4096xf32>
    %jit3A_2073 = arith.constant 2.580000e+02 : f32
    %broadcast_in_dim3A_2074 = vector.broadcast %jit3A_2073 : f32 to vector<8x4096xf32>
    %select_n3A_2075 = arith.select %gt3A_2071, %broadcast_in_dim3A_2074, %select_n3A_2067 : vector<8x4096xi1>, vector<8x4096xf32>
    %get3A_2076 = arith.constant 2072 : index
    %get3A_2077 = arith.constant 0 : index
    %get3A_2078 = vector.load %arg6[%get3A_2076, %get3A_2077] : memref<4000x4096xf32, #tpu.memory_space<vmem>>, vector<8x4096xf32>
    %gt3A_2079 = arith.cmpf ogt, %get3A_2078, %max3A_2072 : vector<8x4096xf32>
    %max3A_2080 = arith.maximumf %get3A_2078, %max3A_2072 : vector<8x4096xf32>
    %jit3A_2081 = arith.constant 2.590000e+02 : f32
    %broadcast_in_dim3A_2082 = vector.broadcast %jit3A_2081 : f32 to vector<8x4096xf32>
    %select_n3A_2083 = arith.select %gt3A_2079, %broadcast_in_dim3A_2082, %select_n3A_2075 : vector<8x4096xi1>, vector<8x4096xf32>
    %get3A_2084 = arith.constant 2080 : index
    %get3A_2085 = arith.constant 0 : index
    %get3A_2086 = vector.load %arg6[%get3A_2084, %get3A_2085] : memref<4000x4096xf32, #tpu.memory_space<vmem>>, vector<8x4096xf32>
    %gt3A_2087 = arith.cmpf ogt, %get3A_2086, %max3A_2080 : vector<8x4096xf32>
    %max3A_2088 = arith.maximumf %get3A_2086, %max3A_2080 : vector<8x4096xf32>
    %jit3A_2089 = arith.constant 2.600000e+02 : f32
    %broadcast_in_dim3A_2090 = vector.broadcast %jit3A_2089 : f32 to vector<8x4096xf32>
    %select_n3A_2091 = arith.select %gt3A_2087, %broadcast_in_dim3A_2090, %select_n3A_2083 : vector<8x4096xi1>, vector<8x4096xf32>
    %get3A_2092 = arith.constant 2088 : index
    %get3A_2093 = arith.constant 0 : index
    %get3A_2094 = vector.load %arg6[%get3A_2092, %get3A_2093] : memref<4000x4096xf32, #tpu.memory_space<vmem>>, vector<8x4096xf32>
    %gt3A_2095 = arith.cmpf ogt, %get3A_2094, %max3A_2088 : vector<8x4096xf32>
    %max3A_2096 = arith.maximumf %get3A_2094, %max3A_2088 : vector<8x4096xf32>
    %jit3A_2097 = arith.constant 2.610000e+02 : f32
    %broadcast_in_dim3A_2098 = vector.broadcast %jit3A_2097 : f32 to vector<8x4096xf32>
    %select_n3A_2099 = arith.select %gt3A_2095, %broadcast_in_dim3A_2098, %select_n3A_2091 : vector<8x4096xi1>, vector<8x4096xf32>
    %get3A_2100 = arith.constant 2096 : index
    %get3A_2101 = arith.constant 0 : index
    %get3A_2102 = vector.load %arg6[%get3A_2100, %get3A_2101] : memref<4000x4096xf32, #tpu.memory_space<vmem>>, vector<8x4096xf32>
    %gt3A_2103 = arith.cmpf ogt, %get3A_2102, %max3A_2096 : vector<8x4096xf32>
    %max3A_2104 = arith.maximumf %get3A_2102, %max3A_2096 : vector<8x4096xf32>
    %jit3A_2105 = arith.constant 2.620000e+02 : f32
    %broadcast_in_dim3A_2106 = vector.broadcast %jit3A_2105 : f32 to vector<8x4096xf32>
    %select_n3A_2107 = arith.select %gt3A_2103, %broadcast_in_dim3A_2106, %select_n3A_2099 : vector<8x4096xi1>, vector<8x4096xf32>
    %get3A_2108 = arith.constant 2104 : index
    %get3A_2109 = arith.constant 0 : index
    %get3A_2110 = vector.load %arg6[%get3A_2108, %get3A_2109] : memref<4000x4096xf32, #tpu.memory_space<vmem>>, vector<8x4096xf32>
    %gt3A_2111 = arith.cmpf ogt, %get3A_2110, %max3A_2104 : vector<8x4096xf32>
    %max3A_2112 = arith.maximumf %get3A_2110, %max3A_2104 : vector<8x4096xf32>
    %jit3A_2113 = arith.constant 2.630000e+02 : f32
    %broadcast_in_dim3A_2114 = vector.broadcast %jit3A_2113 : f32 to vector<8x4096xf32>
    %select_n3A_2115 = arith.select %gt3A_2111, %broadcast_in_dim3A_2114, %select_n3A_2107 : vector<8x4096xi1>, vector<8x4096xf32>
    %get3A_2116 = arith.constant 2112 : index
    %get3A_2117 = arith.constant 0 : index
    %get3A_2118 = vector.load %arg6[%get3A_2116, %get3A_2117] : memref<4000x4096xf32, #tpu.memory_space<vmem>>, vector<8x4096xf32>
    %gt3A_2119 = arith.cmpf ogt, %get3A_2118, %max3A_2112 : vector<8x4096xf32>
    %max3A_2120 = arith.maximumf %get3A_2118, %max3A_2112 : vector<8x4096xf32>
    %jit3A_2121 = arith.constant 2.640000e+02 : f32
    %broadcast_in_dim3A_2122 = vector.broadcast %jit3A_2121 : f32 to vector<8x4096xf32>
    %select_n3A_2123 = arith.select %gt3A_2119, %broadcast_in_dim3A_2122, %select_n3A_2115 : vector<8x4096xi1>, vector<8x4096xf32>
    %get3A_2124 = arith.constant 2120 : index
    %get3A_2125 = arith.constant 0 : index
    %get3A_2126 = vector.load %arg6[%get3A_2124, %get3A_2125] : memref<4000x4096xf32, #tpu.memory_space<vmem>>, vector<8x4096xf32>
    %gt3A_2127 = arith.cmpf ogt, %get3A_2126, %max3A_2120 : vector<8x4096xf32>
    %max3A_2128 = arith.maximumf %get3A_2126, %max3A_2120 : vector<8x4096xf32>
    %jit3A_2129 = arith.constant 2.650000e+02 : f32
    %broadcast_in_dim3A_2130 = vector.broadcast %jit3A_2129 : f32 to vector<8x4096xf32>
    %select_n3A_2131 = arith.select %gt3A_2127, %broadcast_in_dim3A_2130, %select_n3A_2123 : vector<8x4096xi1>, vector<8x4096xf32>
    %get3A_2132 = arith.constant 2128 : index
    %get3A_2133 = arith.constant 0 : index
    %get3A_2134 = vector.load %arg6[%get3A_2132, %get3A_2133] : memref<4000x4096xf32, #tpu.memory_space<vmem>>, vector<8x4096xf32>
    %gt3A_2135 = arith.cmpf ogt, %get3A_2134, %max3A_2128 : vector<8x4096xf32>
    %max3A_2136 = arith.maximumf %get3A_2134, %max3A_2128 : vector<8x4096xf32>
    %jit3A_2137 = arith.constant 2.660000e+02 : f32
    %broadcast_in_dim3A_2138 = vector.broadcast %jit3A_2137 : f32 to vector<8x4096xf32>
    %select_n3A_2139 = arith.select %gt3A_2135, %broadcast_in_dim3A_2138, %select_n3A_2131 : vector<8x4096xi1>, vector<8x4096xf32>
    %get3A_2140 = arith.constant 2136 : index
    %get3A_2141 = arith.constant 0 : index
    %get3A_2142 = vector.load %arg6[%get3A_2140, %get3A_2141] : memref<4000x4096xf32, #tpu.memory_space<vmem>>, vector<8x4096xf32>
    %gt3A_2143 = arith.cmpf ogt, %get3A_2142, %max3A_2136 : vector<8x4096xf32>
    %max3A_2144 = arith.maximumf %get3A_2142, %max3A_2136 : vector<8x4096xf32>
    %jit3A_2145 = arith.constant 2.670000e+02 : f32
    %broadcast_in_dim3A_2146 = vector.broadcast %jit3A_2145 : f32 to vector<8x4096xf32>
    %select_n3A_2147 = arith.select %gt3A_2143, %broadcast_in_dim3A_2146, %select_n3A_2139 : vector<8x4096xi1>, vector<8x4096xf32>
    %get3A_2148 = arith.constant 2144 : index
    %get3A_2149 = arith.constant 0 : index
    %get3A_2150 = vector.load %arg6[%get3A_2148, %get3A_2149] : memref<4000x4096xf32, #tpu.memory_space<vmem>>, vector<8x4096xf32>
    %gt3A_2151 = arith.cmpf ogt, %get3A_2150, %max3A_2144 : vector<8x4096xf32>
    %max3A_2152 = arith.maximumf %get3A_2150, %max3A_2144 : vector<8x4096xf32>
    %jit3A_2153 = arith.constant 2.680000e+02 : f32
    %broadcast_in_dim3A_2154 = vector.broadcast %jit3A_2153 : f32 to vector<8x4096xf32>
    %select_n3A_2155 = arith.select %gt3A_2151, %broadcast_in_dim3A_2154, %select_n3A_2147 : vector<8x4096xi1>, vector<8x4096xf32>
    %get3A_2156 = arith.constant 2152 : index
    %get3A_2157 = arith.constant 0 : index
    %get3A_2158 = vector.load %arg6[%get3A_2156, %get3A_2157] : memref<4000x4096xf32, #tpu.memory_space<vmem>>, vector<8x4096xf32>
    %gt3A_2159 = arith.cmpf ogt, %get3A_2158, %max3A_2152 : vector<8x4096xf32>
    %max3A_2160 = arith.maximumf %get3A_2158, %max3A_2152 : vector<8x4096xf32>
    %jit3A_2161 = arith.constant 2.690000e+02 : f32
    %broadcast_in_dim3A_2162 = vector.broadcast %jit3A_2161 : f32 to vector<8x4096xf32>
    %select_n3A_2163 = arith.select %gt3A_2159, %broadcast_in_dim3A_2162, %select_n3A_2155 : vector<8x4096xi1>, vector<8x4096xf32>
    %get3A_2164 = arith.constant 2160 : index
    %get3A_2165 = arith.constant 0 : index
    %get3A_2166 = vector.load %arg6[%get3A_2164, %get3A_2165] : memref<4000x4096xf32, #tpu.memory_space<vmem>>, vector<8x4096xf32>
    %gt3A_2167 = arith.cmpf ogt, %get3A_2166, %max3A_2160 : vector<8x4096xf32>
    %max3A_2168 = arith.maximumf %get3A_2166, %max3A_2160 : vector<8x4096xf32>
    %jit3A_2169 = arith.constant 2.700000e+02 : f32
    %broadcast_in_dim3A_2170 = vector.broadcast %jit3A_2169 : f32 to vector<8x4096xf32>
    %select_n3A_2171 = arith.select %gt3A_2167, %broadcast_in_dim3A_2170, %select_n3A_2163 : vector<8x4096xi1>, vector<8x4096xf32>
    %get3A_2172 = arith.constant 2168 : index
    %get3A_2173 = arith.constant 0 : index
    %get3A_2174 = vector.load %arg6[%get3A_2172, %get3A_2173] : memref<4000x4096xf32, #tpu.memory_space<vmem>>, vector<8x4096xf32>
    %gt3A_2175 = arith.cmpf ogt, %get3A_2174, %max3A_2168 : vector<8x4096xf32>
    %max3A_2176 = arith.maximumf %get3A_2174, %max3A_2168 : vector<8x4096xf32>
    %jit3A_2177 = arith.constant 2.710000e+02 : f32
    %broadcast_in_dim3A_2178 = vector.broadcast %jit3A_2177 : f32 to vector<8x4096xf32>
    %select_n3A_2179 = arith.select %gt3A_2175, %broadcast_in_dim3A_2178, %select_n3A_2171 : vector<8x4096xi1>, vector<8x4096xf32>
    %get3A_2180 = arith.constant 2176 : index
    %get3A_2181 = arith.constant 0 : index
    %get3A_2182 = vector.load %arg6[%get3A_2180, %get3A_2181] : memref<4000x4096xf32, #tpu.memory_space<vmem>>, vector<8x4096xf32>
    %gt3A_2183 = arith.cmpf ogt, %get3A_2182, %max3A_2176 : vector<8x4096xf32>
    %max3A_2184 = arith.maximumf %get3A_2182, %max3A_2176 : vector<8x4096xf32>
    %jit3A_2185 = arith.constant 2.720000e+02 : f32
    %broadcast_in_dim3A_2186 = vector.broadcast %jit3A_2185 : f32 to vector<8x4096xf32>
    %select_n3A_2187 = arith.select %gt3A_2183, %broadcast_in_dim3A_2186, %select_n3A_2179 : vector<8x4096xi1>, vector<8x4096xf32>
    %get3A_2188 = arith.constant 2184 : index
    %get3A_2189 = arith.constant 0 : index
    %get3A_2190 = vector.load %arg6[%get3A_2188, %get3A_2189] : memref<4000x4096xf32, #tpu.memory_space<vmem>>, vector<8x4096xf32>
    %gt3A_2191 = arith.cmpf ogt, %get3A_2190, %max3A_2184 : vector<8x4096xf32>
    %max3A_2192 = arith.maximumf %get3A_2190, %max3A_2184 : vector<8x4096xf32>
    %jit3A_2193 = arith.constant 2.730000e+02 : f32
    %broadcast_in_dim3A_2194 = vector.broadcast %jit3A_2193 : f32 to vector<8x4096xf32>
    %select_n3A_2195 = arith.select %gt3A_2191, %broadcast_in_dim3A_2194, %select_n3A_2187 : vector<8x4096xi1>, vector<8x4096xf32>
    %get3A_2196 = arith.constant 2192 : index
    %get3A_2197 = arith.constant 0 : index
    %get3A_2198 = vector.load %arg6[%get3A_2196, %get3A_2197] : memref<4000x4096xf32, #tpu.memory_space<vmem>>, vector<8x4096xf32>
    %gt3A_2199 = arith.cmpf ogt, %get3A_2198, %max3A_2192 : vector<8x4096xf32>
    %max3A_2200 = arith.maximumf %get3A_2198, %max3A_2192 : vector<8x4096xf32>
    %jit3A_2201 = arith.constant 2.740000e+02 : f32
    %broadcast_in_dim3A_2202 = vector.broadcast %jit3A_2201 : f32 to vector<8x4096xf32>
    %select_n3A_2203 = arith.select %gt3A_2199, %broadcast_in_dim3A_2202, %select_n3A_2195 : vector<8x4096xi1>, vector<8x4096xf32>
    %get3A_2204 = arith.constant 2200 : index
    %get3A_2205 = arith.constant 0 : index
    %get3A_2206 = vector.load %arg6[%get3A_2204, %get3A_2205] : memref<4000x4096xf32, #tpu.memory_space<vmem>>, vector<8x4096xf32>
    %gt3A_2207 = arith.cmpf ogt, %get3A_2206, %max3A_2200 : vector<8x4096xf32>
    %max3A_2208 = arith.maximumf %get3A_2206, %max3A_2200 : vector<8x4096xf32>
    %jit3A_2209 = arith.constant 2.750000e+02 : f32
    %broadcast_in_dim3A_2210 = vector.broadcast %jit3A_2209 : f32 to vector<8x4096xf32>
    %select_n3A_2211 = arith.select %gt3A_2207, %broadcast_in_dim3A_2210, %select_n3A_2203 : vector<8x4096xi1>, vector<8x4096xf32>
    %get3A_2212 = arith.constant 2208 : index
    %get3A_2213 = arith.constant 0 : index
    %get3A_2214 = vector.load %arg6[%get3A_2212, %get3A_2213] : memref<4000x4096xf32, #tpu.memory_space<vmem>>, vector<8x4096xf32>
    %gt3A_2215 = arith.cmpf ogt, %get3A_2214, %max3A_2208 : vector<8x4096xf32>
    %max3A_2216 = arith.maximumf %get3A_2214, %max3A_2208 : vector<8x4096xf32>
    %jit3A_2217 = arith.constant 2.760000e+02 : f32
    %broadcast_in_dim3A_2218 = vector.broadcast %jit3A_2217 : f32 to vector<8x4096xf32>
    %select_n3A_2219 = arith.select %gt3A_2215, %broadcast_in_dim3A_2218, %select_n3A_2211 : vector<8x4096xi1>, vector<8x4096xf32>
    %get3A_2220 = arith.constant 2216 : index
    %get3A_2221 = arith.constant 0 : index
    %get3A_2222 = vector.load %arg6[%get3A_2220, %get3A_2221] : memref<4000x4096xf32, #tpu.memory_space<vmem>>, vector<8x4096xf32>
    %gt3A_2223 = arith.cmpf ogt, %get3A_2222, %max3A_2216 : vector<8x4096xf32>
    %max3A_2224 = arith.maximumf %get3A_2222, %max3A_2216 : vector<8x4096xf32>
    %jit3A_2225 = arith.constant 2.770000e+02 : f32
    %broadcast_in_dim3A_2226 = vector.broadcast %jit3A_2225 : f32 to vector<8x4096xf32>
    %select_n3A_2227 = arith.select %gt3A_2223, %broadcast_in_dim3A_2226, %select_n3A_2219 : vector<8x4096xi1>, vector<8x4096xf32>
    %get3A_2228 = arith.constant 2224 : index
    %get3A_2229 = arith.constant 0 : index
    %get3A_2230 = vector.load %arg6[%get3A_2228, %get3A_2229] : memref<4000x4096xf32, #tpu.memory_space<vmem>>, vector<8x4096xf32>
    %gt3A_2231 = arith.cmpf ogt, %get3A_2230, %max3A_2224 : vector<8x4096xf32>
    %max3A_2232 = arith.maximumf %get3A_2230, %max3A_2224 : vector<8x4096xf32>
    %jit3A_2233 = arith.constant 2.780000e+02 : f32
    %broadcast_in_dim3A_2234 = vector.broadcast %jit3A_2233 : f32 to vector<8x4096xf32>
    %select_n3A_2235 = arith.select %gt3A_2231, %broadcast_in_dim3A_2234, %select_n3A_2227 : vector<8x4096xi1>, vector<8x4096xf32>
    %get3A_2236 = arith.constant 2232 : index
    %get3A_2237 = arith.constant 0 : index
    %get3A_2238 = vector.load %arg6[%get3A_2236, %get3A_2237] : memref<4000x4096xf32, #tpu.memory_space<vmem>>, vector<8x4096xf32>
    %gt3A_2239 = arith.cmpf ogt, %get3A_2238, %max3A_2232 : vector<8x4096xf32>
    %max3A_2240 = arith.maximumf %get3A_2238, %max3A_2232 : vector<8x4096xf32>
    %jit3A_2241 = arith.constant 2.790000e+02 : f32
    %broadcast_in_dim3A_2242 = vector.broadcast %jit3A_2241 : f32 to vector<8x4096xf32>
    %select_n3A_2243 = arith.select %gt3A_2239, %broadcast_in_dim3A_2242, %select_n3A_2235 : vector<8x4096xi1>, vector<8x4096xf32>
    %get3A_2244 = arith.constant 2240 : index
    %get3A_2245 = arith.constant 0 : index
    %get3A_2246 = vector.load %arg6[%get3A_2244, %get3A_2245] : memref<4000x4096xf32, #tpu.memory_space<vmem>>, vector<8x4096xf32>
    %gt3A_2247 = arith.cmpf ogt, %get3A_2246, %max3A_2240 : vector<8x4096xf32>
    %max3A_2248 = arith.maximumf %get3A_2246, %max3A_2240 : vector<8x4096xf32>
    %jit3A_2249 = arith.constant 2.800000e+02 : f32
    %broadcast_in_dim3A_2250 = vector.broadcast %jit3A_2249 : f32 to vector<8x4096xf32>
    %select_n3A_2251 = arith.select %gt3A_2247, %broadcast_in_dim3A_2250, %select_n3A_2243 : vector<8x4096xi1>, vector<8x4096xf32>
    %get3A_2252 = arith.constant 2248 : index
    %get3A_2253 = arith.constant 0 : index
    %get3A_2254 = vector.load %arg6[%get3A_2252, %get3A_2253] : memref<4000x4096xf32, #tpu.memory_space<vmem>>, vector<8x4096xf32>
    %gt3A_2255 = arith.cmpf ogt, %get3A_2254, %max3A_2248 : vector<8x4096xf32>
    %max3A_2256 = arith.maximumf %get3A_2254, %max3A_2248 : vector<8x4096xf32>
    %jit3A_2257 = arith.constant 2.810000e+02 : f32
    %broadcast_in_dim3A_2258 = vector.broadcast %jit3A_2257 : f32 to vector<8x4096xf32>
    %select_n3A_2259 = arith.select %gt3A_2255, %broadcast_in_dim3A_2258, %select_n3A_2251 : vector<8x4096xi1>, vector<8x4096xf32>
    %get3A_2260 = arith.constant 2256 : index
    %get3A_2261 = arith.constant 0 : index
    %get3A_2262 = vector.load %arg6[%get3A_2260, %get3A_2261] : memref<4000x4096xf32, #tpu.memory_space<vmem>>, vector<8x4096xf32>
    %gt3A_2263 = arith.cmpf ogt, %get3A_2262, %max3A_2256 : vector<8x4096xf32>
    %max3A_2264 = arith.maximumf %get3A_2262, %max3A_2256 : vector<8x4096xf32>
    %jit3A_2265 = arith.constant 2.820000e+02 : f32
    %broadcast_in_dim3A_2266 = vector.broadcast %jit3A_2265 : f32 to vector<8x4096xf32>
    %select_n3A_2267 = arith.select %gt3A_2263, %broadcast_in_dim3A_2266, %select_n3A_2259 : vector<8x4096xi1>, vector<8x4096xf32>
    %get3A_2268 = arith.constant 2264 : index
    %get3A_2269 = arith.constant 0 : index
    %get3A_2270 = vector.load %arg6[%get3A_2268, %get3A_2269] : memref<4000x4096xf32, #tpu.memory_space<vmem>>, vector<8x4096xf32>
    %gt3A_2271 = arith.cmpf ogt, %get3A_2270, %max3A_2264 : vector<8x4096xf32>
    %max3A_2272 = arith.maximumf %get3A_2270, %max3A_2264 : vector<8x4096xf32>
    %jit3A_2273 = arith.constant 2.830000e+02 : f32
    %broadcast_in_dim3A_2274 = vector.broadcast %jit3A_2273 : f32 to vector<8x4096xf32>
    %select_n3A_2275 = arith.select %gt3A_2271, %broadcast_in_dim3A_2274, %select_n3A_2267 : vector<8x4096xi1>, vector<8x4096xf32>
    %get3A_2276 = arith.constant 2272 : index
    %get3A_2277 = arith.constant 0 : index
    %get3A_2278 = vector.load %arg6[%get3A_2276, %get3A_2277] : memref<4000x4096xf32, #tpu.memory_space<vmem>>, vector<8x4096xf32>
    %gt3A_2279 = arith.cmpf ogt, %get3A_2278, %max3A_2272 : vector<8x4096xf32>
    %max3A_2280 = arith.maximumf %get3A_2278, %max3A_2272 : vector<8x4096xf32>
    %jit3A_2281 = arith.constant 2.840000e+02 : f32
    %broadcast_in_dim3A_2282 = vector.broadcast %jit3A_2281 : f32 to vector<8x4096xf32>
    %select_n3A_2283 = arith.select %gt3A_2279, %broadcast_in_dim3A_2282, %select_n3A_2275 : vector<8x4096xi1>, vector<8x4096xf32>
    %get3A_2284 = arith.constant 2280 : index
    %get3A_2285 = arith.constant 0 : index
    %get3A_2286 = vector.load %arg6[%get3A_2284, %get3A_2285] : memref<4000x4096xf32, #tpu.memory_space<vmem>>, vector<8x4096xf32>
    %gt3A_2287 = arith.cmpf ogt, %get3A_2286, %max3A_2280 : vector<8x4096xf32>
    %max3A_2288 = arith.maximumf %get3A_2286, %max3A_2280 : vector<8x4096xf32>
    %jit3A_2289 = arith.constant 2.850000e+02 : f32
    %broadcast_in_dim3A_2290 = vector.broadcast %jit3A_2289 : f32 to vector<8x4096xf32>
    %select_n3A_2291 = arith.select %gt3A_2287, %broadcast_in_dim3A_2290, %select_n3A_2283 : vector<8x4096xi1>, vector<8x4096xf32>
    %get3A_2292 = arith.constant 2288 : index
    %get3A_2293 = arith.constant 0 : index
    %get3A_2294 = vector.load %arg6[%get3A_2292, %get3A_2293] : memref<4000x4096xf32, #tpu.memory_space<vmem>>, vector<8x4096xf32>
    %gt3A_2295 = arith.cmpf ogt, %get3A_2294, %max3A_2288 : vector<8x4096xf32>
    %max3A_2296 = arith.maximumf %get3A_2294, %max3A_2288 : vector<8x4096xf32>
    %jit3A_2297 = arith.constant 2.860000e+02 : f32
    %broadcast_in_dim3A_2298 = vector.broadcast %jit3A_2297 : f32 to vector<8x4096xf32>
    %select_n3A_2299 = arith.select %gt3A_2295, %broadcast_in_dim3A_2298, %select_n3A_2291 : vector<8x4096xi1>, vector<8x4096xf32>
    %get3A_2300 = arith.constant 2296 : index
    %get3A_2301 = arith.constant 0 : index
    %get3A_2302 = vector.load %arg6[%get3A_2300, %get3A_2301] : memref<4000x4096xf32, #tpu.memory_space<vmem>>, vector<8x4096xf32>
    %gt3A_2303 = arith.cmpf ogt, %get3A_2302, %max3A_2296 : vector<8x4096xf32>
    %max3A_2304 = arith.maximumf %get3A_2302, %max3A_2296 : vector<8x4096xf32>
    %jit3A_2305 = arith.constant 2.870000e+02 : f32
    %broadcast_in_dim3A_2306 = vector.broadcast %jit3A_2305 : f32 to vector<8x4096xf32>
    %select_n3A_2307 = arith.select %gt3A_2303, %broadcast_in_dim3A_2306, %select_n3A_2299 : vector<8x4096xi1>, vector<8x4096xf32>
    %get3A_2308 = arith.constant 2304 : index
    %get3A_2309 = arith.constant 0 : index
    %get3A_2310 = vector.load %arg6[%get3A_2308, %get3A_2309] : memref<4000x4096xf32, #tpu.memory_space<vmem>>, vector<8x4096xf32>
    %gt3A_2311 = arith.cmpf ogt, %get3A_2310, %max3A_2304 : vector<8x4096xf32>
    %max3A_2312 = arith.maximumf %get3A_2310, %max3A_2304 : vector<8x4096xf32>
    %jit3A_2313 = arith.constant 2.880000e+02 : f32
    %broadcast_in_dim3A_2314 = vector.broadcast %jit3A_2313 : f32 to vector<8x4096xf32>
    %select_n3A_2315 = arith.select %gt3A_2311, %broadcast_in_dim3A_2314, %select_n3A_2307 : vector<8x4096xi1>, vector<8x4096xf32>
    %get3A_2316 = arith.constant 2312 : index
    %get3A_2317 = arith.constant 0 : index
    %get3A_2318 = vector.load %arg6[%get3A_2316, %get3A_2317] : memref<4000x4096xf32, #tpu.memory_space<vmem>>, vector<8x4096xf32>
    %gt3A_2319 = arith.cmpf ogt, %get3A_2318, %max3A_2312 : vector<8x4096xf32>
    %max3A_2320 = arith.maximumf %get3A_2318, %max3A_2312 : vector<8x4096xf32>
    %jit3A_2321 = arith.constant 2.890000e+02 : f32
    %broadcast_in_dim3A_2322 = vector.broadcast %jit3A_2321 : f32 to vector<8x4096xf32>
    %select_n3A_2323 = arith.select %gt3A_2319, %broadcast_in_dim3A_2322, %select_n3A_2315 : vector<8x4096xi1>, vector<8x4096xf32>
    %get3A_2324 = arith.constant 2320 : index
    %get3A_2325 = arith.constant 0 : index
    %get3A_2326 = vector.load %arg6[%get3A_2324, %get3A_2325] : memref<4000x4096xf32, #tpu.memory_space<vmem>>, vector<8x4096xf32>
    %gt3A_2327 = arith.cmpf ogt, %get3A_2326, %max3A_2320 : vector<8x4096xf32>
    %max3A_2328 = arith.maximumf %get3A_2326, %max3A_2320 : vector<8x4096xf32>
    %jit3A_2329 = arith.constant 2.900000e+02 : f32
    %broadcast_in_dim3A_2330 = vector.broadcast %jit3A_2329 : f32 to vector<8x4096xf32>
    %select_n3A_2331 = arith.select %gt3A_2327, %broadcast_in_dim3A_2330, %select_n3A_2323 : vector<8x4096xi1>, vector<8x4096xf32>
    %get3A_2332 = arith.constant 2328 : index
    %get3A_2333 = arith.constant 0 : index
    %get3A_2334 = vector.load %arg6[%get3A_2332, %get3A_2333] : memref<4000x4096xf32, #tpu.memory_space<vmem>>, vector<8x4096xf32>
    %gt3A_2335 = arith.cmpf ogt, %get3A_2334, %max3A_2328 : vector<8x4096xf32>
    %max3A_2336 = arith.maximumf %get3A_2334, %max3A_2328 : vector<8x4096xf32>
    %jit3A_2337 = arith.constant 2.910000e+02 : f32
    %broadcast_in_dim3A_2338 = vector.broadcast %jit3A_2337 : f32 to vector<8x4096xf32>
    %select_n3A_2339 = arith.select %gt3A_2335, %broadcast_in_dim3A_2338, %select_n3A_2331 : vector<8x4096xi1>, vector<8x4096xf32>
    %get3A_2340 = arith.constant 2336 : index
    %get3A_2341 = arith.constant 0 : index
    %get3A_2342 = vector.load %arg6[%get3A_2340, %get3A_2341] : memref<4000x4096xf32, #tpu.memory_space<vmem>>, vector<8x4096xf32>
    %gt3A_2343 = arith.cmpf ogt, %get3A_2342, %max3A_2336 : vector<8x4096xf32>
    %max3A_2344 = arith.maximumf %get3A_2342, %max3A_2336 : vector<8x4096xf32>
    %jit3A_2345 = arith.constant 2.920000e+02 : f32
    %broadcast_in_dim3A_2346 = vector.broadcast %jit3A_2345 : f32 to vector<8x4096xf32>
    %select_n3A_2347 = arith.select %gt3A_2343, %broadcast_in_dim3A_2346, %select_n3A_2339 : vector<8x4096xi1>, vector<8x4096xf32>
    %get3A_2348 = arith.constant 2344 : index
    %get3A_2349 = arith.constant 0 : index
    %get3A_2350 = vector.load %arg6[%get3A_2348, %get3A_2349] : memref<4000x4096xf32, #tpu.memory_space<vmem>>, vector<8x4096xf32>
    %gt3A_2351 = arith.cmpf ogt, %get3A_2350, %max3A_2344 : vector<8x4096xf32>
    %max3A_2352 = arith.maximumf %get3A_2350, %max3A_2344 : vector<8x4096xf32>
    %jit3A_2353 = arith.constant 2.930000e+02 : f32
    %broadcast_in_dim3A_2354 = vector.broadcast %jit3A_2353 : f32 to vector<8x4096xf32>
    %select_n3A_2355 = arith.select %gt3A_2351, %broadcast_in_dim3A_2354, %select_n3A_2347 : vector<8x4096xi1>, vector<8x4096xf32>
    %get3A_2356 = arith.constant 2352 : index
    %get3A_2357 = arith.constant 0 : index
    %get3A_2358 = vector.load %arg6[%get3A_2356, %get3A_2357] : memref<4000x4096xf32, #tpu.memory_space<vmem>>, vector<8x4096xf32>
    %gt3A_2359 = arith.cmpf ogt, %get3A_2358, %max3A_2352 : vector<8x4096xf32>
    %max3A_2360 = arith.maximumf %get3A_2358, %max3A_2352 : vector<8x4096xf32>
    %jit3A_2361 = arith.constant 2.940000e+02 : f32
    %broadcast_in_dim3A_2362 = vector.broadcast %jit3A_2361 : f32 to vector<8x4096xf32>
    %select_n3A_2363 = arith.select %gt3A_2359, %broadcast_in_dim3A_2362, %select_n3A_2355 : vector<8x4096xi1>, vector<8x4096xf32>
    %get3A_2364 = arith.constant 2360 : index
    %get3A_2365 = arith.constant 0 : index
    %get3A_2366 = vector.load %arg6[%get3A_2364, %get3A_2365] : memref<4000x4096xf32, #tpu.memory_space<vmem>>, vector<8x4096xf32>
    %gt3A_2367 = arith.cmpf ogt, %get3A_2366, %max3A_2360 : vector<8x4096xf32>
    %max3A_2368 = arith.maximumf %get3A_2366, %max3A_2360 : vector<8x4096xf32>
    %jit3A_2369 = arith.constant 2.950000e+02 : f32
    %broadcast_in_dim3A_2370 = vector.broadcast %jit3A_2369 : f32 to vector<8x4096xf32>
    %select_n3A_2371 = arith.select %gt3A_2367, %broadcast_in_dim3A_2370, %select_n3A_2363 : vector<8x4096xi1>, vector<8x4096xf32>
    %get3A_2372 = arith.constant 2368 : index
    %get3A_2373 = arith.constant 0 : index
    %get3A_2374 = vector.load %arg6[%get3A_2372, %get3A_2373] : memref<4000x4096xf32, #tpu.memory_space<vmem>>, vector<8x4096xf32>
    %gt3A_2375 = arith.cmpf ogt, %get3A_2374, %max3A_2368 : vector<8x4096xf32>
    %max3A_2376 = arith.maximumf %get3A_2374, %max3A_2368 : vector<8x4096xf32>
    %jit3A_2377 = arith.constant 2.960000e+02 : f32
    %broadcast_in_dim3A_2378 = vector.broadcast %jit3A_2377 : f32 to vector<8x4096xf32>
    %select_n3A_2379 = arith.select %gt3A_2375, %broadcast_in_dim3A_2378, %select_n3A_2371 : vector<8x4096xi1>, vector<8x4096xf32>
    %get3A_2380 = arith.constant 2376 : index
    %get3A_2381 = arith.constant 0 : index
    %get3A_2382 = vector.load %arg6[%get3A_2380, %get3A_2381] : memref<4000x4096xf32, #tpu.memory_space<vmem>>, vector<8x4096xf32>
    %gt3A_2383 = arith.cmpf ogt, %get3A_2382, %max3A_2376 : vector<8x4096xf32>
    %max3A_2384 = arith.maximumf %get3A_2382, %max3A_2376 : vector<8x4096xf32>
    %jit3A_2385 = arith.constant 2.970000e+02 : f32
    %broadcast_in_dim3A_2386 = vector.broadcast %jit3A_2385 : f32 to vector<8x4096xf32>
    %select_n3A_2387 = arith.select %gt3A_2383, %broadcast_in_dim3A_2386, %select_n3A_2379 : vector<8x4096xi1>, vector<8x4096xf32>
    %get3A_2388 = arith.constant 2384 : index
    %get3A_2389 = arith.constant 0 : index
    %get3A_2390 = vector.load %arg6[%get3A_2388, %get3A_2389] : memref<4000x4096xf32, #tpu.memory_space<vmem>>, vector<8x4096xf32>
    %gt3A_2391 = arith.cmpf ogt, %get3A_2390, %max3A_2384 : vector<8x4096xf32>
    %max3A_2392 = arith.maximumf %get3A_2390, %max3A_2384 : vector<8x4096xf32>
    %jit3A_2393 = arith.constant 2.980000e+02 : f32
    %broadcast_in_dim3A_2394 = vector.broadcast %jit3A_2393 : f32 to vector<8x4096xf32>
    %select_n3A_2395 = arith.select %gt3A_2391, %broadcast_in_dim3A_2394, %select_n3A_2387 : vector<8x4096xi1>, vector<8x4096xf32>
    %get3A_2396 = arith.constant 2392 : index
    %get3A_2397 = arith.constant 0 : index
    %get3A_2398 = vector.load %arg6[%get3A_2396, %get3A_2397] : memref<4000x4096xf32, #tpu.memory_space<vmem>>, vector<8x4096xf32>
    %gt3A_2399 = arith.cmpf ogt, %get3A_2398, %max3A_2392 : vector<8x4096xf32>
    %max3A_2400 = arith.maximumf %get3A_2398, %max3A_2392 : vector<8x4096xf32>
    %jit3A_2401 = arith.constant 2.990000e+02 : f32
    %broadcast_in_dim3A_2402 = vector.broadcast %jit3A_2401 : f32 to vector<8x4096xf32>
    %select_n3A_2403 = arith.select %gt3A_2399, %broadcast_in_dim3A_2402, %select_n3A_2395 : vector<8x4096xi1>, vector<8x4096xf32>
    %get3A_2404 = arith.constant 2400 : index
    %get3A_2405 = arith.constant 0 : index
    %get3A_2406 = vector.load %arg6[%get3A_2404, %get3A_2405] : memref<4000x4096xf32, #tpu.memory_space<vmem>>, vector<8x4096xf32>
    %gt3A_2407 = arith.cmpf ogt, %get3A_2406, %max3A_2400 : vector<8x4096xf32>
    %max3A_2408 = arith.maximumf %get3A_2406, %max3A_2400 : vector<8x4096xf32>
    %jit3A_2409 = arith.constant 3.000000e+02 : f32
    %broadcast_in_dim3A_2410 = vector.broadcast %jit3A_2409 : f32 to vector<8x4096xf32>
    %select_n3A_2411 = arith.select %gt3A_2407, %broadcast_in_dim3A_2410, %select_n3A_2403 : vector<8x4096xi1>, vector<8x4096xf32>
    %get3A_2412 = arith.constant 2408 : index
    %get3A_2413 = arith.constant 0 : index
    %get3A_2414 = vector.load %arg6[%get3A_2412, %get3A_2413] : memref<4000x4096xf32, #tpu.memory_space<vmem>>, vector<8x4096xf32>
    %gt3A_2415 = arith.cmpf ogt, %get3A_2414, %max3A_2408 : vector<8x4096xf32>
    %max3A_2416 = arith.maximumf %get3A_2414, %max3A_2408 : vector<8x4096xf32>
    %jit3A_2417 = arith.constant 3.010000e+02 : f32
    %broadcast_in_dim3A_2418 = vector.broadcast %jit3A_2417 : f32 to vector<8x4096xf32>
    %select_n3A_2419 = arith.select %gt3A_2415, %broadcast_in_dim3A_2418, %select_n3A_2411 : vector<8x4096xi1>, vector<8x4096xf32>
    %get3A_2420 = arith.constant 2416 : index
    %get3A_2421 = arith.constant 0 : index
    %get3A_2422 = vector.load %arg6[%get3A_2420, %get3A_2421] : memref<4000x4096xf32, #tpu.memory_space<vmem>>, vector<8x4096xf32>
    %gt3A_2423 = arith.cmpf ogt, %get3A_2422, %max3A_2416 : vector<8x4096xf32>
    %max3A_2424 = arith.maximumf %get3A_2422, %max3A_2416 : vector<8x4096xf32>
    %jit3A_2425 = arith.constant 3.020000e+02 : f32
    %broadcast_in_dim3A_2426 = vector.broadcast %jit3A_2425 : f32 to vector<8x4096xf32>
    %select_n3A_2427 = arith.select %gt3A_2423, %broadcast_in_dim3A_2426, %select_n3A_2419 : vector<8x4096xi1>, vector<8x4096xf32>
    %get3A_2428 = arith.constant 2424 : index
    %get3A_2429 = arith.constant 0 : index
    %get3A_2430 = vector.load %arg6[%get3A_2428, %get3A_2429] : memref<4000x4096xf32, #tpu.memory_space<vmem>>, vector<8x4096xf32>
    %gt3A_2431 = arith.cmpf ogt, %get3A_2430, %max3A_2424 : vector<8x4096xf32>
    %max3A_2432 = arith.maximumf %get3A_2430, %max3A_2424 : vector<8x4096xf32>
    %jit3A_2433 = arith.constant 3.030000e+02 : f32
    %broadcast_in_dim3A_2434 = vector.broadcast %jit3A_2433 : f32 to vector<8x4096xf32>
    %select_n3A_2435 = arith.select %gt3A_2431, %broadcast_in_dim3A_2434, %select_n3A_2427 : vector<8x4096xi1>, vector<8x4096xf32>
    %get3A_2436 = arith.constant 2432 : index
    %get3A_2437 = arith.constant 0 : index
    %get3A_2438 = vector.load %arg6[%get3A_2436, %get3A_2437] : memref<4000x4096xf32, #tpu.memory_space<vmem>>, vector<8x4096xf32>
    %gt3A_2439 = arith.cmpf ogt, %get3A_2438, %max3A_2432 : vector<8x4096xf32>
    %max3A_2440 = arith.maximumf %get3A_2438, %max3A_2432 : vector<8x4096xf32>
    %jit3A_2441 = arith.constant 3.040000e+02 : f32
    %broadcast_in_dim3A_2442 = vector.broadcast %jit3A_2441 : f32 to vector<8x4096xf32>
    %select_n3A_2443 = arith.select %gt3A_2439, %broadcast_in_dim3A_2442, %select_n3A_2435 : vector<8x4096xi1>, vector<8x4096xf32>
    %get3A_2444 = arith.constant 2440 : index
    %get3A_2445 = arith.constant 0 : index
    %get3A_2446 = vector.load %arg6[%get3A_2444, %get3A_2445] : memref<4000x4096xf32, #tpu.memory_space<vmem>>, vector<8x4096xf32>
    %gt3A_2447 = arith.cmpf ogt, %get3A_2446, %max3A_2440 : vector<8x4096xf32>
    %max3A_2448 = arith.maximumf %get3A_2446, %max3A_2440 : vector<8x4096xf32>
    %jit3A_2449 = arith.constant 3.050000e+02 : f32
    %broadcast_in_dim3A_2450 = vector.broadcast %jit3A_2449 : f32 to vector<8x4096xf32>
    %select_n3A_2451 = arith.select %gt3A_2447, %broadcast_in_dim3A_2450, %select_n3A_2443 : vector<8x4096xi1>, vector<8x4096xf32>
    %get3A_2452 = arith.constant 2448 : index
    %get3A_2453 = arith.constant 0 : index
    %get3A_2454 = vector.load %arg6[%get3A_2452, %get3A_2453] : memref<4000x4096xf32, #tpu.memory_space<vmem>>, vector<8x4096xf32>
    %gt3A_2455 = arith.cmpf ogt, %get3A_2454, %max3A_2448 : vector<8x4096xf32>
    %max3A_2456 = arith.maximumf %get3A_2454, %max3A_2448 : vector<8x4096xf32>
    %jit3A_2457 = arith.constant 3.060000e+02 : f32
    %broadcast_in_dim3A_2458 = vector.broadcast %jit3A_2457 : f32 to vector<8x4096xf32>
    %select_n3A_2459 = arith.select %gt3A_2455, %broadcast_in_dim3A_2458, %select_n3A_2451 : vector<8x4096xi1>, vector<8x4096xf32>
    %get3A_2460 = arith.constant 2456 : index
    %get3A_2461 = arith.constant 0 : index
    %get3A_2462 = vector.load %arg6[%get3A_2460, %get3A_2461] : memref<4000x4096xf32, #tpu.memory_space<vmem>>, vector<8x4096xf32>
    %gt3A_2463 = arith.cmpf ogt, %get3A_2462, %max3A_2456 : vector<8x4096xf32>
    %max3A_2464 = arith.maximumf %get3A_2462, %max3A_2456 : vector<8x4096xf32>
    %jit3A_2465 = arith.constant 3.070000e+02 : f32
    %broadcast_in_dim3A_2466 = vector.broadcast %jit3A_2465 : f32 to vector<8x4096xf32>
    %select_n3A_2467 = arith.select %gt3A_2463, %broadcast_in_dim3A_2466, %select_n3A_2459 : vector<8x4096xi1>, vector<8x4096xf32>
    %get3A_2468 = arith.constant 2464 : index
    %get3A_2469 = arith.constant 0 : index
    %get3A_2470 = vector.load %arg6[%get3A_2468, %get3A_2469] : memref<4000x4096xf32, #tpu.memory_space<vmem>>, vector<8x4096xf32>
    %gt3A_2471 = arith.cmpf ogt, %get3A_2470, %max3A_2464 : vector<8x4096xf32>
    %max3A_2472 = arith.maximumf %get3A_2470, %max3A_2464 : vector<8x4096xf32>
    %jit3A_2473 = arith.constant 3.080000e+02 : f32
    %broadcast_in_dim3A_2474 = vector.broadcast %jit3A_2473 : f32 to vector<8x4096xf32>
    %select_n3A_2475 = arith.select %gt3A_2471, %broadcast_in_dim3A_2474, %select_n3A_2467 : vector<8x4096xi1>, vector<8x4096xf32>
    %get3A_2476 = arith.constant 2472 : index
    %get3A_2477 = arith.constant 0 : index
    %get3A_2478 = vector.load %arg6[%get3A_2476, %get3A_2477] : memref<4000x4096xf32, #tpu.memory_space<vmem>>, vector<8x4096xf32>
    %gt3A_2479 = arith.cmpf ogt, %get3A_2478, %max3A_2472 : vector<8x4096xf32>
    %max3A_2480 = arith.maximumf %get3A_2478, %max3A_2472 : vector<8x4096xf32>
    %jit3A_2481 = arith.constant 3.090000e+02 : f32
    %broadcast_in_dim3A_2482 = vector.broadcast %jit3A_2481 : f32 to vector<8x4096xf32>
    %select_n3A_2483 = arith.select %gt3A_2479, %broadcast_in_dim3A_2482, %select_n3A_2475 : vector<8x4096xi1>, vector<8x4096xf32>
    %get3A_2484 = arith.constant 2480 : index
    %get3A_2485 = arith.constant 0 : index
    %get3A_2486 = vector.load %arg6[%get3A_2484, %get3A_2485] : memref<4000x4096xf32, #tpu.memory_space<vmem>>, vector<8x4096xf32>
    %gt3A_2487 = arith.cmpf ogt, %get3A_2486, %max3A_2480 : vector<8x4096xf32>
    %max3A_2488 = arith.maximumf %get3A_2486, %max3A_2480 : vector<8x4096xf32>
    %jit3A_2489 = arith.constant 3.100000e+02 : f32
    %broadcast_in_dim3A_2490 = vector.broadcast %jit3A_2489 : f32 to vector<8x4096xf32>
    %select_n3A_2491 = arith.select %gt3A_2487, %broadcast_in_dim3A_2490, %select_n3A_2483 : vector<8x4096xi1>, vector<8x4096xf32>
    %get3A_2492 = arith.constant 2488 : index
    %get3A_2493 = arith.constant 0 : index
    %get3A_2494 = vector.load %arg6[%get3A_2492, %get3A_2493] : memref<4000x4096xf32, #tpu.memory_space<vmem>>, vector<8x4096xf32>
    %gt3A_2495 = arith.cmpf ogt, %get3A_2494, %max3A_2488 : vector<8x4096xf32>
    %max3A_2496 = arith.maximumf %get3A_2494, %max3A_2488 : vector<8x4096xf32>
    %jit3A_2497 = arith.constant 3.110000e+02 : f32
    %broadcast_in_dim3A_2498 = vector.broadcast %jit3A_2497 : f32 to vector<8x4096xf32>
    %select_n3A_2499 = arith.select %gt3A_2495, %broadcast_in_dim3A_2498, %select_n3A_2491 : vector<8x4096xi1>, vector<8x4096xf32>
    %get3A_2500 = arith.constant 2496 : index
    %get3A_2501 = arith.constant 0 : index
    %get3A_2502 = vector.load %arg6[%get3A_2500, %get3A_2501] : memref<4000x4096xf32, #tpu.memory_space<vmem>>, vector<8x4096xf32>
    %gt3A_2503 = arith.cmpf ogt, %get3A_2502, %max3A_2496 : vector<8x4096xf32>
    %max3A_2504 = arith.maximumf %get3A_2502, %max3A_2496 : vector<8x4096xf32>
    %jit3A_2505 = arith.constant 3.120000e+02 : f32
    %broadcast_in_dim3A_2506 = vector.broadcast %jit3A_2505 : f32 to vector<8x4096xf32>
    %select_n3A_2507 = arith.select %gt3A_2503, %broadcast_in_dim3A_2506, %select_n3A_2499 : vector<8x4096xi1>, vector<8x4096xf32>
    %get3A_2508 = arith.constant 2504 : index
    %get3A_2509 = arith.constant 0 : index
    %get3A_2510 = vector.load %arg6[%get3A_2508, %get3A_2509] : memref<4000x4096xf32, #tpu.memory_space<vmem>>, vector<8x4096xf32>
    %gt3A_2511 = arith.cmpf ogt, %get3A_2510, %max3A_2504 : vector<8x4096xf32>
    %max3A_2512 = arith.maximumf %get3A_2510, %max3A_2504 : vector<8x4096xf32>
    %jit3A_2513 = arith.constant 3.130000e+02 : f32
    %broadcast_in_dim3A_2514 = vector.broadcast %jit3A_2513 : f32 to vector<8x4096xf32>
    %select_n3A_2515 = arith.select %gt3A_2511, %broadcast_in_dim3A_2514, %select_n3A_2507 : vector<8x4096xi1>, vector<8x4096xf32>
    %get3A_2516 = arith.constant 2512 : index
    %get3A_2517 = arith.constant 0 : index
    %get3A_2518 = vector.load %arg6[%get3A_2516, %get3A_2517] : memref<4000x4096xf32, #tpu.memory_space<vmem>>, vector<8x4096xf32>
    %gt3A_2519 = arith.cmpf ogt, %get3A_2518, %max3A_2512 : vector<8x4096xf32>
    %max3A_2520 = arith.maximumf %get3A_2518, %max3A_2512 : vector<8x4096xf32>
    %jit3A_2521 = arith.constant 3.140000e+02 : f32
    %broadcast_in_dim3A_2522 = vector.broadcast %jit3A_2521 : f32 to vector<8x4096xf32>
    %select_n3A_2523 = arith.select %gt3A_2519, %broadcast_in_dim3A_2522, %select_n3A_2515 : vector<8x4096xi1>, vector<8x4096xf32>
    %get3A_2524 = arith.constant 2520 : index
    %get3A_2525 = arith.constant 0 : index
    %get3A_2526 = vector.load %arg6[%get3A_2524, %get3A_2525] : memref<4000x4096xf32, #tpu.memory_space<vmem>>, vector<8x4096xf32>
    %gt3A_2527 = arith.cmpf ogt, %get3A_2526, %max3A_2520 : vector<8x4096xf32>
    %max3A_2528 = arith.maximumf %get3A_2526, %max3A_2520 : vector<8x4096xf32>
    %jit3A_2529 = arith.constant 3.150000e+02 : f32
    %broadcast_in_dim3A_2530 = vector.broadcast %jit3A_2529 : f32 to vector<8x4096xf32>
    %select_n3A_2531 = arith.select %gt3A_2527, %broadcast_in_dim3A_2530, %select_n3A_2523 : vector<8x4096xi1>, vector<8x4096xf32>
    %get3A_2532 = arith.constant 2528 : index
    %get3A_2533 = arith.constant 0 : index
    %get3A_2534 = vector.load %arg6[%get3A_2532, %get3A_2533] : memref<4000x4096xf32, #tpu.memory_space<vmem>>, vector<8x4096xf32>
    %gt3A_2535 = arith.cmpf ogt, %get3A_2534, %max3A_2528 : vector<8x4096xf32>
    %max3A_2536 = arith.maximumf %get3A_2534, %max3A_2528 : vector<8x4096xf32>
    %jit3A_2537 = arith.constant 3.160000e+02 : f32
    %broadcast_in_dim3A_2538 = vector.broadcast %jit3A_2537 : f32 to vector<8x4096xf32>
    %select_n3A_2539 = arith.select %gt3A_2535, %broadcast_in_dim3A_2538, %select_n3A_2531 : vector<8x4096xi1>, vector<8x4096xf32>
    %get3A_2540 = arith.constant 2536 : index
    %get3A_2541 = arith.constant 0 : index
    %get3A_2542 = vector.load %arg6[%get3A_2540, %get3A_2541] : memref<4000x4096xf32, #tpu.memory_space<vmem>>, vector<8x4096xf32>
    %gt3A_2543 = arith.cmpf ogt, %get3A_2542, %max3A_2536 : vector<8x4096xf32>
    %max3A_2544 = arith.maximumf %get3A_2542, %max3A_2536 : vector<8x4096xf32>
    %jit3A_2545 = arith.constant 3.170000e+02 : f32
    %broadcast_in_dim3A_2546 = vector.broadcast %jit3A_2545 : f32 to vector<8x4096xf32>
    %select_n3A_2547 = arith.select %gt3A_2543, %broadcast_in_dim3A_2546, %select_n3A_2539 : vector<8x4096xi1>, vector<8x4096xf32>
    %get3A_2548 = arith.constant 2544 : index
    %get3A_2549 = arith.constant 0 : index
    %get3A_2550 = vector.load %arg6[%get3A_2548, %get3A_2549] : memref<4000x4096xf32, #tpu.memory_space<vmem>>, vector<8x4096xf32>
    %gt3A_2551 = arith.cmpf ogt, %get3A_2550, %max3A_2544 : vector<8x4096xf32>
    %max3A_2552 = arith.maximumf %get3A_2550, %max3A_2544 : vector<8x4096xf32>
    %jit3A_2553 = arith.constant 3.180000e+02 : f32
    %broadcast_in_dim3A_2554 = vector.broadcast %jit3A_2553 : f32 to vector<8x4096xf32>
    %select_n3A_2555 = arith.select %gt3A_2551, %broadcast_in_dim3A_2554, %select_n3A_2547 : vector<8x4096xi1>, vector<8x4096xf32>
    %get3A_2556 = arith.constant 2552 : index
    %get3A_2557 = arith.constant 0 : index
    %get3A_2558 = vector.load %arg6[%get3A_2556, %get3A_2557] : memref<4000x4096xf32, #tpu.memory_space<vmem>>, vector<8x4096xf32>
    %gt3A_2559 = arith.cmpf ogt, %get3A_2558, %max3A_2552 : vector<8x4096xf32>
    %max3A_2560 = arith.maximumf %get3A_2558, %max3A_2552 : vector<8x4096xf32>
    %jit3A_2561 = arith.constant 3.190000e+02 : f32
    %broadcast_in_dim3A_2562 = vector.broadcast %jit3A_2561 : f32 to vector<8x4096xf32>
    %select_n3A_2563 = arith.select %gt3A_2559, %broadcast_in_dim3A_2562, %select_n3A_2555 : vector<8x4096xi1>, vector<8x4096xf32>
    %get3A_2564 = arith.constant 2560 : index
    %get3A_2565 = arith.constant 0 : index
    %get3A_2566 = vector.load %arg6[%get3A_2564, %get3A_2565] : memref<4000x4096xf32, #tpu.memory_space<vmem>>, vector<8x4096xf32>
    %gt3A_2567 = arith.cmpf ogt, %get3A_2566, %max3A_2560 : vector<8x4096xf32>
    %max3A_2568 = arith.maximumf %get3A_2566, %max3A_2560 : vector<8x4096xf32>
    %jit3A_2569 = arith.constant 3.200000e+02 : f32
    %broadcast_in_dim3A_2570 = vector.broadcast %jit3A_2569 : f32 to vector<8x4096xf32>
    %select_n3A_2571 = arith.select %gt3A_2567, %broadcast_in_dim3A_2570, %select_n3A_2563 : vector<8x4096xi1>, vector<8x4096xf32>
    %get3A_2572 = arith.constant 2568 : index
    %get3A_2573 = arith.constant 0 : index
    %get3A_2574 = vector.load %arg6[%get3A_2572, %get3A_2573] : memref<4000x4096xf32, #tpu.memory_space<vmem>>, vector<8x4096xf32>
    %gt3A_2575 = arith.cmpf ogt, %get3A_2574, %max3A_2568 : vector<8x4096xf32>
    %max3A_2576 = arith.maximumf %get3A_2574, %max3A_2568 : vector<8x4096xf32>
    %jit3A_2577 = arith.constant 3.210000e+02 : f32
    %broadcast_in_dim3A_2578 = vector.broadcast %jit3A_2577 : f32 to vector<8x4096xf32>
    %select_n3A_2579 = arith.select %gt3A_2575, %broadcast_in_dim3A_2578, %select_n3A_2571 : vector<8x4096xi1>, vector<8x4096xf32>
    %get3A_2580 = arith.constant 2576 : index
    %get3A_2581 = arith.constant 0 : index
    %get3A_2582 = vector.load %arg6[%get3A_2580, %get3A_2581] : memref<4000x4096xf32, #tpu.memory_space<vmem>>, vector<8x4096xf32>
    %gt3A_2583 = arith.cmpf ogt, %get3A_2582, %max3A_2576 : vector<8x4096xf32>
    %max3A_2584 = arith.maximumf %get3A_2582, %max3A_2576 : vector<8x4096xf32>
    %jit3A_2585 = arith.constant 3.220000e+02 : f32
    %broadcast_in_dim3A_2586 = vector.broadcast %jit3A_2585 : f32 to vector<8x4096xf32>
    %select_n3A_2587 = arith.select %gt3A_2583, %broadcast_in_dim3A_2586, %select_n3A_2579 : vector<8x4096xi1>, vector<8x4096xf32>
    %get3A_2588 = arith.constant 2584 : index
    %get3A_2589 = arith.constant 0 : index
    %get3A_2590 = vector.load %arg6[%get3A_2588, %get3A_2589] : memref<4000x4096xf32, #tpu.memory_space<vmem>>, vector<8x4096xf32>
    %gt3A_2591 = arith.cmpf ogt, %get3A_2590, %max3A_2584 : vector<8x4096xf32>
    %max3A_2592 = arith.maximumf %get3A_2590, %max3A_2584 : vector<8x4096xf32>
    %jit3A_2593 = arith.constant 3.230000e+02 : f32
    %broadcast_in_dim3A_2594 = vector.broadcast %jit3A_2593 : f32 to vector<8x4096xf32>
    %select_n3A_2595 = arith.select %gt3A_2591, %broadcast_in_dim3A_2594, %select_n3A_2587 : vector<8x4096xi1>, vector<8x4096xf32>
    %get3A_2596 = arith.constant 2592 : index
    %get3A_2597 = arith.constant 0 : index
    %get3A_2598 = vector.load %arg6[%get3A_2596, %get3A_2597] : memref<4000x4096xf32, #tpu.memory_space<vmem>>, vector<8x4096xf32>
    %gt3A_2599 = arith.cmpf ogt, %get3A_2598, %max3A_2592 : vector<8x4096xf32>
    %max3A_2600 = arith.maximumf %get3A_2598, %max3A_2592 : vector<8x4096xf32>
    %jit3A_2601 = arith.constant 3.240000e+02 : f32
    %broadcast_in_dim3A_2602 = vector.broadcast %jit3A_2601 : f32 to vector<8x4096xf32>
    %select_n3A_2603 = arith.select %gt3A_2599, %broadcast_in_dim3A_2602, %select_n3A_2595 : vector<8x4096xi1>, vector<8x4096xf32>
    %get3A_2604 = arith.constant 2600 : index
    %get3A_2605 = arith.constant 0 : index
    %get3A_2606 = vector.load %arg6[%get3A_2604, %get3A_2605] : memref<4000x4096xf32, #tpu.memory_space<vmem>>, vector<8x4096xf32>
    %gt3A_2607 = arith.cmpf ogt, %get3A_2606, %max3A_2600 : vector<8x4096xf32>
    %max3A_2608 = arith.maximumf %get3A_2606, %max3A_2600 : vector<8x4096xf32>
    %jit3A_2609 = arith.constant 3.250000e+02 : f32
    %broadcast_in_dim3A_2610 = vector.broadcast %jit3A_2609 : f32 to vector<8x4096xf32>
    %select_n3A_2611 = arith.select %gt3A_2607, %broadcast_in_dim3A_2610, %select_n3A_2603 : vector<8x4096xi1>, vector<8x4096xf32>
    %get3A_2612 = arith.constant 2608 : index
    %get3A_2613 = arith.constant 0 : index
    %get3A_2614 = vector.load %arg6[%get3A_2612, %get3A_2613] : memref<4000x4096xf32, #tpu.memory_space<vmem>>, vector<8x4096xf32>
    %gt3A_2615 = arith.cmpf ogt, %get3A_2614, %max3A_2608 : vector<8x4096xf32>
    %max3A_2616 = arith.maximumf %get3A_2614, %max3A_2608 : vector<8x4096xf32>
    %jit3A_2617 = arith.constant 3.260000e+02 : f32
    %broadcast_in_dim3A_2618 = vector.broadcast %jit3A_2617 : f32 to vector<8x4096xf32>
    %select_n3A_2619 = arith.select %gt3A_2615, %broadcast_in_dim3A_2618, %select_n3A_2611 : vector<8x4096xi1>, vector<8x4096xf32>
    %get3A_2620 = arith.constant 2616 : index
    %get3A_2621 = arith.constant 0 : index
    %get3A_2622 = vector.load %arg6[%get3A_2620, %get3A_2621] : memref<4000x4096xf32, #tpu.memory_space<vmem>>, vector<8x4096xf32>
    %gt3A_2623 = arith.cmpf ogt, %get3A_2622, %max3A_2616 : vector<8x4096xf32>
    %max3A_2624 = arith.maximumf %get3A_2622, %max3A_2616 : vector<8x4096xf32>
    %jit3A_2625 = arith.constant 3.270000e+02 : f32
    %broadcast_in_dim3A_2626 = vector.broadcast %jit3A_2625 : f32 to vector<8x4096xf32>
    %select_n3A_2627 = arith.select %gt3A_2623, %broadcast_in_dim3A_2626, %select_n3A_2619 : vector<8x4096xi1>, vector<8x4096xf32>
    %get3A_2628 = arith.constant 2624 : index
    %get3A_2629 = arith.constant 0 : index
    %get3A_2630 = vector.load %arg6[%get3A_2628, %get3A_2629] : memref<4000x4096xf32, #tpu.memory_space<vmem>>, vector<8x4096xf32>
    %gt3A_2631 = arith.cmpf ogt, %get3A_2630, %max3A_2624 : vector<8x4096xf32>
    %max3A_2632 = arith.maximumf %get3A_2630, %max3A_2624 : vector<8x4096xf32>
    %jit3A_2633 = arith.constant 3.280000e+02 : f32
    %broadcast_in_dim3A_2634 = vector.broadcast %jit3A_2633 : f32 to vector<8x4096xf32>
    %select_n3A_2635 = arith.select %gt3A_2631, %broadcast_in_dim3A_2634, %select_n3A_2627 : vector<8x4096xi1>, vector<8x4096xf32>
    %get3A_2636 = arith.constant 2632 : index
    %get3A_2637 = arith.constant 0 : index
    %get3A_2638 = vector.load %arg6[%get3A_2636, %get3A_2637] : memref<4000x4096xf32, #tpu.memory_space<vmem>>, vector<8x4096xf32>
    %gt3A_2639 = arith.cmpf ogt, %get3A_2638, %max3A_2632 : vector<8x4096xf32>
    %max3A_2640 = arith.maximumf %get3A_2638, %max3A_2632 : vector<8x4096xf32>
    %jit3A_2641 = arith.constant 3.290000e+02 : f32
    %broadcast_in_dim3A_2642 = vector.broadcast %jit3A_2641 : f32 to vector<8x4096xf32>
    %select_n3A_2643 = arith.select %gt3A_2639, %broadcast_in_dim3A_2642, %select_n3A_2635 : vector<8x4096xi1>, vector<8x4096xf32>
    %get3A_2644 = arith.constant 2640 : index
    %get3A_2645 = arith.constant 0 : index
    %get3A_2646 = vector.load %arg6[%get3A_2644, %get3A_2645] : memref<4000x4096xf32, #tpu.memory_space<vmem>>, vector<8x4096xf32>
    %gt3A_2647 = arith.cmpf ogt, %get3A_2646, %max3A_2640 : vector<8x4096xf32>
    %max3A_2648 = arith.maximumf %get3A_2646, %max3A_2640 : vector<8x4096xf32>
    %jit3A_2649 = arith.constant 3.300000e+02 : f32
    %broadcast_in_dim3A_2650 = vector.broadcast %jit3A_2649 : f32 to vector<8x4096xf32>
    %select_n3A_2651 = arith.select %gt3A_2647, %broadcast_in_dim3A_2650, %select_n3A_2643 : vector<8x4096xi1>, vector<8x4096xf32>
    %get3A_2652 = arith.constant 2648 : index
    %get3A_2653 = arith.constant 0 : index
    %get3A_2654 = vector.load %arg6[%get3A_2652, %get3A_2653] : memref<4000x4096xf32, #tpu.memory_space<vmem>>, vector<8x4096xf32>
    %gt3A_2655 = arith.cmpf ogt, %get3A_2654, %max3A_2648 : vector<8x4096xf32>
    %max3A_2656 = arith.maximumf %get3A_2654, %max3A_2648 : vector<8x4096xf32>
    %jit3A_2657 = arith.constant 3.310000e+02 : f32
    %broadcast_in_dim3A_2658 = vector.broadcast %jit3A_2657 : f32 to vector<8x4096xf32>
    %select_n3A_2659 = arith.select %gt3A_2655, %broadcast_in_dim3A_2658, %select_n3A_2651 : vector<8x4096xi1>, vector<8x4096xf32>
    %get3A_2660 = arith.constant 2656 : index
    %get3A_2661 = arith.constant 0 : index
    %get3A_2662 = vector.load %arg6[%get3A_2660, %get3A_2661] : memref<4000x4096xf32, #tpu.memory_space<vmem>>, vector<8x4096xf32>
    %gt3A_2663 = arith.cmpf ogt, %get3A_2662, %max3A_2656 : vector<8x4096xf32>
    %max3A_2664 = arith.maximumf %get3A_2662, %max3A_2656 : vector<8x4096xf32>
    %jit3A_2665 = arith.constant 3.320000e+02 : f32
    %broadcast_in_dim3A_2666 = vector.broadcast %jit3A_2665 : f32 to vector<8x4096xf32>
    %select_n3A_2667 = arith.select %gt3A_2663, %broadcast_in_dim3A_2666, %select_n3A_2659 : vector<8x4096xi1>, vector<8x4096xf32>
    %get3A_2668 = arith.constant 2664 : index
    %get3A_2669 = arith.constant 0 : index
    %get3A_2670 = vector.load %arg6[%get3A_2668, %get3A_2669] : memref<4000x4096xf32, #tpu.memory_space<vmem>>, vector<8x4096xf32>
    %gt3A_2671 = arith.cmpf ogt, %get3A_2670, %max3A_2664 : vector<8x4096xf32>
    %max3A_2672 = arith.maximumf %get3A_2670, %max3A_2664 : vector<8x4096xf32>
    %jit3A_2673 = arith.constant 3.330000e+02 : f32
    %broadcast_in_dim3A_2674 = vector.broadcast %jit3A_2673 : f32 to vector<8x4096xf32>
    %select_n3A_2675 = arith.select %gt3A_2671, %broadcast_in_dim3A_2674, %select_n3A_2667 : vector<8x4096xi1>, vector<8x4096xf32>
    %get3A_2676 = arith.constant 2672 : index
    %get3A_2677 = arith.constant 0 : index
    %get3A_2678 = vector.load %arg6[%get3A_2676, %get3A_2677] : memref<4000x4096xf32, #tpu.memory_space<vmem>>, vector<8x4096xf32>
    %gt3A_2679 = arith.cmpf ogt, %get3A_2678, %max3A_2672 : vector<8x4096xf32>
    %max3A_2680 = arith.maximumf %get3A_2678, %max3A_2672 : vector<8x4096xf32>
    %jit3A_2681 = arith.constant 3.340000e+02 : f32
    %broadcast_in_dim3A_2682 = vector.broadcast %jit3A_2681 : f32 to vector<8x4096xf32>
    %select_n3A_2683 = arith.select %gt3A_2679, %broadcast_in_dim3A_2682, %select_n3A_2675 : vector<8x4096xi1>, vector<8x4096xf32>
    %get3A_2684 = arith.constant 2680 : index
    %get3A_2685 = arith.constant 0 : index
    %get3A_2686 = vector.load %arg6[%get3A_2684, %get3A_2685] : memref<4000x4096xf32, #tpu.memory_space<vmem>>, vector<8x4096xf32>
    %gt3A_2687 = arith.cmpf ogt, %get3A_2686, %max3A_2680 : vector<8x4096xf32>
    %max3A_2688 = arith.maximumf %get3A_2686, %max3A_2680 : vector<8x4096xf32>
    %jit3A_2689 = arith.constant 3.350000e+02 : f32
    %broadcast_in_dim3A_2690 = vector.broadcast %jit3A_2689 : f32 to vector<8x4096xf32>
    %select_n3A_2691 = arith.select %gt3A_2687, %broadcast_in_dim3A_2690, %select_n3A_2683 : vector<8x4096xi1>, vector<8x4096xf32>
    %get3A_2692 = arith.constant 2688 : index
    %get3A_2693 = arith.constant 0 : index
    %get3A_2694 = vector.load %arg6[%get3A_2692, %get3A_2693] : memref<4000x4096xf32, #tpu.memory_space<vmem>>, vector<8x4096xf32>
    %gt3A_2695 = arith.cmpf ogt, %get3A_2694, %max3A_2688 : vector<8x4096xf32>
    %max3A_2696 = arith.maximumf %get3A_2694, %max3A_2688 : vector<8x4096xf32>
    %jit3A_2697 = arith.constant 3.360000e+02 : f32
    %broadcast_in_dim3A_2698 = vector.broadcast %jit3A_2697 : f32 to vector<8x4096xf32>
    %select_n3A_2699 = arith.select %gt3A_2695, %broadcast_in_dim3A_2698, %select_n3A_2691 : vector<8x4096xi1>, vector<8x4096xf32>
    %get3A_2700 = arith.constant 2696 : index
    %get3A_2701 = arith.constant 0 : index
    %get3A_2702 = vector.load %arg6[%get3A_2700, %get3A_2701] : memref<4000x4096xf32, #tpu.memory_space<vmem>>, vector<8x4096xf32>
    %gt3A_2703 = arith.cmpf ogt, %get3A_2702, %max3A_2696 : vector<8x4096xf32>
    %max3A_2704 = arith.maximumf %get3A_2702, %max3A_2696 : vector<8x4096xf32>
    %jit3A_2705 = arith.constant 3.370000e+02 : f32
    %broadcast_in_dim3A_2706 = vector.broadcast %jit3A_2705 : f32 to vector<8x4096xf32>
    %select_n3A_2707 = arith.select %gt3A_2703, %broadcast_in_dim3A_2706, %select_n3A_2699 : vector<8x4096xi1>, vector<8x4096xf32>
    %get3A_2708 = arith.constant 2704 : index
    %get3A_2709 = arith.constant 0 : index
    %get3A_2710 = vector.load %arg6[%get3A_2708, %get3A_2709] : memref<4000x4096xf32, #tpu.memory_space<vmem>>, vector<8x4096xf32>
    %gt3A_2711 = arith.cmpf ogt, %get3A_2710, %max3A_2704 : vector<8x4096xf32>
    %max3A_2712 = arith.maximumf %get3A_2710, %max3A_2704 : vector<8x4096xf32>
    %jit3A_2713 = arith.constant 3.380000e+02 : f32
    %broadcast_in_dim3A_2714 = vector.broadcast %jit3A_2713 : f32 to vector<8x4096xf32>
    %select_n3A_2715 = arith.select %gt3A_2711, %broadcast_in_dim3A_2714, %select_n3A_2707 : vector<8x4096xi1>, vector<8x4096xf32>
    %get3A_2716 = arith.constant 2712 : index
    %get3A_2717 = arith.constant 0 : index
    %get3A_2718 = vector.load %arg6[%get3A_2716, %get3A_2717] : memref<4000x4096xf32, #tpu.memory_space<vmem>>, vector<8x4096xf32>
    %gt3A_2719 = arith.cmpf ogt, %get3A_2718, %max3A_2712 : vector<8x4096xf32>
    %max3A_2720 = arith.maximumf %get3A_2718, %max3A_2712 : vector<8x4096xf32>
    %jit3A_2721 = arith.constant 3.390000e+02 : f32
    %broadcast_in_dim3A_2722 = vector.broadcast %jit3A_2721 : f32 to vector<8x4096xf32>
    %select_n3A_2723 = arith.select %gt3A_2719, %broadcast_in_dim3A_2722, %select_n3A_2715 : vector<8x4096xi1>, vector<8x4096xf32>
    %get3A_2724 = arith.constant 2720 : index
    %get3A_2725 = arith.constant 0 : index
    %get3A_2726 = vector.load %arg6[%get3A_2724, %get3A_2725] : memref<4000x4096xf32, #tpu.memory_space<vmem>>, vector<8x4096xf32>
    %gt3A_2727 = arith.cmpf ogt, %get3A_2726, %max3A_2720 : vector<8x4096xf32>
    %max3A_2728 = arith.maximumf %get3A_2726, %max3A_2720 : vector<8x4096xf32>
    %jit3A_2729 = arith.constant 3.400000e+02 : f32
    %broadcast_in_dim3A_2730 = vector.broadcast %jit3A_2729 : f32 to vector<8x4096xf32>
    %select_n3A_2731 = arith.select %gt3A_2727, %broadcast_in_dim3A_2730, %select_n3A_2723 : vector<8x4096xi1>, vector<8x4096xf32>
    %get3A_2732 = arith.constant 2728 : index
    %get3A_2733 = arith.constant 0 : index
    %get3A_2734 = vector.load %arg6[%get3A_2732, %get3A_2733] : memref<4000x4096xf32, #tpu.memory_space<vmem>>, vector<8x4096xf32>
    %gt3A_2735 = arith.cmpf ogt, %get3A_2734, %max3A_2728 : vector<8x4096xf32>
    %max3A_2736 = arith.maximumf %get3A_2734, %max3A_2728 : vector<8x4096xf32>
    %jit3A_2737 = arith.constant 3.410000e+02 : f32
    %broadcast_in_dim3A_2738 = vector.broadcast %jit3A_2737 : f32 to vector<8x4096xf32>
    %select_n3A_2739 = arith.select %gt3A_2735, %broadcast_in_dim3A_2738, %select_n3A_2731 : vector<8x4096xi1>, vector<8x4096xf32>
    %get3A_2740 = arith.constant 2736 : index
    %get3A_2741 = arith.constant 0 : index
    %get3A_2742 = vector.load %arg6[%get3A_2740, %get3A_2741] : memref<4000x4096xf32, #tpu.memory_space<vmem>>, vector<8x4096xf32>
    %gt3A_2743 = arith.cmpf ogt, %get3A_2742, %max3A_2736 : vector<8x4096xf32>
    %max3A_2744 = arith.maximumf %get3A_2742, %max3A_2736 : vector<8x4096xf32>
    %jit3A_2745 = arith.constant 3.420000e+02 : f32
    %broadcast_in_dim3A_2746 = vector.broadcast %jit3A_2745 : f32 to vector<8x4096xf32>
    %select_n3A_2747 = arith.select %gt3A_2743, %broadcast_in_dim3A_2746, %select_n3A_2739 : vector<8x4096xi1>, vector<8x4096xf32>
    %get3A_2748 = arith.constant 2744 : index
    %get3A_2749 = arith.constant 0 : index
    %get3A_2750 = vector.load %arg6[%get3A_2748, %get3A_2749] : memref<4000x4096xf32, #tpu.memory_space<vmem>>, vector<8x4096xf32>
    %gt3A_2751 = arith.cmpf ogt, %get3A_2750, %max3A_2744 : vector<8x4096xf32>
    %max3A_2752 = arith.maximumf %get3A_2750, %max3A_2744 : vector<8x4096xf32>
    %jit3A_2753 = arith.constant 3.430000e+02 : f32
    %broadcast_in_dim3A_2754 = vector.broadcast %jit3A_2753 : f32 to vector<8x4096xf32>
    %select_n3A_2755 = arith.select %gt3A_2751, %broadcast_in_dim3A_2754, %select_n3A_2747 : vector<8x4096xi1>, vector<8x4096xf32>
    %get3A_2756 = arith.constant 2752 : index
    %get3A_2757 = arith.constant 0 : index
    %get3A_2758 = vector.load %arg6[%get3A_2756, %get3A_2757] : memref<4000x4096xf32, #tpu.memory_space<vmem>>, vector<8x4096xf32>
    %gt3A_2759 = arith.cmpf ogt, %get3A_2758, %max3A_2752 : vector<8x4096xf32>
    %max3A_2760 = arith.maximumf %get3A_2758, %max3A_2752 : vector<8x4096xf32>
    %jit3A_2761 = arith.constant 3.440000e+02 : f32
    %broadcast_in_dim3A_2762 = vector.broadcast %jit3A_2761 : f32 to vector<8x4096xf32>
    %select_n3A_2763 = arith.select %gt3A_2759, %broadcast_in_dim3A_2762, %select_n3A_2755 : vector<8x4096xi1>, vector<8x4096xf32>
    %get3A_2764 = arith.constant 2760 : index
    %get3A_2765 = arith.constant 0 : index
    %get3A_2766 = vector.load %arg6[%get3A_2764, %get3A_2765] : memref<4000x4096xf32, #tpu.memory_space<vmem>>, vector<8x4096xf32>
    %gt3A_2767 = arith.cmpf ogt, %get3A_2766, %max3A_2760 : vector<8x4096xf32>
    %max3A_2768 = arith.maximumf %get3A_2766, %max3A_2760 : vector<8x4096xf32>
    %jit3A_2769 = arith.constant 3.450000e+02 : f32
    %broadcast_in_dim3A_2770 = vector.broadcast %jit3A_2769 : f32 to vector<8x4096xf32>
    %select_n3A_2771 = arith.select %gt3A_2767, %broadcast_in_dim3A_2770, %select_n3A_2763 : vector<8x4096xi1>, vector<8x4096xf32>
    %get3A_2772 = arith.constant 2768 : index
    %get3A_2773 = arith.constant 0 : index
    %get3A_2774 = vector.load %arg6[%get3A_2772, %get3A_2773] : memref<4000x4096xf32, #tpu.memory_space<vmem>>, vector<8x4096xf32>
    %gt3A_2775 = arith.cmpf ogt, %get3A_2774, %max3A_2768 : vector<8x4096xf32>
    %max3A_2776 = arith.maximumf %get3A_2774, %max3A_2768 : vector<8x4096xf32>
    %jit3A_2777 = arith.constant 3.460000e+02 : f32
    %broadcast_in_dim3A_2778 = vector.broadcast %jit3A_2777 : f32 to vector<8x4096xf32>
    %select_n3A_2779 = arith.select %gt3A_2775, %broadcast_in_dim3A_2778, %select_n3A_2771 : vector<8x4096xi1>, vector<8x4096xf32>
    %get3A_2780 = arith.constant 2776 : index
    %get3A_2781 = arith.constant 0 : index
    %get3A_2782 = vector.load %arg6[%get3A_2780, %get3A_2781] : memref<4000x4096xf32, #tpu.memory_space<vmem>>, vector<8x4096xf32>
    %gt3A_2783 = arith.cmpf ogt, %get3A_2782, %max3A_2776 : vector<8x4096xf32>
    %max3A_2784 = arith.maximumf %get3A_2782, %max3A_2776 : vector<8x4096xf32>
    %jit3A_2785 = arith.constant 3.470000e+02 : f32
    %broadcast_in_dim3A_2786 = vector.broadcast %jit3A_2785 : f32 to vector<8x4096xf32>
    %select_n3A_2787 = arith.select %gt3A_2783, %broadcast_in_dim3A_2786, %select_n3A_2779 : vector<8x4096xi1>, vector<8x4096xf32>
    %get3A_2788 = arith.constant 2784 : index
    %get3A_2789 = arith.constant 0 : index
    %get3A_2790 = vector.load %arg6[%get3A_2788, %get3A_2789] : memref<4000x4096xf32, #tpu.memory_space<vmem>>, vector<8x4096xf32>
    %gt3A_2791 = arith.cmpf ogt, %get3A_2790, %max3A_2784 : vector<8x4096xf32>
    %max3A_2792 = arith.maximumf %get3A_2790, %max3A_2784 : vector<8x4096xf32>
    %jit3A_2793 = arith.constant 3.480000e+02 : f32
    %broadcast_in_dim3A_2794 = vector.broadcast %jit3A_2793 : f32 to vector<8x4096xf32>
    %select_n3A_2795 = arith.select %gt3A_2791, %broadcast_in_dim3A_2794, %select_n3A_2787 : vector<8x4096xi1>, vector<8x4096xf32>
    %get3A_2796 = arith.constant 2792 : index
    %get3A_2797 = arith.constant 0 : index
    %get3A_2798 = vector.load %arg6[%get3A_2796, %get3A_2797] : memref<4000x4096xf32, #tpu.memory_space<vmem>>, vector<8x4096xf32>
    %gt3A_2799 = arith.cmpf ogt, %get3A_2798, %max3A_2792 : vector<8x4096xf32>
    %max3A_2800 = arith.maximumf %get3A_2798, %max3A_2792 : vector<8x4096xf32>
    %jit3A_2801 = arith.constant 3.490000e+02 : f32
    %broadcast_in_dim3A_2802 = vector.broadcast %jit3A_2801 : f32 to vector<8x4096xf32>
    %select_n3A_2803 = arith.select %gt3A_2799, %broadcast_in_dim3A_2802, %select_n3A_2795 : vector<8x4096xi1>, vector<8x4096xf32>
    %get3A_2804 = arith.constant 2800 : index
    %get3A_2805 = arith.constant 0 : index
    %get3A_2806 = vector.load %arg6[%get3A_2804, %get3A_2805] : memref<4000x4096xf32, #tpu.memory_space<vmem>>, vector<8x4096xf32>
    %gt3A_2807 = arith.cmpf ogt, %get3A_2806, %max3A_2800 : vector<8x4096xf32>
    %max3A_2808 = arith.maximumf %get3A_2806, %max3A_2800 : vector<8x4096xf32>
    %jit3A_2809 = arith.constant 3.500000e+02 : f32
    %broadcast_in_dim3A_2810 = vector.broadcast %jit3A_2809 : f32 to vector<8x4096xf32>
    %select_n3A_2811 = arith.select %gt3A_2807, %broadcast_in_dim3A_2810, %select_n3A_2803 : vector<8x4096xi1>, vector<8x4096xf32>
    %get3A_2812 = arith.constant 2808 : index
    %get3A_2813 = arith.constant 0 : index
    %get3A_2814 = vector.load %arg6[%get3A_2812, %get3A_2813] : memref<4000x4096xf32, #tpu.memory_space<vmem>>, vector<8x4096xf32>
    %gt3A_2815 = arith.cmpf ogt, %get3A_2814, %max3A_2808 : vector<8x4096xf32>
    %max3A_2816 = arith.maximumf %get3A_2814, %max3A_2808 : vector<8x4096xf32>
    %jit3A_2817 = arith.constant 3.510000e+02 : f32
    %broadcast_in_dim3A_2818 = vector.broadcast %jit3A_2817 : f32 to vector<8x4096xf32>
    %select_n3A_2819 = arith.select %gt3A_2815, %broadcast_in_dim3A_2818, %select_n3A_2811 : vector<8x4096xi1>, vector<8x4096xf32>
    %get3A_2820 = arith.constant 2816 : index
    %get3A_2821 = arith.constant 0 : index
    %get3A_2822 = vector.load %arg6[%get3A_2820, %get3A_2821] : memref<4000x4096xf32, #tpu.memory_space<vmem>>, vector<8x4096xf32>
    %gt3A_2823 = arith.cmpf ogt, %get3A_2822, %max3A_2816 : vector<8x4096xf32>
    %max3A_2824 = arith.maximumf %get3A_2822, %max3A_2816 : vector<8x4096xf32>
    %jit3A_2825 = arith.constant 3.520000e+02 : f32
    %broadcast_in_dim3A_2826 = vector.broadcast %jit3A_2825 : f32 to vector<8x4096xf32>
    %select_n3A_2827 = arith.select %gt3A_2823, %broadcast_in_dim3A_2826, %select_n3A_2819 : vector<8x4096xi1>, vector<8x4096xf32>
    %get3A_2828 = arith.constant 2824 : index
    %get3A_2829 = arith.constant 0 : index
    %get3A_2830 = vector.load %arg6[%get3A_2828, %get3A_2829] : memref<4000x4096xf32, #tpu.memory_space<vmem>>, vector<8x4096xf32>
    %gt3A_2831 = arith.cmpf ogt, %get3A_2830, %max3A_2824 : vector<8x4096xf32>
    %max3A_2832 = arith.maximumf %get3A_2830, %max3A_2824 : vector<8x4096xf32>
    %jit3A_2833 = arith.constant 3.530000e+02 : f32
    %broadcast_in_dim3A_2834 = vector.broadcast %jit3A_2833 : f32 to vector<8x4096xf32>
    %select_n3A_2835 = arith.select %gt3A_2831, %broadcast_in_dim3A_2834, %select_n3A_2827 : vector<8x4096xi1>, vector<8x4096xf32>
    %get3A_2836 = arith.constant 2832 : index
    %get3A_2837 = arith.constant 0 : index
    %get3A_2838 = vector.load %arg6[%get3A_2836, %get3A_2837] : memref<4000x4096xf32, #tpu.memory_space<vmem>>, vector<8x4096xf32>
    %gt3A_2839 = arith.cmpf ogt, %get3A_2838, %max3A_2832 : vector<8x4096xf32>
    %max3A_2840 = arith.maximumf %get3A_2838, %max3A_2832 : vector<8x4096xf32>
    %jit3A_2841 = arith.constant 3.540000e+02 : f32
    %broadcast_in_dim3A_2842 = vector.broadcast %jit3A_2841 : f32 to vector<8x4096xf32>
    %select_n3A_2843 = arith.select %gt3A_2839, %broadcast_in_dim3A_2842, %select_n3A_2835 : vector<8x4096xi1>, vector<8x4096xf32>
    %get3A_2844 = arith.constant 2840 : index
    %get3A_2845 = arith.constant 0 : index
    %get3A_2846 = vector.load %arg6[%get3A_2844, %get3A_2845] : memref<4000x4096xf32, #tpu.memory_space<vmem>>, vector<8x4096xf32>
    %gt3A_2847 = arith.cmpf ogt, %get3A_2846, %max3A_2840 : vector<8x4096xf32>
    %max3A_2848 = arith.maximumf %get3A_2846, %max3A_2840 : vector<8x4096xf32>
    %jit3A_2849 = arith.constant 3.550000e+02 : f32
    %broadcast_in_dim3A_2850 = vector.broadcast %jit3A_2849 : f32 to vector<8x4096xf32>
    %select_n3A_2851 = arith.select %gt3A_2847, %broadcast_in_dim3A_2850, %select_n3A_2843 : vector<8x4096xi1>, vector<8x4096xf32>
    %get3A_2852 = arith.constant 2848 : index
    %get3A_2853 = arith.constant 0 : index
    %get3A_2854 = vector.load %arg6[%get3A_2852, %get3A_2853] : memref<4000x4096xf32, #tpu.memory_space<vmem>>, vector<8x4096xf32>
    %gt3A_2855 = arith.cmpf ogt, %get3A_2854, %max3A_2848 : vector<8x4096xf32>
    %max3A_2856 = arith.maximumf %get3A_2854, %max3A_2848 : vector<8x4096xf32>
    %jit3A_2857 = arith.constant 3.560000e+02 : f32
    %broadcast_in_dim3A_2858 = vector.broadcast %jit3A_2857 : f32 to vector<8x4096xf32>
    %select_n3A_2859 = arith.select %gt3A_2855, %broadcast_in_dim3A_2858, %select_n3A_2851 : vector<8x4096xi1>, vector<8x4096xf32>
    %get3A_2860 = arith.constant 2856 : index
    %get3A_2861 = arith.constant 0 : index
    %get3A_2862 = vector.load %arg6[%get3A_2860, %get3A_2861] : memref<4000x4096xf32, #tpu.memory_space<vmem>>, vector<8x4096xf32>
    %gt3A_2863 = arith.cmpf ogt, %get3A_2862, %max3A_2856 : vector<8x4096xf32>
    %max3A_2864 = arith.maximumf %get3A_2862, %max3A_2856 : vector<8x4096xf32>
    %jit3A_2865 = arith.constant 3.570000e+02 : f32
    %broadcast_in_dim3A_2866 = vector.broadcast %jit3A_2865 : f32 to vector<8x4096xf32>
    %select_n3A_2867 = arith.select %gt3A_2863, %broadcast_in_dim3A_2866, %select_n3A_2859 : vector<8x4096xi1>, vector<8x4096xf32>
    %get3A_2868 = arith.constant 2864 : index
    %get3A_2869 = arith.constant 0 : index
    %get3A_2870 = vector.load %arg6[%get3A_2868, %get3A_2869] : memref<4000x4096xf32, #tpu.memory_space<vmem>>, vector<8x4096xf32>
    %gt3A_2871 = arith.cmpf ogt, %get3A_2870, %max3A_2864 : vector<8x4096xf32>
    %max3A_2872 = arith.maximumf %get3A_2870, %max3A_2864 : vector<8x4096xf32>
    %jit3A_2873 = arith.constant 3.580000e+02 : f32
    %broadcast_in_dim3A_2874 = vector.broadcast %jit3A_2873 : f32 to vector<8x4096xf32>
    %select_n3A_2875 = arith.select %gt3A_2871, %broadcast_in_dim3A_2874, %select_n3A_2867 : vector<8x4096xi1>, vector<8x4096xf32>
    %get3A_2876 = arith.constant 2872 : index
    %get3A_2877 = arith.constant 0 : index
    %get3A_2878 = vector.load %arg6[%get3A_2876, %get3A_2877] : memref<4000x4096xf32, #tpu.memory_space<vmem>>, vector<8x4096xf32>
    %gt3A_2879 = arith.cmpf ogt, %get3A_2878, %max3A_2872 : vector<8x4096xf32>
    %max3A_2880 = arith.maximumf %get3A_2878, %max3A_2872 : vector<8x4096xf32>
    %jit3A_2881 = arith.constant 3.590000e+02 : f32
    %broadcast_in_dim3A_2882 = vector.broadcast %jit3A_2881 : f32 to vector<8x4096xf32>
    %select_n3A_2883 = arith.select %gt3A_2879, %broadcast_in_dim3A_2882, %select_n3A_2875 : vector<8x4096xi1>, vector<8x4096xf32>
    %get3A_2884 = arith.constant 2880 : index
    %get3A_2885 = arith.constant 0 : index
    %get3A_2886 = vector.load %arg6[%get3A_2884, %get3A_2885] : memref<4000x4096xf32, #tpu.memory_space<vmem>>, vector<8x4096xf32>
    %gt3A_2887 = arith.cmpf ogt, %get3A_2886, %max3A_2880 : vector<8x4096xf32>
    %max3A_2888 = arith.maximumf %get3A_2886, %max3A_2880 : vector<8x4096xf32>
    %jit3A_2889 = arith.constant 3.600000e+02 : f32
    %broadcast_in_dim3A_2890 = vector.broadcast %jit3A_2889 : f32 to vector<8x4096xf32>
    %select_n3A_2891 = arith.select %gt3A_2887, %broadcast_in_dim3A_2890, %select_n3A_2883 : vector<8x4096xi1>, vector<8x4096xf32>
    %get3A_2892 = arith.constant 2888 : index
    %get3A_2893 = arith.constant 0 : index
    %get3A_2894 = vector.load %arg6[%get3A_2892, %get3A_2893] : memref<4000x4096xf32, #tpu.memory_space<vmem>>, vector<8x4096xf32>
    %gt3A_2895 = arith.cmpf ogt, %get3A_2894, %max3A_2888 : vector<8x4096xf32>
    %max3A_2896 = arith.maximumf %get3A_2894, %max3A_2888 : vector<8x4096xf32>
    %jit3A_2897 = arith.constant 3.610000e+02 : f32
    %broadcast_in_dim3A_2898 = vector.broadcast %jit3A_2897 : f32 to vector<8x4096xf32>
    %select_n3A_2899 = arith.select %gt3A_2895, %broadcast_in_dim3A_2898, %select_n3A_2891 : vector<8x4096xi1>, vector<8x4096xf32>
    %get3A_2900 = arith.constant 2896 : index
    %get3A_2901 = arith.constant 0 : index
    %get3A_2902 = vector.load %arg6[%get3A_2900, %get3A_2901] : memref<4000x4096xf32, #tpu.memory_space<vmem>>, vector<8x4096xf32>
    %gt3A_2903 = arith.cmpf ogt, %get3A_2902, %max3A_2896 : vector<8x4096xf32>
    %max3A_2904 = arith.maximumf %get3A_2902, %max3A_2896 : vector<8x4096xf32>
    %jit3A_2905 = arith.constant 3.620000e+02 : f32
    %broadcast_in_dim3A_2906 = vector.broadcast %jit3A_2905 : f32 to vector<8x4096xf32>
    %select_n3A_2907 = arith.select %gt3A_2903, %broadcast_in_dim3A_2906, %select_n3A_2899 : vector<8x4096xi1>, vector<8x4096xf32>
    %get3A_2908 = arith.constant 2904 : index
    %get3A_2909 = arith.constant 0 : index
    %get3A_2910 = vector.load %arg6[%get3A_2908, %get3A_2909] : memref<4000x4096xf32, #tpu.memory_space<vmem>>, vector<8x4096xf32>
    %gt3A_2911 = arith.cmpf ogt, %get3A_2910, %max3A_2904 : vector<8x4096xf32>
    %max3A_2912 = arith.maximumf %get3A_2910, %max3A_2904 : vector<8x4096xf32>
    %jit3A_2913 = arith.constant 3.630000e+02 : f32
    %broadcast_in_dim3A_2914 = vector.broadcast %jit3A_2913 : f32 to vector<8x4096xf32>
    %select_n3A_2915 = arith.select %gt3A_2911, %broadcast_in_dim3A_2914, %select_n3A_2907 : vector<8x4096xi1>, vector<8x4096xf32>
    %get3A_2916 = arith.constant 2912 : index
    %get3A_2917 = arith.constant 0 : index
    %get3A_2918 = vector.load %arg6[%get3A_2916, %get3A_2917] : memref<4000x4096xf32, #tpu.memory_space<vmem>>, vector<8x4096xf32>
    %gt3A_2919 = arith.cmpf ogt, %get3A_2918, %max3A_2912 : vector<8x4096xf32>
    %max3A_2920 = arith.maximumf %get3A_2918, %max3A_2912 : vector<8x4096xf32>
    %jit3A_2921 = arith.constant 3.640000e+02 : f32
    %broadcast_in_dim3A_2922 = vector.broadcast %jit3A_2921 : f32 to vector<8x4096xf32>
    %select_n3A_2923 = arith.select %gt3A_2919, %broadcast_in_dim3A_2922, %select_n3A_2915 : vector<8x4096xi1>, vector<8x4096xf32>
    %get3A_2924 = arith.constant 2920 : index
    %get3A_2925 = arith.constant 0 : index
    %get3A_2926 = vector.load %arg6[%get3A_2924, %get3A_2925] : memref<4000x4096xf32, #tpu.memory_space<vmem>>, vector<8x4096xf32>
    %gt3A_2927 = arith.cmpf ogt, %get3A_2926, %max3A_2920 : vector<8x4096xf32>
    %max3A_2928 = arith.maximumf %get3A_2926, %max3A_2920 : vector<8x4096xf32>
    %jit3A_2929 = arith.constant 3.650000e+02 : f32
    %broadcast_in_dim3A_2930 = vector.broadcast %jit3A_2929 : f32 to vector<8x4096xf32>
    %select_n3A_2931 = arith.select %gt3A_2927, %broadcast_in_dim3A_2930, %select_n3A_2923 : vector<8x4096xi1>, vector<8x4096xf32>
    %get3A_2932 = arith.constant 2928 : index
    %get3A_2933 = arith.constant 0 : index
    %get3A_2934 = vector.load %arg6[%get3A_2932, %get3A_2933] : memref<4000x4096xf32, #tpu.memory_space<vmem>>, vector<8x4096xf32>
    %gt3A_2935 = arith.cmpf ogt, %get3A_2934, %max3A_2928 : vector<8x4096xf32>
    %max3A_2936 = arith.maximumf %get3A_2934, %max3A_2928 : vector<8x4096xf32>
    %jit3A_2937 = arith.constant 3.660000e+02 : f32
    %broadcast_in_dim3A_2938 = vector.broadcast %jit3A_2937 : f32 to vector<8x4096xf32>
    %select_n3A_2939 = arith.select %gt3A_2935, %broadcast_in_dim3A_2938, %select_n3A_2931 : vector<8x4096xi1>, vector<8x4096xf32>
    %get3A_2940 = arith.constant 2936 : index
    %get3A_2941 = arith.constant 0 : index
    %get3A_2942 = vector.load %arg6[%get3A_2940, %get3A_2941] : memref<4000x4096xf32, #tpu.memory_space<vmem>>, vector<8x4096xf32>
    %gt3A_2943 = arith.cmpf ogt, %get3A_2942, %max3A_2936 : vector<8x4096xf32>
    %max3A_2944 = arith.maximumf %get3A_2942, %max3A_2936 : vector<8x4096xf32>
    %jit3A_2945 = arith.constant 3.670000e+02 : f32
    %broadcast_in_dim3A_2946 = vector.broadcast %jit3A_2945 : f32 to vector<8x4096xf32>
    %select_n3A_2947 = arith.select %gt3A_2943, %broadcast_in_dim3A_2946, %select_n3A_2939 : vector<8x4096xi1>, vector<8x4096xf32>
    %get3A_2948 = arith.constant 2944 : index
    %get3A_2949 = arith.constant 0 : index
    %get3A_2950 = vector.load %arg6[%get3A_2948, %get3A_2949] : memref<4000x4096xf32, #tpu.memory_space<vmem>>, vector<8x4096xf32>
    %gt3A_2951 = arith.cmpf ogt, %get3A_2950, %max3A_2944 : vector<8x4096xf32>
    %max3A_2952 = arith.maximumf %get3A_2950, %max3A_2944 : vector<8x4096xf32>
    %jit3A_2953 = arith.constant 3.680000e+02 : f32
    %broadcast_in_dim3A_2954 = vector.broadcast %jit3A_2953 : f32 to vector<8x4096xf32>
    %select_n3A_2955 = arith.select %gt3A_2951, %broadcast_in_dim3A_2954, %select_n3A_2947 : vector<8x4096xi1>, vector<8x4096xf32>
    %get3A_2956 = arith.constant 2952 : index
    %get3A_2957 = arith.constant 0 : index
    %get3A_2958 = vector.load %arg6[%get3A_2956, %get3A_2957] : memref<4000x4096xf32, #tpu.memory_space<vmem>>, vector<8x4096xf32>
    %gt3A_2959 = arith.cmpf ogt, %get3A_2958, %max3A_2952 : vector<8x4096xf32>
    %max3A_2960 = arith.maximumf %get3A_2958, %max3A_2952 : vector<8x4096xf32>
    %jit3A_2961 = arith.constant 3.690000e+02 : f32
    %broadcast_in_dim3A_2962 = vector.broadcast %jit3A_2961 : f32 to vector<8x4096xf32>
    %select_n3A_2963 = arith.select %gt3A_2959, %broadcast_in_dim3A_2962, %select_n3A_2955 : vector<8x4096xi1>, vector<8x4096xf32>
    %get3A_2964 = arith.constant 2960 : index
    %get3A_2965 = arith.constant 0 : index
    %get3A_2966 = vector.load %arg6[%get3A_2964, %get3A_2965] : memref<4000x4096xf32, #tpu.memory_space<vmem>>, vector<8x4096xf32>
    %gt3A_2967 = arith.cmpf ogt, %get3A_2966, %max3A_2960 : vector<8x4096xf32>
    %max3A_2968 = arith.maximumf %get3A_2966, %max3A_2960 : vector<8x4096xf32>
    %jit3A_2969 = arith.constant 3.700000e+02 : f32
    %broadcast_in_dim3A_2970 = vector.broadcast %jit3A_2969 : f32 to vector<8x4096xf32>
    %select_n3A_2971 = arith.select %gt3A_2967, %broadcast_in_dim3A_2970, %select_n3A_2963 : vector<8x4096xi1>, vector<8x4096xf32>
    %get3A_2972 = arith.constant 2968 : index
    %get3A_2973 = arith.constant 0 : index
    %get3A_2974 = vector.load %arg6[%get3A_2972, %get3A_2973] : memref<4000x4096xf32, #tpu.memory_space<vmem>>, vector<8x4096xf32>
    %gt3A_2975 = arith.cmpf ogt, %get3A_2974, %max3A_2968 : vector<8x4096xf32>
    %max3A_2976 = arith.maximumf %get3A_2974, %max3A_2968 : vector<8x4096xf32>
    %jit3A_2977 = arith.constant 3.710000e+02 : f32
    %broadcast_in_dim3A_2978 = vector.broadcast %jit3A_2977 : f32 to vector<8x4096xf32>
    %select_n3A_2979 = arith.select %gt3A_2975, %broadcast_in_dim3A_2978, %select_n3A_2971 : vector<8x4096xi1>, vector<8x4096xf32>
    %get3A_2980 = arith.constant 2976 : index
    %get3A_2981 = arith.constant 0 : index
    %get3A_2982 = vector.load %arg6[%get3A_2980, %get3A_2981] : memref<4000x4096xf32, #tpu.memory_space<vmem>>, vector<8x4096xf32>
    %gt3A_2983 = arith.cmpf ogt, %get3A_2982, %max3A_2976 : vector<8x4096xf32>
    %max3A_2984 = arith.maximumf %get3A_2982, %max3A_2976 : vector<8x4096xf32>
    %jit3A_2985 = arith.constant 3.720000e+02 : f32
    %broadcast_in_dim3A_2986 = vector.broadcast %jit3A_2985 : f32 to vector<8x4096xf32>
    %select_n3A_2987 = arith.select %gt3A_2983, %broadcast_in_dim3A_2986, %select_n3A_2979 : vector<8x4096xi1>, vector<8x4096xf32>
    %get3A_2988 = arith.constant 2984 : index
    %get3A_2989 = arith.constant 0 : index
    %get3A_2990 = vector.load %arg6[%get3A_2988, %get3A_2989] : memref<4000x4096xf32, #tpu.memory_space<vmem>>, vector<8x4096xf32>
    %gt3A_2991 = arith.cmpf ogt, %get3A_2990, %max3A_2984 : vector<8x4096xf32>
    %max3A_2992 = arith.maximumf %get3A_2990, %max3A_2984 : vector<8x4096xf32>
    %jit3A_2993 = arith.constant 3.730000e+02 : f32
    %broadcast_in_dim3A_2994 = vector.broadcast %jit3A_2993 : f32 to vector<8x4096xf32>
    %select_n3A_2995 = arith.select %gt3A_2991, %broadcast_in_dim3A_2994, %select_n3A_2987 : vector<8x4096xi1>, vector<8x4096xf32>
    %get3A_2996 = arith.constant 2992 : index
    %get3A_2997 = arith.constant 0 : index
    %get3A_2998 = vector.load %arg6[%get3A_2996, %get3A_2997] : memref<4000x4096xf32, #tpu.memory_space<vmem>>, vector<8x4096xf32>
    %gt3A_2999 = arith.cmpf ogt, %get3A_2998, %max3A_2992 : vector<8x4096xf32>
    %max3A_3000 = arith.maximumf %get3A_2998, %max3A_2992 : vector<8x4096xf32>
    %jit3A_3001 = arith.constant 3.740000e+02 : f32
    %broadcast_in_dim3A_3002 = vector.broadcast %jit3A_3001 : f32 to vector<8x4096xf32>
    %select_n3A_3003 = arith.select %gt3A_2999, %broadcast_in_dim3A_3002, %select_n3A_2995 : vector<8x4096xi1>, vector<8x4096xf32>
    %get3A_3004 = arith.constant 3000 : index
    %get3A_3005 = arith.constant 0 : index
    %get3A_3006 = vector.load %arg6[%get3A_3004, %get3A_3005] : memref<4000x4096xf32, #tpu.memory_space<vmem>>, vector<8x4096xf32>
    %gt3A_3007 = arith.cmpf ogt, %get3A_3006, %max3A_3000 : vector<8x4096xf32>
    %max3A_3008 = arith.maximumf %get3A_3006, %max3A_3000 : vector<8x4096xf32>
    %jit3A_3009 = arith.constant 3.750000e+02 : f32
    %broadcast_in_dim3A_3010 = vector.broadcast %jit3A_3009 : f32 to vector<8x4096xf32>
    %select_n3A_3011 = arith.select %gt3A_3007, %broadcast_in_dim3A_3010, %select_n3A_3003 : vector<8x4096xi1>, vector<8x4096xf32>
    %get3A_3012 = arith.constant 3008 : index
    %get3A_3013 = arith.constant 0 : index
    %get3A_3014 = vector.load %arg6[%get3A_3012, %get3A_3013] : memref<4000x4096xf32, #tpu.memory_space<vmem>>, vector<8x4096xf32>
    %gt3A_3015 = arith.cmpf ogt, %get3A_3014, %max3A_3008 : vector<8x4096xf32>
    %max3A_3016 = arith.maximumf %get3A_3014, %max3A_3008 : vector<8x4096xf32>
    %jit3A_3017 = arith.constant 3.760000e+02 : f32
    %broadcast_in_dim3A_3018 = vector.broadcast %jit3A_3017 : f32 to vector<8x4096xf32>
    %select_n3A_3019 = arith.select %gt3A_3015, %broadcast_in_dim3A_3018, %select_n3A_3011 : vector<8x4096xi1>, vector<8x4096xf32>
    %get3A_3020 = arith.constant 3016 : index
    %get3A_3021 = arith.constant 0 : index
    %get3A_3022 = vector.load %arg6[%get3A_3020, %get3A_3021] : memref<4000x4096xf32, #tpu.memory_space<vmem>>, vector<8x4096xf32>
    %gt3A_3023 = arith.cmpf ogt, %get3A_3022, %max3A_3016 : vector<8x4096xf32>
    %max3A_3024 = arith.maximumf %get3A_3022, %max3A_3016 : vector<8x4096xf32>
    %jit3A_3025 = arith.constant 3.770000e+02 : f32
    %broadcast_in_dim3A_3026 = vector.broadcast %jit3A_3025 : f32 to vector<8x4096xf32>
    %select_n3A_3027 = arith.select %gt3A_3023, %broadcast_in_dim3A_3026, %select_n3A_3019 : vector<8x4096xi1>, vector<8x4096xf32>
    %get3A_3028 = arith.constant 3024 : index
    %get3A_3029 = arith.constant 0 : index
    %get3A_3030 = vector.load %arg6[%get3A_3028, %get3A_3029] : memref<4000x4096xf32, #tpu.memory_space<vmem>>, vector<8x4096xf32>
    %gt3A_3031 = arith.cmpf ogt, %get3A_3030, %max3A_3024 : vector<8x4096xf32>
    %max3A_3032 = arith.maximumf %get3A_3030, %max3A_3024 : vector<8x4096xf32>
    %jit3A_3033 = arith.constant 3.780000e+02 : f32
    %broadcast_in_dim3A_3034 = vector.broadcast %jit3A_3033 : f32 to vector<8x4096xf32>
    %select_n3A_3035 = arith.select %gt3A_3031, %broadcast_in_dim3A_3034, %select_n3A_3027 : vector<8x4096xi1>, vector<8x4096xf32>
    %get3A_3036 = arith.constant 3032 : index
    %get3A_3037 = arith.constant 0 : index
    %get3A_3038 = vector.load %arg6[%get3A_3036, %get3A_3037] : memref<4000x4096xf32, #tpu.memory_space<vmem>>, vector<8x4096xf32>
    %gt3A_3039 = arith.cmpf ogt, %get3A_3038, %max3A_3032 : vector<8x4096xf32>
    %max3A_3040 = arith.maximumf %get3A_3038, %max3A_3032 : vector<8x4096xf32>
    %jit3A_3041 = arith.constant 3.790000e+02 : f32
    %broadcast_in_dim3A_3042 = vector.broadcast %jit3A_3041 : f32 to vector<8x4096xf32>
    %select_n3A_3043 = arith.select %gt3A_3039, %broadcast_in_dim3A_3042, %select_n3A_3035 : vector<8x4096xi1>, vector<8x4096xf32>
    %get3A_3044 = arith.constant 3040 : index
    %get3A_3045 = arith.constant 0 : index
    %get3A_3046 = vector.load %arg6[%get3A_3044, %get3A_3045] : memref<4000x4096xf32, #tpu.memory_space<vmem>>, vector<8x4096xf32>
    %gt3A_3047 = arith.cmpf ogt, %get3A_3046, %max3A_3040 : vector<8x4096xf32>
    %max3A_3048 = arith.maximumf %get3A_3046, %max3A_3040 : vector<8x4096xf32>
    %jit3A_3049 = arith.constant 3.800000e+02 : f32
    %broadcast_in_dim3A_3050 = vector.broadcast %jit3A_3049 : f32 to vector<8x4096xf32>
    %select_n3A_3051 = arith.select %gt3A_3047, %broadcast_in_dim3A_3050, %select_n3A_3043 : vector<8x4096xi1>, vector<8x4096xf32>
    %get3A_3052 = arith.constant 3048 : index
    %get3A_3053 = arith.constant 0 : index
    %get3A_3054 = vector.load %arg6[%get3A_3052, %get3A_3053] : memref<4000x4096xf32, #tpu.memory_space<vmem>>, vector<8x4096xf32>
    %gt3A_3055 = arith.cmpf ogt, %get3A_3054, %max3A_3048 : vector<8x4096xf32>
    %max3A_3056 = arith.maximumf %get3A_3054, %max3A_3048 : vector<8x4096xf32>
    %jit3A_3057 = arith.constant 3.810000e+02 : f32
    %broadcast_in_dim3A_3058 = vector.broadcast %jit3A_3057 : f32 to vector<8x4096xf32>
    %select_n3A_3059 = arith.select %gt3A_3055, %broadcast_in_dim3A_3058, %select_n3A_3051 : vector<8x4096xi1>, vector<8x4096xf32>
    %get3A_3060 = arith.constant 3056 : index
    %get3A_3061 = arith.constant 0 : index
    %get3A_3062 = vector.load %arg6[%get3A_3060, %get3A_3061] : memref<4000x4096xf32, #tpu.memory_space<vmem>>, vector<8x4096xf32>
    %gt3A_3063 = arith.cmpf ogt, %get3A_3062, %max3A_3056 : vector<8x4096xf32>
    %max3A_3064 = arith.maximumf %get3A_3062, %max3A_3056 : vector<8x4096xf32>
    %jit3A_3065 = arith.constant 3.820000e+02 : f32
    %broadcast_in_dim3A_3066 = vector.broadcast %jit3A_3065 : f32 to vector<8x4096xf32>
    %select_n3A_3067 = arith.select %gt3A_3063, %broadcast_in_dim3A_3066, %select_n3A_3059 : vector<8x4096xi1>, vector<8x4096xf32>
    %get3A_3068 = arith.constant 3064 : index
    %get3A_3069 = arith.constant 0 : index
    %get3A_3070 = vector.load %arg6[%get3A_3068, %get3A_3069] : memref<4000x4096xf32, #tpu.memory_space<vmem>>, vector<8x4096xf32>
    %gt3A_3071 = arith.cmpf ogt, %get3A_3070, %max3A_3064 : vector<8x4096xf32>
    %max3A_3072 = arith.maximumf %get3A_3070, %max3A_3064 : vector<8x4096xf32>
    %jit3A_3073 = arith.constant 3.830000e+02 : f32
    %broadcast_in_dim3A_3074 = vector.broadcast %jit3A_3073 : f32 to vector<8x4096xf32>
    %select_n3A_3075 = arith.select %gt3A_3071, %broadcast_in_dim3A_3074, %select_n3A_3067 : vector<8x4096xi1>, vector<8x4096xf32>
    %get3A_3076 = arith.constant 3072 : index
    %get3A_3077 = arith.constant 0 : index
    %get3A_3078 = vector.load %arg6[%get3A_3076, %get3A_3077] : memref<4000x4096xf32, #tpu.memory_space<vmem>>, vector<8x4096xf32>
    %gt3A_3079 = arith.cmpf ogt, %get3A_3078, %max3A_3072 : vector<8x4096xf32>
    %max3A_3080 = arith.maximumf %get3A_3078, %max3A_3072 : vector<8x4096xf32>
    %jit3A_3081 = arith.constant 3.840000e+02 : f32
    %broadcast_in_dim3A_3082 = vector.broadcast %jit3A_3081 : f32 to vector<8x4096xf32>
    %select_n3A_3083 = arith.select %gt3A_3079, %broadcast_in_dim3A_3082, %select_n3A_3075 : vector<8x4096xi1>, vector<8x4096xf32>
    %get3A_3084 = arith.constant 3080 : index
    %get3A_3085 = arith.constant 0 : index
    %get3A_3086 = vector.load %arg6[%get3A_3084, %get3A_3085] : memref<4000x4096xf32, #tpu.memory_space<vmem>>, vector<8x4096xf32>
    %gt3A_3087 = arith.cmpf ogt, %get3A_3086, %max3A_3080 : vector<8x4096xf32>
    %max3A_3088 = arith.maximumf %get3A_3086, %max3A_3080 : vector<8x4096xf32>
    %jit3A_3089 = arith.constant 3.850000e+02 : f32
    %broadcast_in_dim3A_3090 = vector.broadcast %jit3A_3089 : f32 to vector<8x4096xf32>
    %select_n3A_3091 = arith.select %gt3A_3087, %broadcast_in_dim3A_3090, %select_n3A_3083 : vector<8x4096xi1>, vector<8x4096xf32>
    %get3A_3092 = arith.constant 3088 : index
    %get3A_3093 = arith.constant 0 : index
    %get3A_3094 = vector.load %arg6[%get3A_3092, %get3A_3093] : memref<4000x4096xf32, #tpu.memory_space<vmem>>, vector<8x4096xf32>
    %gt3A_3095 = arith.cmpf ogt, %get3A_3094, %max3A_3088 : vector<8x4096xf32>
    %max3A_3096 = arith.maximumf %get3A_3094, %max3A_3088 : vector<8x4096xf32>
    %jit3A_3097 = arith.constant 3.860000e+02 : f32
    %broadcast_in_dim3A_3098 = vector.broadcast %jit3A_3097 : f32 to vector<8x4096xf32>
    %select_n3A_3099 = arith.select %gt3A_3095, %broadcast_in_dim3A_3098, %select_n3A_3091 : vector<8x4096xi1>, vector<8x4096xf32>
    %get3A_3100 = arith.constant 3096 : index
    %get3A_3101 = arith.constant 0 : index
    %get3A_3102 = vector.load %arg6[%get3A_3100, %get3A_3101] : memref<4000x4096xf32, #tpu.memory_space<vmem>>, vector<8x4096xf32>
    %gt3A_3103 = arith.cmpf ogt, %get3A_3102, %max3A_3096 : vector<8x4096xf32>
    %max3A_3104 = arith.maximumf %get3A_3102, %max3A_3096 : vector<8x4096xf32>
    %jit3A_3105 = arith.constant 3.870000e+02 : f32
    %broadcast_in_dim3A_3106 = vector.broadcast %jit3A_3105 : f32 to vector<8x4096xf32>
    %select_n3A_3107 = arith.select %gt3A_3103, %broadcast_in_dim3A_3106, %select_n3A_3099 : vector<8x4096xi1>, vector<8x4096xf32>
    %get3A_3108 = arith.constant 3104 : index
    %get3A_3109 = arith.constant 0 : index
    %get3A_3110 = vector.load %arg6[%get3A_3108, %get3A_3109] : memref<4000x4096xf32, #tpu.memory_space<vmem>>, vector<8x4096xf32>
    %gt3A_3111 = arith.cmpf ogt, %get3A_3110, %max3A_3104 : vector<8x4096xf32>
    %max3A_3112 = arith.maximumf %get3A_3110, %max3A_3104 : vector<8x4096xf32>
    %jit3A_3113 = arith.constant 3.880000e+02 : f32
    %broadcast_in_dim3A_3114 = vector.broadcast %jit3A_3113 : f32 to vector<8x4096xf32>
    %select_n3A_3115 = arith.select %gt3A_3111, %broadcast_in_dim3A_3114, %select_n3A_3107 : vector<8x4096xi1>, vector<8x4096xf32>
    %get3A_3116 = arith.constant 3112 : index
    %get3A_3117 = arith.constant 0 : index
    %get3A_3118 = vector.load %arg6[%get3A_3116, %get3A_3117] : memref<4000x4096xf32, #tpu.memory_space<vmem>>, vector<8x4096xf32>
    %gt3A_3119 = arith.cmpf ogt, %get3A_3118, %max3A_3112 : vector<8x4096xf32>
    %max3A_3120 = arith.maximumf %get3A_3118, %max3A_3112 : vector<8x4096xf32>
    %jit3A_3121 = arith.constant 3.890000e+02 : f32
    %broadcast_in_dim3A_3122 = vector.broadcast %jit3A_3121 : f32 to vector<8x4096xf32>
    %select_n3A_3123 = arith.select %gt3A_3119, %broadcast_in_dim3A_3122, %select_n3A_3115 : vector<8x4096xi1>, vector<8x4096xf32>
    %get3A_3124 = arith.constant 3120 : index
    %get3A_3125 = arith.constant 0 : index
    %get3A_3126 = vector.load %arg6[%get3A_3124, %get3A_3125] : memref<4000x4096xf32, #tpu.memory_space<vmem>>, vector<8x4096xf32>
    %gt3A_3127 = arith.cmpf ogt, %get3A_3126, %max3A_3120 : vector<8x4096xf32>
    %max3A_3128 = arith.maximumf %get3A_3126, %max3A_3120 : vector<8x4096xf32>
    %jit3A_3129 = arith.constant 3.900000e+02 : f32
    %broadcast_in_dim3A_3130 = vector.broadcast %jit3A_3129 : f32 to vector<8x4096xf32>
    %select_n3A_3131 = arith.select %gt3A_3127, %broadcast_in_dim3A_3130, %select_n3A_3123 : vector<8x4096xi1>, vector<8x4096xf32>
    %get3A_3132 = arith.constant 3128 : index
    %get3A_3133 = arith.constant 0 : index
    %get3A_3134 = vector.load %arg6[%get3A_3132, %get3A_3133] : memref<4000x4096xf32, #tpu.memory_space<vmem>>, vector<8x4096xf32>
    %gt3A_3135 = arith.cmpf ogt, %get3A_3134, %max3A_3128 : vector<8x4096xf32>
    %max3A_3136 = arith.maximumf %get3A_3134, %max3A_3128 : vector<8x4096xf32>
    %jit3A_3137 = arith.constant 3.910000e+02 : f32
    %broadcast_in_dim3A_3138 = vector.broadcast %jit3A_3137 : f32 to vector<8x4096xf32>
    %select_n3A_3139 = arith.select %gt3A_3135, %broadcast_in_dim3A_3138, %select_n3A_3131 : vector<8x4096xi1>, vector<8x4096xf32>
    %get3A_3140 = arith.constant 3136 : index
    %get3A_3141 = arith.constant 0 : index
    %get3A_3142 = vector.load %arg6[%get3A_3140, %get3A_3141] : memref<4000x4096xf32, #tpu.memory_space<vmem>>, vector<8x4096xf32>
    %gt3A_3143 = arith.cmpf ogt, %get3A_3142, %max3A_3136 : vector<8x4096xf32>
    %max3A_3144 = arith.maximumf %get3A_3142, %max3A_3136 : vector<8x4096xf32>
    %jit3A_3145 = arith.constant 3.920000e+02 : f32
    %broadcast_in_dim3A_3146 = vector.broadcast %jit3A_3145 : f32 to vector<8x4096xf32>
    %select_n3A_3147 = arith.select %gt3A_3143, %broadcast_in_dim3A_3146, %select_n3A_3139 : vector<8x4096xi1>, vector<8x4096xf32>
    %get3A_3148 = arith.constant 3144 : index
    %get3A_3149 = arith.constant 0 : index
    %get3A_3150 = vector.load %arg6[%get3A_3148, %get3A_3149] : memref<4000x4096xf32, #tpu.memory_space<vmem>>, vector<8x4096xf32>
    %gt3A_3151 = arith.cmpf ogt, %get3A_3150, %max3A_3144 : vector<8x4096xf32>
    %max3A_3152 = arith.maximumf %get3A_3150, %max3A_3144 : vector<8x4096xf32>
    %jit3A_3153 = arith.constant 3.930000e+02 : f32
    %broadcast_in_dim3A_3154 = vector.broadcast %jit3A_3153 : f32 to vector<8x4096xf32>
    %select_n3A_3155 = arith.select %gt3A_3151, %broadcast_in_dim3A_3154, %select_n3A_3147 : vector<8x4096xi1>, vector<8x4096xf32>
    %get3A_3156 = arith.constant 3152 : index
    %get3A_3157 = arith.constant 0 : index
    %get3A_3158 = vector.load %arg6[%get3A_3156, %get3A_3157] : memref<4000x4096xf32, #tpu.memory_space<vmem>>, vector<8x4096xf32>
    %gt3A_3159 = arith.cmpf ogt, %get3A_3158, %max3A_3152 : vector<8x4096xf32>
    %max3A_3160 = arith.maximumf %get3A_3158, %max3A_3152 : vector<8x4096xf32>
    %jit3A_3161 = arith.constant 3.940000e+02 : f32
    %broadcast_in_dim3A_3162 = vector.broadcast %jit3A_3161 : f32 to vector<8x4096xf32>
    %select_n3A_3163 = arith.select %gt3A_3159, %broadcast_in_dim3A_3162, %select_n3A_3155 : vector<8x4096xi1>, vector<8x4096xf32>
    %get3A_3164 = arith.constant 3160 : index
    %get3A_3165 = arith.constant 0 : index
    %get3A_3166 = vector.load %arg6[%get3A_3164, %get3A_3165] : memref<4000x4096xf32, #tpu.memory_space<vmem>>, vector<8x4096xf32>
    %gt3A_3167 = arith.cmpf ogt, %get3A_3166, %max3A_3160 : vector<8x4096xf32>
    %max3A_3168 = arith.maximumf %get3A_3166, %max3A_3160 : vector<8x4096xf32>
    %jit3A_3169 = arith.constant 3.950000e+02 : f32
    %broadcast_in_dim3A_3170 = vector.broadcast %jit3A_3169 : f32 to vector<8x4096xf32>
    %select_n3A_3171 = arith.select %gt3A_3167, %broadcast_in_dim3A_3170, %select_n3A_3163 : vector<8x4096xi1>, vector<8x4096xf32>
    %get3A_3172 = arith.constant 3168 : index
    %get3A_3173 = arith.constant 0 : index
    %get3A_3174 = vector.load %arg6[%get3A_3172, %get3A_3173] : memref<4000x4096xf32, #tpu.memory_space<vmem>>, vector<8x4096xf32>
    %gt3A_3175 = arith.cmpf ogt, %get3A_3174, %max3A_3168 : vector<8x4096xf32>
    %max3A_3176 = arith.maximumf %get3A_3174, %max3A_3168 : vector<8x4096xf32>
    %jit3A_3177 = arith.constant 3.960000e+02 : f32
    %broadcast_in_dim3A_3178 = vector.broadcast %jit3A_3177 : f32 to vector<8x4096xf32>
    %select_n3A_3179 = arith.select %gt3A_3175, %broadcast_in_dim3A_3178, %select_n3A_3171 : vector<8x4096xi1>, vector<8x4096xf32>
    %get3A_3180 = arith.constant 3176 : index
    %get3A_3181 = arith.constant 0 : index
    %get3A_3182 = vector.load %arg6[%get3A_3180, %get3A_3181] : memref<4000x4096xf32, #tpu.memory_space<vmem>>, vector<8x4096xf32>
    %gt3A_3183 = arith.cmpf ogt, %get3A_3182, %max3A_3176 : vector<8x4096xf32>
    %max3A_3184 = arith.maximumf %get3A_3182, %max3A_3176 : vector<8x4096xf32>
    %jit3A_3185 = arith.constant 3.970000e+02 : f32
    %broadcast_in_dim3A_3186 = vector.broadcast %jit3A_3185 : f32 to vector<8x4096xf32>
    %select_n3A_3187 = arith.select %gt3A_3183, %broadcast_in_dim3A_3186, %select_n3A_3179 : vector<8x4096xi1>, vector<8x4096xf32>
    %get3A_3188 = arith.constant 3184 : index
    %get3A_3189 = arith.constant 0 : index
    %get3A_3190 = vector.load %arg6[%get3A_3188, %get3A_3189] : memref<4000x4096xf32, #tpu.memory_space<vmem>>, vector<8x4096xf32>
    %gt3A_3191 = arith.cmpf ogt, %get3A_3190, %max3A_3184 : vector<8x4096xf32>
    %max3A_3192 = arith.maximumf %get3A_3190, %max3A_3184 : vector<8x4096xf32>
    %jit3A_3193 = arith.constant 3.980000e+02 : f32
    %broadcast_in_dim3A_3194 = vector.broadcast %jit3A_3193 : f32 to vector<8x4096xf32>
    %select_n3A_3195 = arith.select %gt3A_3191, %broadcast_in_dim3A_3194, %select_n3A_3187 : vector<8x4096xi1>, vector<8x4096xf32>
    %get3A_3196 = arith.constant 3192 : index
    %get3A_3197 = arith.constant 0 : index
    %get3A_3198 = vector.load %arg6[%get3A_3196, %get3A_3197] : memref<4000x4096xf32, #tpu.memory_space<vmem>>, vector<8x4096xf32>
    %gt3A_3199 = arith.cmpf ogt, %get3A_3198, %max3A_3192 : vector<8x4096xf32>
    %max3A_3200 = arith.maximumf %get3A_3198, %max3A_3192 : vector<8x4096xf32>
    %jit3A_3201 = arith.constant 3.990000e+02 : f32
    %broadcast_in_dim3A_3202 = vector.broadcast %jit3A_3201 : f32 to vector<8x4096xf32>
    %select_n3A_3203 = arith.select %gt3A_3199, %broadcast_in_dim3A_3202, %select_n3A_3195 : vector<8x4096xi1>, vector<8x4096xf32>
    %get3A_3204 = arith.constant 3200 : index
    %get3A_3205 = arith.constant 0 : index
    %get3A_3206 = vector.load %arg6[%get3A_3204, %get3A_3205] : memref<4000x4096xf32, #tpu.memory_space<vmem>>, vector<8x4096xf32>
    %gt3A_3207 = arith.cmpf ogt, %get3A_3206, %max3A_3200 : vector<8x4096xf32>
    %max3A_3208 = arith.maximumf %get3A_3206, %max3A_3200 : vector<8x4096xf32>
    %jit3A_3209 = arith.constant 4.000000e+02 : f32
    %broadcast_in_dim3A_3210 = vector.broadcast %jit3A_3209 : f32 to vector<8x4096xf32>
    %select_n3A_3211 = arith.select %gt3A_3207, %broadcast_in_dim3A_3210, %select_n3A_3203 : vector<8x4096xi1>, vector<8x4096xf32>
    %get3A_3212 = arith.constant 3208 : index
    %get3A_3213 = arith.constant 0 : index
    %get3A_3214 = vector.load %arg6[%get3A_3212, %get3A_3213] : memref<4000x4096xf32, #tpu.memory_space<vmem>>, vector<8x4096xf32>
    %gt3A_3215 = arith.cmpf ogt, %get3A_3214, %max3A_3208 : vector<8x4096xf32>
    %max3A_3216 = arith.maximumf %get3A_3214, %max3A_3208 : vector<8x4096xf32>
    %jit3A_3217 = arith.constant 4.010000e+02 : f32
    %broadcast_in_dim3A_3218 = vector.broadcast %jit3A_3217 : f32 to vector<8x4096xf32>
    %select_n3A_3219 = arith.select %gt3A_3215, %broadcast_in_dim3A_3218, %select_n3A_3211 : vector<8x4096xi1>, vector<8x4096xf32>
    %get3A_3220 = arith.constant 3216 : index
    %get3A_3221 = arith.constant 0 : index
    %get3A_3222 = vector.load %arg6[%get3A_3220, %get3A_3221] : memref<4000x4096xf32, #tpu.memory_space<vmem>>, vector<8x4096xf32>
    %gt3A_3223 = arith.cmpf ogt, %get3A_3222, %max3A_3216 : vector<8x4096xf32>
    %max3A_3224 = arith.maximumf %get3A_3222, %max3A_3216 : vector<8x4096xf32>
    %jit3A_3225 = arith.constant 4.020000e+02 : f32
    %broadcast_in_dim3A_3226 = vector.broadcast %jit3A_3225 : f32 to vector<8x4096xf32>
    %select_n3A_3227 = arith.select %gt3A_3223, %broadcast_in_dim3A_3226, %select_n3A_3219 : vector<8x4096xi1>, vector<8x4096xf32>
    %get3A_3228 = arith.constant 3224 : index
    %get3A_3229 = arith.constant 0 : index
    %get3A_3230 = vector.load %arg6[%get3A_3228, %get3A_3229] : memref<4000x4096xf32, #tpu.memory_space<vmem>>, vector<8x4096xf32>
    %gt3A_3231 = arith.cmpf ogt, %get3A_3230, %max3A_3224 : vector<8x4096xf32>
    %max3A_3232 = arith.maximumf %get3A_3230, %max3A_3224 : vector<8x4096xf32>
    %jit3A_3233 = arith.constant 4.030000e+02 : f32
    %broadcast_in_dim3A_3234 = vector.broadcast %jit3A_3233 : f32 to vector<8x4096xf32>
    %select_n3A_3235 = arith.select %gt3A_3231, %broadcast_in_dim3A_3234, %select_n3A_3227 : vector<8x4096xi1>, vector<8x4096xf32>
    %get3A_3236 = arith.constant 3232 : index
    %get3A_3237 = arith.constant 0 : index
    %get3A_3238 = vector.load %arg6[%get3A_3236, %get3A_3237] : memref<4000x4096xf32, #tpu.memory_space<vmem>>, vector<8x4096xf32>
    %gt3A_3239 = arith.cmpf ogt, %get3A_3238, %max3A_3232 : vector<8x4096xf32>
    %max3A_3240 = arith.maximumf %get3A_3238, %max3A_3232 : vector<8x4096xf32>
    %jit3A_3241 = arith.constant 4.040000e+02 : f32
    %broadcast_in_dim3A_3242 = vector.broadcast %jit3A_3241 : f32 to vector<8x4096xf32>
    %select_n3A_3243 = arith.select %gt3A_3239, %broadcast_in_dim3A_3242, %select_n3A_3235 : vector<8x4096xi1>, vector<8x4096xf32>
    %get3A_3244 = arith.constant 3240 : index
    %get3A_3245 = arith.constant 0 : index
    %get3A_3246 = vector.load %arg6[%get3A_3244, %get3A_3245] : memref<4000x4096xf32, #tpu.memory_space<vmem>>, vector<8x4096xf32>
    %gt3A_3247 = arith.cmpf ogt, %get3A_3246, %max3A_3240 : vector<8x4096xf32>
    %max3A_3248 = arith.maximumf %get3A_3246, %max3A_3240 : vector<8x4096xf32>
    %jit3A_3249 = arith.constant 4.050000e+02 : f32
    %broadcast_in_dim3A_3250 = vector.broadcast %jit3A_3249 : f32 to vector<8x4096xf32>
    %select_n3A_3251 = arith.select %gt3A_3247, %broadcast_in_dim3A_3250, %select_n3A_3243 : vector<8x4096xi1>, vector<8x4096xf32>
    %get3A_3252 = arith.constant 3248 : index
    %get3A_3253 = arith.constant 0 : index
    %get3A_3254 = vector.load %arg6[%get3A_3252, %get3A_3253] : memref<4000x4096xf32, #tpu.memory_space<vmem>>, vector<8x4096xf32>
    %gt3A_3255 = arith.cmpf ogt, %get3A_3254, %max3A_3248 : vector<8x4096xf32>
    %max3A_3256 = arith.maximumf %get3A_3254, %max3A_3248 : vector<8x4096xf32>
    %jit3A_3257 = arith.constant 4.060000e+02 : f32
    %broadcast_in_dim3A_3258 = vector.broadcast %jit3A_3257 : f32 to vector<8x4096xf32>
    %select_n3A_3259 = arith.select %gt3A_3255, %broadcast_in_dim3A_3258, %select_n3A_3251 : vector<8x4096xi1>, vector<8x4096xf32>
    %get3A_3260 = arith.constant 3256 : index
    %get3A_3261 = arith.constant 0 : index
    %get3A_3262 = vector.load %arg6[%get3A_3260, %get3A_3261] : memref<4000x4096xf32, #tpu.memory_space<vmem>>, vector<8x4096xf32>
    %gt3A_3263 = arith.cmpf ogt, %get3A_3262, %max3A_3256 : vector<8x4096xf32>
    %max3A_3264 = arith.maximumf %get3A_3262, %max3A_3256 : vector<8x4096xf32>
    %jit3A_3265 = arith.constant 4.070000e+02 : f32
    %broadcast_in_dim3A_3266 = vector.broadcast %jit3A_3265 : f32 to vector<8x4096xf32>
    %select_n3A_3267 = arith.select %gt3A_3263, %broadcast_in_dim3A_3266, %select_n3A_3259 : vector<8x4096xi1>, vector<8x4096xf32>
    %get3A_3268 = arith.constant 3264 : index
    %get3A_3269 = arith.constant 0 : index
    %get3A_3270 = vector.load %arg6[%get3A_3268, %get3A_3269] : memref<4000x4096xf32, #tpu.memory_space<vmem>>, vector<8x4096xf32>
    %gt3A_3271 = arith.cmpf ogt, %get3A_3270, %max3A_3264 : vector<8x4096xf32>
    %max3A_3272 = arith.maximumf %get3A_3270, %max3A_3264 : vector<8x4096xf32>
    %jit3A_3273 = arith.constant 4.080000e+02 : f32
    %broadcast_in_dim3A_3274 = vector.broadcast %jit3A_3273 : f32 to vector<8x4096xf32>
    %select_n3A_3275 = arith.select %gt3A_3271, %broadcast_in_dim3A_3274, %select_n3A_3267 : vector<8x4096xi1>, vector<8x4096xf32>
    %get3A_3276 = arith.constant 3272 : index
    %get3A_3277 = arith.constant 0 : index
    %get3A_3278 = vector.load %arg6[%get3A_3276, %get3A_3277] : memref<4000x4096xf32, #tpu.memory_space<vmem>>, vector<8x4096xf32>
    %gt3A_3279 = arith.cmpf ogt, %get3A_3278, %max3A_3272 : vector<8x4096xf32>
    %max3A_3280 = arith.maximumf %get3A_3278, %max3A_3272 : vector<8x4096xf32>
    %jit3A_3281 = arith.constant 4.090000e+02 : f32
    %broadcast_in_dim3A_3282 = vector.broadcast %jit3A_3281 : f32 to vector<8x4096xf32>
    %select_n3A_3283 = arith.select %gt3A_3279, %broadcast_in_dim3A_3282, %select_n3A_3275 : vector<8x4096xi1>, vector<8x4096xf32>
    %get3A_3284 = arith.constant 3280 : index
    %get3A_3285 = arith.constant 0 : index
    %get3A_3286 = vector.load %arg6[%get3A_3284, %get3A_3285] : memref<4000x4096xf32, #tpu.memory_space<vmem>>, vector<8x4096xf32>
    %gt3A_3287 = arith.cmpf ogt, %get3A_3286, %max3A_3280 : vector<8x4096xf32>
    %max3A_3288 = arith.maximumf %get3A_3286, %max3A_3280 : vector<8x4096xf32>
    %jit3A_3289 = arith.constant 4.100000e+02 : f32
    %broadcast_in_dim3A_3290 = vector.broadcast %jit3A_3289 : f32 to vector<8x4096xf32>
    %select_n3A_3291 = arith.select %gt3A_3287, %broadcast_in_dim3A_3290, %select_n3A_3283 : vector<8x4096xi1>, vector<8x4096xf32>
    %get3A_3292 = arith.constant 3288 : index
    %get3A_3293 = arith.constant 0 : index
    %get3A_3294 = vector.load %arg6[%get3A_3292, %get3A_3293] : memref<4000x4096xf32, #tpu.memory_space<vmem>>, vector<8x4096xf32>
    %gt3A_3295 = arith.cmpf ogt, %get3A_3294, %max3A_3288 : vector<8x4096xf32>
    %max3A_3296 = arith.maximumf %get3A_3294, %max3A_3288 : vector<8x4096xf32>
    %jit3A_3297 = arith.constant 4.110000e+02 : f32
    %broadcast_in_dim3A_3298 = vector.broadcast %jit3A_3297 : f32 to vector<8x4096xf32>
    %select_n3A_3299 = arith.select %gt3A_3295, %broadcast_in_dim3A_3298, %select_n3A_3291 : vector<8x4096xi1>, vector<8x4096xf32>
    %get3A_3300 = arith.constant 3296 : index
    %get3A_3301 = arith.constant 0 : index
    %get3A_3302 = vector.load %arg6[%get3A_3300, %get3A_3301] : memref<4000x4096xf32, #tpu.memory_space<vmem>>, vector<8x4096xf32>
    %gt3A_3303 = arith.cmpf ogt, %get3A_3302, %max3A_3296 : vector<8x4096xf32>
    %max3A_3304 = arith.maximumf %get3A_3302, %max3A_3296 : vector<8x4096xf32>
    %jit3A_3305 = arith.constant 4.120000e+02 : f32
    %broadcast_in_dim3A_3306 = vector.broadcast %jit3A_3305 : f32 to vector<8x4096xf32>
    %select_n3A_3307 = arith.select %gt3A_3303, %broadcast_in_dim3A_3306, %select_n3A_3299 : vector<8x4096xi1>, vector<8x4096xf32>
    %get3A_3308 = arith.constant 3304 : index
    %get3A_3309 = arith.constant 0 : index
    %get3A_3310 = vector.load %arg6[%get3A_3308, %get3A_3309] : memref<4000x4096xf32, #tpu.memory_space<vmem>>, vector<8x4096xf32>
    %gt3A_3311 = arith.cmpf ogt, %get3A_3310, %max3A_3304 : vector<8x4096xf32>
    %max3A_3312 = arith.maximumf %get3A_3310, %max3A_3304 : vector<8x4096xf32>
    %jit3A_3313 = arith.constant 4.130000e+02 : f32
    %broadcast_in_dim3A_3314 = vector.broadcast %jit3A_3313 : f32 to vector<8x4096xf32>
    %select_n3A_3315 = arith.select %gt3A_3311, %broadcast_in_dim3A_3314, %select_n3A_3307 : vector<8x4096xi1>, vector<8x4096xf32>
    %get3A_3316 = arith.constant 3312 : index
    %get3A_3317 = arith.constant 0 : index
    %get3A_3318 = vector.load %arg6[%get3A_3316, %get3A_3317] : memref<4000x4096xf32, #tpu.memory_space<vmem>>, vector<8x4096xf32>
    %gt3A_3319 = arith.cmpf ogt, %get3A_3318, %max3A_3312 : vector<8x4096xf32>
    %max3A_3320 = arith.maximumf %get3A_3318, %max3A_3312 : vector<8x4096xf32>
    %jit3A_3321 = arith.constant 4.140000e+02 : f32
    %broadcast_in_dim3A_3322 = vector.broadcast %jit3A_3321 : f32 to vector<8x4096xf32>
    %select_n3A_3323 = arith.select %gt3A_3319, %broadcast_in_dim3A_3322, %select_n3A_3315 : vector<8x4096xi1>, vector<8x4096xf32>
    %get3A_3324 = arith.constant 3320 : index
    %get3A_3325 = arith.constant 0 : index
    %get3A_3326 = vector.load %arg6[%get3A_3324, %get3A_3325] : memref<4000x4096xf32, #tpu.memory_space<vmem>>, vector<8x4096xf32>
    %gt3A_3327 = arith.cmpf ogt, %get3A_3326, %max3A_3320 : vector<8x4096xf32>
    %max3A_3328 = arith.maximumf %get3A_3326, %max3A_3320 : vector<8x4096xf32>
    %jit3A_3329 = arith.constant 4.150000e+02 : f32
    %broadcast_in_dim3A_3330 = vector.broadcast %jit3A_3329 : f32 to vector<8x4096xf32>
    %select_n3A_3331 = arith.select %gt3A_3327, %broadcast_in_dim3A_3330, %select_n3A_3323 : vector<8x4096xi1>, vector<8x4096xf32>
    %get3A_3332 = arith.constant 3328 : index
    %get3A_3333 = arith.constant 0 : index
    %get3A_3334 = vector.load %arg6[%get3A_3332, %get3A_3333] : memref<4000x4096xf32, #tpu.memory_space<vmem>>, vector<8x4096xf32>
    %gt3A_3335 = arith.cmpf ogt, %get3A_3334, %max3A_3328 : vector<8x4096xf32>
    %max3A_3336 = arith.maximumf %get3A_3334, %max3A_3328 : vector<8x4096xf32>
    %jit3A_3337 = arith.constant 4.160000e+02 : f32
    %broadcast_in_dim3A_3338 = vector.broadcast %jit3A_3337 : f32 to vector<8x4096xf32>
    %select_n3A_3339 = arith.select %gt3A_3335, %broadcast_in_dim3A_3338, %select_n3A_3331 : vector<8x4096xi1>, vector<8x4096xf32>
    %get3A_3340 = arith.constant 3336 : index
    %get3A_3341 = arith.constant 0 : index
    %get3A_3342 = vector.load %arg6[%get3A_3340, %get3A_3341] : memref<4000x4096xf32, #tpu.memory_space<vmem>>, vector<8x4096xf32>
    %gt3A_3343 = arith.cmpf ogt, %get3A_3342, %max3A_3336 : vector<8x4096xf32>
    %max3A_3344 = arith.maximumf %get3A_3342, %max3A_3336 : vector<8x4096xf32>
    %jit3A_3345 = arith.constant 4.170000e+02 : f32
    %broadcast_in_dim3A_3346 = vector.broadcast %jit3A_3345 : f32 to vector<8x4096xf32>
    %select_n3A_3347 = arith.select %gt3A_3343, %broadcast_in_dim3A_3346, %select_n3A_3339 : vector<8x4096xi1>, vector<8x4096xf32>
    %get3A_3348 = arith.constant 3344 : index
    %get3A_3349 = arith.constant 0 : index
    %get3A_3350 = vector.load %arg6[%get3A_3348, %get3A_3349] : memref<4000x4096xf32, #tpu.memory_space<vmem>>, vector<8x4096xf32>
    %gt3A_3351 = arith.cmpf ogt, %get3A_3350, %max3A_3344 : vector<8x4096xf32>
    %max3A_3352 = arith.maximumf %get3A_3350, %max3A_3344 : vector<8x4096xf32>
    %jit3A_3353 = arith.constant 4.180000e+02 : f32
    %broadcast_in_dim3A_3354 = vector.broadcast %jit3A_3353 : f32 to vector<8x4096xf32>
    %select_n3A_3355 = arith.select %gt3A_3351, %broadcast_in_dim3A_3354, %select_n3A_3347 : vector<8x4096xi1>, vector<8x4096xf32>
    %get3A_3356 = arith.constant 3352 : index
    %get3A_3357 = arith.constant 0 : index
    %get3A_3358 = vector.load %arg6[%get3A_3356, %get3A_3357] : memref<4000x4096xf32, #tpu.memory_space<vmem>>, vector<8x4096xf32>
    %gt3A_3359 = arith.cmpf ogt, %get3A_3358, %max3A_3352 : vector<8x4096xf32>
    %max3A_3360 = arith.maximumf %get3A_3358, %max3A_3352 : vector<8x4096xf32>
    %jit3A_3361 = arith.constant 4.190000e+02 : f32
    %broadcast_in_dim3A_3362 = vector.broadcast %jit3A_3361 : f32 to vector<8x4096xf32>
    %select_n3A_3363 = arith.select %gt3A_3359, %broadcast_in_dim3A_3362, %select_n3A_3355 : vector<8x4096xi1>, vector<8x4096xf32>
    %get3A_3364 = arith.constant 3360 : index
    %get3A_3365 = arith.constant 0 : index
    %get3A_3366 = vector.load %arg6[%get3A_3364, %get3A_3365] : memref<4000x4096xf32, #tpu.memory_space<vmem>>, vector<8x4096xf32>
    %gt3A_3367 = arith.cmpf ogt, %get3A_3366, %max3A_3360 : vector<8x4096xf32>
    %max3A_3368 = arith.maximumf %get3A_3366, %max3A_3360 : vector<8x4096xf32>
    %jit3A_3369 = arith.constant 4.200000e+02 : f32
    %broadcast_in_dim3A_3370 = vector.broadcast %jit3A_3369 : f32 to vector<8x4096xf32>
    %select_n3A_3371 = arith.select %gt3A_3367, %broadcast_in_dim3A_3370, %select_n3A_3363 : vector<8x4096xi1>, vector<8x4096xf32>
    %get3A_3372 = arith.constant 3368 : index
    %get3A_3373 = arith.constant 0 : index
    %get3A_3374 = vector.load %arg6[%get3A_3372, %get3A_3373] : memref<4000x4096xf32, #tpu.memory_space<vmem>>, vector<8x4096xf32>
    %gt3A_3375 = arith.cmpf ogt, %get3A_3374, %max3A_3368 : vector<8x4096xf32>
    %max3A_3376 = arith.maximumf %get3A_3374, %max3A_3368 : vector<8x4096xf32>
    %jit3A_3377 = arith.constant 4.210000e+02 : f32
    %broadcast_in_dim3A_3378 = vector.broadcast %jit3A_3377 : f32 to vector<8x4096xf32>
    %select_n3A_3379 = arith.select %gt3A_3375, %broadcast_in_dim3A_3378, %select_n3A_3371 : vector<8x4096xi1>, vector<8x4096xf32>
    %get3A_3380 = arith.constant 3376 : index
    %get3A_3381 = arith.constant 0 : index
    %get3A_3382 = vector.load %arg6[%get3A_3380, %get3A_3381] : memref<4000x4096xf32, #tpu.memory_space<vmem>>, vector<8x4096xf32>
    %gt3A_3383 = arith.cmpf ogt, %get3A_3382, %max3A_3376 : vector<8x4096xf32>
    %max3A_3384 = arith.maximumf %get3A_3382, %max3A_3376 : vector<8x4096xf32>
    %jit3A_3385 = arith.constant 4.220000e+02 : f32
    %broadcast_in_dim3A_3386 = vector.broadcast %jit3A_3385 : f32 to vector<8x4096xf32>
    %select_n3A_3387 = arith.select %gt3A_3383, %broadcast_in_dim3A_3386, %select_n3A_3379 : vector<8x4096xi1>, vector<8x4096xf32>
    %get3A_3388 = arith.constant 3384 : index
    %get3A_3389 = arith.constant 0 : index
    %get3A_3390 = vector.load %arg6[%get3A_3388, %get3A_3389] : memref<4000x4096xf32, #tpu.memory_space<vmem>>, vector<8x4096xf32>
    %gt3A_3391 = arith.cmpf ogt, %get3A_3390, %max3A_3384 : vector<8x4096xf32>
    %max3A_3392 = arith.maximumf %get3A_3390, %max3A_3384 : vector<8x4096xf32>
    %jit3A_3393 = arith.constant 4.230000e+02 : f32
    %broadcast_in_dim3A_3394 = vector.broadcast %jit3A_3393 : f32 to vector<8x4096xf32>
    %select_n3A_3395 = arith.select %gt3A_3391, %broadcast_in_dim3A_3394, %select_n3A_3387 : vector<8x4096xi1>, vector<8x4096xf32>
    %get3A_3396 = arith.constant 3392 : index
    %get3A_3397 = arith.constant 0 : index
    %get3A_3398 = vector.load %arg6[%get3A_3396, %get3A_3397] : memref<4000x4096xf32, #tpu.memory_space<vmem>>, vector<8x4096xf32>
    %gt3A_3399 = arith.cmpf ogt, %get3A_3398, %max3A_3392 : vector<8x4096xf32>
    %max3A_3400 = arith.maximumf %get3A_3398, %max3A_3392 : vector<8x4096xf32>
    %jit3A_3401 = arith.constant 4.240000e+02 : f32
    %broadcast_in_dim3A_3402 = vector.broadcast %jit3A_3401 : f32 to vector<8x4096xf32>
    %select_n3A_3403 = arith.select %gt3A_3399, %broadcast_in_dim3A_3402, %select_n3A_3395 : vector<8x4096xi1>, vector<8x4096xf32>
    %get3A_3404 = arith.constant 3400 : index
    %get3A_3405 = arith.constant 0 : index
    %get3A_3406 = vector.load %arg6[%get3A_3404, %get3A_3405] : memref<4000x4096xf32, #tpu.memory_space<vmem>>, vector<8x4096xf32>
    %gt3A_3407 = arith.cmpf ogt, %get3A_3406, %max3A_3400 : vector<8x4096xf32>
    %max3A_3408 = arith.maximumf %get3A_3406, %max3A_3400 : vector<8x4096xf32>
    %jit3A_3409 = arith.constant 4.250000e+02 : f32
    %broadcast_in_dim3A_3410 = vector.broadcast %jit3A_3409 : f32 to vector<8x4096xf32>
    %select_n3A_3411 = arith.select %gt3A_3407, %broadcast_in_dim3A_3410, %select_n3A_3403 : vector<8x4096xi1>, vector<8x4096xf32>
    %get3A_3412 = arith.constant 3408 : index
    %get3A_3413 = arith.constant 0 : index
    %get3A_3414 = vector.load %arg6[%get3A_3412, %get3A_3413] : memref<4000x4096xf32, #tpu.memory_space<vmem>>, vector<8x4096xf32>
    %gt3A_3415 = arith.cmpf ogt, %get3A_3414, %max3A_3408 : vector<8x4096xf32>
    %max3A_3416 = arith.maximumf %get3A_3414, %max3A_3408 : vector<8x4096xf32>
    %jit3A_3417 = arith.constant 4.260000e+02 : f32
    %broadcast_in_dim3A_3418 = vector.broadcast %jit3A_3417 : f32 to vector<8x4096xf32>
    %select_n3A_3419 = arith.select %gt3A_3415, %broadcast_in_dim3A_3418, %select_n3A_3411 : vector<8x4096xi1>, vector<8x4096xf32>
    %get3A_3420 = arith.constant 3416 : index
    %get3A_3421 = arith.constant 0 : index
    %get3A_3422 = vector.load %arg6[%get3A_3420, %get3A_3421] : memref<4000x4096xf32, #tpu.memory_space<vmem>>, vector<8x4096xf32>
    %gt3A_3423 = arith.cmpf ogt, %get3A_3422, %max3A_3416 : vector<8x4096xf32>
    %max3A_3424 = arith.maximumf %get3A_3422, %max3A_3416 : vector<8x4096xf32>
    %jit3A_3425 = arith.constant 4.270000e+02 : f32
    %broadcast_in_dim3A_3426 = vector.broadcast %jit3A_3425 : f32 to vector<8x4096xf32>
    %select_n3A_3427 = arith.select %gt3A_3423, %broadcast_in_dim3A_3426, %select_n3A_3419 : vector<8x4096xi1>, vector<8x4096xf32>
    %get3A_3428 = arith.constant 3424 : index
    %get3A_3429 = arith.constant 0 : index
    %get3A_3430 = vector.load %arg6[%get3A_3428, %get3A_3429] : memref<4000x4096xf32, #tpu.memory_space<vmem>>, vector<8x4096xf32>
    %gt3A_3431 = arith.cmpf ogt, %get3A_3430, %max3A_3424 : vector<8x4096xf32>
    %max3A_3432 = arith.maximumf %get3A_3430, %max3A_3424 : vector<8x4096xf32>
    %jit3A_3433 = arith.constant 4.280000e+02 : f32
    %broadcast_in_dim3A_3434 = vector.broadcast %jit3A_3433 : f32 to vector<8x4096xf32>
    %select_n3A_3435 = arith.select %gt3A_3431, %broadcast_in_dim3A_3434, %select_n3A_3427 : vector<8x4096xi1>, vector<8x4096xf32>
    %get3A_3436 = arith.constant 3432 : index
    %get3A_3437 = arith.constant 0 : index
    %get3A_3438 = vector.load %arg6[%get3A_3436, %get3A_3437] : memref<4000x4096xf32, #tpu.memory_space<vmem>>, vector<8x4096xf32>
    %gt3A_3439 = arith.cmpf ogt, %get3A_3438, %max3A_3432 : vector<8x4096xf32>
    %max3A_3440 = arith.maximumf %get3A_3438, %max3A_3432 : vector<8x4096xf32>
    %jit3A_3441 = arith.constant 4.290000e+02 : f32
    %broadcast_in_dim3A_3442 = vector.broadcast %jit3A_3441 : f32 to vector<8x4096xf32>
    %select_n3A_3443 = arith.select %gt3A_3439, %broadcast_in_dim3A_3442, %select_n3A_3435 : vector<8x4096xi1>, vector<8x4096xf32>
    %get3A_3444 = arith.constant 3440 : index
    %get3A_3445 = arith.constant 0 : index
    %get3A_3446 = vector.load %arg6[%get3A_3444, %get3A_3445] : memref<4000x4096xf32, #tpu.memory_space<vmem>>, vector<8x4096xf32>
    %gt3A_3447 = arith.cmpf ogt, %get3A_3446, %max3A_3440 : vector<8x4096xf32>
    %max3A_3448 = arith.maximumf %get3A_3446, %max3A_3440 : vector<8x4096xf32>
    %jit3A_3449 = arith.constant 4.300000e+02 : f32
    %broadcast_in_dim3A_3450 = vector.broadcast %jit3A_3449 : f32 to vector<8x4096xf32>
    %select_n3A_3451 = arith.select %gt3A_3447, %broadcast_in_dim3A_3450, %select_n3A_3443 : vector<8x4096xi1>, vector<8x4096xf32>
    %get3A_3452 = arith.constant 3448 : index
    %get3A_3453 = arith.constant 0 : index
    %get3A_3454 = vector.load %arg6[%get3A_3452, %get3A_3453] : memref<4000x4096xf32, #tpu.memory_space<vmem>>, vector<8x4096xf32>
    %gt3A_3455 = arith.cmpf ogt, %get3A_3454, %max3A_3448 : vector<8x4096xf32>
    %max3A_3456 = arith.maximumf %get3A_3454, %max3A_3448 : vector<8x4096xf32>
    %jit3A_3457 = arith.constant 4.310000e+02 : f32
    %broadcast_in_dim3A_3458 = vector.broadcast %jit3A_3457 : f32 to vector<8x4096xf32>
    %select_n3A_3459 = arith.select %gt3A_3455, %broadcast_in_dim3A_3458, %select_n3A_3451 : vector<8x4096xi1>, vector<8x4096xf32>
    %get3A_3460 = arith.constant 3456 : index
    %get3A_3461 = arith.constant 0 : index
    %get3A_3462 = vector.load %arg6[%get3A_3460, %get3A_3461] : memref<4000x4096xf32, #tpu.memory_space<vmem>>, vector<8x4096xf32>
    %gt3A_3463 = arith.cmpf ogt, %get3A_3462, %max3A_3456 : vector<8x4096xf32>
    %max3A_3464 = arith.maximumf %get3A_3462, %max3A_3456 : vector<8x4096xf32>
    %jit3A_3465 = arith.constant 4.320000e+02 : f32
    %broadcast_in_dim3A_3466 = vector.broadcast %jit3A_3465 : f32 to vector<8x4096xf32>
    %select_n3A_3467 = arith.select %gt3A_3463, %broadcast_in_dim3A_3466, %select_n3A_3459 : vector<8x4096xi1>, vector<8x4096xf32>
    %get3A_3468 = arith.constant 3464 : index
    %get3A_3469 = arith.constant 0 : index
    %get3A_3470 = vector.load %arg6[%get3A_3468, %get3A_3469] : memref<4000x4096xf32, #tpu.memory_space<vmem>>, vector<8x4096xf32>
    %gt3A_3471 = arith.cmpf ogt, %get3A_3470, %max3A_3464 : vector<8x4096xf32>
    %max3A_3472 = arith.maximumf %get3A_3470, %max3A_3464 : vector<8x4096xf32>
    %jit3A_3473 = arith.constant 4.330000e+02 : f32
    %broadcast_in_dim3A_3474 = vector.broadcast %jit3A_3473 : f32 to vector<8x4096xf32>
    %select_n3A_3475 = arith.select %gt3A_3471, %broadcast_in_dim3A_3474, %select_n3A_3467 : vector<8x4096xi1>, vector<8x4096xf32>
    %get3A_3476 = arith.constant 3472 : index
    %get3A_3477 = arith.constant 0 : index
    %get3A_3478 = vector.load %arg6[%get3A_3476, %get3A_3477] : memref<4000x4096xf32, #tpu.memory_space<vmem>>, vector<8x4096xf32>
    %gt3A_3479 = arith.cmpf ogt, %get3A_3478, %max3A_3472 : vector<8x4096xf32>
    %max3A_3480 = arith.maximumf %get3A_3478, %max3A_3472 : vector<8x4096xf32>
    %jit3A_3481 = arith.constant 4.340000e+02 : f32
    %broadcast_in_dim3A_3482 = vector.broadcast %jit3A_3481 : f32 to vector<8x4096xf32>
    %select_n3A_3483 = arith.select %gt3A_3479, %broadcast_in_dim3A_3482, %select_n3A_3475 : vector<8x4096xi1>, vector<8x4096xf32>
    %get3A_3484 = arith.constant 3480 : index
    %get3A_3485 = arith.constant 0 : index
    %get3A_3486 = vector.load %arg6[%get3A_3484, %get3A_3485] : memref<4000x4096xf32, #tpu.memory_space<vmem>>, vector<8x4096xf32>
    %gt3A_3487 = arith.cmpf ogt, %get3A_3486, %max3A_3480 : vector<8x4096xf32>
    %max3A_3488 = arith.maximumf %get3A_3486, %max3A_3480 : vector<8x4096xf32>
    %jit3A_3489 = arith.constant 4.350000e+02 : f32
    %broadcast_in_dim3A_3490 = vector.broadcast %jit3A_3489 : f32 to vector<8x4096xf32>
    %select_n3A_3491 = arith.select %gt3A_3487, %broadcast_in_dim3A_3490, %select_n3A_3483 : vector<8x4096xi1>, vector<8x4096xf32>
    %get3A_3492 = arith.constant 3488 : index
    %get3A_3493 = arith.constant 0 : index
    %get3A_3494 = vector.load %arg6[%get3A_3492, %get3A_3493] : memref<4000x4096xf32, #tpu.memory_space<vmem>>, vector<8x4096xf32>
    %gt3A_3495 = arith.cmpf ogt, %get3A_3494, %max3A_3488 : vector<8x4096xf32>
    %max3A_3496 = arith.maximumf %get3A_3494, %max3A_3488 : vector<8x4096xf32>
    %jit3A_3497 = arith.constant 4.360000e+02 : f32
    %broadcast_in_dim3A_3498 = vector.broadcast %jit3A_3497 : f32 to vector<8x4096xf32>
    %select_n3A_3499 = arith.select %gt3A_3495, %broadcast_in_dim3A_3498, %select_n3A_3491 : vector<8x4096xi1>, vector<8x4096xf32>
    %get3A_3500 = arith.constant 3496 : index
    %get3A_3501 = arith.constant 0 : index
    %get3A_3502 = vector.load %arg6[%get3A_3500, %get3A_3501] : memref<4000x4096xf32, #tpu.memory_space<vmem>>, vector<8x4096xf32>
    %gt3A_3503 = arith.cmpf ogt, %get3A_3502, %max3A_3496 : vector<8x4096xf32>
    %max3A_3504 = arith.maximumf %get3A_3502, %max3A_3496 : vector<8x4096xf32>
    %jit3A_3505 = arith.constant 4.370000e+02 : f32
    %broadcast_in_dim3A_3506 = vector.broadcast %jit3A_3505 : f32 to vector<8x4096xf32>
    %select_n3A_3507 = arith.select %gt3A_3503, %broadcast_in_dim3A_3506, %select_n3A_3499 : vector<8x4096xi1>, vector<8x4096xf32>
    %get3A_3508 = arith.constant 3504 : index
    %get3A_3509 = arith.constant 0 : index
    %get3A_3510 = vector.load %arg6[%get3A_3508, %get3A_3509] : memref<4000x4096xf32, #tpu.memory_space<vmem>>, vector<8x4096xf32>
    %gt3A_3511 = arith.cmpf ogt, %get3A_3510, %max3A_3504 : vector<8x4096xf32>
    %max3A_3512 = arith.maximumf %get3A_3510, %max3A_3504 : vector<8x4096xf32>
    %jit3A_3513 = arith.constant 4.380000e+02 : f32
    %broadcast_in_dim3A_3514 = vector.broadcast %jit3A_3513 : f32 to vector<8x4096xf32>
    %select_n3A_3515 = arith.select %gt3A_3511, %broadcast_in_dim3A_3514, %select_n3A_3507 : vector<8x4096xi1>, vector<8x4096xf32>
    %get3A_3516 = arith.constant 3512 : index
    %get3A_3517 = arith.constant 0 : index
    %get3A_3518 = vector.load %arg6[%get3A_3516, %get3A_3517] : memref<4000x4096xf32, #tpu.memory_space<vmem>>, vector<8x4096xf32>
    %gt3A_3519 = arith.cmpf ogt, %get3A_3518, %max3A_3512 : vector<8x4096xf32>
    %max3A_3520 = arith.maximumf %get3A_3518, %max3A_3512 : vector<8x4096xf32>
    %jit3A_3521 = arith.constant 4.390000e+02 : f32
    %broadcast_in_dim3A_3522 = vector.broadcast %jit3A_3521 : f32 to vector<8x4096xf32>
    %select_n3A_3523 = arith.select %gt3A_3519, %broadcast_in_dim3A_3522, %select_n3A_3515 : vector<8x4096xi1>, vector<8x4096xf32>
    %get3A_3524 = arith.constant 3520 : index
    %get3A_3525 = arith.constant 0 : index
    %get3A_3526 = vector.load %arg6[%get3A_3524, %get3A_3525] : memref<4000x4096xf32, #tpu.memory_space<vmem>>, vector<8x4096xf32>
    %gt3A_3527 = arith.cmpf ogt, %get3A_3526, %max3A_3520 : vector<8x4096xf32>
    %max3A_3528 = arith.maximumf %get3A_3526, %max3A_3520 : vector<8x4096xf32>
    %jit3A_3529 = arith.constant 4.400000e+02 : f32
    %broadcast_in_dim3A_3530 = vector.broadcast %jit3A_3529 : f32 to vector<8x4096xf32>
    %select_n3A_3531 = arith.select %gt3A_3527, %broadcast_in_dim3A_3530, %select_n3A_3523 : vector<8x4096xi1>, vector<8x4096xf32>
    %get3A_3532 = arith.constant 3528 : index
    %get3A_3533 = arith.constant 0 : index
    %get3A_3534 = vector.load %arg6[%get3A_3532, %get3A_3533] : memref<4000x4096xf32, #tpu.memory_space<vmem>>, vector<8x4096xf32>
    %gt3A_3535 = arith.cmpf ogt, %get3A_3534, %max3A_3528 : vector<8x4096xf32>
    %max3A_3536 = arith.maximumf %get3A_3534, %max3A_3528 : vector<8x4096xf32>
    %jit3A_3537 = arith.constant 4.410000e+02 : f32
    %broadcast_in_dim3A_3538 = vector.broadcast %jit3A_3537 : f32 to vector<8x4096xf32>
    %select_n3A_3539 = arith.select %gt3A_3535, %broadcast_in_dim3A_3538, %select_n3A_3531 : vector<8x4096xi1>, vector<8x4096xf32>
    %get3A_3540 = arith.constant 3536 : index
    %get3A_3541 = arith.constant 0 : index
    %get3A_3542 = vector.load %arg6[%get3A_3540, %get3A_3541] : memref<4000x4096xf32, #tpu.memory_space<vmem>>, vector<8x4096xf32>
    %gt3A_3543 = arith.cmpf ogt, %get3A_3542, %max3A_3536 : vector<8x4096xf32>
    %max3A_3544 = arith.maximumf %get3A_3542, %max3A_3536 : vector<8x4096xf32>
    %jit3A_3545 = arith.constant 4.420000e+02 : f32
    %broadcast_in_dim3A_3546 = vector.broadcast %jit3A_3545 : f32 to vector<8x4096xf32>
    %select_n3A_3547 = arith.select %gt3A_3543, %broadcast_in_dim3A_3546, %select_n3A_3539 : vector<8x4096xi1>, vector<8x4096xf32>
    %get3A_3548 = arith.constant 3544 : index
    %get3A_3549 = arith.constant 0 : index
    %get3A_3550 = vector.load %arg6[%get3A_3548, %get3A_3549] : memref<4000x4096xf32, #tpu.memory_space<vmem>>, vector<8x4096xf32>
    %gt3A_3551 = arith.cmpf ogt, %get3A_3550, %max3A_3544 : vector<8x4096xf32>
    %max3A_3552 = arith.maximumf %get3A_3550, %max3A_3544 : vector<8x4096xf32>
    %jit3A_3553 = arith.constant 4.430000e+02 : f32
    %broadcast_in_dim3A_3554 = vector.broadcast %jit3A_3553 : f32 to vector<8x4096xf32>
    %select_n3A_3555 = arith.select %gt3A_3551, %broadcast_in_dim3A_3554, %select_n3A_3547 : vector<8x4096xi1>, vector<8x4096xf32>
    %get3A_3556 = arith.constant 3552 : index
    %get3A_3557 = arith.constant 0 : index
    %get3A_3558 = vector.load %arg6[%get3A_3556, %get3A_3557] : memref<4000x4096xf32, #tpu.memory_space<vmem>>, vector<8x4096xf32>
    %gt3A_3559 = arith.cmpf ogt, %get3A_3558, %max3A_3552 : vector<8x4096xf32>
    %max3A_3560 = arith.maximumf %get3A_3558, %max3A_3552 : vector<8x4096xf32>
    %jit3A_3561 = arith.constant 4.440000e+02 : f32
    %broadcast_in_dim3A_3562 = vector.broadcast %jit3A_3561 : f32 to vector<8x4096xf32>
    %select_n3A_3563 = arith.select %gt3A_3559, %broadcast_in_dim3A_3562, %select_n3A_3555 : vector<8x4096xi1>, vector<8x4096xf32>
    %get3A_3564 = arith.constant 3560 : index
    %get3A_3565 = arith.constant 0 : index
    %get3A_3566 = vector.load %arg6[%get3A_3564, %get3A_3565] : memref<4000x4096xf32, #tpu.memory_space<vmem>>, vector<8x4096xf32>
    %gt3A_3567 = arith.cmpf ogt, %get3A_3566, %max3A_3560 : vector<8x4096xf32>
    %max3A_3568 = arith.maximumf %get3A_3566, %max3A_3560 : vector<8x4096xf32>
    %jit3A_3569 = arith.constant 4.450000e+02 : f32
    %broadcast_in_dim3A_3570 = vector.broadcast %jit3A_3569 : f32 to vector<8x4096xf32>
    %select_n3A_3571 = arith.select %gt3A_3567, %broadcast_in_dim3A_3570, %select_n3A_3563 : vector<8x4096xi1>, vector<8x4096xf32>
    %get3A_3572 = arith.constant 3568 : index
    %get3A_3573 = arith.constant 0 : index
    %get3A_3574 = vector.load %arg6[%get3A_3572, %get3A_3573] : memref<4000x4096xf32, #tpu.memory_space<vmem>>, vector<8x4096xf32>
    %gt3A_3575 = arith.cmpf ogt, %get3A_3574, %max3A_3568 : vector<8x4096xf32>
    %max3A_3576 = arith.maximumf %get3A_3574, %max3A_3568 : vector<8x4096xf32>
    %jit3A_3577 = arith.constant 4.460000e+02 : f32
    %broadcast_in_dim3A_3578 = vector.broadcast %jit3A_3577 : f32 to vector<8x4096xf32>
    %select_n3A_3579 = arith.select %gt3A_3575, %broadcast_in_dim3A_3578, %select_n3A_3571 : vector<8x4096xi1>, vector<8x4096xf32>
    %get3A_3580 = arith.constant 3576 : index
    %get3A_3581 = arith.constant 0 : index
    %get3A_3582 = vector.load %arg6[%get3A_3580, %get3A_3581] : memref<4000x4096xf32, #tpu.memory_space<vmem>>, vector<8x4096xf32>
    %gt3A_3583 = arith.cmpf ogt, %get3A_3582, %max3A_3576 : vector<8x4096xf32>
    %max3A_3584 = arith.maximumf %get3A_3582, %max3A_3576 : vector<8x4096xf32>
    %jit3A_3585 = arith.constant 4.470000e+02 : f32
    %broadcast_in_dim3A_3586 = vector.broadcast %jit3A_3585 : f32 to vector<8x4096xf32>
    %select_n3A_3587 = arith.select %gt3A_3583, %broadcast_in_dim3A_3586, %select_n3A_3579 : vector<8x4096xi1>, vector<8x4096xf32>
    %get3A_3588 = arith.constant 3584 : index
    %get3A_3589 = arith.constant 0 : index
    %get3A_3590 = vector.load %arg6[%get3A_3588, %get3A_3589] : memref<4000x4096xf32, #tpu.memory_space<vmem>>, vector<8x4096xf32>
    %gt3A_3591 = arith.cmpf ogt, %get3A_3590, %max3A_3584 : vector<8x4096xf32>
    %max3A_3592 = arith.maximumf %get3A_3590, %max3A_3584 : vector<8x4096xf32>
    %jit3A_3593 = arith.constant 4.480000e+02 : f32
    %broadcast_in_dim3A_3594 = vector.broadcast %jit3A_3593 : f32 to vector<8x4096xf32>
    %select_n3A_3595 = arith.select %gt3A_3591, %broadcast_in_dim3A_3594, %select_n3A_3587 : vector<8x4096xi1>, vector<8x4096xf32>
    %get3A_3596 = arith.constant 3592 : index
    %get3A_3597 = arith.constant 0 : index
    %get3A_3598 = vector.load %arg6[%get3A_3596, %get3A_3597] : memref<4000x4096xf32, #tpu.memory_space<vmem>>, vector<8x4096xf32>
    %gt3A_3599 = arith.cmpf ogt, %get3A_3598, %max3A_3592 : vector<8x4096xf32>
    %max3A_3600 = arith.maximumf %get3A_3598, %max3A_3592 : vector<8x4096xf32>
    %jit3A_3601 = arith.constant 4.490000e+02 : f32
    %broadcast_in_dim3A_3602 = vector.broadcast %jit3A_3601 : f32 to vector<8x4096xf32>
    %select_n3A_3603 = arith.select %gt3A_3599, %broadcast_in_dim3A_3602, %select_n3A_3595 : vector<8x4096xi1>, vector<8x4096xf32>
    %get3A_3604 = arith.constant 3600 : index
    %get3A_3605 = arith.constant 0 : index
    %get3A_3606 = vector.load %arg6[%get3A_3604, %get3A_3605] : memref<4000x4096xf32, #tpu.memory_space<vmem>>, vector<8x4096xf32>
    %gt3A_3607 = arith.cmpf ogt, %get3A_3606, %max3A_3600 : vector<8x4096xf32>
    %max3A_3608 = arith.maximumf %get3A_3606, %max3A_3600 : vector<8x4096xf32>
    %jit3A_3609 = arith.constant 4.500000e+02 : f32
    %broadcast_in_dim3A_3610 = vector.broadcast %jit3A_3609 : f32 to vector<8x4096xf32>
    %select_n3A_3611 = arith.select %gt3A_3607, %broadcast_in_dim3A_3610, %select_n3A_3603 : vector<8x4096xi1>, vector<8x4096xf32>
    %get3A_3612 = arith.constant 3608 : index
    %get3A_3613 = arith.constant 0 : index
    %get3A_3614 = vector.load %arg6[%get3A_3612, %get3A_3613] : memref<4000x4096xf32, #tpu.memory_space<vmem>>, vector<8x4096xf32>
    %gt3A_3615 = arith.cmpf ogt, %get3A_3614, %max3A_3608 : vector<8x4096xf32>
    %max3A_3616 = arith.maximumf %get3A_3614, %max3A_3608 : vector<8x4096xf32>
    %jit3A_3617 = arith.constant 4.510000e+02 : f32
    %broadcast_in_dim3A_3618 = vector.broadcast %jit3A_3617 : f32 to vector<8x4096xf32>
    %select_n3A_3619 = arith.select %gt3A_3615, %broadcast_in_dim3A_3618, %select_n3A_3611 : vector<8x4096xi1>, vector<8x4096xf32>
    %get3A_3620 = arith.constant 3616 : index
    %get3A_3621 = arith.constant 0 : index
    %get3A_3622 = vector.load %arg6[%get3A_3620, %get3A_3621] : memref<4000x4096xf32, #tpu.memory_space<vmem>>, vector<8x4096xf32>
    %gt3A_3623 = arith.cmpf ogt, %get3A_3622, %max3A_3616 : vector<8x4096xf32>
    %max3A_3624 = arith.maximumf %get3A_3622, %max3A_3616 : vector<8x4096xf32>
    %jit3A_3625 = arith.constant 4.520000e+02 : f32
    %broadcast_in_dim3A_3626 = vector.broadcast %jit3A_3625 : f32 to vector<8x4096xf32>
    %select_n3A_3627 = arith.select %gt3A_3623, %broadcast_in_dim3A_3626, %select_n3A_3619 : vector<8x4096xi1>, vector<8x4096xf32>
    %get3A_3628 = arith.constant 3624 : index
    %get3A_3629 = arith.constant 0 : index
    %get3A_3630 = vector.load %arg6[%get3A_3628, %get3A_3629] : memref<4000x4096xf32, #tpu.memory_space<vmem>>, vector<8x4096xf32>
    %gt3A_3631 = arith.cmpf ogt, %get3A_3630, %max3A_3624 : vector<8x4096xf32>
    %max3A_3632 = arith.maximumf %get3A_3630, %max3A_3624 : vector<8x4096xf32>
    %jit3A_3633 = arith.constant 4.530000e+02 : f32
    %broadcast_in_dim3A_3634 = vector.broadcast %jit3A_3633 : f32 to vector<8x4096xf32>
    %select_n3A_3635 = arith.select %gt3A_3631, %broadcast_in_dim3A_3634, %select_n3A_3627 : vector<8x4096xi1>, vector<8x4096xf32>
    %get3A_3636 = arith.constant 3632 : index
    %get3A_3637 = arith.constant 0 : index
    %get3A_3638 = vector.load %arg6[%get3A_3636, %get3A_3637] : memref<4000x4096xf32, #tpu.memory_space<vmem>>, vector<8x4096xf32>
    %gt3A_3639 = arith.cmpf ogt, %get3A_3638, %max3A_3632 : vector<8x4096xf32>
    %max3A_3640 = arith.maximumf %get3A_3638, %max3A_3632 : vector<8x4096xf32>
    %jit3A_3641 = arith.constant 4.540000e+02 : f32
    %broadcast_in_dim3A_3642 = vector.broadcast %jit3A_3641 : f32 to vector<8x4096xf32>
    %select_n3A_3643 = arith.select %gt3A_3639, %broadcast_in_dim3A_3642, %select_n3A_3635 : vector<8x4096xi1>, vector<8x4096xf32>
    %get3A_3644 = arith.constant 3640 : index
    %get3A_3645 = arith.constant 0 : index
    %get3A_3646 = vector.load %arg6[%get3A_3644, %get3A_3645] : memref<4000x4096xf32, #tpu.memory_space<vmem>>, vector<8x4096xf32>
    %gt3A_3647 = arith.cmpf ogt, %get3A_3646, %max3A_3640 : vector<8x4096xf32>
    %max3A_3648 = arith.maximumf %get3A_3646, %max3A_3640 : vector<8x4096xf32>
    %jit3A_3649 = arith.constant 4.550000e+02 : f32
    %broadcast_in_dim3A_3650 = vector.broadcast %jit3A_3649 : f32 to vector<8x4096xf32>
    %select_n3A_3651 = arith.select %gt3A_3647, %broadcast_in_dim3A_3650, %select_n3A_3643 : vector<8x4096xi1>, vector<8x4096xf32>
    %get3A_3652 = arith.constant 3648 : index
    %get3A_3653 = arith.constant 0 : index
    %get3A_3654 = vector.load %arg6[%get3A_3652, %get3A_3653] : memref<4000x4096xf32, #tpu.memory_space<vmem>>, vector<8x4096xf32>
    %gt3A_3655 = arith.cmpf ogt, %get3A_3654, %max3A_3648 : vector<8x4096xf32>
    %max3A_3656 = arith.maximumf %get3A_3654, %max3A_3648 : vector<8x4096xf32>
    %jit3A_3657 = arith.constant 4.560000e+02 : f32
    %broadcast_in_dim3A_3658 = vector.broadcast %jit3A_3657 : f32 to vector<8x4096xf32>
    %select_n3A_3659 = arith.select %gt3A_3655, %broadcast_in_dim3A_3658, %select_n3A_3651 : vector<8x4096xi1>, vector<8x4096xf32>
    %get3A_3660 = arith.constant 3656 : index
    %get3A_3661 = arith.constant 0 : index
    %get3A_3662 = vector.load %arg6[%get3A_3660, %get3A_3661] : memref<4000x4096xf32, #tpu.memory_space<vmem>>, vector<8x4096xf32>
    %gt3A_3663 = arith.cmpf ogt, %get3A_3662, %max3A_3656 : vector<8x4096xf32>
    %max3A_3664 = arith.maximumf %get3A_3662, %max3A_3656 : vector<8x4096xf32>
    %jit3A_3665 = arith.constant 4.570000e+02 : f32
    %broadcast_in_dim3A_3666 = vector.broadcast %jit3A_3665 : f32 to vector<8x4096xf32>
    %select_n3A_3667 = arith.select %gt3A_3663, %broadcast_in_dim3A_3666, %select_n3A_3659 : vector<8x4096xi1>, vector<8x4096xf32>
    %get3A_3668 = arith.constant 3664 : index
    %get3A_3669 = arith.constant 0 : index
    %get3A_3670 = vector.load %arg6[%get3A_3668, %get3A_3669] : memref<4000x4096xf32, #tpu.memory_space<vmem>>, vector<8x4096xf32>
    %gt3A_3671 = arith.cmpf ogt, %get3A_3670, %max3A_3664 : vector<8x4096xf32>
    %max3A_3672 = arith.maximumf %get3A_3670, %max3A_3664 : vector<8x4096xf32>
    %jit3A_3673 = arith.constant 4.580000e+02 : f32
    %broadcast_in_dim3A_3674 = vector.broadcast %jit3A_3673 : f32 to vector<8x4096xf32>
    %select_n3A_3675 = arith.select %gt3A_3671, %broadcast_in_dim3A_3674, %select_n3A_3667 : vector<8x4096xi1>, vector<8x4096xf32>
    %get3A_3676 = arith.constant 3672 : index
    %get3A_3677 = arith.constant 0 : index
    %get3A_3678 = vector.load %arg6[%get3A_3676, %get3A_3677] : memref<4000x4096xf32, #tpu.memory_space<vmem>>, vector<8x4096xf32>
    %gt3A_3679 = arith.cmpf ogt, %get3A_3678, %max3A_3672 : vector<8x4096xf32>
    %max3A_3680 = arith.maximumf %get3A_3678, %max3A_3672 : vector<8x4096xf32>
    %jit3A_3681 = arith.constant 4.590000e+02 : f32
    %broadcast_in_dim3A_3682 = vector.broadcast %jit3A_3681 : f32 to vector<8x4096xf32>
    %select_n3A_3683 = arith.select %gt3A_3679, %broadcast_in_dim3A_3682, %select_n3A_3675 : vector<8x4096xi1>, vector<8x4096xf32>
    %get3A_3684 = arith.constant 3680 : index
    %get3A_3685 = arith.constant 0 : index
    %get3A_3686 = vector.load %arg6[%get3A_3684, %get3A_3685] : memref<4000x4096xf32, #tpu.memory_space<vmem>>, vector<8x4096xf32>
    %gt3A_3687 = arith.cmpf ogt, %get3A_3686, %max3A_3680 : vector<8x4096xf32>
    %max3A_3688 = arith.maximumf %get3A_3686, %max3A_3680 : vector<8x4096xf32>
    %jit3A_3689 = arith.constant 4.600000e+02 : f32
    %broadcast_in_dim3A_3690 = vector.broadcast %jit3A_3689 : f32 to vector<8x4096xf32>
    %select_n3A_3691 = arith.select %gt3A_3687, %broadcast_in_dim3A_3690, %select_n3A_3683 : vector<8x4096xi1>, vector<8x4096xf32>
    %get3A_3692 = arith.constant 3688 : index
    %get3A_3693 = arith.constant 0 : index
    %get3A_3694 = vector.load %arg6[%get3A_3692, %get3A_3693] : memref<4000x4096xf32, #tpu.memory_space<vmem>>, vector<8x4096xf32>
    %gt3A_3695 = arith.cmpf ogt, %get3A_3694, %max3A_3688 : vector<8x4096xf32>
    %max3A_3696 = arith.maximumf %get3A_3694, %max3A_3688 : vector<8x4096xf32>
    %jit3A_3697 = arith.constant 4.610000e+02 : f32
    %broadcast_in_dim3A_3698 = vector.broadcast %jit3A_3697 : f32 to vector<8x4096xf32>
    %select_n3A_3699 = arith.select %gt3A_3695, %broadcast_in_dim3A_3698, %select_n3A_3691 : vector<8x4096xi1>, vector<8x4096xf32>
    %get3A_3700 = arith.constant 3696 : index
    %get3A_3701 = arith.constant 0 : index
    %get3A_3702 = vector.load %arg6[%get3A_3700, %get3A_3701] : memref<4000x4096xf32, #tpu.memory_space<vmem>>, vector<8x4096xf32>
    %gt3A_3703 = arith.cmpf ogt, %get3A_3702, %max3A_3696 : vector<8x4096xf32>
    %max3A_3704 = arith.maximumf %get3A_3702, %max3A_3696 : vector<8x4096xf32>
    %jit3A_3705 = arith.constant 4.620000e+02 : f32
    %broadcast_in_dim3A_3706 = vector.broadcast %jit3A_3705 : f32 to vector<8x4096xf32>
    %select_n3A_3707 = arith.select %gt3A_3703, %broadcast_in_dim3A_3706, %select_n3A_3699 : vector<8x4096xi1>, vector<8x4096xf32>
    %get3A_3708 = arith.constant 3704 : index
    %get3A_3709 = arith.constant 0 : index
    %get3A_3710 = vector.load %arg6[%get3A_3708, %get3A_3709] : memref<4000x4096xf32, #tpu.memory_space<vmem>>, vector<8x4096xf32>
    %gt3A_3711 = arith.cmpf ogt, %get3A_3710, %max3A_3704 : vector<8x4096xf32>
    %max3A_3712 = arith.maximumf %get3A_3710, %max3A_3704 : vector<8x4096xf32>
    %jit3A_3713 = arith.constant 4.630000e+02 : f32
    %broadcast_in_dim3A_3714 = vector.broadcast %jit3A_3713 : f32 to vector<8x4096xf32>
    %select_n3A_3715 = arith.select %gt3A_3711, %broadcast_in_dim3A_3714, %select_n3A_3707 : vector<8x4096xi1>, vector<8x4096xf32>
    %get3A_3716 = arith.constant 3712 : index
    %get3A_3717 = arith.constant 0 : index
    %get3A_3718 = vector.load %arg6[%get3A_3716, %get3A_3717] : memref<4000x4096xf32, #tpu.memory_space<vmem>>, vector<8x4096xf32>
    %gt3A_3719 = arith.cmpf ogt, %get3A_3718, %max3A_3712 : vector<8x4096xf32>
    %max3A_3720 = arith.maximumf %get3A_3718, %max3A_3712 : vector<8x4096xf32>
    %jit3A_3721 = arith.constant 4.640000e+02 : f32
    %broadcast_in_dim3A_3722 = vector.broadcast %jit3A_3721 : f32 to vector<8x4096xf32>
    %select_n3A_3723 = arith.select %gt3A_3719, %broadcast_in_dim3A_3722, %select_n3A_3715 : vector<8x4096xi1>, vector<8x4096xf32>
    %get3A_3724 = arith.constant 3720 : index
    %get3A_3725 = arith.constant 0 : index
    %get3A_3726 = vector.load %arg6[%get3A_3724, %get3A_3725] : memref<4000x4096xf32, #tpu.memory_space<vmem>>, vector<8x4096xf32>
    %gt3A_3727 = arith.cmpf ogt, %get3A_3726, %max3A_3720 : vector<8x4096xf32>
    %max3A_3728 = arith.maximumf %get3A_3726, %max3A_3720 : vector<8x4096xf32>
    %jit3A_3729 = arith.constant 4.650000e+02 : f32
    %broadcast_in_dim3A_3730 = vector.broadcast %jit3A_3729 : f32 to vector<8x4096xf32>
    %select_n3A_3731 = arith.select %gt3A_3727, %broadcast_in_dim3A_3730, %select_n3A_3723 : vector<8x4096xi1>, vector<8x4096xf32>
    %get3A_3732 = arith.constant 3728 : index
    %get3A_3733 = arith.constant 0 : index
    %get3A_3734 = vector.load %arg6[%get3A_3732, %get3A_3733] : memref<4000x4096xf32, #tpu.memory_space<vmem>>, vector<8x4096xf32>
    %gt3A_3735 = arith.cmpf ogt, %get3A_3734, %max3A_3728 : vector<8x4096xf32>
    %max3A_3736 = arith.maximumf %get3A_3734, %max3A_3728 : vector<8x4096xf32>
    %jit3A_3737 = arith.constant 4.660000e+02 : f32
    %broadcast_in_dim3A_3738 = vector.broadcast %jit3A_3737 : f32 to vector<8x4096xf32>
    %select_n3A_3739 = arith.select %gt3A_3735, %broadcast_in_dim3A_3738, %select_n3A_3731 : vector<8x4096xi1>, vector<8x4096xf32>
    %get3A_3740 = arith.constant 3736 : index
    %get3A_3741 = arith.constant 0 : index
    %get3A_3742 = vector.load %arg6[%get3A_3740, %get3A_3741] : memref<4000x4096xf32, #tpu.memory_space<vmem>>, vector<8x4096xf32>
    %gt3A_3743 = arith.cmpf ogt, %get3A_3742, %max3A_3736 : vector<8x4096xf32>
    %max3A_3744 = arith.maximumf %get3A_3742, %max3A_3736 : vector<8x4096xf32>
    %jit3A_3745 = arith.constant 4.670000e+02 : f32
    %broadcast_in_dim3A_3746 = vector.broadcast %jit3A_3745 : f32 to vector<8x4096xf32>
    %select_n3A_3747 = arith.select %gt3A_3743, %broadcast_in_dim3A_3746, %select_n3A_3739 : vector<8x4096xi1>, vector<8x4096xf32>
    %get3A_3748 = arith.constant 3744 : index
    %get3A_3749 = arith.constant 0 : index
    %get3A_3750 = vector.load %arg6[%get3A_3748, %get3A_3749] : memref<4000x4096xf32, #tpu.memory_space<vmem>>, vector<8x4096xf32>
    %gt3A_3751 = arith.cmpf ogt, %get3A_3750, %max3A_3744 : vector<8x4096xf32>
    %max3A_3752 = arith.maximumf %get3A_3750, %max3A_3744 : vector<8x4096xf32>
    %jit3A_3753 = arith.constant 4.680000e+02 : f32
    %broadcast_in_dim3A_3754 = vector.broadcast %jit3A_3753 : f32 to vector<8x4096xf32>
    %select_n3A_3755 = arith.select %gt3A_3751, %broadcast_in_dim3A_3754, %select_n3A_3747 : vector<8x4096xi1>, vector<8x4096xf32>
    %get3A_3756 = arith.constant 3752 : index
    %get3A_3757 = arith.constant 0 : index
    %get3A_3758 = vector.load %arg6[%get3A_3756, %get3A_3757] : memref<4000x4096xf32, #tpu.memory_space<vmem>>, vector<8x4096xf32>
    %gt3A_3759 = arith.cmpf ogt, %get3A_3758, %max3A_3752 : vector<8x4096xf32>
    %max3A_3760 = arith.maximumf %get3A_3758, %max3A_3752 : vector<8x4096xf32>
    %jit3A_3761 = arith.constant 4.690000e+02 : f32
    %broadcast_in_dim3A_3762 = vector.broadcast %jit3A_3761 : f32 to vector<8x4096xf32>
    %select_n3A_3763 = arith.select %gt3A_3759, %broadcast_in_dim3A_3762, %select_n3A_3755 : vector<8x4096xi1>, vector<8x4096xf32>
    %get3A_3764 = arith.constant 3760 : index
    %get3A_3765 = arith.constant 0 : index
    %get3A_3766 = vector.load %arg6[%get3A_3764, %get3A_3765] : memref<4000x4096xf32, #tpu.memory_space<vmem>>, vector<8x4096xf32>
    %gt3A_3767 = arith.cmpf ogt, %get3A_3766, %max3A_3760 : vector<8x4096xf32>
    %max3A_3768 = arith.maximumf %get3A_3766, %max3A_3760 : vector<8x4096xf32>
    %jit3A_3769 = arith.constant 4.700000e+02 : f32
    %broadcast_in_dim3A_3770 = vector.broadcast %jit3A_3769 : f32 to vector<8x4096xf32>
    %select_n3A_3771 = arith.select %gt3A_3767, %broadcast_in_dim3A_3770, %select_n3A_3763 : vector<8x4096xi1>, vector<8x4096xf32>
    %get3A_3772 = arith.constant 3768 : index
    %get3A_3773 = arith.constant 0 : index
    %get3A_3774 = vector.load %arg6[%get3A_3772, %get3A_3773] : memref<4000x4096xf32, #tpu.memory_space<vmem>>, vector<8x4096xf32>
    %gt3A_3775 = arith.cmpf ogt, %get3A_3774, %max3A_3768 : vector<8x4096xf32>
    %max3A_3776 = arith.maximumf %get3A_3774, %max3A_3768 : vector<8x4096xf32>
    %jit3A_3777 = arith.constant 4.710000e+02 : f32
    %broadcast_in_dim3A_3778 = vector.broadcast %jit3A_3777 : f32 to vector<8x4096xf32>
    %select_n3A_3779 = arith.select %gt3A_3775, %broadcast_in_dim3A_3778, %select_n3A_3771 : vector<8x4096xi1>, vector<8x4096xf32>
    %get3A_3780 = arith.constant 3776 : index
    %get3A_3781 = arith.constant 0 : index
    %get3A_3782 = vector.load %arg6[%get3A_3780, %get3A_3781] : memref<4000x4096xf32, #tpu.memory_space<vmem>>, vector<8x4096xf32>
    %gt3A_3783 = arith.cmpf ogt, %get3A_3782, %max3A_3776 : vector<8x4096xf32>
    %max3A_3784 = arith.maximumf %get3A_3782, %max3A_3776 : vector<8x4096xf32>
    %jit3A_3785 = arith.constant 4.720000e+02 : f32
    %broadcast_in_dim3A_3786 = vector.broadcast %jit3A_3785 : f32 to vector<8x4096xf32>
    %select_n3A_3787 = arith.select %gt3A_3783, %broadcast_in_dim3A_3786, %select_n3A_3779 : vector<8x4096xi1>, vector<8x4096xf32>
    %get3A_3788 = arith.constant 3784 : index
    %get3A_3789 = arith.constant 0 : index
    %get3A_3790 = vector.load %arg6[%get3A_3788, %get3A_3789] : memref<4000x4096xf32, #tpu.memory_space<vmem>>, vector<8x4096xf32>
    %gt3A_3791 = arith.cmpf ogt, %get3A_3790, %max3A_3784 : vector<8x4096xf32>
    %max3A_3792 = arith.maximumf %get3A_3790, %max3A_3784 : vector<8x4096xf32>
    %jit3A_3793 = arith.constant 4.730000e+02 : f32
    %broadcast_in_dim3A_3794 = vector.broadcast %jit3A_3793 : f32 to vector<8x4096xf32>
    %select_n3A_3795 = arith.select %gt3A_3791, %broadcast_in_dim3A_3794, %select_n3A_3787 : vector<8x4096xi1>, vector<8x4096xf32>
    %get3A_3796 = arith.constant 3792 : index
    %get3A_3797 = arith.constant 0 : index
    %get3A_3798 = vector.load %arg6[%get3A_3796, %get3A_3797] : memref<4000x4096xf32, #tpu.memory_space<vmem>>, vector<8x4096xf32>
    %gt3A_3799 = arith.cmpf ogt, %get3A_3798, %max3A_3792 : vector<8x4096xf32>
    %max3A_3800 = arith.maximumf %get3A_3798, %max3A_3792 : vector<8x4096xf32>
    %jit3A_3801 = arith.constant 4.740000e+02 : f32
    %broadcast_in_dim3A_3802 = vector.broadcast %jit3A_3801 : f32 to vector<8x4096xf32>
    %select_n3A_3803 = arith.select %gt3A_3799, %broadcast_in_dim3A_3802, %select_n3A_3795 : vector<8x4096xi1>, vector<8x4096xf32>
    %get3A_3804 = arith.constant 3800 : index
    %get3A_3805 = arith.constant 0 : index
    %get3A_3806 = vector.load %arg6[%get3A_3804, %get3A_3805] : memref<4000x4096xf32, #tpu.memory_space<vmem>>, vector<8x4096xf32>
    %gt3A_3807 = arith.cmpf ogt, %get3A_3806, %max3A_3800 : vector<8x4096xf32>
    %max3A_3808 = arith.maximumf %get3A_3806, %max3A_3800 : vector<8x4096xf32>
    %jit3A_3809 = arith.constant 4.750000e+02 : f32
    %broadcast_in_dim3A_3810 = vector.broadcast %jit3A_3809 : f32 to vector<8x4096xf32>
    %select_n3A_3811 = arith.select %gt3A_3807, %broadcast_in_dim3A_3810, %select_n3A_3803 : vector<8x4096xi1>, vector<8x4096xf32>
    %get3A_3812 = arith.constant 3808 : index
    %get3A_3813 = arith.constant 0 : index
    %get3A_3814 = vector.load %arg6[%get3A_3812, %get3A_3813] : memref<4000x4096xf32, #tpu.memory_space<vmem>>, vector<8x4096xf32>
    %gt3A_3815 = arith.cmpf ogt, %get3A_3814, %max3A_3808 : vector<8x4096xf32>
    %max3A_3816 = arith.maximumf %get3A_3814, %max3A_3808 : vector<8x4096xf32>
    %jit3A_3817 = arith.constant 4.760000e+02 : f32
    %broadcast_in_dim3A_3818 = vector.broadcast %jit3A_3817 : f32 to vector<8x4096xf32>
    %select_n3A_3819 = arith.select %gt3A_3815, %broadcast_in_dim3A_3818, %select_n3A_3811 : vector<8x4096xi1>, vector<8x4096xf32>
    %get3A_3820 = arith.constant 3816 : index
    %get3A_3821 = arith.constant 0 : index
    %get3A_3822 = vector.load %arg6[%get3A_3820, %get3A_3821] : memref<4000x4096xf32, #tpu.memory_space<vmem>>, vector<8x4096xf32>
    %gt3A_3823 = arith.cmpf ogt, %get3A_3822, %max3A_3816 : vector<8x4096xf32>
    %max3A_3824 = arith.maximumf %get3A_3822, %max3A_3816 : vector<8x4096xf32>
    %jit3A_3825 = arith.constant 4.770000e+02 : f32
    %broadcast_in_dim3A_3826 = vector.broadcast %jit3A_3825 : f32 to vector<8x4096xf32>
    %select_n3A_3827 = arith.select %gt3A_3823, %broadcast_in_dim3A_3826, %select_n3A_3819 : vector<8x4096xi1>, vector<8x4096xf32>
    %get3A_3828 = arith.constant 3824 : index
    %get3A_3829 = arith.constant 0 : index
    %get3A_3830 = vector.load %arg6[%get3A_3828, %get3A_3829] : memref<4000x4096xf32, #tpu.memory_space<vmem>>, vector<8x4096xf32>
    %gt3A_3831 = arith.cmpf ogt, %get3A_3830, %max3A_3824 : vector<8x4096xf32>
    %max3A_3832 = arith.maximumf %get3A_3830, %max3A_3824 : vector<8x4096xf32>
    %jit3A_3833 = arith.constant 4.780000e+02 : f32
    %broadcast_in_dim3A_3834 = vector.broadcast %jit3A_3833 : f32 to vector<8x4096xf32>
    %select_n3A_3835 = arith.select %gt3A_3831, %broadcast_in_dim3A_3834, %select_n3A_3827 : vector<8x4096xi1>, vector<8x4096xf32>
    %get3A_3836 = arith.constant 3832 : index
    %get3A_3837 = arith.constant 0 : index
    %get3A_3838 = vector.load %arg6[%get3A_3836, %get3A_3837] : memref<4000x4096xf32, #tpu.memory_space<vmem>>, vector<8x4096xf32>
    %gt3A_3839 = arith.cmpf ogt, %get3A_3838, %max3A_3832 : vector<8x4096xf32>
    %max3A_3840 = arith.maximumf %get3A_3838, %max3A_3832 : vector<8x4096xf32>
    %jit3A_3841 = arith.constant 4.790000e+02 : f32
    %broadcast_in_dim3A_3842 = vector.broadcast %jit3A_3841 : f32 to vector<8x4096xf32>
    %select_n3A_3843 = arith.select %gt3A_3839, %broadcast_in_dim3A_3842, %select_n3A_3835 : vector<8x4096xi1>, vector<8x4096xf32>
    %get3A_3844 = arith.constant 3840 : index
    %get3A_3845 = arith.constant 0 : index
    %get3A_3846 = vector.load %arg6[%get3A_3844, %get3A_3845] : memref<4000x4096xf32, #tpu.memory_space<vmem>>, vector<8x4096xf32>
    %gt3A_3847 = arith.cmpf ogt, %get3A_3846, %max3A_3840 : vector<8x4096xf32>
    %max3A_3848 = arith.maximumf %get3A_3846, %max3A_3840 : vector<8x4096xf32>
    %jit3A_3849 = arith.constant 4.800000e+02 : f32
    %broadcast_in_dim3A_3850 = vector.broadcast %jit3A_3849 : f32 to vector<8x4096xf32>
    %select_n3A_3851 = arith.select %gt3A_3847, %broadcast_in_dim3A_3850, %select_n3A_3843 : vector<8x4096xi1>, vector<8x4096xf32>
    %get3A_3852 = arith.constant 3848 : index
    %get3A_3853 = arith.constant 0 : index
    %get3A_3854 = vector.load %arg6[%get3A_3852, %get3A_3853] : memref<4000x4096xf32, #tpu.memory_space<vmem>>, vector<8x4096xf32>
    %gt3A_3855 = arith.cmpf ogt, %get3A_3854, %max3A_3848 : vector<8x4096xf32>
    %max3A_3856 = arith.maximumf %get3A_3854, %max3A_3848 : vector<8x4096xf32>
    %jit3A_3857 = arith.constant 4.810000e+02 : f32
    %broadcast_in_dim3A_3858 = vector.broadcast %jit3A_3857 : f32 to vector<8x4096xf32>
    %select_n3A_3859 = arith.select %gt3A_3855, %broadcast_in_dim3A_3858, %select_n3A_3851 : vector<8x4096xi1>, vector<8x4096xf32>
    %get3A_3860 = arith.constant 3856 : index
    %get3A_3861 = arith.constant 0 : index
    %get3A_3862 = vector.load %arg6[%get3A_3860, %get3A_3861] : memref<4000x4096xf32, #tpu.memory_space<vmem>>, vector<8x4096xf32>
    %gt3A_3863 = arith.cmpf ogt, %get3A_3862, %max3A_3856 : vector<8x4096xf32>
    %max3A_3864 = arith.maximumf %get3A_3862, %max3A_3856 : vector<8x4096xf32>
    %jit3A_3865 = arith.constant 4.820000e+02 : f32
    %broadcast_in_dim3A_3866 = vector.broadcast %jit3A_3865 : f32 to vector<8x4096xf32>
    %select_n3A_3867 = arith.select %gt3A_3863, %broadcast_in_dim3A_3866, %select_n3A_3859 : vector<8x4096xi1>, vector<8x4096xf32>
    %get3A_3868 = arith.constant 3864 : index
    %get3A_3869 = arith.constant 0 : index
    %get3A_3870 = vector.load %arg6[%get3A_3868, %get3A_3869] : memref<4000x4096xf32, #tpu.memory_space<vmem>>, vector<8x4096xf32>
    %gt3A_3871 = arith.cmpf ogt, %get3A_3870, %max3A_3864 : vector<8x4096xf32>
    %max3A_3872 = arith.maximumf %get3A_3870, %max3A_3864 : vector<8x4096xf32>
    %jit3A_3873 = arith.constant 4.830000e+02 : f32
    %broadcast_in_dim3A_3874 = vector.broadcast %jit3A_3873 : f32 to vector<8x4096xf32>
    %select_n3A_3875 = arith.select %gt3A_3871, %broadcast_in_dim3A_3874, %select_n3A_3867 : vector<8x4096xi1>, vector<8x4096xf32>
    %get3A_3876 = arith.constant 3872 : index
    %get3A_3877 = arith.constant 0 : index
    %get3A_3878 = vector.load %arg6[%get3A_3876, %get3A_3877] : memref<4000x4096xf32, #tpu.memory_space<vmem>>, vector<8x4096xf32>
    %gt3A_3879 = arith.cmpf ogt, %get3A_3878, %max3A_3872 : vector<8x4096xf32>
    %max3A_3880 = arith.maximumf %get3A_3878, %max3A_3872 : vector<8x4096xf32>
    %jit3A_3881 = arith.constant 4.840000e+02 : f32
    %broadcast_in_dim3A_3882 = vector.broadcast %jit3A_3881 : f32 to vector<8x4096xf32>
    %select_n3A_3883 = arith.select %gt3A_3879, %broadcast_in_dim3A_3882, %select_n3A_3875 : vector<8x4096xi1>, vector<8x4096xf32>
    %get3A_3884 = arith.constant 3880 : index
    %get3A_3885 = arith.constant 0 : index
    %get3A_3886 = vector.load %arg6[%get3A_3884, %get3A_3885] : memref<4000x4096xf32, #tpu.memory_space<vmem>>, vector<8x4096xf32>
    %gt3A_3887 = arith.cmpf ogt, %get3A_3886, %max3A_3880 : vector<8x4096xf32>
    %max3A_3888 = arith.maximumf %get3A_3886, %max3A_3880 : vector<8x4096xf32>
    %jit3A_3889 = arith.constant 4.850000e+02 : f32
    %broadcast_in_dim3A_3890 = vector.broadcast %jit3A_3889 : f32 to vector<8x4096xf32>
    %select_n3A_3891 = arith.select %gt3A_3887, %broadcast_in_dim3A_3890, %select_n3A_3883 : vector<8x4096xi1>, vector<8x4096xf32>
    %get3A_3892 = arith.constant 3888 : index
    %get3A_3893 = arith.constant 0 : index
    %get3A_3894 = vector.load %arg6[%get3A_3892, %get3A_3893] : memref<4000x4096xf32, #tpu.memory_space<vmem>>, vector<8x4096xf32>
    %gt3A_3895 = arith.cmpf ogt, %get3A_3894, %max3A_3888 : vector<8x4096xf32>
    %max3A_3896 = arith.maximumf %get3A_3894, %max3A_3888 : vector<8x4096xf32>
    %jit3A_3897 = arith.constant 4.860000e+02 : f32
    %broadcast_in_dim3A_3898 = vector.broadcast %jit3A_3897 : f32 to vector<8x4096xf32>
    %select_n3A_3899 = arith.select %gt3A_3895, %broadcast_in_dim3A_3898, %select_n3A_3891 : vector<8x4096xi1>, vector<8x4096xf32>
    %get3A_3900 = arith.constant 3896 : index
    %get3A_3901 = arith.constant 0 : index
    %get3A_3902 = vector.load %arg6[%get3A_3900, %get3A_3901] : memref<4000x4096xf32, #tpu.memory_space<vmem>>, vector<8x4096xf32>
    %gt3A_3903 = arith.cmpf ogt, %get3A_3902, %max3A_3896 : vector<8x4096xf32>
    %max3A_3904 = arith.maximumf %get3A_3902, %max3A_3896 : vector<8x4096xf32>
    %jit3A_3905 = arith.constant 4.870000e+02 : f32
    %broadcast_in_dim3A_3906 = vector.broadcast %jit3A_3905 : f32 to vector<8x4096xf32>
    %select_n3A_3907 = arith.select %gt3A_3903, %broadcast_in_dim3A_3906, %select_n3A_3899 : vector<8x4096xi1>, vector<8x4096xf32>
    %get3A_3908 = arith.constant 3904 : index
    %get3A_3909 = arith.constant 0 : index
    %get3A_3910 = vector.load %arg6[%get3A_3908, %get3A_3909] : memref<4000x4096xf32, #tpu.memory_space<vmem>>, vector<8x4096xf32>
    %gt3A_3911 = arith.cmpf ogt, %get3A_3910, %max3A_3904 : vector<8x4096xf32>
    %max3A_3912 = arith.maximumf %get3A_3910, %max3A_3904 : vector<8x4096xf32>
    %jit3A_3913 = arith.constant 4.880000e+02 : f32
    %broadcast_in_dim3A_3914 = vector.broadcast %jit3A_3913 : f32 to vector<8x4096xf32>
    %select_n3A_3915 = arith.select %gt3A_3911, %broadcast_in_dim3A_3914, %select_n3A_3907 : vector<8x4096xi1>, vector<8x4096xf32>
    %get3A_3916 = arith.constant 3912 : index
    %get3A_3917 = arith.constant 0 : index
    %get3A_3918 = vector.load %arg6[%get3A_3916, %get3A_3917] : memref<4000x4096xf32, #tpu.memory_space<vmem>>, vector<8x4096xf32>
    %gt3A_3919 = arith.cmpf ogt, %get3A_3918, %max3A_3912 : vector<8x4096xf32>
    %max3A_3920 = arith.maximumf %get3A_3918, %max3A_3912 : vector<8x4096xf32>
    %jit3A_3921 = arith.constant 4.890000e+02 : f32
    %broadcast_in_dim3A_3922 = vector.broadcast %jit3A_3921 : f32 to vector<8x4096xf32>
    %select_n3A_3923 = arith.select %gt3A_3919, %broadcast_in_dim3A_3922, %select_n3A_3915 : vector<8x4096xi1>, vector<8x4096xf32>
    %get3A_3924 = arith.constant 3920 : index
    %get3A_3925 = arith.constant 0 : index
    %get3A_3926 = vector.load %arg6[%get3A_3924, %get3A_3925] : memref<4000x4096xf32, #tpu.memory_space<vmem>>, vector<8x4096xf32>
    %gt3A_3927 = arith.cmpf ogt, %get3A_3926, %max3A_3920 : vector<8x4096xf32>
    %max3A_3928 = arith.maximumf %get3A_3926, %max3A_3920 : vector<8x4096xf32>
    %jit3A_3929 = arith.constant 4.900000e+02 : f32
    %broadcast_in_dim3A_3930 = vector.broadcast %jit3A_3929 : f32 to vector<8x4096xf32>
    %select_n3A_3931 = arith.select %gt3A_3927, %broadcast_in_dim3A_3930, %select_n3A_3923 : vector<8x4096xi1>, vector<8x4096xf32>
    %get3A_3932 = arith.constant 3928 : index
    %get3A_3933 = arith.constant 0 : index
    %get3A_3934 = vector.load %arg6[%get3A_3932, %get3A_3933] : memref<4000x4096xf32, #tpu.memory_space<vmem>>, vector<8x4096xf32>
    %gt3A_3935 = arith.cmpf ogt, %get3A_3934, %max3A_3928 : vector<8x4096xf32>
    %max3A_3936 = arith.maximumf %get3A_3934, %max3A_3928 : vector<8x4096xf32>
    %jit3A_3937 = arith.constant 4.910000e+02 : f32
    %broadcast_in_dim3A_3938 = vector.broadcast %jit3A_3937 : f32 to vector<8x4096xf32>
    %select_n3A_3939 = arith.select %gt3A_3935, %broadcast_in_dim3A_3938, %select_n3A_3931 : vector<8x4096xi1>, vector<8x4096xf32>
    %get3A_3940 = arith.constant 3936 : index
    %get3A_3941 = arith.constant 0 : index
    %get3A_3942 = vector.load %arg6[%get3A_3940, %get3A_3941] : memref<4000x4096xf32, #tpu.memory_space<vmem>>, vector<8x4096xf32>
    %gt3A_3943 = arith.cmpf ogt, %get3A_3942, %max3A_3936 : vector<8x4096xf32>
    %max3A_3944 = arith.maximumf %get3A_3942, %max3A_3936 : vector<8x4096xf32>
    %jit3A_3945 = arith.constant 4.920000e+02 : f32
    %broadcast_in_dim3A_3946 = vector.broadcast %jit3A_3945 : f32 to vector<8x4096xf32>
    %select_n3A_3947 = arith.select %gt3A_3943, %broadcast_in_dim3A_3946, %select_n3A_3939 : vector<8x4096xi1>, vector<8x4096xf32>
    %get3A_3948 = arith.constant 3944 : index
    %get3A_3949 = arith.constant 0 : index
    %get3A_3950 = vector.load %arg6[%get3A_3948, %get3A_3949] : memref<4000x4096xf32, #tpu.memory_space<vmem>>, vector<8x4096xf32>
    %gt3A_3951 = arith.cmpf ogt, %get3A_3950, %max3A_3944 : vector<8x4096xf32>
    %max3A_3952 = arith.maximumf %get3A_3950, %max3A_3944 : vector<8x4096xf32>
    %jit3A_3953 = arith.constant 4.930000e+02 : f32
    %broadcast_in_dim3A_3954 = vector.broadcast %jit3A_3953 : f32 to vector<8x4096xf32>
    %select_n3A_3955 = arith.select %gt3A_3951, %broadcast_in_dim3A_3954, %select_n3A_3947 : vector<8x4096xi1>, vector<8x4096xf32>
    %get3A_3956 = arith.constant 3952 : index
    %get3A_3957 = arith.constant 0 : index
    %get3A_3958 = vector.load %arg6[%get3A_3956, %get3A_3957] : memref<4000x4096xf32, #tpu.memory_space<vmem>>, vector<8x4096xf32>
    %gt3A_3959 = arith.cmpf ogt, %get3A_3958, %max3A_3952 : vector<8x4096xf32>
    %max3A_3960 = arith.maximumf %get3A_3958, %max3A_3952 : vector<8x4096xf32>
    %jit3A_3961 = arith.constant 4.940000e+02 : f32
    %broadcast_in_dim3A_3962 = vector.broadcast %jit3A_3961 : f32 to vector<8x4096xf32>
    %select_n3A_3963 = arith.select %gt3A_3959, %broadcast_in_dim3A_3962, %select_n3A_3955 : vector<8x4096xi1>, vector<8x4096xf32>
    %get3A_3964 = arith.constant 3960 : index
    %get3A_3965 = arith.constant 0 : index
    %get3A_3966 = vector.load %arg6[%get3A_3964, %get3A_3965] : memref<4000x4096xf32, #tpu.memory_space<vmem>>, vector<8x4096xf32>
    %gt3A_3967 = arith.cmpf ogt, %get3A_3966, %max3A_3960 : vector<8x4096xf32>
    %max3A_3968 = arith.maximumf %get3A_3966, %max3A_3960 : vector<8x4096xf32>
    %jit3A_3969 = arith.constant 4.950000e+02 : f32
    %broadcast_in_dim3A_3970 = vector.broadcast %jit3A_3969 : f32 to vector<8x4096xf32>
    %select_n3A_3971 = arith.select %gt3A_3967, %broadcast_in_dim3A_3970, %select_n3A_3963 : vector<8x4096xi1>, vector<8x4096xf32>
    %get3A_3972 = arith.constant 3968 : index
    %get3A_3973 = arith.constant 0 : index
    %get3A_3974 = vector.load %arg6[%get3A_3972, %get3A_3973] : memref<4000x4096xf32, #tpu.memory_space<vmem>>, vector<8x4096xf32>
    %gt3A_3975 = arith.cmpf ogt, %get3A_3974, %max3A_3968 : vector<8x4096xf32>
    %max3A_3976 = arith.maximumf %get3A_3974, %max3A_3968 : vector<8x4096xf32>
    %jit3A_3977 = arith.constant 4.960000e+02 : f32
    %broadcast_in_dim3A_3978 = vector.broadcast %jit3A_3977 : f32 to vector<8x4096xf32>
    %select_n3A_3979 = arith.select %gt3A_3975, %broadcast_in_dim3A_3978, %select_n3A_3971 : vector<8x4096xi1>, vector<8x4096xf32>
    %get3A_3980 = arith.constant 3976 : index
    %get3A_3981 = arith.constant 0 : index
    %get3A_3982 = vector.load %arg6[%get3A_3980, %get3A_3981] : memref<4000x4096xf32, #tpu.memory_space<vmem>>, vector<8x4096xf32>
    %gt3A_3983 = arith.cmpf ogt, %get3A_3982, %max3A_3976 : vector<8x4096xf32>
    %max3A_3984 = arith.maximumf %get3A_3982, %max3A_3976 : vector<8x4096xf32>
    %jit3A_3985 = arith.constant 4.970000e+02 : f32
    %broadcast_in_dim3A_3986 = vector.broadcast %jit3A_3985 : f32 to vector<8x4096xf32>
    %select_n3A_3987 = arith.select %gt3A_3983, %broadcast_in_dim3A_3986, %select_n3A_3979 : vector<8x4096xi1>, vector<8x4096xf32>
    %get3A_3988 = arith.constant 3984 : index
    %get3A_3989 = arith.constant 0 : index
    %get3A_3990 = vector.load %arg6[%get3A_3988, %get3A_3989] : memref<4000x4096xf32, #tpu.memory_space<vmem>>, vector<8x4096xf32>
    %gt3A_3991 = arith.cmpf ogt, %get3A_3990, %max3A_3984 : vector<8x4096xf32>
    %max3A_3992 = arith.maximumf %get3A_3990, %max3A_3984 : vector<8x4096xf32>
    %jit3A_3993 = arith.constant 4.980000e+02 : f32
    %broadcast_in_dim3A_3994 = vector.broadcast %jit3A_3993 : f32 to vector<8x4096xf32>
    %select_n3A_3995 = arith.select %gt3A_3991, %broadcast_in_dim3A_3994, %select_n3A_3987 : vector<8x4096xi1>, vector<8x4096xf32>
    %get3A_3996 = arith.constant 3992 : index
    %get3A_3997 = arith.constant 0 : index
    %get3A_3998 = vector.load %arg6[%get3A_3996, %get3A_3997] : memref<4000x4096xf32, #tpu.memory_space<vmem>>, vector<8x4096xf32>
    %gt3A_3999 = arith.cmpf ogt, %get3A_3998, %max3A_3992 : vector<8x4096xf32>
    %max3A_4000 = arith.maximumf %get3A_3998, %max3A_3992 : vector<8x4096xf32>
    %jit3A_4001 = arith.constant 4.990000e+02 : f32
    %broadcast_in_dim3A_4002 = vector.broadcast %jit3A_4001 : f32 to vector<8x4096xf32>
    %select_n3A_4003 = arith.select %gt3A_3999, %broadcast_in_dim3A_4002, %select_n3A_3995 : vector<8x4096xi1>, vector<8x4096xf32>
    %iota3A = tpu.iota {dimensions = array<i32: 0>} : vector<8x4096xi32>
    %convert_element_type3A = arith.fptosi %select_n3A_4003 : vector<8x4096xf32> to vector<8x4096xi32>
    %mul3A = arith.constant 8 : i32
    %mul3A_4004 = vector.broadcast %mul3A : i32 to vector<8x4096xi32>
    %mul3A_4005 = arith.muli %convert_element_type3A, %mul3A_4004 : vector<8x4096xi32>
    %add3A_4006 = arith.addi %mul3A_4005, %iota3A : vector<8x4096xi32>
    %reduce_max3A = arith.constant dense<0xFF800000> : vector<4096xf32>
    %reduce_max3A_4007 = vector.multi_reduction <maximumf>, %max3A_4000, %reduce_max3A [0] : vector<8x4096xf32> to vector<4096xf32>
    %broadcast_in_dim3A_4008 = vector.shape_cast %reduce_max3A_4007 : vector<4096xf32> to vector<1x4096xf32>
    %eq3A = vector.broadcast %broadcast_in_dim3A_4008 : vector<1x4096xf32> to vector<8x4096xf32>
    %eq3A_4009 = arith.cmpf oeq, %max3A_4000, %eq3A : vector<8x4096xf32>
    %jit3A_4010 = arith.constant 1073741824 : i32
    %broadcast_in_dim3A_4011 = vector.broadcast %jit3A_4010 : i32 to vector<8x4096xi32>
    %select_n3A_4012 = arith.select %eq3A_4009, %add3A_4006, %broadcast_in_dim3A_4011 : vector<8x4096xi1>, vector<8x4096xi32>
    %reduce_min3A = arith.constant dense<2147483647> : vector<4096xi32>
    %reduce_min3A_4013 = vector.multi_reduction <minsi>, %select_n3A_4012, %reduce_min3A [0] : vector<8x4096xi32> to vector<4096xi32>
    %mul3A_4014 = arith.constant 4000 : i32
    %mul3A_4015 = arith.muli %arg0, %mul3A_4014 : i32
    %add3A_4016 = vector.broadcast %mul3A_4015 : i32 to vector<4096xi32>
    %add3A_4017 = arith.addi %reduce_min3A_4013, %add3A_4016 : vector<4096xi32>
    %eq3A_4018 = arith.constant 0 : i32
    %eq3A_4019 = arith.cmpi eq, %arg0, %eq3A_4018 : i32
    %convert_element_type3A_4020 = arith.extui %eq3A_4019 : i1 to i32
    %cond3A = arith.constant 0 : i32
    %cond3A_4021 = arith.cmpi ne, %convert_element_type3A_4020, %cond3A : i32
    scf.if %cond3A_4021 {
      %swap3A_4027 = arith.constant 0 : index
      %swap3A_4028 = vector.load %arg4[%swap3A_4027] : memref<4096xf32, #tpu.memory_space<vmem>>, vector<4096xf32>
      tpu.vector_store %arg4[%swap3A_4027], %reduce_max3A_4007 {strides = array<i32>} : memref<4096xf32, #tpu.memory_space<vmem>>, vector<4096xf32>,
      %swap3A_4029 = arith.constant 0 : index
      %swap3A_4030 = vector.load %arg5[%swap3A_4029] : memref<4096xi32, #tpu.memory_space<vmem>>, vector<4096xi32>
      tpu.vector_store %arg5[%swap3A_4029], %add3A_4017 {strides = array<i32>} : memref<4096xi32, #tpu.memory_space<vmem>>, vector<4096xi32>,
    } else {
    }
    %gt3A_4022 = arith.constant 0 : i32
    %gt3A_4023 = arith.cmpi sgt, %arg0, %gt3A_4022 : i32
    %convert_element_type3A_4024 = arith.extui %gt3A_4023 : i1 to i32
    %cond3A_4025 = arith.constant 0 : i32
    %cond3A_4026 = arith.cmpi ne, %convert_element_type3A_4024, %cond3A_4025 : i32
    scf.if %cond3A_4026 {
      %get3A_4027 = arith.constant 0 : index
      %get3A_4028 = vector.load %arg4[%get3A_4027] : memref<4096xf32, #tpu.memory_space<vmem>>, vector<4096xf32>
      %gt3A_4029 = arith.cmpf ogt, %reduce_max3A_4007, %get3A_4028 : vector<4096xf32>
      %max3A_4030 = arith.maximumf %reduce_max3A_4007, %get3A_4028 : vector<4096xf32>
      %swap3A_4031 = arith.constant 0 : index
      %swap3A_4032 = vector.load %arg4[%swap3A_4031] : memref<4096xf32, #tpu.memory_space<vmem>>, vector<4096xf32>
      tpu.vector_store %arg4[%swap3A_4031], %max3A_4030 {strides = array<i32>} : memref<4096xf32, #tpu.memory_space<vmem>>, vector<4096xf32>,
      %get3A_4033 = arith.constant 0 : index
      %get3A_4034 = vector.load %arg5[%get3A_4033] : memref<4096xi32, #tpu.memory_space<vmem>>, vector<4096xi32>
      %select_n3A_4035 = arith.select %gt3A_4029, %add3A_4017, %get3A_4034 : vector<4096xi1>, vector<4096xi32>
      %swap3A_4036 = arith.constant 0 : index
      %swap3A_4037 = vector.load %arg5[%swap3A_4036] : memref<4096xi32, #tpu.memory_space<vmem>>, vector<4096xi32>
      tpu.vector_store %arg5[%swap3A_4036], %select_n3A_4035 {strides = array<i32>} : memref<4096xi32, #tpu.memory_space<vmem>>, vector<4096xi32>,
    } else {
    }
    return
  }
  func.func @transform_0(%arg0: i32) -> (i32, i32) {
    %c0_i32 = arith.constant 0 : i32
    %c0_i32_0 = arith.constant 0 : i32
    return %arg0, %c0_i32 : i32, i32
  }
  func.func @transform_1(%arg0: i32) -> (i32, i32) {
    %c0_i32 = arith.constant 0 : i32
    %c0_i32_0 = arith.constant 0 : i32
    return %arg0, %c0_i32 : i32, i32
  }
  func.func @transform_2(%arg0: i32) -> (i32, i32) {
    %c0_i32 = arith.constant 0 : i32
    %c0_i32_0 = arith.constant 0 : i32
    %c0_i32_1 = arith.constant 0 : i32
    return %c0_i32, %c0_i32_0 : i32, i32
  }
  func.func @transform_3(%arg0: i32) -> i32 {
    %c0_i32 = arith.constant 0 : i32
    %c0_i32_0 = arith.constant 0 : i32
    return %c0_i32 : i32
  }
  func.func @transform_4(%arg0: i32) -> i32 {
    %c0_i32 = arith.constant 0 : i32
    %c0_i32_0 = arith.constant 0 : i32
    return %c0_i32 : i32
  }
}

</mosaic_0001>

<sc_bundles>
// kernel: kernel.4.cloned.1.call-start
scs
__scs_entry_jumppad:
0x0: {  	(pc) =	sbr.rel $0x88, $3  }
0x1: {  	(tag) =	ssettag $0x0;
	lr =	simm.s32 $0x1  }
0x2: {  	[smem:$0x3F9E] =	sst lr;
	_ =	strace $0xD0000000  }
0x3: {  	_ = 	snop  }
0x4: {  	_ = 	snop  }
0x5: {  	_ = 	snop  }
0x6: {  	_ = 	snop  }
0x7: {  	_ = 	snop  }
__scs_overlays_trampoline_lowered:
0x8: {  	[smem:$0x3FAD] =	sst s0  }
0x9: {  	[smem:$0x3FAE] =	sst s1  }
0xa: {  	[smem:$0x3FAF] =	sst s2  }
0xb: {  	[smem:$0x3FB0] =	sst s3  }
0xc: {  	[smem:$0x3FB1] =	sst s4  }
0xd: {  	[smem:$0x3FB2] =	sst s5  }
0xe: {  	[smem:$0x3FB3] =	sst s6  }
0xf: {  	[smem:$0x3FB4] =	sst s7  }
0x10: {  	[smem:$0x3FB5] =	sst s8  }
0x11: {  	[smem:$0x3FB6] =	sst s9;
	s0 =	simm.s32 @!p0 $0x0  }
0x12: {  	s1 =	sld [smem:$0x3F9C];
	s0 =	simm.s32 @p0 $0x1  }
0x13: {  	[smem:$0x3FB7] =	sst s0;
	s0 =	simm.s32 @!p1 $0x0  }
0x14: {  	s2 =	sld [smem:$0x3F9B];
	s0 =	simm.s32 @p1 $0x1  }
0x15: {  	[smem:$0x3FB8] =	sst s0;
	s0 =	simm.s32 @!p2 $0x0  }
0x16: {  	s3 =	sld [smem:$0x3FDB];
	s0 =	simm.s32 @p2 $0x1  }
0x17: {  	s4 =	simm.s32 $0x1BF5;
	[smem:$0x3FBA] =	sst s0  }
0x18: {  	s0 =	sld [smem:$0x3F9D];
	_ =	swait.ge [sflag:s4], $0x0  }
0x19: {  	s7 =	sld [smem:$0x3F9E]  }
0x1a: {  	s8 =	sadd.s32 $0xFFFFE003, lr  }
0x1b: {  	s9 =	sadd.s32 $0xFFFFFEF7, lr;
	s5 =	simm.s32 $0xFFFFFFFF;
	p2 =	slt.u32 s8, $0xFFFFF086  }
0x1c: {  	p1 =	slt.u32 s9, $0xF7A;
	s5 =	simm.s32 @!p2 $0x0  }
0x1d: {  	s5 =	simm.s32 @p1 $0x1;
	p0 =	seq.s32 s7, s2  }
0x1e: {  	s7 =	smul.u32 @!p0 $0xF7A, s2;
	p2 =	seq.s32 @!p0 s5, $0x0  }
0x1f: {  	s9 =	smul.u32 $0xF7A, s1;
	s8 =	simm.s32 @!p0 $0x1BF5;
	p2 =	por !p2, p0  }
0x20: {  	[sflag:s8] =	ssyncset.s32 @!p0 $0xFFFFF086;
	s6 =	sadd.s32 @!p0 s3, s7;
	s7 =	simm.s32 @!p0 $0x108  }
0x21: {  	s3 =	sadd.s32 s3, s9;
	s6 =	sadd.s32 @!p0 $0x88, s6;
	s7 =	simm.s32 @p2 $0x1082  }
0x22: {  	[simem:s7], [sflag:s8] =	dma.local @!p0 [hbm:s6], $0xF7A  }
0x23: {  	s9 =	sor.u32 $0xD0000000, s2;
	s6 =	simm.s32 $0x108;
	_ =	swait.ge @!p0 [sflag:s8], $0x0  }
0x24: {  	s3 =	sadd.s32 $0x88, s3;
	s6 =	simm.s32 @!p1 $0x1082;
	[sflag:s4] =	ssyncset.s32 $0xFFFFF086  }
0x25: {  	[simem:s6], [sflag:s4] =	dma.local [hbm:s3], $0xF7A  }
0x26: {  	[smem:$0x3F9E] =	sst s1;
	(tag) =	ssettag s2;
	_ =	strace s9  }
0x27: {  	s1 =	sld [smem:$0x3FAE]  }
0x28: {  	s2 =	sld [smem:$0x3FAF]  }
0x29: {  	s4 =	sld [smem:$0x3FB1]  }
0x2a: {  	p0 =	seq.s32 s5, $0x0;
	s5 =	sld [smem:$0x3FB2]  }
0x2b: {  	s6 =	sld [smem:$0x3FB3]  }
0x2c: {  	s7 =	sld [smem:$0x3FB4]  }
0x2d: {  	s3 =	simm.s32 $0x108;
	s8 =	sld [smem:$0x3FB5]  }
0x2e: {  	s3 =	simm.s32 @!p0 $0x1082;
	s9 =	sld [smem:$0x3FB6]  }
0x2f: {  	lr =	sadd.s32 s0, s3;
	s0 =	sld [smem:$0x3FAD]  }
0x30: {  	s3 =	sld [smem:$0x3FB0]  }
0x31: {  	[smem:$0x3FB9] =	sst s10  }
0x32: {  	s10 =	sld [smem:$0x3FB7];
	_ =	sdelay $0x3  }
0x33: {  	p0 =	seq.s32 s10, $0x1;
	s10 =	sld [smem:$0x3FB9];
	_ =	sdelay $0x3  }
0x34: {  	[smem:$0x3FB9] =	sst s10  }
0x35: {  	s10 =	sld [smem:$0x3FB8];
	_ =	sdelay $0x3  }
0x36: {  	p1 =	seq.s32 s10, $0x1;
	s10 =	sld [smem:$0x3FB9];
	_ =	sdelay $0x3  }
0x37: {  	[smem:$0x3FB9] =	sst s10  }
0x38: {  	s10 =	sld [smem:$0x3FBA]  }
0x39: {  	_ = 	snop;
	(pc) =	sbr.ind lr, $3  }
0x3a: {  	_ = 	snop  }
0x3b: {  	_ = 	snop  }
0x3c: {  	p2 =	seq.s32 s10, $0x1;
	s10 =	sld [smem:$0x3FB9]  }
0x3d: {  	_ =	shalt  }
0x3e: {  	_ =	shalt  }
0x3f: {  	_ =	shalt  }
0x40: {  	_ =	shalt  }
0x41: {  	_ =	shalt  }
0x42: {  	_ =	shalt  }
0x43: {  	_ =	shalt  }
0x44: {  	_ =	shalt  }
0x45: {  	_ =	shalt  }
0x46: {  	_ =	shalt  }
0x47: {  	_ =	shalt  }
0x48: {  	_ =	shalt  }
0x49: {  	_ =	shalt  }
0x4a: {  	_ =	shalt  }
0x4b: {  	_ =	shalt  }
0x4c: {  	_ =	shalt  }
0x4d: {  	_ =	shalt  }
0x4e: {  	_ =	shalt  }
0x4f: {  	_ =	shalt  }
0x50: {  	_ =	shalt  }
0x51: {  	_ =	shalt  }
0x52: {  	_ =	shalt  }
0x53: {  	_ =	shalt  }
0x54: {  	_ =	shalt  }
0x55: {  	_ =	shalt  }
0x56: {  	_ =	shalt  }
0x57: {  	_ =	shalt  }
0x58: {  	_ =	shalt  }
0x59: {  	_ =	shalt  }
0x5a: {  	_ =	shalt  }
0x5b: {  	_ =	shalt  }
0x5c: {  	_ =	shalt  }
0x5d: {  	_ =	shalt  }
0x5e: {  	_ =	shalt  }
0x5f: {  	_ =	shalt  }
0x60: {  	_ =	shalt  }
0x61: {  	_ =	shalt  }
0x62: {  	_ =	shalt  }
0x63: {  	_ =	shalt  }
0x64: {  	_ =	shalt  }
0x65: {  	_ =	shalt  }
0x66: {  	_ =	shalt  }
0x67: {  	_ =	shalt  }
0x68: {  	_ =	shalt  }
0x69: {  	_ =	shalt  }
0x6a: {  	_ =	shalt  }
0x6b: {  	_ =	shalt  }
0x6c: {  	_ =	shalt  }
0x6d: {  	_ =	shalt  }
0x6e: {  	_ =	shalt  }
0x6f: {  	_ =	shalt  }
0x70: {  	_ =	shalt  }
0x71: {  	_ =	shalt  }
0x72: {  	_ =	shalt  }
0x73: {  	_ =	shalt  }
0x74: {  	_ =	shalt  }
0x75: {  	_ =	shalt  }
0x76: {  	_ =	shalt  }
0x77: {  	_ =	shalt  }
0x78: {  	_ =	shalt  }
0x79: {  	_ =	shalt  }
0x7a: {  	_ =	shalt  }
0x7b: {  	_ =	shalt  }
0x7c: {  	_ =	shalt  }
0x7d: {  	_ =	shalt  }
0x7e: {  	_ =	shalt  }
0x7f: {  	_ =	shalt  }
0x80: {  	_ =	shalt  }
0x81: {  	_ =	shalt  }
0x82: {  	_ =	shalt  }
0x83: {  	_ =	shalt  }
0x84: {  	_ =	shalt  }
0x85: {  	_ =	shalt  }
0x86: {  	_ =	shalt  }
0x87: {  	_ =	shalt  }
.Lfunc_end0:
.L_simem_size_0:
called_computation_lowered:
.L_overlay_start_0:
0x88: {  	s2 =	sld [smem:$0x3FD9]  }
0x89: {  	s3 =	sld [smem:$0x3FFE];
	_ =	sdelay $0x1  }
0x8a: {  	s1 =	srdreg.scid  }
0x8b: {  	s0 =	sand.u32 $0x1, s1  }
0x8c: {  	s14 =	sshll.u32 s0, $0xA;
	s2 =	sadd.s32 s3, s2  }
0x8d: {  	s2 =	sadd.s32 s2, s14  }
0x8e: {  	[smem:$0x3FC5] =	sst s2  }
0x8f: {  	_ = 	snop  }
0x90: {  	s2 =	sld [smem:$0x3FD0];
	_ =	sdelay $0x2  }
0x91: {  	s15 =	simm.s32 $0xA;
	s4 =	simm.s32 $0x10  }
0x92: {  	[smem:s4], [sflag:s15] =	dma.local [hbm:s2], $0x1  }
0x93: {  	_ =	swait.eq [sflag:s15], $0x1  }
0x94: {  	[sflag:s15] =	ssyncset.done $0x0  }
0x95: {  	[sflag:s15] =	ssyncadd.s32 $0xFFFFFFFF  }
0x96: {  	s16 =	sld [smem:$0x11];
	(tm) =	ssettm $0x1  }
0x97: {  	s17 =	sld [smem:$0x3FFB];
	_ =	sdelay $0x3  }
0x98: {  	_ =	strace s17  }
0x99: {  	s3 =	sld [smem:$0x3FFC];
	_ =	sdelay $0x3  }
0x9a: {  	_ =	strace s3  }
0x9b: {  	s3 =	sld [smem:$0x3FFD];
	_ =	sdelay $0x3  }
0x9c: {  	_ =	strace s3  }
0x9d: {  	_ =	strace $0x8FFFFFFF  }
0x9e: {  	s18 =	sld [smem:$0x3FDB];
	_ =	sdelay $0x1  }
0x9f: {  	s19 =	simm.s32 $_scs_section_size  }
0xa0: {  	s5 =	simm.s32 $_size__tile_overlayer_lowered;
	s6 =	simm.s32 $_tile_overlayer_lowered  }
0xa1: {  	s22 =	simm.s32 $0x1BFF;
	s21 =	sshll.u32 s6, $0x1;
	s3 =	sadd.s32 s19, s18  }
0xa2: {  	s7 =	simm.s32 $0x0;
	s20 =	sshll.u32 s5, $0x1;
	s5 =	sadd.s32 s21, s3  }
0xa3: {  	[timem:s7], [sflag:s22] =	dma.local [hbm:s5], s20  }
0xa4: {  	_ =	swait.ge [sflag:s22], s20  }
0xa5: {  	s4 =	ssub.s32 $0x0, s20;
	[sflag:s22] =	ssyncset.done $0x0  }
0xa6: {  	[sflag:s22] =	ssyncadd.s32 s4;
	_ =	sdelay $0x1  }
0xa7: {  	s23 =	simm.s32 $0x1B8B  }
0xa8: {  	_ =	swait.ge [sflag:s23], $0x1  }
0xa9: {  	[sflag:s23] =	ssyncset.done $0x0  }
0xaa: {  	s25 =	simm.s32 $0x1B8E;
	s24 =	sld [smem:$0x3FFE];
	[sflag:s23] =	ssyncadd.s32 $0xFFFFFFFF  }
0xab: {  	s26 =	simm.s32 $execute0_lowered;
	[smem:$0x3FD2] =	sst s25  }
0xac: {  	s5 =	sshll.u32 s26, $0x1;
	_ =	strace $0x80000046;
	[dreg:$0x1] =	wrdreg $0xFFFFFFFF  }
0xad: {  	s28 =	simm.s32 $_size_execute0_lowered;
	s3 =	sadd.s32 s3, s5;
	[dreg:$0x0] =	wrdreg $0x0  }
0xae: {  	s5 =	sshll.u32 s28, $0x1;
	[dreg:$0x2] =	wrdreg s3  }
0xaf: {  	[dreg:$0x3] =	wrdreg s5  }
0xb0: {  	[dreg:$0x4] =	wrdreg $0xC0  }
0xb1: {  	_ =	task [dreg:s7], $0x5FFFF  }
0xb2: {  	[dreg:$0x1] =	wrdreg $0xFFFFFFFF  }
0xb3: {  	[dreg:$0x0] =	wrdreg $0x60  }
0xb4: {  	[dreg:$0x2] =	wrdreg s16  }
0xb5: {  	[dreg:$0x3] =	wrdreg s24  }
0xb6: {  	[dreg:$0x4] =	wrdreg $0x1B000  }
0xb7: {  	[dreg:$0x5] =	wrdreg $0x9  }
0xb8: {  	_ =	task.clear_ibuf [dreg:s7], $0x6FFFF;
	_ =	strace $0x90000046  }
0xb9: {  	s29 =	simm.s32 $0x9;
	_ =	strace $0x80000048  }
0xba: {  	_ =	swait.ge [sflag:s29], $0x1  }
0xbb: {  	[sflag:s29] =	ssyncadd.s32 $0xFFFFFFFF  }
0xbc: {  	_ =	strace $0x90000048  }
0xbd: {  	_ =	sfence  }
0xbe: {  	s30 =	sld [smem:$0x0];
	_ =	sdelay $0x2  }
0xbf: {  	s31 =	sshll.u32 s1, $0xD;
	s1 =	sshrl.u32 s1, $0x2  }
0xc0: {  	s3 =	sand.u32 $0x4000, s31;
	s1 =	sadd.s32 s1, s30  }
0xc1: {  	s0 =	sor.u32 s3, s0;
	s1 =	sshll.u32 s1, $0x11  }
0xc2: {  	s0 =	sor.u32 s1, s0  }
0xc3: {  	s0 =	sadd.s32 $0x8F2B, s0  }
0xc4: {  	[sflag:s0] =	ssyncadd.remote.s32 $0x1  }
0xc5: {  	_ =	sfence.sel $0xFFFF  }
0xc6: {  	[dreg:$0x0] =	wrdreg $0xFFFFFFFF;
	(pc) =	sbr.abs _section_cstart, $3  }
0xc7: {  	[dreg:$0x1] =	wrdreg $0xFFFFFFFF  }
0xc8: {  	_ =	task.clear_ibuf [dreg:s7], $0x2FFFF;
	_ =	strace $0x9FFFFFFF  }
0xc9: {  	(tm) =	ssettm $0x7FFFFFFF  }
tec
execute0_lowered:
.L_overlay_start_1:
0x0: {  	(tag) =	ssettag $0x1  }
0x1: {  	s6 =	rddreg [dreg:$0x0]  }
0x2: {  	s4 =	rddreg [dreg:$0x1]  }
0x3: {  	s2 =	rddreg [dreg:$0x2]  }
0x4: {  	s0 =	rddreg [dreg:$0x3];
	s5 =	srdreg.scid  }
0x5: {  	s3 =	simm.s32 $0x0;
	s1 =	stileid.u32;
	s8 =	sand.u32 $0x1, s5  }
0x6: {  	[smem:$0x7FF] =	sst s3;
	s7 =	smul.u32 $0x6400, s1;
	s4 =	sadd.s32 $0xC00, s4  }
0x7: {  	s31 =	sshll.u32 s1, $0x5;
	s5 =	ssub.s32 $0x2, s8;
	_ =	strace $0x80000047  }
0x8: {  	s30 =	sor.u32 s1, s8;
	s6 =	sadd.s32 s6, s31;
	s9 =	sshrl.u32 s5, $0x1  }
0x9: {  	p1 =	sne.s32 s8, $0x0;
	p0 =	sne.s32 s30, $0x0;
	s9 =	ssub.s32 s5, s9  }
0xa: {  	s29 =	sshrl.u32 s7, $0x2;
	s7 =	smax.u32 s9, $0x1;
	s9 =	sshll.u32 @!p0 s1, $0x6  }
0xb: {  	v0 =	vimm.f32 $0.0e+00;
	v1 =	vimm.f32 $2.441406250e-04;
	s5 =	sadd.s32 s29, s2;
	s8 =	sor.u32 @!p0 $0x1C01, s9;
	s9 =	sshrl.u32 @!p0 s2, $0x3  }
.LBB2_1:
0xc: {  	s10 =	simm.s32 $0x40;
	s11 =	simm.s32 $0x0  }
.LBB2_2:
0xd: {  	p2 =	sne.s32 s10, $0x63C0;
	[tilespmem:s11+$0x200] =	vst v0;
	s11 =	smov.u32 s10;
	s10 =	sadd.s32 $0x40, s10  }
.Ltmp0:
0xe: {  	(pc) =	sbr.rel @p2 .LBB2_2-.Ltmp0, $2  }
0xf: {  	_ =	sdelay $0x2  }
0x10: {  	s11 =	sshra.s32 s11, $0x2  }
0x11: {  	[tilespmem:s11+$0x200] =	vst v0  }
0x12: {  	[tilespmem:$0x100] =	vst v1  }
0x13: {  	[tilespmem:$0x110] =	vst v1  }
0x14: {  	[tilespmem:$0x120] =	vst v1  }
0x15: {  	[tilespmem:$0x130] =	vst v1  }
0x16: {  	[tilespmem:$0x140] =	vst v1  }
0x17: {  	[tilespmem:$0x150] =	vst v1  }
0x18: {  	[tilespmem:$0x160] =	vst v1  }
0x19: {  	[tilespmem:$0x170] =	vst v1  }
0x1a: {  	[tilespmem:$0x180] =	vst v1  }
0x1b: {  	[tilespmem:$0x190] =	vst v1  }
0x1c: {  	[tilespmem:$0x1A0] =	vst v1  }
0x1d: {  	[tilespmem:$0x1B0] =	vst v1  }
0x1e: {  	[tilespmem:$0x1C0] =	vst v1  }
0x1f: {  	[tilespmem:$0x1D0] =	vst v1  }
0x20: {  	[tilespmem:$0x1E0] =	vst v1  }
0x21: {  	[tilespmem:$0x1F0] =	vst v1  }
0x22: {  	s10 =	simm.s32 @!p1 $0x200;
	[bflag:$0x0] =	sbarrier.arrive @p1 $0xFFFF  }
0x23: {  	[spmem:s5] =	stream.linear.scatter @!p1 [tilespmem:s10], [sflag:$0x1], $0x1900, $0x38;
	[tilespmem:$0x3400] =	vst v63  }
0x24: {  	s10 =	simm.s32 @!p1 $0x1  }
0x25: {  	_ =	swait.ge @!p1 [sflag:s10], $0x1900  }
0x26: {  	[sflag:s10] =	ssyncset.done @!p1 $0x0  }
0x27: {  	[sflag:s10] =	ssyncadd.s32 @!p1 $0xFFFFE700  }
0x28: {  	s11 =	simm.s32 @!p1 $0x0;
	[bflag:$0x0] =	sbarrier.arrive @!p1 $0xFFFF  }
0x29: {  	[tilespmem:s11], [sflag:$0x1] =	stream.linear.gather @!p1 [hbm4b:s6+s11], $0x100, $0x38;
	[tilespmem:$0x3400] =	vst v63  }
0x2a: {  	_ =	swait.ge @!p1 [sflag:s10], $0x100  }
0x2b: {  	[sflag:s10] =	ssyncset.done @!p1 $0x0  }
0x2c: {  	s12 =	simm.s32 @!p1 $0x80;
	s13 =	simm.s32 @!p1 $0x100;
	[sflag:s10] =	ssyncadd.s32 @!p1 $0xFFFFFF00  }
0x2d: {  	[spmem:s2] =	stream.indirect.scatter.add.f32 @!p1 [tilespmem:s13], [sflag:$0x1], $0x1, s11, s12, $0xb8;
	[tilespmem:$0x3400] =	vst v63  }
0x2e: {  	_ =	swait.ge @!p1 [sflag:s10], $0x80  }
0x2f: {  	[sflag:s10] =	ssyncset.done @!p1 $0x0  }
0x30: {  	s11 =	simm.s32 @!p1 $0x180;
	[sflag:s10] =	ssyncadd.s32 @!p1 $0xFFFFFF80  }
0x31: {  	[spmem:s2] =	stream.indirect.scatter.add.f32 @!p1 [tilespmem:s11], [sflag:$0x1], $0x1, s12, s12, $0xb8;
	[tilespmem:$0x3400] =	vst v63  }
0x32: {  	_ =	swait.ge @!p1 [sflag:s10], $0x80  }
0x33: {  	s3 =	sadd.s32 $0x1, s3;
	[sflag:s10] =	ssyncset.done @!p1 $0x0  }
0x34: {  	p2 =	sne.s32 s3, s7;
	[sflag:s10] =	ssyncadd.s32 @!p1 $0xFFFFFF80  }
.Ltmp1:
0x35: {  	s10 =	simm.s32 @!p0 $0x1;
	[bflag:$0x0] =	sbarrier.arrive $0xFFFF;
	(pc) =	sbr.rel @p2 .LBB2_1-.Ltmp1, $4  }
0x36: {  	[hbm:s4], [sflag:s8] =	dma.local @!p0 [spmem:s9], $0x3200  }
0x37: {  	_ =	swait.ge @!p0 [sflag:s10], $0x3200  }
0x38: {  	[sflag:s10] =	ssyncset.done @!p0 $0x0  }
0x39: {  	[sflag:s10] =	ssyncadd.s32 @!p0 $0xFFFFCE00  }
0x3a: {  	_ =	sfence.sel $0x180000  }
0x3b: {  	[bflag:$0x0] =	sbarrier.arrive $0xFFFF  }
0x3c: {  	p0 =	sne.s32 s1, $0x0;
	_ =	strace $0x90000047  }
0x3d: {  	s0 =	sadd.s32 @!p0 $0x100000, s0;
	[bflag:$0x2] =	sbarrier.arrive $0xFFFF  }
0x3e: {  	[sflag:s0] =	ssyncadd.tile.s32 @!p0 $0x1;
	_ =	shalt  }
.Lfunc_end2:
_tile_overlayer_lowered:
.L_overlay_start_2:
0x3f: {  	(tag) =	ssettag $0x2  }
0x40: {  	s0 =	rddreg [dreg:$0x0];
	s2 =	stileid.u32  }
0x41: {  	s1 =	rddreg [dreg:$0x1];
	p0 =	sne.s32 s2, $0x0  }
0x42: {  	s3 =	rddreg [dreg:$0x2];
	[bflag:$0x3] =	sbarrier.arrive $0xFFFF;
	s2 =	simm.s32 @!p0 $0x1C01  }
0x43: {  	[timem:s3], [sflag:s2] =	dma.local @!p0 [hbm:s0], s1  }
0x44: {  	s0 =	simm.s32 @!p0 $0x1  }
0x45: {  	_ =	swait.ge @!p0 [sflag:s0], s1  }
0x46: {  	s1 =	ssub.s32 @!p0 $0x0, s1;
	[sflag:s0] =	ssyncset.done @!p0 $0x0  }
0x47: {  	[sflag:s0] =	ssyncadd.s32 @!p0 s1  }
0x48: {  	[bflag:$0x3] =	sbarrier.arrive $0xFFFF  }
0x49: {  	_ =	shalt  }

</sc_bundles>
